<compile_context>
chip_gen: v7x
topology: tpu7x:2x2x1
jax: 0.10.2.dev20260603
libtpu: 0.0.44.dev20260713+nightly
codegen_flags: <defaults>
</compile_context>

<pallas_src>
import functools

import jax
import jax.numpy as jnp
from jax import lax
from jax.experimental import pallas as pl
from jax.experimental.pallas import tpu as pltpu
from jax.experimental.pallas import tpu_sc as plsc

_NB = 10000
_BATCH = 4
_N = _NB * _BATCH
_NP = 2 * _NB
_E = 160000
_HID = 64
_FW = 128
_SMAX = 1.0

_ROWS_G = 1280
_EPAD = _ROWS_G * 128
_PAD = _EPAD - _E
_ROWS_TILE_P = _ROWS_G // 16
_HROWS = _ROWS_TILE_P // 2
_ROWS_TILE_D = _ROWS_G // 32
_ACC2 = 10048
_ACCP = 10008

_mesh = plsc.VectorSubcoreMesh(core_axis_name="c", subcore_axis_name="s",
                               num_cores=2, num_subcores=16)


@functools.partial(
    pl.kernel,
    out_type=jax.ShapeDtypeStruct((2 * _ACC2,), jnp.float32),
    mesh=_mesh,
    scratch_types=[
        pltpu.VMEM((_ROWS_TILE_D, 128), jnp.int32),
        pltpu.VMEM((128,), jnp.float32),
        pltpu.VMEM((640,), jnp.float32),
        pltpu.VMEM_SHARED((_ACC2,), jnp.float32),
    ],
)
def _deg_kernel(colg, parts, colb, ones, stage, acc):
    c = lax.axis_index("c")
    s = lax.axis_index("s")
    for k in range(8):
        ones[pl.ds(16 * k, 16)] = jnp.full((16,), 1.0, jnp.float32)

    def zb(i, carry):
        stage[pl.ds(i * 16, 16)] = jnp.zeros((16,), jnp.float32)
        return carry

    lax.fori_loop(0, 40, zb, 0)
    pltpu.sync_copy(colg.at[pl.ds(c * 640 + s * _ROWS_TILE_D, _ROWS_TILE_D)],
                    colb)

    @pl.when(s < 15)
    def _():
        pltpu.sync_copy(stage, acc.at[pl.ds(s * 640, 640)])

    @pl.when(s == 15)
    def _():
        pltpu.sync_copy(stage.at[pl.ds(0, 400)], acc.at[pl.ds(9600, 400)])

    plsc.subcore_barrier()

    def body(i, carry):
        pltpu.sync_copy(ones, acc.at[colb.at[i]], add=True)
        return carry

    lax.fori_loop(0, _ROWS_TILE_D, body, 0)
    plsc.subcore_barrier()

    @pl.when(s < 15)
    def _():
        pltpu.sync_copy(acc.at[pl.ds(s * 640, 640)], stage)
        pltpu.sync_copy(stage, parts.at[pl.ds(c * _ACC2 + s * 640, 640)])

    @pl.when(s == 15)
    def _():
        pltpu.sync_copy(acc.at[pl.ds(9600, 400)], stage.at[pl.ds(0, 400)])
        pltpu.sync_copy(stage.at[pl.ds(0, 400)],
                        parts.at[pl.ds(c * _ACC2 + 9600, 400)])


@functools.partial(
    pl.kernel,
    out_type=jax.ShapeDtypeStruct((_NP, _FW), jnp.float32),
    mesh=_mesh,
    scratch_types=[
        pltpu.VMEM((_HROWS, 128), jnp.int32),
        pltpu.VMEM((_HROWS, 128), jnp.int32),
        pltpu.VMEM((128, _FW), jnp.float32),
        pltpu.VMEM((128, _FW), jnp.float32),
        pltpu.VMEM_SHARED((_ACCP, _FW), jnp.float32),
        pltpu.SemaphoreType.DMA,
        pltpu.SemaphoreType.DMA,
    ],
)
def _prop_kernel(src, rowg, colg, out, rowb, colb, msga, msgb, acc,
                 sem_g, sem_s):
    c = lax.axis_index("c")
    s = lax.axis_index("s")
    gb = c * _NB

    def zb(i, carry):
        for k in range(_FW // 16):
            msga[i, pl.ds(16 * k, 16)] = jnp.zeros((16,), jnp.float32)
        return carry

    lax.fori_loop(0, 128, zb, 0)

    @pl.when(s < 15)
    def _():
        for p in range(5):
            pltpu.sync_copy(msga, acc.at[pl.ds(s * 640 + p * 128, 128)])

    @pl.when(s == 15)
    def _():
        for p in range(3):
            pltpu.sync_copy(msga, acc.at[pl.ds(9600 + p * 128, 128)])
        pltpu.sync_copy(msga.at[pl.ds(0, 16)], acc.at[pl.ds(9984, 16)])

    plsc.subcore_barrier()

    for half in range(2):
        base = s * _ROWS_TILE_P + half * _HROWS
        pltpu.sync_copy(rowg.at[pl.ds(c * _ROWS_G + base, _HROWS)], rowb)
        pltpu.sync_copy(colg.at[pl.ds(base, _HROWS)], colb)

        pltpu.async_copy(src.at[rowb.at[0]], msga, sem_g)

        def step(t, carry):
            i0 = 2 * t
            i1 = 2 * t + 1
            inx = jnp.minimum(2 * t + 2, _HROWS - 1)
            pltpu.make_async_copy(src.at[rowb.at[i0]], msga, sem_g).wait()
            sa = pltpu.async_copy(msga, acc.at[colb.at[i0]], sem_s, add=True)
            gb_ = pltpu.async_copy(src.at[rowb.at[i1]], msgb, sem_g)
            gb_.wait()
            sa.wait()
            sb = pltpu.async_copy(msgb, acc.at[colb.at[i1]], sem_s, add=True)
            pltpu.async_copy(src.at[rowb.at[inx]], msga, sem_g)
            sb.wait()
            return carry

        lax.fori_loop(0, _HROWS // 2, step, 0)
        pltpu.make_async_copy(src.at[rowb.at[0]], msga, sem_g).wait()

    plsc.subcore_barrier()

    @pl.when(s < 15)
    def _():
        bufs = (msga, msgb)
        sems = (sem_g, sem_s)
        for p in range(5):
            if p >= 2:
                pltpu.make_async_copy(
                    bufs[p % 2], out.at[pl.ds(gb, 128)], sems[p % 2]).wait()
            pltpu.sync_copy(acc.at[pl.ds(s * 640 + p * 128, 128)], bufs[p % 2])
            pltpu.async_copy(bufs[p % 2],
                             out.at[pl.ds(gb + s * 640 + p * 128, 128)],
                             sems[p % 2])
        pltpu.make_async_copy(bufs[0], out.at[pl.ds(gb, 128)], sems[0]).wait()
        pltpu.make_async_copy(bufs[1], out.at[pl.ds(gb, 128)], sems[1]).wait()

    @pl.when(s == 15)
    def _():
        bufs = (msga, msgb)
        sems = (sem_g, sem_s)
        for p in range(3):
            if p >= 2:
                pltpu.make_async_copy(
                    bufs[p % 2], out.at[pl.ds(gb, 128)], sems[p % 2]).wait()
            pltpu.sync_copy(acc.at[pl.ds(9600 + p * 128, 128)], bufs[p % 2])
            pltpu.async_copy(bufs[p % 2],
                             out.at[pl.ds(gb + 9600 + p * 128, 128)],
                             sems[p % 2])
        pltpu.make_async_copy(bufs[0], out.at[pl.ds(gb, 128)], sems[0]).wait()
        pltpu.sync_copy(acc.at[pl.ds(9984, 16)], msga.at[pl.ds(0, 16)])
        pltpu.sync_copy(msga.at[pl.ds(0, 16)],
                        out.at[pl.ds(gb + 9984, 16)])
        pltpu.make_async_copy(bufs[1], out.at[pl.ds(gb, 128)], sems[1]).wait()


_BLK = 1000
_JB = _NB // _BLK
_GRID = 2 * _JB


def _ia(i):
    return 2 * (i // _JB) * _JB + i % _JB


def _ib(i):
    return (2 * (i // _JB) + 1) * _JB + i % _JB


def _dis_body(degn_ref, xa_ref, xb_ref, w11_ref, v1_ref):
    dis = lax.rsqrt(degn_ref[...] + 1.0)
    w11 = w11_ref[...]
    va = dis * jnp.dot(xa_ref[...], w11, preferred_element_type=jnp.float32)
    vb = dis * jnp.dot(xb_ref[...], w11, preferred_element_type=jnp.float32)
    v1_ref[...] = jnp.concatenate([va, vb], axis=1)


def _dis_call(degn, xg, w11):
    return pl.pallas_call(
        _dis_body,
        grid=(_GRID,),
        in_specs=[pl.BlockSpec((_BLK, 1), lambda i: (i % _JB, 0)),
                  pl.BlockSpec((_BLK, 2), lambda i: (_ia(i), 0)),
                  pl.BlockSpec((_BLK, 2), lambda i: (_ib(i), 0)),
                  pl.BlockSpec((2, _HID), lambda i: (0, 0))],
        out_specs=pl.BlockSpec((_BLK, _FW), lambda i: (i, 0)),
        out_shape=jax.ShapeDtypeStruct((_NP, _FW), jnp.float32),
    )(degn, xg, xg, w11)


def _l1_body(degn_ref, xa_ref, xb_ref, g1_ref, v1_ref, w10_ref, b10_ref,
             b11_ref, w21_ref, ha_ref, hb_ref, v2_ref):
    dis = lax.rsqrt(degn_ref[...] + 1.0)
    g1 = g1_ref[...]
    v1 = v1_ref[...]
    w10 = w10_ref[...]
    w21 = w21_ref[...]
    b1 = b10_ref[...] + b11_ref[...]
    pa = dis * (g1[:, :_HID] + v1[:, :_HID])
    pb = dis * (g1[:, _HID:] + v1[:, _HID:])
    ha = (jnp.dot(xa_ref[...], w10, preferred_element_type=jnp.float32)
          + pa + b1)
    ha = ha * jax.nn.sigmoid(ha)
    hb = (jnp.dot(xb_ref[...], w10, preferred_element_type=jnp.float32)
          + pb + b1)
    hb = hb * jax.nn.sigmoid(hb)
    ha_ref[...] = ha
    hb_ref[...] = hb
    va = dis * jnp.dot(ha, w21, preferred_element_type=jnp.float32)
    vb = dis * jnp.dot(hb, w21, preferred_element_type=jnp.float32)
    v2_ref[...] = jnp.concatenate([va, vb], axis=1)


def _l1_call(degn, xg, g1, v1, w10, b10, b11, w21):
    full = lambda shape: pl.BlockSpec(shape, lambda i: (0, 0))
    return pl.pallas_call(
        _l1_body,
        grid=(_GRID,),
        in_specs=[pl.BlockSpec((_BLK, 1), lambda i: (i % _JB, 0)),
                  pl.BlockSpec((_BLK, 2), lambda i: (_ia(i), 0)),
                  pl.BlockSpec((_BLK, 2), lambda i: (_ib(i), 0)),
                  pl.BlockSpec((_BLK, _FW), lambda i: (i, 0)),
                  pl.BlockSpec((_BLK, _FW), lambda i: (i, 0)),
                  full((2, _HID)), full((1, _HID)), full((1, _HID)),
                  full((_HID, _HID))],
        out_specs=[pl.BlockSpec((_BLK, _HID), lambda i: (i, 0)),
                   pl.BlockSpec((_BLK, _HID), lambda i: (i, 0)),
                   pl.BlockSpec((_BLK, _FW), lambda i: (i, 0))],
        out_shape=[jax.ShapeDtypeStruct((_NP, _HID), jnp.float32),
                   jax.ShapeDtypeStruct((_NP, _HID), jnp.float32),
                   jax.ShapeDtypeStruct((_NP, _FW), jnp.float32)],
    )(degn, xg, xg, g1, v1, w10, b10, b11, w21)


def _l2_body(degn_ref, ha_ref, hb_ref, g2_ref, v2_ref, w20_ref, b20_ref,
             b21_ref, wh1_ref, bh1_ref, wh2_ref, bh2_ref, ls_ref, bb_ref):
    dis = lax.rsqrt(degn_ref[...] + 1.0)
    g2 = g2_ref[...]
    v2 = v2_ref[...]
    w20 = w20_ref[...]
    wh1 = wh1_ref[...]
    wh2 = wh2_ref[...]
    b2 = b20_ref[...] + b21_ref[...]
    ys = []
    for h, p in ((ha_ref[...], dis * (g2[:, :_HID] + v2[:, :_HID])),
                 (hb_ref[...], dis * (g2[:, _HID:] + v2[:, _HID:]))):
        h2 = (jnp.dot(h, w20, preferred_element_type=jnp.float32) + p + b2)
        h2 = h2 * jax.nn.sigmoid(h2)
        z = jnp.dot(h2, wh1, preferred_element_type=jnp.float32) + bh1_ref[...]
        z = z * jax.nn.sigmoid(z)
        ys.append(jnp.dot(z, wh2, preferred_element_type=jnp.float32)
                  + bh2_ref[...])
    ls_ref[...] = _SMAX * jnp.tanh(
        jnp.concatenate([ys[0][:, :2], ys[1][:, :2]], axis=1))
    bb_ref[...] = jnp.concatenate([ys[0][:, 2:], ys[1][:, 2:]], axis=1)


def _l2_call(degn, ha, hb, g2, v2, w20, b20, b21, wh1, bh1, wh2, bh2):
    full = lambda shape: pl.BlockSpec(shape, lambda i: (0, 0))
    return pl.pallas_call(
        _l2_body,
        grid=(_GRID,),
        in_specs=[pl.BlockSpec((_BLK, 1), lambda i: (i % _JB, 0)),
                  pl.BlockSpec((_BLK, _HID), lambda i: (i, 0)),
                  pl.BlockSpec((_BLK, _HID), lambda i: (i, 0)),
                  pl.BlockSpec((_BLK, _FW), lambda i: (i, 0)),
                  pl.BlockSpec((_BLK, _FW), lambda i: (i, 0)),
                  full((_HID, _HID)), full((1, _HID)), full((1, _HID)),
                  full((_HID, _HID)), full((1, _HID)),
                  full((_HID, 4)), full((1, 4))],
        out_specs=[pl.BlockSpec((_BLK, 4), lambda i: (i, 0)),
                   pl.BlockSpec((_BLK, 4), lambda i: (i, 0))],
        out_shape=[jax.ShapeDtypeStruct((_NP, 4), jnp.float32),
                   jax.ShapeDtypeStruct((_NP, 4), jnp.float32)],
    )(degn, ha, hb, g2, v2, w20, b20, b21, wh1, bh1, wh2, bh2)


def kernel(X, edge_index, W1_0, b1_0, W1_1, b1_1, W2_0, b2_0, W2_1, b2_1,
           Wh1, bh1, Wh2, bh2):
    xg = X.reshape(_N, 2)
    row = edge_index[0]
    col = edge_index[1]
    coffs = (jnp.arange(2, dtype=jnp.int32) * _NB)[:, None]
    rowg = jnp.concatenate(
        [row[None, :] + coffs,
         jnp.full((2, _PAD), 0, jnp.int32) + coffs], axis=1).reshape(-1, 128)
    colg = jnp.concatenate(
        [col, jnp.full((_PAD,), _NB, jnp.int32)]).reshape(-1, 128)

    parts = _deg_kernel(colg)
    degn = (parts[:_NB] + parts[_ACC2:_ACC2 + _NB])[:, None]
    v1 = _dis_call(degn, xg, W1_1)
    g1 = _prop_kernel(v1, rowg, colg)
    ha, hb, v2 = _l1_call(degn, xg, g1, v1, W1_0,
                          b1_0.reshape(1, -1), b1_1.reshape(1, -1), W2_1)
    g2 = _prop_kernel(v2, rowg, colg)
    lsp, bbp = _l2_call(degn, ha, hb, g2, v2, W2_0,
                        b2_0.reshape(1, -1), b2_1.reshape(1, -1),
                        Wh1, bh1.reshape(1, -1), Wh2, bh2.reshape(1, -1))
    lsp = lsp.reshape(2, _NB, 4)
    bbp = bbp.reshape(2, _NB, 4)
    ls = jnp.stack([lsp[:, :, :2], lsp[:, :, 2:]], axis=1).reshape(
        _BATCH, _NB, 2)
    bb = jnp.stack([bbp[:, :, :2], bbp[:, :, 2:]], axis=1).reshape(
        _BATCH, _NB, 2)
    return ls, bb

# --- scband reference (transcript-rebuilt; emitter-appended) ---
"""Pipeline reference for scband-gnnconditioner-56186762166749 (READ-ONLY COPY).

The authoritative reference and input builder live on the scoring server;
editing this copy changes nothing except your own understanding.
"""

import jax, jax.numpy as jnp
import numpy as np

B = 4
NB = 10000
E = 160000
HIDDEN = 64
K_HOPS = 2
S_MAX = 1.0


def _lin_init(k, fi, fo):
    k1, k2 = jax.random.split(k)
    s = 1.0 / np.sqrt(fi)
    W = jax.random.uniform(k1, (fi, fo), jnp.float32, -s, s)
    b = jax.random.uniform(k2, (fo,), jnp.float32, -s, s)
    return W, b


def setup_inputs(seed: int = 0):
    key = jax.random.key(seed)
    ks = jax.random.split(key, 8)
    X = jax.random.normal(ks[0], (B, NB, 2), dtype=jnp.float32)
    edge_index = jax.random.randint(ks[1], (2, E), 0, NB, dtype=jnp.int32)
    W1_0, b1_0 = _lin_init(ks[2], 2, HIDDEN)
    W1_1, b1_1 = _lin_init(ks[3], 2, HIDDEN)
    W2_0, b2_0 = _lin_init(ks[4], HIDDEN, HIDDEN)
    W2_1, b2_1 = _lin_init(ks[5], HIDDEN, HIDDEN)
    Wh1, bh1 = _lin_init(ks[6], HIDDEN, HIDDEN)
    Wh2, bh2 = _lin_init(ks[7], HIDDEN, 4)
    return {"X": X, "edge_index": edge_index,
            "W1_0": W1_0, "b1_0": b1_0, "W1_1": W1_1, "b1_1": b1_1,
            "W2_0": W2_0, "b2_0": b2_0, "W2_1": W2_1, "b2_1": b2_1,
            "Wh1": Wh1, "bh1": bh1, "Wh2": Wh2, "bh2": bh2}


def _batch_edge_index(edge_index, nb, Bn):
    En = edge_index.shape[1]
    offsets = jnp.repeat(jnp.arange(Bn, dtype=edge_index.dtype) * nb, En)
    return jnp.tile(edge_index, (1, Bn)) + offsets[None, :]


def _gcn_norm(edge_index, num_nodes):
    row = edge_index[0]
    col = edge_index[1]
    loop = jnp.arange(num_nodes, dtype=edge_index.dtype)
    row = jnp.concatenate([row, loop])
    col = jnp.concatenate([col, loop])
    ew = jnp.ones(row.shape[0], dtype=jnp.float32)
    deg = jnp.zeros((num_nodes,), dtype=jnp.float32).at[col].add(ew)
    dis = jnp.where(deg > 0, jax.lax.rsqrt(jnp.maximum(deg, 1e-12)), 0.0)
    norm = dis[row] * ew * dis[col]
    return row, col, norm


def _propagate(x, row, col, norm, num_nodes):
    msg = x[row] * norm[:, None]
    return jnp.zeros((num_nodes, x.shape[1]), x.dtype).at[col].add(msg)


def _mixhop(x, row, col, norm, num_nodes, W0, b0, W1, b1):
    out0 = x @ W0 + b0
    x1 = _propagate(x, row, col, norm, num_nodes)
    out1 = x1 @ W1 + b1
    return jnp.concatenate([out0, out1], axis=-1)


def reference(X, edge_index, W1_0, b1_0, W1_1, b1_1, W2_0, b2_0, W2_1, b2_1, Wh1, bh1, Wh2, bh2):
    Bn, nb, C = X.shape
    N = Bn * nb
    Xg = X.reshape(N, C)
    eib = _batch_edge_index(edge_index, nb, Bn)
    row, col, norm = _gcn_norm(eib, N)
    H = _mixhop(Xg, row, col, norm, N, W1_0, b1_0, W1_1, b1_1)
    H = H.reshape(N, K_HOPS, -1).sum(axis=1)
    H = jax.nn.silu(H)
    H = _mixhop(H, row, col, norm, N, W2_0, b2_0, W2_1, b2_1)
    H = H.reshape(N, K_HOPS, -1).sum(axis=1)
    H = jax.nn.silu(H)
    out = jax.nn.silu(H @ Wh1 + bh1) @ Wh2 + bh2
    out = out.reshape(Bn, nb, 4)
    log_s = S_MAX * jnp.tanh(out[..., :2])
    b = out[..., 2:]
    return log_s, b

if __name__ == "__main__":
    import jax
    _d = setup_inputs()
    print(jax.jit(kernel)(*tuple(_d.values())))

</pallas_src>

<mosaic_0001>
#map = affine_map<(d0, d1) -> (0, 0)>
module attributes {stable_mosaic.version = 14 : i64} {
  func.func @_prop_kernel(%arg0: i32, %arg1: i32, %arg2: memref<20000x128xf32, #tpu.memory_space<hbm>>, %arg3: memref<2560x128xi32, #tpu.memory_space<hbm>>, %arg4: memref<1280x128xi32, #tpu.memory_space<hbm>>, %arg5: memref<20000x128xf32, #tpu.memory_space<hbm>>, %arg6: memref<40x128xi32, #tpu.memory_space<vmem>>, %arg7: memref<40x128xi32, #tpu.memory_space<vmem>>, %arg8: memref<128x128xf32, #tpu.memory_space<vmem>>, %arg9: memref<128x128xf32, #tpu.memory_space<vmem>>, %arg10: memref<10008x128xf32, #tpu.memory_space<vmem_shared>>, %arg11: memref<!tpu.dma_semaphore, #tpu.memory_space<semaphore_mem>>, %arg12: memref<!tpu.dma_semaphore, #tpu.memory_space<semaphore_mem>>) attributes {dimension_semantics = [#tpu.dimension_semantics<core_parallel>, #tpu.dimension_semantics<subcore_parallel>], iteration_bounds = array<i64: 2, 16>, scalar_prefetch = 0 : i64, scratch_operands = 7 : i64, tpu.core_type = #tpu.core_type<sc_vector_subcore>, window_params = [{transform_indices = #map}, {transform_indices = #map}, {transform_indices = #map}, {transform_indices = #map}]} {
    %mul3A = arith.constant 10000 : i32
    %mul3A_0 = arith.muli %arg0, %mul3A : i32
    %scan3A = arith.constant 0 : i32
    %scan3A_1 = arith.constant 0 : i32
    %scan3A_2 = arith.constant 128 : i32
    %scan3A_3 = arith.addi %scan3A_1, %scan3A_2 : i32
    %scan3A_4 = arith.constant 1 : i32
    scf.for %scan3A_74 = %scan3A_1 to %scan3A_3 step %scan3A_4  : i32 {
      %broadcast_in_dim3A = arith.constant 0.000000e+00 : f32
      %broadcast_in_dim3A_75 = vector.broadcast %broadcast_in_dim3A : f32 to vector<16xf32>
      %swap3A = arith.index_cast %scan3A_74 : i32 to index
      %swap3A_76 = arith.constant 0 : index
      %swap3A_77 = tpu.vector_load %arg8[%swap3A, %swap3A_76] {strides = array<i32>} : memref<128x128xf32, #tpu.memory_space<vmem>>, vector<1x16xf32>,
      %swap3A_78 = vector.shape_cast %swap3A_77 : vector<1x16xf32> to vector<16xf32>
      %swap3A_79 = vector.shape_cast %broadcast_in_dim3A_75 : vector<16xf32> to vector<1x16xf32>
      tpu.vector_store %arg8[%swap3A, %swap3A_76], %swap3A_79 {strides = array<i32>} : memref<128x128xf32, #tpu.memory_space<vmem>>, vector<1x16xf32>,
      %broadcast_in_dim3A_80 = arith.constant 0.000000e+00 : f32
      %broadcast_in_dim3A_81 = vector.broadcast %broadcast_in_dim3A_80 : f32 to vector<16xf32>
      %swap3A_82 = arith.index_cast %scan3A_74 : i32 to index
      %swap3A_83 = arith.constant 16 : index
      %swap3A_84 = tpu.vector_load %arg8[%swap3A_82, %swap3A_83] {strides = array<i32>} : memref<128x128xf32, #tpu.memory_space<vmem>>, vector<1x16xf32>,
      %swap3A_85 = vector.shape_cast %swap3A_84 : vector<1x16xf32> to vector<16xf32>
      %swap3A_86 = vector.shape_cast %broadcast_in_dim3A_81 : vector<16xf32> to vector<1x16xf32>
      tpu.vector_store %arg8[%swap3A_82, %swap3A_83], %swap3A_86 {strides = array<i32>} : memref<128x128xf32, #tpu.memory_space<vmem>>, vector<1x16xf32>,
      %broadcast_in_dim3A_87 = arith.constant 0.000000e+00 : f32
      %broadcast_in_dim3A_88 = vector.broadcast %broadcast_in_dim3A_87 : f32 to vector<16xf32>
      %swap3A_89 = arith.index_cast %scan3A_74 : i32 to index
      %swap3A_90 = arith.constant 32 : index
      %swap3A_91 = tpu.vector_load %arg8[%swap3A_89, %swap3A_90] {strides = array<i32>} : memref<128x128xf32, #tpu.memory_space<vmem>>, vector<1x16xf32>,
      %swap3A_92 = vector.shape_cast %swap3A_91 : vector<1x16xf32> to vector<16xf32>
      %swap3A_93 = vector.shape_cast %broadcast_in_dim3A_88 : vector<16xf32> to vector<1x16xf32>
      tpu.vector_store %arg8[%swap3A_89, %swap3A_90], %swap3A_93 {strides = array<i32>} : memref<128x128xf32, #tpu.memory_space<vmem>>, vector<1x16xf32>,
      %broadcast_in_dim3A_94 = arith.constant 0.000000e+00 : f32
      %broadcast_in_dim3A_95 = vector.broadcast %broadcast_in_dim3A_94 : f32 to vector<16xf32>
      %swap3A_96 = arith.index_cast %scan3A_74 : i32 to index
      %swap3A_97 = arith.constant 48 : index
      %swap3A_98 = tpu.vector_load %arg8[%swap3A_96, %swap3A_97] {strides = array<i32>} : memref<128x128xf32, #tpu.memory_space<vmem>>, vector<1x16xf32>,
      %swap3A_99 = vector.shape_cast %swap3A_98 : vector<1x16xf32> to vector<16xf32>
      %swap3A_100 = vector.shape_cast %broadcast_in_dim3A_95 : vector<16xf32> to vector<1x16xf32>
      tpu.vector_store %arg8[%swap3A_96, %swap3A_97], %swap3A_100 {strides = array<i32>} : memref<128x128xf32, #tpu.memory_space<vmem>>, vector<1x16xf32>,
      %broadcast_in_dim3A_101 = arith.constant 0.000000e+00 : f32
      %broadcast_in_dim3A_102 = vector.broadcast %broadcast_in_dim3A_101 : f32 to vector<16xf32>
      %swap3A_103 = arith.index_cast %scan3A_74 : i32 to index
      %swap3A_104 = arith.constant 64 : index
      %swap3A_105 = tpu.vector_load %arg8[%swap3A_103, %swap3A_104] {strides = array<i32>} : memref<128x128xf32, #tpu.memory_space<vmem>>, vector<1x16xf32>,
      %swap3A_106 = vector.shape_cast %swap3A_105 : vector<1x16xf32> to vector<16xf32>
      %swap3A_107 = vector.shape_cast %broadcast_in_dim3A_102 : vector<16xf32> to vector<1x16xf32>
      tpu.vector_store %arg8[%swap3A_103, %swap3A_104], %swap3A_107 {strides = array<i32>} : memref<128x128xf32, #tpu.memory_space<vmem>>, vector<1x16xf32>,
      %broadcast_in_dim3A_108 = arith.constant 0.000000e+00 : f32
      %broadcast_in_dim3A_109 = vector.broadcast %broadcast_in_dim3A_108 : f32 to vector<16xf32>
      %swap3A_110 = arith.index_cast %scan3A_74 : i32 to index
      %swap3A_111 = arith.constant 80 : index
      %swap3A_112 = tpu.vector_load %arg8[%swap3A_110, %swap3A_111] {strides = array<i32>} : memref<128x128xf32, #tpu.memory_space<vmem>>, vector<1x16xf32>,
      %swap3A_113 = vector.shape_cast %swap3A_112 : vector<1x16xf32> to vector<16xf32>
      %swap3A_114 = vector.shape_cast %broadcast_in_dim3A_109 : vector<16xf32> to vector<1x16xf32>
      tpu.vector_store %arg8[%swap3A_110, %swap3A_111], %swap3A_114 {strides = array<i32>} : memref<128x128xf32, #tpu.memory_space<vmem>>, vector<1x16xf32>,
      %broadcast_in_dim3A_115 = arith.constant 0.000000e+00 : f32
      %broadcast_in_dim3A_116 = vector.broadcast %broadcast_in_dim3A_115 : f32 to vector<16xf32>
      %swap3A_117 = arith.index_cast %scan3A_74 : i32 to index
      %swap3A_118 = arith.constant 96 : index
      %swap3A_119 = tpu.vector_load %arg8[%swap3A_117, %swap3A_118] {strides = array<i32>} : memref<128x128xf32, #tpu.memory_space<vmem>>, vector<1x16xf32>,
      %swap3A_120 = vector.shape_cast %swap3A_119 : vector<1x16xf32> to vector<16xf32>
      %swap3A_121 = vector.shape_cast %broadcast_in_dim3A_116 : vector<16xf32> to vector<1x16xf32>
      tpu.vector_store %arg8[%swap3A_117, %swap3A_118], %swap3A_121 {strides = array<i32>} : memref<128x128xf32, #tpu.memory_space<vmem>>, vector<1x16xf32>,
      %broadcast_in_dim3A_122 = arith.constant 0.000000e+00 : f32
      %broadcast_in_dim3A_123 = vector.broadcast %broadcast_in_dim3A_122 : f32 to vector<16xf32>
      %swap3A_124 = arith.index_cast %scan3A_74 : i32 to index
      %swap3A_125 = arith.constant 112 : index
      %swap3A_126 = tpu.vector_load %arg8[%swap3A_124, %swap3A_125] {strides = array<i32>} : memref<128x128xf32, #tpu.memory_space<vmem>>, vector<1x16xf32>,
      %swap3A_127 = vector.shape_cast %swap3A_126 : vector<1x16xf32> to vector<16xf32>
      %swap3A_128 = vector.shape_cast %broadcast_in_dim3A_123 : vector<16xf32> to vector<1x16xf32>
      tpu.vector_store %arg8[%swap3A_124, %swap3A_125], %swap3A_128 {strides = array<i32>} : memref<128x128xf32, #tpu.memory_space<vmem>>, vector<1x16xf32>,
    }
    %scan3A_5 = arith.constant 128 : i32
    %lt3A = arith.constant 15 : i32
    %lt3A_6 = arith.cmpi slt, %arg1, %lt3A : i32
    %convert_element_type3A = arith.extui %lt3A_6 : i1 to i32
    %cond3A = arith.constant 0 : i32
    %cond3A_7 = arith.cmpi ne, %convert_element_type3A, %cond3A : i32
    scf.if %cond3A_7 {
      %mul3A_74 = arith.constant 640 : i32
      %mul3A_75 = arith.muli %arg1, %mul3A_74 : i32
      %add3A_76 = arith.constant 0 : i32
      %add3A_77 = arith.addi %mul3A_75, %add3A_76 : i32
      "tpu.region"() ({
        %run_scoped3A = tpu.sem_alloc : memref<!tpu.dma_semaphore, #tpu.memory_space<semaphore_mem>>
        %dma_start3A_94 = arith.constant 0 : i32
        %dma_start3A_95 = tpu.memref_slice %arg10[%add3A_77, %dma_start3A_94] : memref<10008x128xf32, #tpu.memory_space<vmem_shared>> -> memref<128x128xf32, #tpu.memory_space<vmem_shared>>
        %dma_start3A_96 = arith.constant 0 : i32
        %dma_start3A_97 = tpu.memref_slice %arg10[%add3A_77, %dma_start3A_96] : memref<10008x128xf32, #tpu.memory_space<vmem_shared>> -> memref<128x128xf32, #tpu.memory_space<vmem_shared>>
        tpu.enqueue_dma source(%arg8 : memref<128x128xf32, #tpu.memory_space<vmem>>) target(%dma_start3A_97 : memref<128x128xf32, #tpu.memory_space<vmem_shared>>) target_semaphore(%run_scoped3A : memref<!tpu.dma_semaphore, #tpu.memory_space<semaphore_mem>>)
        %dma_wait3A_98 = arith.constant 0 : i32
        %dma_wait3A_99 = tpu.memref_slice %arg10[%add3A_77, %dma_wait3A_98] : memref<10008x128xf32, #tpu.memory_space<vmem_shared>> -> memref<128x128xf32, #tpu.memory_space<vmem_shared>>
        %dma_wait3A_100 = arith.constant 0 : i32
        %dma_wait3A_101 = tpu.memref_slice %arg10[%add3A_77, %dma_wait3A_100] : memref<10008x128xf32, #tpu.memory_space<vmem_shared>> -> memref<128x128xf32, #tpu.memory_space<vmem_shared>>
        tpu.wait_dma2 semaphore(%run_scoped3A : memref<!tpu.dma_semaphore, #tpu.memory_space<semaphore_mem>>) src(%arg8 : memref<128x128xf32, #tpu.memory_space<vmem>>) dst(%dma_wait3A_101 : memref<128x128xf32, #tpu.memory_space<vmem_shared>>)
        tpu.yield
      }) : () -> ()
      %mul3A_78 = arith.constant 640 : i32
      %mul3A_79 = arith.muli %arg1, %mul3A_78 : i32
      %add3A_80 = arith.constant 128 : i32
      %add3A_81 = arith.addi %mul3A_79, %add3A_80 : i32
      "tpu.region"() ({
        %run_scoped3A = tpu.sem_alloc : memref<!tpu.dma_semaphore, #tpu.memory_space<semaphore_mem>>
        %dma_start3A_94 = arith.constant 0 : i32
        %dma_start3A_95 = tpu.memref_slice %arg10[%add3A_81, %dma_start3A_94] : memref<10008x128xf32, #tpu.memory_space<vmem_shared>> -> memref<128x128xf32, #tpu.memory_space<vmem_shared>>
        %dma_start3A_96 = arith.constant 0 : i32
        %dma_start3A_97 = tpu.memref_slice %arg10[%add3A_81, %dma_start3A_96] : memref<10008x128xf32, #tpu.memory_space<vmem_shared>> -> memref<128x128xf32, #tpu.memory_space<vmem_shared>>
        tpu.enqueue_dma source(%arg8 : memref<128x128xf32, #tpu.memory_space<vmem>>) target(%dma_start3A_97 : memref<128x128xf32, #tpu.memory_space<vmem_shared>>) target_semaphore(%run_scoped3A : memref<!tpu.dma_semaphore, #tpu.memory_space<semaphore_mem>>)
        %dma_wait3A_98 = arith.constant 0 : i32
        %dma_wait3A_99 = tpu.memref_slice %arg10[%add3A_81, %dma_wait3A_98] : memref<10008x128xf32, #tpu.memory_space<vmem_shared>> -> memref<128x128xf32, #tpu.memory_space<vmem_shared>>
        %dma_wait3A_100 = arith.constant 0 : i32
        %dma_wait3A_101 = tpu.memref_slice %arg10[%add3A_81, %dma_wait3A_100] : memref<10008x128xf32, #tpu.memory_space<vmem_shared>> -> memref<128x128xf32, #tpu.memory_space<vmem_shared>>
        tpu.wait_dma2 semaphore(%run_scoped3A : memref<!tpu.dma_semaphore, #tpu.memory_space<semaphore_mem>>) src(%arg8 : memref<128x128xf32, #tpu.memory_space<vmem>>) dst(%dma_wait3A_101 : memref<128x128xf32, #tpu.memory_space<vmem_shared>>)
        tpu.yield
      }) : () -> ()
      %mul3A_82 = arith.constant 640 : i32
      %mul3A_83 = arith.muli %arg1, %mul3A_82 : i32
      %add3A_84 = arith.constant 256 : i32
      %add3A_85 = arith.addi %mul3A_83, %add3A_84 : i32
      "tpu.region"() ({
        %run_scoped3A = tpu.sem_alloc : memref<!tpu.dma_semaphore, #tpu.memory_space<semaphore_mem>>
        %dma_start3A_94 = arith.constant 0 : i32
        %dma_start3A_95 = tpu.memref_slice %arg10[%add3A_85, %dma_start3A_94] : memref<10008x128xf32, #tpu.memory_space<vmem_shared>> -> memref<128x128xf32, #tpu.memory_space<vmem_shared>>
        %dma_start3A_96 = arith.constant 0 : i32
        %dma_start3A_97 = tpu.memref_slice %arg10[%add3A_85, %dma_start3A_96] : memref<10008x128xf32, #tpu.memory_space<vmem_shared>> -> memref<128x128xf32, #tpu.memory_space<vmem_shared>>
        tpu.enqueue_dma source(%arg8 : memref<128x128xf32, #tpu.memory_space<vmem>>) target(%dma_start3A_97 : memref<128x128xf32, #tpu.memory_space<vmem_shared>>) target_semaphore(%run_scoped3A : memref<!tpu.dma_semaphore, #tpu.memory_space<semaphore_mem>>)
        %dma_wait3A_98 = arith.constant 0 : i32
        %dma_wait3A_99 = tpu.memref_slice %arg10[%add3A_85, %dma_wait3A_98] : memref<10008x128xf32, #tpu.memory_space<vmem_shared>> -> memref<128x128xf32, #tpu.memory_space<vmem_shared>>
        %dma_wait3A_100 = arith.constant 0 : i32
        %dma_wait3A_101 = tpu.memref_slice %arg10[%add3A_85, %dma_wait3A_100] : memref<10008x128xf32, #tpu.memory_space<vmem_shared>> -> memref<128x128xf32, #tpu.memory_space<vmem_shared>>
        tpu.wait_dma2 semaphore(%run_scoped3A : memref<!tpu.dma_semaphore, #tpu.memory_space<semaphore_mem>>) src(%arg8 : memref<128x128xf32, #tpu.memory_space<vmem>>) dst(%dma_wait3A_101 : memref<128x128xf32, #tpu.memory_space<vmem_shared>>)
        tpu.yield
      }) : () -> ()
      %mul3A_86 = arith.constant 640 : i32
      %mul3A_87 = arith.muli %arg1, %mul3A_86 : i32
      %add3A_88 = arith.constant 384 : i32
      %add3A_89 = arith.addi %mul3A_87, %add3A_88 : i32
      "tpu.region"() ({
        %run_scoped3A = tpu.sem_alloc : memref<!tpu.dma_semaphore, #tpu.memory_space<semaphore_mem>>
        %dma_start3A_94 = arith.constant 0 : i32
        %dma_start3A_95 = tpu.memref_slice %arg10[%add3A_89, %dma_start3A_94] : memref<10008x128xf32, #tpu.memory_space<vmem_shared>> -> memref<128x128xf32, #tpu.memory_space<vmem_shared>>
        %dma_start3A_96 = arith.constant 0 : i32
        %dma_start3A_97 = tpu.memref_slice %arg10[%add3A_89, %dma_start3A_96] : memref<10008x128xf32, #tpu.memory_space<vmem_shared>> -> memref<128x128xf32, #tpu.memory_space<vmem_shared>>
        tpu.enqueue_dma source(%arg8 : memref<128x128xf32, #tpu.memory_space<vmem>>) target(%dma_start3A_97 : memref<128x128xf32, #tpu.memory_space<vmem_shared>>) target_semaphore(%run_scoped3A : memref<!tpu.dma_semaphore, #tpu.memory_space<semaphore_mem>>)
        %dma_wait3A_98 = arith.constant 0 : i32
        %dma_wait3A_99 = tpu.memref_slice %arg10[%add3A_89, %dma_wait3A_98] : memref<10008x128xf32, #tpu.memory_space<vmem_shared>> -> memref<128x128xf32, #tpu.memory_space<vmem_shared>>
        %dma_wait3A_100 = arith.constant 0 : i32
        %dma_wait3A_101 = tpu.memref_slice %arg10[%add3A_89, %dma_wait3A_100] : memref<10008x128xf32, #tpu.memory_space<vmem_shared>> -> memref<128x128xf32, #tpu.memory_space<vmem_shared>>
        tpu.wait_dma2 semaphore(%run_scoped3A : memref<!tpu.dma_semaphore, #tpu.memory_space<semaphore_mem>>) src(%arg8 : memref<128x128xf32, #tpu.memory_space<vmem>>) dst(%dma_wait3A_101 : memref<128x128xf32, #tpu.memory_space<vmem_shared>>)
        tpu.yield
      }) : () -> ()
      %mul3A_90 = arith.constant 640 : i32
      %mul3A_91 = arith.muli %arg1, %mul3A_90 : i32
      %add3A_92 = arith.constant 512 : i32
      %add3A_93 = arith.addi %mul3A_91, %add3A_92 : i32
      "tpu.region"() ({
        %run_scoped3A = tpu.sem_alloc : memref<!tpu.dma_semaphore, #tpu.memory_space<semaphore_mem>>
        %dma_start3A_94 = arith.constant 0 : i32
        %dma_start3A_95 = tpu.memref_slice %arg10[%add3A_93, %dma_start3A_94] : memref<10008x128xf32, #tpu.memory_space<vmem_shared>> -> memref<128x128xf32, #tpu.memory_space<vmem_shared>>
        %dma_start3A_96 = arith.constant 0 : i32
        %dma_start3A_97 = tpu.memref_slice %arg10[%add3A_93, %dma_start3A_96] : memref<10008x128xf32, #tpu.memory_space<vmem_shared>> -> memref<128x128xf32, #tpu.memory_space<vmem_shared>>
        tpu.enqueue_dma source(%arg8 : memref<128x128xf32, #tpu.memory_space<vmem>>) target(%dma_start3A_97 : memref<128x128xf32, #tpu.memory_space<vmem_shared>>) target_semaphore(%run_scoped3A : memref<!tpu.dma_semaphore, #tpu.memory_space<semaphore_mem>>)
        %dma_wait3A_98 = arith.constant 0 : i32
        %dma_wait3A_99 = tpu.memref_slice %arg10[%add3A_93, %dma_wait3A_98] : memref<10008x128xf32, #tpu.memory_space<vmem_shared>> -> memref<128x128xf32, #tpu.memory_space<vmem_shared>>
        %dma_wait3A_100 = arith.constant 0 : i32
        %dma_wait3A_101 = tpu.memref_slice %arg10[%add3A_93, %dma_wait3A_100] : memref<10008x128xf32, #tpu.memory_space<vmem_shared>> -> memref<128x128xf32, #tpu.memory_space<vmem_shared>>
        tpu.wait_dma2 semaphore(%run_scoped3A : memref<!tpu.dma_semaphore, #tpu.memory_space<semaphore_mem>>) src(%arg8 : memref<128x128xf32, #tpu.memory_space<vmem>>) dst(%dma_wait3A_101 : memref<128x128xf32, #tpu.memory_space<vmem_shared>>)
        tpu.yield
      }) : () -> ()
    } else {
    }
    %eq3A = arith.constant 15 : i32
    %eq3A_8 = arith.cmpi eq, %arg1, %eq3A : i32
    %convert_element_type3A_9 = arith.extui %eq3A_8 : i1 to i32
    %cond3A_10 = arith.constant 0 : i32
    %cond3A_11 = arith.cmpi ne, %convert_element_type3A_9, %cond3A_10 : i32
    scf.if %cond3A_11 {
      "tpu.region"() ({
        %run_scoped3A = tpu.sem_alloc : memref<!tpu.dma_semaphore, #tpu.memory_space<semaphore_mem>>
        %dma_start3A_74 = arith.constant 9600 : i32
        %dma_start3A_75 = arith.constant 0 : i32
        %dma_start3A_76 = tpu.memref_slice %arg10[%dma_start3A_74, %dma_start3A_75] : memref<10008x128xf32, #tpu.memory_space<vmem_shared>> -> memref<128x128xf32, #tpu.memory_space<vmem_shared>>
        %dma_start3A_77 = arith.constant 9600 : i32
        %dma_start3A_78 = arith.constant 0 : i32
        %dma_start3A_79 = tpu.memref_slice %arg10[%dma_start3A_77, %dma_start3A_78] : memref<10008x128xf32, #tpu.memory_space<vmem_shared>> -> memref<128x128xf32, #tpu.memory_space<vmem_shared>>
        tpu.enqueue_dma source(%arg8 : memref<128x128xf32, #tpu.memory_space<vmem>>) target(%dma_start3A_79 : memref<128x128xf32, #tpu.memory_space<vmem_shared>>) target_semaphore(%run_scoped3A : memref<!tpu.dma_semaphore, #tpu.memory_space<semaphore_mem>>)
        %dma_wait3A_80 = arith.constant 9600 : i32
        %dma_wait3A_81 = arith.constant 0 : i32
        %dma_wait3A_82 = tpu.memref_slice %arg10[%dma_wait3A_80, %dma_wait3A_81] : memref<10008x128xf32, #tpu.memory_space<vmem_shared>> -> memref<128x128xf32, #tpu.memory_space<vmem_shared>>
        %dma_wait3A_83 = arith.constant 9600 : i32
        %dma_wait3A_84 = arith.constant 0 : i32
        %dma_wait3A_85 = tpu.memref_slice %arg10[%dma_wait3A_83, %dma_wait3A_84] : memref<10008x128xf32, #tpu.memory_space<vmem_shared>> -> memref<128x128xf32, #tpu.memory_space<vmem_shared>>
        tpu.wait_dma2 semaphore(%run_scoped3A : memref<!tpu.dma_semaphore, #tpu.memory_space<semaphore_mem>>) src(%arg8 : memref<128x128xf32, #tpu.memory_space<vmem>>) dst(%dma_wait3A_85 : memref<128x128xf32, #tpu.memory_space<vmem_shared>>)
        tpu.yield
      }) : () -> ()
      "tpu.region"() ({
        %run_scoped3A = tpu.sem_alloc : memref<!tpu.dma_semaphore, #tpu.memory_space<semaphore_mem>>
        %dma_start3A_74 = arith.constant 9728 : i32
        %dma_start3A_75 = arith.constant 0 : i32
        %dma_start3A_76 = tpu.memref_slice %arg10[%dma_start3A_74, %dma_start3A_75] : memref<10008x128xf32, #tpu.memory_space<vmem_shared>> -> memref<128x128xf32, #tpu.memory_space<vmem_shared>>
        %dma_start3A_77 = arith.constant 9728 : i32
        %dma_start3A_78 = arith.constant 0 : i32
        %dma_start3A_79 = tpu.memref_slice %arg10[%dma_start3A_77, %dma_start3A_78] : memref<10008x128xf32, #tpu.memory_space<vmem_shared>> -> memref<128x128xf32, #tpu.memory_space<vmem_shared>>
        tpu.enqueue_dma source(%arg8 : memref<128x128xf32, #tpu.memory_space<vmem>>) target(%dma_start3A_79 : memref<128x128xf32, #tpu.memory_space<vmem_shared>>) target_semaphore(%run_scoped3A : memref<!tpu.dma_semaphore, #tpu.memory_space<semaphore_mem>>)
        %dma_wait3A_80 = arith.constant 9728 : i32
        %dma_wait3A_81 = arith.constant 0 : i32
        %dma_wait3A_82 = tpu.memref_slice %arg10[%dma_wait3A_80, %dma_wait3A_81] : memref<10008x128xf32, #tpu.memory_space<vmem_shared>> -> memref<128x128xf32, #tpu.memory_space<vmem_shared>>
        %dma_wait3A_83 = arith.constant 9728 : i32
        %dma_wait3A_84 = arith.constant 0 : i32
        %dma_wait3A_85 = tpu.memref_slice %arg10[%dma_wait3A_83, %dma_wait3A_84] : memref<10008x128xf32, #tpu.memory_space<vmem_shared>> -> memref<128x128xf32, #tpu.memory_space<vmem_shared>>
        tpu.wait_dma2 semaphore(%run_scoped3A : memref<!tpu.dma_semaphore, #tpu.memory_space<semaphore_mem>>) src(%arg8 : memref<128x128xf32, #tpu.memory_space<vmem>>) dst(%dma_wait3A_85 : memref<128x128xf32, #tpu.memory_space<vmem_shared>>)
        tpu.yield
      }) : () -> ()
      "tpu.region"() ({
        %run_scoped3A = tpu.sem_alloc : memref<!tpu.dma_semaphore, #tpu.memory_space<semaphore_mem>>
        %dma_start3A_74 = arith.constant 9856 : i32
        %dma_start3A_75 = arith.constant 0 : i32
        %dma_start3A_76 = tpu.memref_slice %arg10[%dma_start3A_74, %dma_start3A_75] : memref<10008x128xf32, #tpu.memory_space<vmem_shared>> -> memref<128x128xf32, #tpu.memory_space<vmem_shared>>
        %dma_start3A_77 = arith.constant 9856 : i32
        %dma_start3A_78 = arith.constant 0 : i32
        %dma_start3A_79 = tpu.memref_slice %arg10[%dma_start3A_77, %dma_start3A_78] : memref<10008x128xf32, #tpu.memory_space<vmem_shared>> -> memref<128x128xf32, #tpu.memory_space<vmem_shared>>
        tpu.enqueue_dma source(%arg8 : memref<128x128xf32, #tpu.memory_space<vmem>>) target(%dma_start3A_79 : memref<128x128xf32, #tpu.memory_space<vmem_shared>>) target_semaphore(%run_scoped3A : memref<!tpu.dma_semaphore, #tpu.memory_space<semaphore_mem>>)
        %dma_wait3A_80 = arith.constant 9856 : i32
        %dma_wait3A_81 = arith.constant 0 : i32
        %dma_wait3A_82 = tpu.memref_slice %arg10[%dma_wait3A_80, %dma_wait3A_81] : memref<10008x128xf32, #tpu.memory_space<vmem_shared>> -> memref<128x128xf32, #tpu.memory_space<vmem_shared>>
        %dma_wait3A_83 = arith.constant 9856 : i32
        %dma_wait3A_84 = arith.constant 0 : i32
        %dma_wait3A_85 = tpu.memref_slice %arg10[%dma_wait3A_83, %dma_wait3A_84] : memref<10008x128xf32, #tpu.memory_space<vmem_shared>> -> memref<128x128xf32, #tpu.memory_space<vmem_shared>>
        tpu.wait_dma2 semaphore(%run_scoped3A : memref<!tpu.dma_semaphore, #tpu.memory_space<semaphore_mem>>) src(%arg8 : memref<128x128xf32, #tpu.memory_space<vmem>>) dst(%dma_wait3A_85 : memref<128x128xf32, #tpu.memory_space<vmem_shared>>)
        tpu.yield
      }) : () -> ()
      "tpu.region"() ({
        %run_scoped3A = tpu.sem_alloc : memref<!tpu.dma_semaphore, #tpu.memory_space<semaphore_mem>>
        %dma_start3A_74 = arith.constant 0 : i32
        %dma_start3A_75 = arith.constant 0 : i32
        %dma_start3A_76 = tpu.memref_slice %arg8[%dma_start3A_74, %dma_start3A_75] : memref<128x128xf32, #tpu.memory_space<vmem>> -> memref<16x128xf32, #tpu.memory_space<vmem>>
        %dma_start3A_77 = arith.constant 9984 : i32
        %dma_start3A_78 = arith.constant 0 : i32
        %dma_start3A_79 = tpu.memref_slice %arg10[%dma_start3A_77, %dma_start3A_78] : memref<10008x128xf32, #tpu.memory_space<vmem_shared>> -> memref<16x128xf32, #tpu.memory_space<vmem_shared>>
        %dma_start3A_80 = arith.constant 9984 : i32
        %dma_start3A_81 = arith.constant 0 : i32
        %dma_start3A_82 = tpu.memref_slice %arg10[%dma_start3A_80, %dma_start3A_81] : memref<10008x128xf32, #tpu.memory_space<vmem_shared>> -> memref<16x128xf32, #tpu.memory_space<vmem_shared>>
        %dma_start3A_83 = arith.constant 0 : i32
        %dma_start3A_84 = arith.constant 0 : i32
        %dma_start3A_85 = tpu.memref_slice %arg8[%dma_start3A_83, %dma_start3A_84] : memref<128x128xf32, #tpu.memory_space<vmem>> -> memref<16x128xf32, #tpu.memory_space<vmem>>
        tpu.enqueue_dma source(%dma_start3A_85 : memref<16x128xf32, #tpu.memory_space<vmem>>) target(%dma_start3A_82 : memref<16x128xf32, #tpu.memory_space<vmem_shared>>) target_semaphore(%run_scoped3A : memref<!tpu.dma_semaphore, #tpu.memory_space<semaphore_mem>>)
        %dma_wait3A_86 = arith.constant 0 : i32
        %dma_wait3A_87 = arith.constant 0 : i32
        %dma_wait3A_88 = tpu.memref_slice %arg8[%dma_wait3A_86, %dma_wait3A_87] : memref<128x128xf32, #tpu.memory_space<vmem>> -> memref<16x128xf32, #tpu.memory_space<vmem>>
        %dma_wait3A_89 = arith.constant 9984 : i32
        %dma_wait3A_90 = arith.constant 0 : i32
        %dma_wait3A_91 = tpu.memref_slice %arg10[%dma_wait3A_89, %dma_wait3A_90] : memref<10008x128xf32, #tpu.memory_space<vmem_shared>> -> memref<16x128xf32, #tpu.memory_space<vmem_shared>>
        %dma_wait3A_92 = arith.constant 9984 : i32
        %dma_wait3A_93 = arith.constant 0 : i32
        %dma_wait3A_94 = tpu.memref_slice %arg10[%dma_wait3A_92, %dma_wait3A_93] : memref<10008x128xf32, #tpu.memory_space<vmem_shared>> -> memref<16x128xf32, #tpu.memory_space<vmem_shared>>
        %dma_wait3A_95 = arith.constant 0 : i32
        %dma_wait3A_96 = arith.constant 0 : i32
        %dma_wait3A_97 = tpu.memref_slice %arg8[%dma_wait3A_95, %dma_wait3A_96] : memref<128x128xf32, #tpu.memory_space<vmem>> -> memref<16x128xf32, #tpu.memory_space<vmem>>
        tpu.wait_dma2 semaphore(%run_scoped3A : memref<!tpu.dma_semaphore, #tpu.memory_space<semaphore_mem>>) src(%dma_wait3A_97 : memref<16x128xf32, #tpu.memory_space<vmem>>) dst(%dma_wait3A_94 : memref<16x128xf32, #tpu.memory_space<vmem_shared>>)
        tpu.yield
      }) : () -> ()
    } else {
    }
    %barrier3A = arith.constant 0 : index
    tpu.barrier barrier_id(%barrier3A)
    %mul3A_12 = arith.constant 80 : i32
    %mul3A_13 = arith.muli %arg1, %mul3A_12 : i32
    %add3A = arith.constant 0 : i32
    %add3A_14 = arith.addi %mul3A_13, %add3A : i32
    %mul3A_15 = arith.constant 1280 : i32
    %mul3A_16 = arith.muli %arg0, %mul3A_15 : i32
    %add3A_17 = arith.addi %mul3A_16, %add3A_14 : i32
    "tpu.region"() ({
      %run_scoped3A = tpu.sem_alloc : memref<!tpu.dma_semaphore, #tpu.memory_space<semaphore_mem>>
      %dma_start3A_74 = arith.constant 0 : i32
      %dma_start3A_75 = tpu.memref_slice %arg3[%add3A_17, %dma_start3A_74] : memref<2560x128xi32, #tpu.memory_space<hbm>> -> memref<40x128xi32, #tpu.memory_space<hbm>>
      %dma_start3A_76 = arith.constant 0 : i32
      %dma_start3A_77 = tpu.memref_slice %arg3[%add3A_17, %dma_start3A_76] : memref<2560x128xi32, #tpu.memory_space<hbm>> -> memref<40x128xi32, #tpu.memory_space<hbm>>
      tpu.enqueue_dma source(%dma_start3A_77 : memref<40x128xi32, #tpu.memory_space<hbm>>) target(%arg6 : memref<40x128xi32, #tpu.memory_space<vmem>>) target_semaphore(%run_scoped3A : memref<!tpu.dma_semaphore, #tpu.memory_space<semaphore_mem>>)
      %dma_wait3A_78 = arith.constant 0 : i32
      %dma_wait3A_79 = tpu.memref_slice %arg3[%add3A_17, %dma_wait3A_78] : memref<2560x128xi32, #tpu.memory_space<hbm>> -> memref<40x128xi32, #tpu.memory_space<hbm>>
      %dma_wait3A_80 = arith.constant 0 : i32
      %dma_wait3A_81 = tpu.memref_slice %arg3[%add3A_17, %dma_wait3A_80] : memref<2560x128xi32, #tpu.memory_space<hbm>> -> memref<40x128xi32, #tpu.memory_space<hbm>>
      tpu.wait_dma2 semaphore(%run_scoped3A : memref<!tpu.dma_semaphore, #tpu.memory_space<semaphore_mem>>) src(%dma_wait3A_81 : memref<40x128xi32, #tpu.memory_space<hbm>>) dst(%arg6 : memref<40x128xi32, #tpu.memory_space<vmem>>)
      tpu.yield
    }) : () -> ()
    "tpu.region"() ({
      %run_scoped3A = tpu.sem_alloc : memref<!tpu.dma_semaphore, #tpu.memory_space<semaphore_mem>>
      %dma_start3A_74 = arith.constant 0 : i32
      %dma_start3A_75 = tpu.memref_slice %arg4[%add3A_14, %dma_start3A_74] : memref<1280x128xi32, #tpu.memory_space<hbm>> -> memref<40x128xi32, #tpu.memory_space<hbm>>
      %dma_start3A_76 = arith.constant 0 : i32
      %dma_start3A_77 = tpu.memref_slice %arg4[%add3A_14, %dma_start3A_76] : memref<1280x128xi32, #tpu.memory_space<hbm>> -> memref<40x128xi32, #tpu.memory_space<hbm>>
      tpu.enqueue_dma source(%dma_start3A_77 : memref<40x128xi32, #tpu.memory_space<hbm>>) target(%arg7 : memref<40x128xi32, #tpu.memory_space<vmem>>) target_semaphore(%run_scoped3A : memref<!tpu.dma_semaphore, #tpu.memory_space<semaphore_mem>>)
      %dma_wait3A_78 = arith.constant 0 : i32
      %dma_wait3A_79 = tpu.memref_slice %arg4[%add3A_14, %dma_wait3A_78] : memref<1280x128xi32, #tpu.memory_space<hbm>> -> memref<40x128xi32, #tpu.memory_space<hbm>>
      %dma_wait3A_80 = arith.constant 0 : i32
      %dma_wait3A_81 = tpu.memref_slice %arg4[%add3A_14, %dma_wait3A_80] : memref<1280x128xi32, #tpu.memory_space<hbm>> -> memref<40x128xi32, #tpu.memory_space<hbm>>
      tpu.wait_dma2 semaphore(%run_scoped3A : memref<!tpu.dma_semaphore, #tpu.memory_space<semaphore_mem>>) src(%dma_wait3A_81 : memref<40x128xi32, #tpu.memory_space<hbm>>) dst(%arg7 : memref<40x128xi32, #tpu.memory_space<vmem>>)
      tpu.yield
    }) : () -> ()
    %dma_start3A = arith.constant 0 : i32
    %dma_start3A_18 = arith.constant 0 : i32
    %dma_start3A_19 = tpu.memref_slice %arg6[%dma_start3A, %dma_start3A_18] : memref<40x128xi32, #tpu.memory_space<vmem>> -> memref<1x128xi32, #tpu.memory_space<vmem>>
    %dma_start3A_20 = tpu.memref_squeeze %dma_start3A_19 : memref<1x128xi32, #tpu.memory_space<vmem>> -> memref<128xi32, #tpu.memory_space<vmem>>
    %dma_start3A_21 = arith.constant 0 : i32
    %dma_start3A_22 = arith.constant 0 : i32
    %dma_start3A_23 = tpu.memref_slice %arg2[%dma_start3A_21, %dma_start3A_22] : memref<20000x128xf32, #tpu.memory_space<hbm>> -> memref<20000x128xf32, #tpu.memory_space<hbm>>
    tpu.enqueue_indirect_dma source(%dma_start3A_23 : memref<20000x128xf32, #tpu.memory_space<hbm>>) target(%arg8 : memref<128x128xf32, #tpu.memory_space<vmem>>) offsets(%dma_start3A_20 : memref<128xi32, #tpu.memory_space<vmem>>) semaphore(%arg11 : memref<!tpu.dma_semaphore, #tpu.memory_space<semaphore_mem>>)
    %scan3A_24 = arith.constant 0 : i32
    %scan3A_25 = arith.constant 0 : i32
    %scan3A_26 = arith.constant 20 : i32
    %scan3A_27 = arith.addi %scan3A_25, %scan3A_26 : i32
    %scan3A_28 = arith.constant 1 : i32
    scf.for %scan3A_74 = %scan3A_25 to %scan3A_27 step %scan3A_28  : i32 {
      %mul3A_75 = arith.constant 2 : i32
      %mul3A_76 = arith.muli %mul3A_75, %scan3A_74 : i32
      %mul3A_77 = arith.constant 2 : i32
      %mul3A_78 = arith.muli %mul3A_77, %scan3A_74 : i32
      %add3A_79 = arith.constant 1 : i32
      %add3A_80 = arith.addi %mul3A_78, %add3A_79 : i32
      %mul3A_81 = arith.constant 2 : i32
      %mul3A_82 = arith.muli %mul3A_81, %scan3A_74 : i32
      %add3A_83 = arith.constant 2 : i32
      %add3A_84 = arith.addi %mul3A_82, %add3A_83 : i32
      %min3A = arith.constant 39 : i32
      %min3A_85 = arith.minsi %add3A_84, %min3A : i32
      %dma_wait3A_86 = arith.constant 0 : i32
      %dma_wait3A_87 = tpu.memref_slice %arg6[%mul3A_76, %dma_wait3A_86] : memref<40x128xi32, #tpu.memory_space<vmem>> -> memref<1x128xi32, #tpu.memory_space<vmem>>
      %dma_wait3A_88 = tpu.memref_squeeze %dma_wait3A_87 : memref<1x128xi32, #tpu.memory_space<vmem>> -> memref<128xi32, #tpu.memory_space<vmem>>
      %dma_wait3A_89 = arith.constant 0 : i32
      %dma_wait3A_90 = arith.constant 0 : i32
      %dma_wait3A_91 = tpu.memref_slice %arg2[%dma_wait3A_89, %dma_wait3A_90] : memref<20000x128xf32, #tpu.memory_space<hbm>> -> memref<20000x128xf32, #tpu.memory_space<hbm>>
      tpu.wait_indirect_dma semaphore(%arg11 : memref<!tpu.dma_semaphore, #tpu.memory_space<semaphore_mem>>) src(%dma_wait3A_91 : memref<20000x128xf32, #tpu.memory_space<hbm>>) dst(%arg8 : memref<128x128xf32, #tpu.memory_space<vmem>>)
      %dma_start3A_92 = arith.constant 0 : i32
      %dma_start3A_93 = tpu.memref_slice %arg7[%mul3A_76, %dma_start3A_92] : memref<40x128xi32, #tpu.memory_space<vmem>> -> memref<1x128xi32, #tpu.memory_space<vmem>>
      %dma_start3A_94 = tpu.memref_squeeze %dma_start3A_93 : memref<1x128xi32, #tpu.memory_space<vmem>> -> memref<128xi32, #tpu.memory_space<vmem>>
      %dma_start3A_95 = arith.constant 0 : i32
      %dma_start3A_96 = arith.constant 0 : i32
      %dma_start3A_97 = tpu.memref_slice %arg10[%dma_start3A_95, %dma_start3A_96] : memref<10008x128xf32, #tpu.memory_space<vmem_shared>> -> memref<10008x128xf32, #tpu.memory_space<vmem_shared>>
      tpu.enqueue_indirect_dma source(%arg8 : memref<128x128xf32, #tpu.memory_space<vmem>>) target(%dma_start3A_97 : memref<10008x128xf32, #tpu.memory_space<vmem_shared>>) offsets(%dma_start3A_94 : memref<128xi32, #tpu.memory_space<vmem>>) semaphore(%arg12 : memref<!tpu.dma_semaphore, #tpu.memory_space<semaphore_mem>>) {add = true}
      %dma_start3A_98 = arith.constant 0 : i32
      %dma_start3A_99 = tpu.memref_slice %arg6[%add3A_80, %dma_start3A_98] : memref<40x128xi32, #tpu.memory_space<vmem>> -> memref<1x128xi32, #tpu.memory_space<vmem>>
      %dma_start3A_100 = tpu.memref_squeeze %dma_start3A_99 : memref<1x128xi32, #tpu.memory_space<vmem>> -> memref<128xi32, #tpu.memory_space<vmem>>
      %dma_start3A_101 = arith.constant 0 : i32
      %dma_start3A_102 = arith.constant 0 : i32
      %dma_start3A_103 = tpu.memref_slice %arg2[%dma_start3A_101, %dma_start3A_102] : memref<20000x128xf32, #tpu.memory_space<hbm>> -> memref<20000x128xf32, #tpu.memory_space<hbm>>
      tpu.enqueue_indirect_dma source(%dma_start3A_103 : memref<20000x128xf32, #tpu.memory_space<hbm>>) target(%arg9 : memref<128x128xf32, #tpu.memory_space<vmem>>) offsets(%dma_start3A_100 : memref<128xi32, #tpu.memory_space<vmem>>) semaphore(%arg11 : memref<!tpu.dma_semaphore, #tpu.memory_space<semaphore_mem>>)
      %dma_wait3A_104 = arith.constant 0 : i32
      %dma_wait3A_105 = tpu.memref_slice %arg6[%add3A_80, %dma_wait3A_104] : memref<40x128xi32, #tpu.memory_space<vmem>> -> memref<1x128xi32, #tpu.memory_space<vmem>>
      %dma_wait3A_106 = tpu.memref_squeeze %dma_wait3A_105 : memref<1x128xi32, #tpu.memory_space<vmem>> -> memref<128xi32, #tpu.memory_space<vmem>>
      %dma_wait3A_107 = arith.constant 0 : i32
      %dma_wait3A_108 = arith.constant 0 : i32
      %dma_wait3A_109 = tpu.memref_slice %arg2[%dma_wait3A_107, %dma_wait3A_108] : memref<20000x128xf32, #tpu.memory_space<hbm>> -> memref<20000x128xf32, #tpu.memory_space<hbm>>
      tpu.wait_indirect_dma semaphore(%arg11 : memref<!tpu.dma_semaphore, #tpu.memory_space<semaphore_mem>>) src(%dma_wait3A_109 : memref<20000x128xf32, #tpu.memory_space<hbm>>) dst(%arg9 : memref<128x128xf32, #tpu.memory_space<vmem>>)
      %dma_wait3A_110 = arith.constant 0 : i32
      %dma_wait3A_111 = tpu.memref_slice %arg7[%mul3A_76, %dma_wait3A_110] : memref<40x128xi32, #tpu.memory_space<vmem>> -> memref<1x128xi32, #tpu.memory_space<vmem>>
      %dma_wait3A_112 = tpu.memref_squeeze %dma_wait3A_111 : memref<1x128xi32, #tpu.memory_space<vmem>> -> memref<128xi32, #tpu.memory_space<vmem>>
      %dma_wait3A_113 = arith.constant 0 : i32
      %dma_wait3A_114 = arith.constant 0 : i32
      %dma_wait3A_115 = tpu.memref_slice %arg10[%dma_wait3A_113, %dma_wait3A_114] : memref<10008x128xf32, #tpu.memory_space<vmem_shared>> -> memref<10008x128xf32, #tpu.memory_space<vmem_shared>>
      tpu.wait_indirect_dma semaphore(%arg12 : memref<!tpu.dma_semaphore, #tpu.memory_space<semaphore_mem>>) src(%arg8 : memref<128x128xf32, #tpu.memory_space<vmem>>) dst(%dma_wait3A_115 : memref<10008x128xf32, #tpu.memory_space<vmem_shared>>)
      %dma_start3A_116 = arith.constant 0 : i32
      %dma_start3A_117 = tpu.memref_slice %arg7[%add3A_80, %dma_start3A_116] : memref<40x128xi32, #tpu.memory_space<vmem>> -> memref<1x128xi32, #tpu.memory_space<vmem>>
      %dma_start3A_118 = tpu.memref_squeeze %dma_start3A_117 : memref<1x128xi32, #tpu.memory_space<vmem>> -> memref<128xi32, #tpu.memory_space<vmem>>
      %dma_start3A_119 = arith.constant 0 : i32
      %dma_start3A_120 = arith.constant 0 : i32
      %dma_start3A_121 = tpu.memref_slice %arg10[%dma_start3A_119, %dma_start3A_120] : memref<10008x128xf32, #tpu.memory_space<vmem_shared>> -> memref<10008x128xf32, #tpu.memory_space<vmem_shared>>
      tpu.enqueue_indirect_dma source(%arg9 : memref<128x128xf32, #tpu.memory_space<vmem>>) target(%dma_start3A_121 : memref<10008x128xf32, #tpu.memory_space<vmem_shared>>) offsets(%dma_start3A_118 : memref<128xi32, #tpu.memory_space<vmem>>) semaphore(%arg12 : memref<!tpu.dma_semaphore, #tpu.memory_space<semaphore_mem>>) {add = true}
      %dma_start3A_122 = arith.constant 0 : i32
      %dma_start3A_123 = tpu.memref_slice %arg6[%min3A_85, %dma_start3A_122] : memref<40x128xi32, #tpu.memory_space<vmem>> -> memref<1x128xi32, #tpu.memory_space<vmem>>
      %dma_start3A_124 = tpu.memref_squeeze %dma_start3A_123 : memref<1x128xi32, #tpu.memory_space<vmem>> -> memref<128xi32, #tpu.memory_space<vmem>>
      %dma_start3A_125 = arith.constant 0 : i32
      %dma_start3A_126 = arith.constant 0 : i32
      %dma_start3A_127 = tpu.memref_slice %arg2[%dma_start3A_125, %dma_start3A_126] : memref<20000x128xf32, #tpu.memory_space<hbm>> -> memref<20000x128xf32, #tpu.memory_space<hbm>>
      tpu.enqueue_indirect_dma source(%dma_start3A_127 : memref<20000x128xf32, #tpu.memory_space<hbm>>) target(%arg8 : memref<128x128xf32, #tpu.memory_space<vmem>>) offsets(%dma_start3A_124 : memref<128xi32, #tpu.memory_space<vmem>>) semaphore(%arg11 : memref<!tpu.dma_semaphore, #tpu.memory_space<semaphore_mem>>)
      %dma_wait3A_128 = arith.constant 0 : i32
      %dma_wait3A_129 = tpu.memref_slice %arg7[%add3A_80, %dma_wait3A_128] : memref<40x128xi32, #tpu.memory_space<vmem>> -> memref<1x128xi32, #tpu.memory_space<vmem>>
      %dma_wait3A_130 = tpu.memref_squeeze %dma_wait3A_129 : memref<1x128xi32, #tpu.memory_space<vmem>> -> memref<128xi32, #tpu.memory_space<vmem>>
      %dma_wait3A_131 = arith.constant 0 : i32
      %dma_wait3A_132 = arith.constant 0 : i32
      %dma_wait3A_133 = tpu.memref_slice %arg10[%dma_wait3A_131, %dma_wait3A_132] : memref<10008x128xf32, #tpu.memory_space<vmem_shared>> -> memref<10008x128xf32, #tpu.memory_space<vmem_shared>>
      tpu.wait_indirect_dma semaphore(%arg12 : memref<!tpu.dma_semaphore, #tpu.memory_space<semaphore_mem>>) src(%arg9 : memref<128x128xf32, #tpu.memory_space<vmem>>) dst(%dma_wait3A_133 : memref<10008x128xf32, #tpu.memory_space<vmem_shared>>)
    }
    %scan3A_29 = arith.constant 20 : i32
    %dma_wait3A = arith.constant 0 : i32
    %dma_wait3A_30 = arith.constant 0 : i32
    %dma_wait3A_31 = tpu.memref_slice %arg6[%dma_wait3A, %dma_wait3A_30] : memref<40x128xi32, #tpu.memory_space<vmem>> -> memref<1x128xi32, #tpu.memory_space<vmem>>
    %dma_wait3A_32 = tpu.memref_squeeze %dma_wait3A_31 : memref<1x128xi32, #tpu.memory_space<vmem>> -> memref<128xi32, #tpu.memory_space<vmem>>
    %dma_wait3A_33 = arith.constant 0 : i32
    %dma_wait3A_34 = arith.constant 0 : i32
    %dma_wait3A_35 = tpu.memref_slice %arg2[%dma_wait3A_33, %dma_wait3A_34] : memref<20000x128xf32, #tpu.memory_space<hbm>> -> memref<20000x128xf32, #tpu.memory_space<hbm>>
    tpu.wait_indirect_dma semaphore(%arg11 : memref<!tpu.dma_semaphore, #tpu.memory_space<semaphore_mem>>) src(%dma_wait3A_35 : memref<20000x128xf32, #tpu.memory_space<hbm>>) dst(%arg8 : memref<128x128xf32, #tpu.memory_space<vmem>>)
    %mul3A_36 = arith.constant 80 : i32
    %mul3A_37 = arith.muli %arg1, %mul3A_36 : i32
    %add3A_38 = arith.constant 40 : i32
    %add3A_39 = arith.addi %mul3A_37, %add3A_38 : i32
    %mul3A_40 = arith.constant 1280 : i32
    %mul3A_41 = arith.muli %arg0, %mul3A_40 : i32
    %add3A_42 = arith.addi %mul3A_41, %add3A_39 : i32
    "tpu.region"() ({
      %run_scoped3A = tpu.sem_alloc : memref<!tpu.dma_semaphore, #tpu.memory_space<semaphore_mem>>
      %dma_start3A_74 = arith.constant 0 : i32
      %dma_start3A_75 = tpu.memref_slice %arg3[%add3A_42, %dma_start3A_74] : memref<2560x128xi32, #tpu.memory_space<hbm>> -> memref<40x128xi32, #tpu.memory_space<hbm>>
      %dma_start3A_76 = arith.constant 0 : i32
      %dma_start3A_77 = tpu.memref_slice %arg3[%add3A_42, %dma_start3A_76] : memref<2560x128xi32, #tpu.memory_space<hbm>> -> memref<40x128xi32, #tpu.memory_space<hbm>>
      tpu.enqueue_dma source(%dma_start3A_77 : memref<40x128xi32, #tpu.memory_space<hbm>>) target(%arg6 : memref<40x128xi32, #tpu.memory_space<vmem>>) target_semaphore(%run_scoped3A : memref<!tpu.dma_semaphore, #tpu.memory_space<semaphore_mem>>)
      %dma_wait3A_78 = arith.constant 0 : i32
      %dma_wait3A_79 = tpu.memref_slice %arg3[%add3A_42, %dma_wait3A_78] : memref<2560x128xi32, #tpu.memory_space<hbm>> -> memref<40x128xi32, #tpu.memory_space<hbm>>
      %dma_wait3A_80 = arith.constant 0 : i32
      %dma_wait3A_81 = tpu.memref_slice %arg3[%add3A_42, %dma_wait3A_80] : memref<2560x128xi32, #tpu.memory_space<hbm>> -> memref<40x128xi32, #tpu.memory_space<hbm>>
      tpu.wait_dma2 semaphore(%run_scoped3A : memref<!tpu.dma_semaphore, #tpu.memory_space<semaphore_mem>>) src(%dma_wait3A_81 : memref<40x128xi32, #tpu.memory_space<hbm>>) dst(%arg6 : memref<40x128xi32, #tpu.memory_space<vmem>>)
      tpu.yield
    }) : () -> ()
    "tpu.region"() ({
      %run_scoped3A = tpu.sem_alloc : memref<!tpu.dma_semaphore, #tpu.memory_space<semaphore_mem>>
      %dma_start3A_74 = arith.constant 0 : i32
      %dma_start3A_75 = tpu.memref_slice %arg4[%add3A_39, %dma_start3A_74] : memref<1280x128xi32, #tpu.memory_space<hbm>> -> memref<40x128xi32, #tpu.memory_space<hbm>>
      %dma_start3A_76 = arith.constant 0 : i32
      %dma_start3A_77 = tpu.memref_slice %arg4[%add3A_39, %dma_start3A_76] : memref<1280x128xi32, #tpu.memory_space<hbm>> -> memref<40x128xi32, #tpu.memory_space<hbm>>
      tpu.enqueue_dma source(%dma_start3A_77 : memref<40x128xi32, #tpu.memory_space<hbm>>) target(%arg7 : memref<40x128xi32, #tpu.memory_space<vmem>>) target_semaphore(%run_scoped3A : memref<!tpu.dma_semaphore, #tpu.memory_space<semaphore_mem>>)
      %dma_wait3A_78 = arith.constant 0 : i32
      %dma_wait3A_79 = tpu.memref_slice %arg4[%add3A_39, %dma_wait3A_78] : memref<1280x128xi32, #tpu.memory_space<hbm>> -> memref<40x128xi32, #tpu.memory_space<hbm>>
      %dma_wait3A_80 = arith.constant 0 : i32
      %dma_wait3A_81 = tpu.memref_slice %arg4[%add3A_39, %dma_wait3A_80] : memref<1280x128xi32, #tpu.memory_space<hbm>> -> memref<40x128xi32, #tpu.memory_space<hbm>>
      tpu.wait_dma2 semaphore(%run_scoped3A : memref<!tpu.dma_semaphore, #tpu.memory_space<semaphore_mem>>) src(%dma_wait3A_81 : memref<40x128xi32, #tpu.memory_space<hbm>>) dst(%arg7 : memref<40x128xi32, #tpu.memory_space<vmem>>)
      tpu.yield
    }) : () -> ()
    %dma_start3A_43 = arith.constant 0 : i32
    %dma_start3A_44 = arith.constant 0 : i32
    %dma_start3A_45 = tpu.memref_slice %arg6[%dma_start3A_43, %dma_start3A_44] : memref<40x128xi32, #tpu.memory_space<vmem>> -> memref<1x128xi32, #tpu.memory_space<vmem>>
    %dma_start3A_46 = tpu.memref_squeeze %dma_start3A_45 : memref<1x128xi32, #tpu.memory_space<vmem>> -> memref<128xi32, #tpu.memory_space<vmem>>
    %dma_start3A_47 = arith.constant 0 : i32
    %dma_start3A_48 = arith.constant 0 : i32
    %dma_start3A_49 = tpu.memref_slice %arg2[%dma_start3A_47, %dma_start3A_48] : memref<20000x128xf32, #tpu.memory_space<hbm>> -> memref<20000x128xf32, #tpu.memory_space<hbm>>
    tpu.enqueue_indirect_dma source(%dma_start3A_49 : memref<20000x128xf32, #tpu.memory_space<hbm>>) target(%arg8 : memref<128x128xf32, #tpu.memory_space<vmem>>) offsets(%dma_start3A_46 : memref<128xi32, #tpu.memory_space<vmem>>) semaphore(%arg11 : memref<!tpu.dma_semaphore, #tpu.memory_space<semaphore_mem>>)
    %scan3A_50 = arith.constant 0 : i32
    %scan3A_51 = arith.constant 0 : i32
    %scan3A_52 = arith.constant 20 : i32
    %scan3A_53 = arith.addi %scan3A_51, %scan3A_52 : i32
    %scan3A_54 = arith.constant 1 : i32
    scf.for %scan3A_74 = %scan3A_51 to %scan3A_53 step %scan3A_54  : i32 {
      %mul3A_75 = arith.constant 2 : i32
      %mul3A_76 = arith.muli %mul3A_75, %scan3A_74 : i32
      %mul3A_77 = arith.constant 2 : i32
      %mul3A_78 = arith.muli %mul3A_77, %scan3A_74 : i32
      %add3A_79 = arith.constant 1 : i32
      %add3A_80 = arith.addi %mul3A_78, %add3A_79 : i32
      %mul3A_81 = arith.constant 2 : i32
      %mul3A_82 = arith.muli %mul3A_81, %scan3A_74 : i32
      %add3A_83 = arith.constant 2 : i32
      %add3A_84 = arith.addi %mul3A_82, %add3A_83 : i32
      %min3A = arith.constant 39 : i32
      %min3A_85 = arith.minsi %add3A_84, %min3A : i32
      %dma_wait3A_86 = arith.constant 0 : i32
      %dma_wait3A_87 = tpu.memref_slice %arg6[%mul3A_76, %dma_wait3A_86] : memref<40x128xi32, #tpu.memory_space<vmem>> -> memref<1x128xi32, #tpu.memory_space<vmem>>
      %dma_wait3A_88 = tpu.memref_squeeze %dma_wait3A_87 : memref<1x128xi32, #tpu.memory_space<vmem>> -> memref<128xi32, #tpu.memory_space<vmem>>
      %dma_wait3A_89 = arith.constant 0 : i32
      %dma_wait3A_90 = arith.constant 0 : i32
      %dma_wait3A_91 = tpu.memref_slice %arg2[%dma_wait3A_89, %dma_wait3A_90] : memref<20000x128xf32, #tpu.memory_space<hbm>> -> memref<20000x128xf32, #tpu.memory_space<hbm>>
      tpu.wait_indirect_dma semaphore(%arg11 : memref<!tpu.dma_semaphore, #tpu.memory_space<semaphore_mem>>) src(%dma_wait3A_91 : memref<20000x128xf32, #tpu.memory_space<hbm>>) dst(%arg8 : memref<128x128xf32, #tpu.memory_space<vmem>>)
      %dma_start3A_92 = arith.constant 0 : i32
      %dma_start3A_93 = tpu.memref_slice %arg7[%mul3A_76, %dma_start3A_92] : memref<40x128xi32, #tpu.memory_space<vmem>> -> memref<1x128xi32, #tpu.memory_space<vmem>>
      %dma_start3A_94 = tpu.memref_squeeze %dma_start3A_93 : memref<1x128xi32, #tpu.memory_space<vmem>> -> memref<128xi32, #tpu.memory_space<vmem>>
      %dma_start3A_95 = arith.constant 0 : i32
      %dma_start3A_96 = arith.constant 0 : i32
      %dma_start3A_97 = tpu.memref_slice %arg10[%dma_start3A_95, %dma_start3A_96] : memref<10008x128xf32, #tpu.memory_space<vmem_shared>> -> memref<10008x128xf32, #tpu.memory_space<vmem_shared>>
      tpu.enqueue_indirect_dma source(%arg8 : memref<128x128xf32, #tpu.memory_space<vmem>>) target(%dma_start3A_97 : memref<10008x128xf32, #tpu.memory_space<vmem_shared>>) offsets(%dma_start3A_94 : memref<128xi32, #tpu.memory_space<vmem>>) semaphore(%arg12 : memref<!tpu.dma_semaphore, #tpu.memory_space<semaphore_mem>>) {add = true}
      %dma_start3A_98 = arith.constant 0 : i32
      %dma_start3A_99 = tpu.memref_slice %arg6[%add3A_80, %dma_start3A_98] : memref<40x128xi32, #tpu.memory_space<vmem>> -> memref<1x128xi32, #tpu.memory_space<vmem>>
      %dma_start3A_100 = tpu.memref_squeeze %dma_start3A_99 : memref<1x128xi32, #tpu.memory_space<vmem>> -> memref<128xi32, #tpu.memory_space<vmem>>
      %dma_start3A_101 = arith.constant 0 : i32
      %dma_start3A_102 = arith.constant 0 : i32
      %dma_start3A_103 = tpu.memref_slice %arg2[%dma_start3A_101, %dma_start3A_102] : memref<20000x128xf32, #tpu.memory_space<hbm>> -> memref<20000x128xf32, #tpu.memory_space<hbm>>
      tpu.enqueue_indirect_dma source(%dma_start3A_103 : memref<20000x128xf32, #tpu.memory_space<hbm>>) target(%arg9 : memref<128x128xf32, #tpu.memory_space<vmem>>) offsets(%dma_start3A_100 : memref<128xi32, #tpu.memory_space<vmem>>) semaphore(%arg11 : memref<!tpu.dma_semaphore, #tpu.memory_space<semaphore_mem>>)
      %dma_wait3A_104 = arith.constant 0 : i32
      %dma_wait3A_105 = tpu.memref_slice %arg6[%add3A_80, %dma_wait3A_104] : memref<40x128xi32, #tpu.memory_space<vmem>> -> memref<1x128xi32, #tpu.memory_space<vmem>>
      %dma_wait3A_106 = tpu.memref_squeeze %dma_wait3A_105 : memref<1x128xi32, #tpu.memory_space<vmem>> -> memref<128xi32, #tpu.memory_space<vmem>>
      %dma_wait3A_107 = arith.constant 0 : i32
      %dma_wait3A_108 = arith.constant 0 : i32
      %dma_wait3A_109 = tpu.memref_slice %arg2[%dma_wait3A_107, %dma_wait3A_108] : memref<20000x128xf32, #tpu.memory_space<hbm>> -> memref<20000x128xf32, #tpu.memory_space<hbm>>
      tpu.wait_indirect_dma semaphore(%arg11 : memref<!tpu.dma_semaphore, #tpu.memory_space<semaphore_mem>>) src(%dma_wait3A_109 : memref<20000x128xf32, #tpu.memory_space<hbm>>) dst(%arg9 : memref<128x128xf32, #tpu.memory_space<vmem>>)
      %dma_wait3A_110 = arith.constant 0 : i32
      %dma_wait3A_111 = tpu.memref_slice %arg7[%mul3A_76, %dma_wait3A_110] : memref<40x128xi32, #tpu.memory_space<vmem>> -> memref<1x128xi32, #tpu.memory_space<vmem>>
      %dma_wait3A_112 = tpu.memref_squeeze %dma_wait3A_111 : memref<1x128xi32, #tpu.memory_space<vmem>> -> memref<128xi32, #tpu.memory_space<vmem>>
      %dma_wait3A_113 = arith.constant 0 : i32
      %dma_wait3A_114 = arith.constant 0 : i32
      %dma_wait3A_115 = tpu.memref_slice %arg10[%dma_wait3A_113, %dma_wait3A_114] : memref<10008x128xf32, #tpu.memory_space<vmem_shared>> -> memref<10008x128xf32, #tpu.memory_space<vmem_shared>>
      tpu.wait_indirect_dma semaphore(%arg12 : memref<!tpu.dma_semaphore, #tpu.memory_space<semaphore_mem>>) src(%arg8 : memref<128x128xf32, #tpu.memory_space<vmem>>) dst(%dma_wait3A_115 : memref<10008x128xf32, #tpu.memory_space<vmem_shared>>)
      %dma_start3A_116 = arith.constant 0 : i32
      %dma_start3A_117 = tpu.memref_slice %arg7[%add3A_80, %dma_start3A_116] : memref<40x128xi32, #tpu.memory_space<vmem>> -> memref<1x128xi32, #tpu.memory_space<vmem>>
      %dma_start3A_118 = tpu.memref_squeeze %dma_start3A_117 : memref<1x128xi32, #tpu.memory_space<vmem>> -> memref<128xi32, #tpu.memory_space<vmem>>
      %dma_start3A_119 = arith.constant 0 : i32
      %dma_start3A_120 = arith.constant 0 : i32
      %dma_start3A_121 = tpu.memref_slice %arg10[%dma_start3A_119, %dma_start3A_120] : memref<10008x128xf32, #tpu.memory_space<vmem_shared>> -> memref<10008x128xf32, #tpu.memory_space<vmem_shared>>
      tpu.enqueue_indirect_dma source(%arg9 : memref<128x128xf32, #tpu.memory_space<vmem>>) target(%dma_start3A_121 : memref<10008x128xf32, #tpu.memory_space<vmem_shared>>) offsets(%dma_start3A_118 : memref<128xi32, #tpu.memory_space<vmem>>) semaphore(%arg12 : memref<!tpu.dma_semaphore, #tpu.memory_space<semaphore_mem>>) {add = true}
      %dma_start3A_122 = arith.constant 0 : i32
      %dma_start3A_123 = tpu.memref_slice %arg6[%min3A_85, %dma_start3A_122] : memref<40x128xi32, #tpu.memory_space<vmem>> -> memref<1x128xi32, #tpu.memory_space<vmem>>
      %dma_start3A_124 = tpu.memref_squeeze %dma_start3A_123 : memref<1x128xi32, #tpu.memory_space<vmem>> -> memref<128xi32, #tpu.memory_space<vmem>>
      %dma_start3A_125 = arith.constant 0 : i32
      %dma_start3A_126 = arith.constant 0 : i32
      %dma_start3A_127 = tpu.memref_slice %arg2[%dma_start3A_125, %dma_start3A_126] : memref<20000x128xf32, #tpu.memory_space<hbm>> -> memref<20000x128xf32, #tpu.memory_space<hbm>>
      tpu.enqueue_indirect_dma source(%dma_start3A_127 : memref<20000x128xf32, #tpu.memory_space<hbm>>) target(%arg8 : memref<128x128xf32, #tpu.memory_space<vmem>>) offsets(%dma_start3A_124 : memref<128xi32, #tpu.memory_space<vmem>>) semaphore(%arg11 : memref<!tpu.dma_semaphore, #tpu.memory_space<semaphore_mem>>)
      %dma_wait3A_128 = arith.constant 0 : i32
      %dma_wait3A_129 = tpu.memref_slice %arg7[%add3A_80, %dma_wait3A_128] : memref<40x128xi32, #tpu.memory_space<vmem>> -> memref<1x128xi32, #tpu.memory_space<vmem>>
      %dma_wait3A_130 = tpu.memref_squeeze %dma_wait3A_129 : memref<1x128xi32, #tpu.memory_space<vmem>> -> memref<128xi32, #tpu.memory_space<vmem>>
      %dma_wait3A_131 = arith.constant 0 : i32
      %dma_wait3A_132 = arith.constant 0 : i32
      %dma_wait3A_133 = tpu.memref_slice %arg10[%dma_wait3A_131, %dma_wait3A_132] : memref<10008x128xf32, #tpu.memory_space<vmem_shared>> -> memref<10008x128xf32, #tpu.memory_space<vmem_shared>>
      tpu.wait_indirect_dma semaphore(%arg12 : memref<!tpu.dma_semaphore, #tpu.memory_space<semaphore_mem>>) src(%arg9 : memref<128x128xf32, #tpu.memory_space<vmem>>) dst(%dma_wait3A_133 : memref<10008x128xf32, #tpu.memory_space<vmem_shared>>)
    }
    %scan3A_55 = arith.constant 20 : i32
    %dma_wait3A_56 = arith.constant 0 : i32
    %dma_wait3A_57 = arith.constant 0 : i32
    %dma_wait3A_58 = tpu.memref_slice %arg6[%dma_wait3A_56, %dma_wait3A_57] : memref<40x128xi32, #tpu.memory_space<vmem>> -> memref<1x128xi32, #tpu.memory_space<vmem>>
    %dma_wait3A_59 = tpu.memref_squeeze %dma_wait3A_58 : memref<1x128xi32, #tpu.memory_space<vmem>> -> memref<128xi32, #tpu.memory_space<vmem>>
    %dma_wait3A_60 = arith.constant 0 : i32
    %dma_wait3A_61 = arith.constant 0 : i32
    %dma_wait3A_62 = tpu.memref_slice %arg2[%dma_wait3A_60, %dma_wait3A_61] : memref<20000x128xf32, #tpu.memory_space<hbm>> -> memref<20000x128xf32, #tpu.memory_space<hbm>>
    tpu.wait_indirect_dma semaphore(%arg11 : memref<!tpu.dma_semaphore, #tpu.memory_space<semaphore_mem>>) src(%dma_wait3A_62 : memref<20000x128xf32, #tpu.memory_space<hbm>>) dst(%arg8 : memref<128x128xf32, #tpu.memory_space<vmem>>)
    %barrier3A_63 = arith.constant 0 : index
    tpu.barrier barrier_id(%barrier3A_63)
    %lt3A_64 = arith.constant 15 : i32
    %lt3A_65 = arith.cmpi slt, %arg1, %lt3A_64 : i32
    %convert_element_type3A_66 = arith.extui %lt3A_65 : i1 to i32
    %cond3A_67 = arith.constant 0 : i32
    %cond3A_68 = arith.cmpi ne, %convert_element_type3A_66, %cond3A_67 : i32
    scf.if %cond3A_68 {
      %mul3A_74 = arith.constant 640 : i32
      %mul3A_75 = arith.muli %arg1, %mul3A_74 : i32
      %add3A_76 = arith.constant 0 : i32
      %add3A_77 = arith.addi %mul3A_75, %add3A_76 : i32
      "tpu.region"() ({
        %run_scoped3A = tpu.sem_alloc : memref<!tpu.dma_semaphore, #tpu.memory_space<semaphore_mem>>
        %dma_start3A_159 = arith.constant 0 : i32
        %dma_start3A_160 = tpu.memref_slice %arg10[%add3A_77, %dma_start3A_159] : memref<10008x128xf32, #tpu.memory_space<vmem_shared>> -> memref<128x128xf32, #tpu.memory_space<vmem_shared>>
        %dma_start3A_161 = arith.constant 0 : i32
        %dma_start3A_162 = tpu.memref_slice %arg10[%add3A_77, %dma_start3A_161] : memref<10008x128xf32, #tpu.memory_space<vmem_shared>> -> memref<128x128xf32, #tpu.memory_space<vmem_shared>>
        tpu.enqueue_dma source(%dma_start3A_162 : memref<128x128xf32, #tpu.memory_space<vmem_shared>>) target(%arg8 : memref<128x128xf32, #tpu.memory_space<vmem>>) target_semaphore(%run_scoped3A : memref<!tpu.dma_semaphore, #tpu.memory_space<semaphore_mem>>)
        %dma_wait3A_163 = arith.constant 0 : i32
        %dma_wait3A_164 = tpu.memref_slice %arg10[%add3A_77, %dma_wait3A_163] : memref<10008x128xf32, #tpu.memory_space<vmem_shared>> -> memref<128x128xf32, #tpu.memory_space<vmem_shared>>
        %dma_wait3A_165 = arith.constant 0 : i32
        %dma_wait3A_166 = tpu.memref_slice %arg10[%add3A_77, %dma_wait3A_165] : memref<10008x128xf32, #tpu.memory_space<vmem_shared>> -> memref<128x128xf32, #tpu.memory_space<vmem_shared>>
        tpu.wait_dma2 semaphore(%run_scoped3A : memref<!tpu.dma_semaphore, #tpu.memory_space<semaphore_mem>>) src(%dma_wait3A_166 : memref<128x128xf32, #tpu.memory_space<vmem_shared>>) dst(%arg8 : memref<128x128xf32, #tpu.memory_space<vmem>>)
        tpu.yield
      }) : () -> ()
      %mul3A_78 = arith.constant 640 : i32
      %mul3A_79 = arith.muli %arg1, %mul3A_78 : i32
      %add3A_80 = arith.addi %mul3A_0, %mul3A_79 : i32
      %add3A_81 = arith.constant 0 : i32
      %add3A_82 = arith.addi %add3A_80, %add3A_81 : i32
      %dma_start3A_83 = arith.constant 0 : i32
      %dma_start3A_84 = tpu.memref_slice %arg5[%add3A_82, %dma_start3A_83] : memref<20000x128xf32, #tpu.memory_space<hbm>> -> memref<128x128xf32, #tpu.memory_space<hbm>>
      %dma_start3A_85 = arith.constant 0 : i32
      %dma_start3A_86 = tpu.memref_slice %arg5[%add3A_82, %dma_start3A_85] : memref<20000x128xf32, #tpu.memory_space<hbm>> -> memref<128x128xf32, #tpu.memory_space<hbm>>
      tpu.enqueue_dma source(%arg8 : memref<128x128xf32, #tpu.memory_space<vmem>>) target(%dma_start3A_86 : memref<128x128xf32, #tpu.memory_space<hbm>>) target_semaphore(%arg11 : memref<!tpu.dma_semaphore, #tpu.memory_space<semaphore_mem>>)
      %mul3A_87 = arith.constant 640 : i32
      %mul3A_88 = arith.muli %arg1, %mul3A_87 : i32
      %add3A_89 = arith.constant 128 : i32
      %add3A_90 = arith.addi %mul3A_88, %add3A_89 : i32
      "tpu.region"() ({
        %run_scoped3A = tpu.sem_alloc : memref<!tpu.dma_semaphore, #tpu.memory_space<semaphore_mem>>
        %dma_start3A_159 = arith.constant 0 : i32
        %dma_start3A_160 = tpu.memref_slice %arg10[%add3A_90, %dma_start3A_159] : memref<10008x128xf32, #tpu.memory_space<vmem_shared>> -> memref<128x128xf32, #tpu.memory_space<vmem_shared>>
        %dma_start3A_161 = arith.constant 0 : i32
        %dma_start3A_162 = tpu.memref_slice %arg10[%add3A_90, %dma_start3A_161] : memref<10008x128xf32, #tpu.memory_space<vmem_shared>> -> memref<128x128xf32, #tpu.memory_space<vmem_shared>>
        tpu.enqueue_dma source(%dma_start3A_162 : memref<128x128xf32, #tpu.memory_space<vmem_shared>>) target(%arg9 : memref<128x128xf32, #tpu.memory_space<vmem>>) target_semaphore(%run_scoped3A : memref<!tpu.dma_semaphore, #tpu.memory_space<semaphore_mem>>)
        %dma_wait3A_163 = arith.constant 0 : i32
        %dma_wait3A_164 = tpu.memref_slice %arg10[%add3A_90, %dma_wait3A_163] : memref<10008x128xf32, #tpu.memory_space<vmem_shared>> -> memref<128x128xf32, #tpu.memory_space<vmem_shared>>
        %dma_wait3A_165 = arith.constant 0 : i32
        %dma_wait3A_166 = tpu.memref_slice %arg10[%add3A_90, %dma_wait3A_165] : memref<10008x128xf32, #tpu.memory_space<vmem_shared>> -> memref<128x128xf32, #tpu.memory_space<vmem_shared>>
        tpu.wait_dma2 semaphore(%run_scoped3A : memref<!tpu.dma_semaphore, #tpu.memory_space<semaphore_mem>>) src(%dma_wait3A_166 : memref<128x128xf32, #tpu.memory_space<vmem_shared>>) dst(%arg9 : memref<128x128xf32, #tpu.memory_space<vmem>>)
        tpu.yield
      }) : () -> ()
      %mul3A_91 = arith.constant 640 : i32
      %mul3A_92 = arith.muli %arg1, %mul3A_91 : i32
      %add3A_93 = arith.addi %mul3A_0, %mul3A_92 : i32
      %add3A_94 = arith.constant 128 : i32
      %add3A_95 = arith.addi %add3A_93, %add3A_94 : i32
      %dma_start3A_96 = arith.constant 0 : i32
      %dma_start3A_97 = tpu.memref_slice %arg5[%add3A_95, %dma_start3A_96] : memref<20000x128xf32, #tpu.memory_space<hbm>> -> memref<128x128xf32, #tpu.memory_space<hbm>>
      %dma_start3A_98 = arith.constant 0 : i32
      %dma_start3A_99 = tpu.memref_slice %arg5[%add3A_95, %dma_start3A_98] : memref<20000x128xf32, #tpu.memory_space<hbm>> -> memref<128x128xf32, #tpu.memory_space<hbm>>
      tpu.enqueue_dma source(%arg9 : memref<128x128xf32, #tpu.memory_space<vmem>>) target(%dma_start3A_99 : memref<128x128xf32, #tpu.memory_space<hbm>>) target_semaphore(%arg12 : memref<!tpu.dma_semaphore, #tpu.memory_space<semaphore_mem>>)
      %dma_wait3A_100 = arith.constant 0 : i32
      %dma_wait3A_101 = tpu.memref_slice %arg5[%mul3A_0, %dma_wait3A_100] : memref<20000x128xf32, #tpu.memory_space<hbm>> -> memref<128x128xf32, #tpu.memory_space<hbm>>
      %dma_wait3A_102 = arith.constant 0 : i32
      %dma_wait3A_103 = tpu.memref_slice %arg5[%mul3A_0, %dma_wait3A_102] : memref<20000x128xf32, #tpu.memory_space<hbm>> -> memref<128x128xf32, #tpu.memory_space<hbm>>
      tpu.wait_dma2 semaphore(%arg11 : memref<!tpu.dma_semaphore, #tpu.memory_space<semaphore_mem>>) src(%arg8 : memref<128x128xf32, #tpu.memory_space<vmem>>) dst(%dma_wait3A_103 : memref<128x128xf32, #tpu.memory_space<hbm>>)
      %mul3A_104 = arith.constant 640 : i32
      %mul3A_105 = arith.muli %arg1, %mul3A_104 : i32
      %add3A_106 = arith.constant 256 : i32
      %add3A_107 = arith.addi %mul3A_105, %add3A_106 : i32
      "tpu.region"() ({
        %run_scoped3A = tpu.sem_alloc : memref<!tpu.dma_semaphore, #tpu.memory_space<semaphore_mem>>
        %dma_start3A_159 = arith.constant 0 : i32
        %dma_start3A_160 = tpu.memref_slice %arg10[%add3A_107, %dma_start3A_159] : memref<10008x128xf32, #tpu.memory_space<vmem_shared>> -> memref<128x128xf32, #tpu.memory_space<vmem_shared>>
        %dma_start3A_161 = arith.constant 0 : i32
        %dma_start3A_162 = tpu.memref_slice %arg10[%add3A_107, %dma_start3A_161] : memref<10008x128xf32, #tpu.memory_space<vmem_shared>> -> memref<128x128xf32, #tpu.memory_space<vmem_shared>>
        tpu.enqueue_dma source(%dma_start3A_162 : memref<128x128xf32, #tpu.memory_space<vmem_shared>>) target(%arg8 : memref<128x128xf32, #tpu.memory_space<vmem>>) target_semaphore(%run_scoped3A : memref<!tpu.dma_semaphore, #tpu.memory_space<semaphore_mem>>)
        %dma_wait3A_163 = arith.constant 0 : i32
        %dma_wait3A_164 = tpu.memref_slice %arg10[%add3A_107, %dma_wait3A_163] : memref<10008x128xf32, #tpu.memory_space<vmem_shared>> -> memref<128x128xf32, #tpu.memory_space<vmem_shared>>
        %dma_wait3A_165 = arith.constant 0 : i32
        %dma_wait3A_166 = tpu.memref_slice %arg10[%add3A_107, %dma_wait3A_165] : memref<10008x128xf32, #tpu.memory_space<vmem_shared>> -> memref<128x128xf32, #tpu.memory_space<vmem_shared>>
        tpu.wait_dma2 semaphore(%run_scoped3A : memref<!tpu.dma_semaphore, #tpu.memory_space<semaphore_mem>>) src(%dma_wait3A_166 : memref<128x128xf32, #tpu.memory_space<vmem_shared>>) dst(%arg8 : memref<128x128xf32, #tpu.memory_space<vmem>>)
        tpu.yield
      }) : () -> ()
      %mul3A_108 = arith.constant 640 : i32
      %mul3A_109 = arith.muli %arg1, %mul3A_108 : i32
      %add3A_110 = arith.addi %mul3A_0, %mul3A_109 : i32
      %add3A_111 = arith.constant 256 : i32
      %add3A_112 = arith.addi %add3A_110, %add3A_111 : i32
      %dma_start3A_113 = arith.constant 0 : i32
      %dma_start3A_114 = tpu.memref_slice %arg5[%add3A_112, %dma_start3A_113] : memref<20000x128xf32, #tpu.memory_space<hbm>> -> memref<128x128xf32, #tpu.memory_space<hbm>>
      %dma_start3A_115 = arith.constant 0 : i32
      %dma_start3A_116 = tpu.memref_slice %arg5[%add3A_112, %dma_start3A_115] : memref<20000x128xf32, #tpu.memory_space<hbm>> -> memref<128x128xf32, #tpu.memory_space<hbm>>
      tpu.enqueue_dma source(%arg8 : memref<128x128xf32, #tpu.memory_space<vmem>>) target(%dma_start3A_116 : memref<128x128xf32, #tpu.memory_space<hbm>>) target_semaphore(%arg11 : memref<!tpu.dma_semaphore, #tpu.memory_space<semaphore_mem>>)
      %dma_wait3A_117 = arith.constant 0 : i32
      %dma_wait3A_118 = tpu.memref_slice %arg5[%mul3A_0, %dma_wait3A_117] : memref<20000x128xf32, #tpu.memory_space<hbm>> -> memref<128x128xf32, #tpu.memory_space<hbm>>
      %dma_wait3A_119 = arith.constant 0 : i32
      %dma_wait3A_120 = tpu.memref_slice %arg5[%mul3A_0, %dma_wait3A_119] : memref<20000x128xf32, #tpu.memory_space<hbm>> -> memref<128x128xf32, #tpu.memory_space<hbm>>
      tpu.wait_dma2 semaphore(%arg12 : memref<!tpu.dma_semaphore, #tpu.memory_space<semaphore_mem>>) src(%arg9 : memref<128x128xf32, #tpu.memory_space<vmem>>) dst(%dma_wait3A_120 : memref<128x128xf32, #tpu.memory_space<hbm>>)
      %mul3A_121 = arith.constant 640 : i32
      %mul3A_122 = arith.muli %arg1, %mul3A_121 : i32
      %add3A_123 = arith.constant 384 : i32
      %add3A_124 = arith.addi %mul3A_122, %add3A_123 : i32
      "tpu.region"() ({
        %run_scoped3A = tpu.sem_alloc : memref<!tpu.dma_semaphore, #tpu.memory_space<semaphore_mem>>
        %dma_start3A_159 = arith.constant 0 : i32
        %dma_start3A_160 = tpu.memref_slice %arg10[%add3A_124, %dma_start3A_159] : memref<10008x128xf32, #tpu.memory_space<vmem_shared>> -> memref<128x128xf32, #tpu.memory_space<vmem_shared>>
        %dma_start3A_161 = arith.constant 0 : i32
        %dma_start3A_162 = tpu.memref_slice %arg10[%add3A_124, %dma_start3A_161] : memref<10008x128xf32, #tpu.memory_space<vmem_shared>> -> memref<128x128xf32, #tpu.memory_space<vmem_shared>>
        tpu.enqueue_dma source(%dma_start3A_162 : memref<128x128xf32, #tpu.memory_space<vmem_shared>>) target(%arg9 : memref<128x128xf32, #tpu.memory_space<vmem>>) target_semaphore(%run_scoped3A : memref<!tpu.dma_semaphore, #tpu.memory_space<semaphore_mem>>)
        %dma_wait3A_163 = arith.constant 0 : i32
        %dma_wait3A_164 = tpu.memref_slice %arg10[%add3A_124, %dma_wait3A_163] : memref<10008x128xf32, #tpu.memory_space<vmem_shared>> -> memref<128x128xf32, #tpu.memory_space<vmem_shared>>
        %dma_wait3A_165 = arith.constant 0 : i32
        %dma_wait3A_166 = tpu.memref_slice %arg10[%add3A_124, %dma_wait3A_165] : memref<10008x128xf32, #tpu.memory_space<vmem_shared>> -> memref<128x128xf32, #tpu.memory_space<vmem_shared>>
        tpu.wait_dma2 semaphore(%run_scoped3A : memref<!tpu.dma_semaphore, #tpu.memory_space<semaphore_mem>>) src(%dma_wait3A_166 : memref<128x128xf32, #tpu.memory_space<vmem_shared>>) dst(%arg9 : memref<128x128xf32, #tpu.memory_space<vmem>>)
        tpu.yield
      }) : () -> ()
      %mul3A_125 = arith.constant 640 : i32
      %mul3A_126 = arith.muli %arg1, %mul3A_125 : i32
      %add3A_127 = arith.addi %mul3A_0, %mul3A_126 : i32
      %add3A_128 = arith.constant 384 : i32
      %add3A_129 = arith.addi %add3A_127, %add3A_128 : i32
      %dma_start3A_130 = arith.constant 0 : i32
      %dma_start3A_131 = tpu.memref_slice %arg5[%add3A_129, %dma_start3A_130] : memref<20000x128xf32, #tpu.memory_space<hbm>> -> memref<128x128xf32, #tpu.memory_space<hbm>>
      %dma_start3A_132 = arith.constant 0 : i32
      %dma_start3A_133 = tpu.memref_slice %arg5[%add3A_129, %dma_start3A_132] : memref<20000x128xf32, #tpu.memory_space<hbm>> -> memref<128x128xf32, #tpu.memory_space<hbm>>
      tpu.enqueue_dma source(%arg9 : memref<128x128xf32, #tpu.memory_space<vmem>>) target(%dma_start3A_133 : memref<128x128xf32, #tpu.memory_space<hbm>>) target_semaphore(%arg12 : memref<!tpu.dma_semaphore, #tpu.memory_space<semaphore_mem>>)
      %dma_wait3A_134 = arith.constant 0 : i32
      %dma_wait3A_135 = tpu.memref_slice %arg5[%mul3A_0, %dma_wait3A_134] : memref<20000x128xf32, #tpu.memory_space<hbm>> -> memref<128x128xf32, #tpu.memory_space<hbm>>
      %dma_wait3A_136 = arith.constant 0 : i32
      %dma_wait3A_137 = tpu.memref_slice %arg5[%mul3A_0, %dma_wait3A_136] : memref<20000x128xf32, #tpu.memory_space<hbm>> -> memref<128x128xf32, #tpu.memory_space<hbm>>
      tpu.wait_dma2 semaphore(%arg11 : memref<!tpu.dma_semaphore, #tpu.memory_space<semaphore_mem>>) src(%arg8 : memref<128x128xf32, #tpu.memory_space<vmem>>) dst(%dma_wait3A_137 : memref<128x128xf32, #tpu.memory_space<hbm>>)
      %mul3A_138 = arith.constant 640 : i32
      %mul3A_139 = arith.muli %arg1, %mul3A_138 : i32
      %add3A_140 = arith.constant 512 : i32
      %add3A_141 = arith.addi %mul3A_139, %add3A_140 : i32
      "tpu.region"() ({
        %run_scoped3A = tpu.sem_alloc : memref<!tpu.dma_semaphore, #tpu.memory_space<semaphore_mem>>
        %dma_start3A_159 = arith.constant 0 : i32
        %dma_start3A_160 = tpu.memref_slice %arg10[%add3A_141, %dma_start3A_159] : memref<10008x128xf32, #tpu.memory_space<vmem_shared>> -> memref<128x128xf32, #tpu.memory_space<vmem_shared>>
        %dma_start3A_161 = arith.constant 0 : i32
        %dma_start3A_162 = tpu.memref_slice %arg10[%add3A_141, %dma_start3A_161] : memref<10008x128xf32, #tpu.memory_space<vmem_shared>> -> memref<128x128xf32, #tpu.memory_space<vmem_shared>>
        tpu.enqueue_dma source(%dma_start3A_162 : memref<128x128xf32, #tpu.memory_space<vmem_shared>>) target(%arg8 : memref<128x128xf32, #tpu.memory_space<vmem>>) target_semaphore(%run_scoped3A : memref<!tpu.dma_semaphore, #tpu.memory_space<semaphore_mem>>)
        %dma_wait3A_163 = arith.constant 0 : i32
        %dma_wait3A_164 = tpu.memref_slice %arg10[%add3A_141, %dma_wait3A_163] : memref<10008x128xf32, #tpu.memory_space<vmem_shared>> -> memref<128x128xf32, #tpu.memory_space<vmem_shared>>
        %dma_wait3A_165 = arith.constant 0 : i32
        %dma_wait3A_166 = tpu.memref_slice %arg10[%add3A_141, %dma_wait3A_165] : memref<10008x128xf32, #tpu.memory_space<vmem_shared>> -> memref<128x128xf32, #tpu.memory_space<vmem_shared>>
        tpu.wait_dma2 semaphore(%run_scoped3A : memref<!tpu.dma_semaphore, #tpu.memory_space<semaphore_mem>>) src(%dma_wait3A_166 : memref<128x128xf32, #tpu.memory_space<vmem_shared>>) dst(%arg8 : memref<128x128xf32, #tpu.memory_space<vmem>>)
        tpu.yield
      }) : () -> ()
      %mul3A_142 = arith.constant 640 : i32
      %mul3A_143 = arith.muli %arg1, %mul3A_142 : i32
      %add3A_144 = arith.addi %mul3A_0, %mul3A_143 : i32
      %add3A_145 = arith.constant 512 : i32
      %add3A_146 = arith.addi %add3A_144, %add3A_145 : i32
      %dma_start3A_147 = arith.constant 0 : i32
      %dma_start3A_148 = tpu.memref_slice %arg5[%add3A_146, %dma_start3A_147] : memref<20000x128xf32, #tpu.memory_space<hbm>> -> memref<128x128xf32, #tpu.memory_space<hbm>>
      %dma_start3A_149 = arith.constant 0 : i32
      %dma_start3A_150 = tpu.memref_slice %arg5[%add3A_146, %dma_start3A_149] : memref<20000x128xf32, #tpu.memory_space<hbm>> -> memref<128x128xf32, #tpu.memory_space<hbm>>
      tpu.enqueue_dma source(%arg8 : memref<128x128xf32, #tpu.memory_space<vmem>>) target(%dma_start3A_150 : memref<128x128xf32, #tpu.memory_space<hbm>>) target_semaphore(%arg11 : memref<!tpu.dma_semaphore, #tpu.memory_space<semaphore_mem>>)
      %dma_wait3A_151 = arith.constant 0 : i32
      %dma_wait3A_152 = tpu.memref_slice %arg5[%mul3A_0, %dma_wait3A_151] : memref<20000x128xf32, #tpu.memory_space<hbm>> -> memref<128x128xf32, #tpu.memory_space<hbm>>
      %dma_wait3A_153 = arith.constant 0 : i32
      %dma_wait3A_154 = tpu.memref_slice %arg5[%mul3A_0, %dma_wait3A_153] : memref<20000x128xf32, #tpu.memory_space<hbm>> -> memref<128x128xf32, #tpu.memory_space<hbm>>
      tpu.wait_dma2 semaphore(%arg11 : memref<!tpu.dma_semaphore, #tpu.memory_space<semaphore_mem>>) src(%arg8 : memref<128x128xf32, #tpu.memory_space<vmem>>) dst(%dma_wait3A_154 : memref<128x128xf32, #tpu.memory_space<hbm>>)
      %dma_wait3A_155 = arith.constant 0 : i32
      %dma_wait3A_156 = tpu.memref_slice %arg5[%mul3A_0, %dma_wait3A_155] : memref<20000x128xf32, #tpu.memory_space<hbm>> -> memref<128x128xf32, #tpu.memory_space<hbm>>
      %dma_wait3A_157 = arith.constant 0 : i32
      %dma_wait3A_158 = tpu.memref_slice %arg5[%mul3A_0, %dma_wait3A_157] : memref<20000x128xf32, #tpu.memory_space<hbm>> -> memref<128x128xf32, #tpu.memory_space<hbm>>
      tpu.wait_dma2 semaphore(%arg12 : memref<!tpu.dma_semaphore, #tpu.memory_space<semaphore_mem>>) src(%arg9 : memref<128x128xf32, #tpu.memory_space<vmem>>) dst(%dma_wait3A_158 : memref<128x128xf32, #tpu.memory_space<hbm>>)
    } else {
    }
    %eq3A_69 = arith.constant 15 : i32
    %eq3A_70 = arith.cmpi eq, %arg1, %eq3A_69 : i32
    %convert_element_type3A_71 = arith.extui %eq3A_70 : i1 to i32
    %cond3A_72 = arith.constant 0 : i32
    %cond3A_73 = arith.cmpi ne, %convert_element_type3A_71, %cond3A_72 : i32
    scf.if %cond3A_73 {
      "tpu.region"() ({
        %run_scoped3A = tpu.sem_alloc : memref<!tpu.dma_semaphore, #tpu.memory_space<semaphore_mem>>
        %dma_start3A_112 = arith.constant 9600 : i32
        %dma_start3A_113 = arith.constant 0 : i32
        %dma_start3A_114 = tpu.memref_slice %arg10[%dma_start3A_112, %dma_start3A_113] : memref<10008x128xf32, #tpu.memory_space<vmem_shared>> -> memref<128x128xf32, #tpu.memory_space<vmem_shared>>
        %dma_start3A_115 = arith.constant 9600 : i32
        %dma_start3A_116 = arith.constant 0 : i32
        %dma_start3A_117 = tpu.memref_slice %arg10[%dma_start3A_115, %dma_start3A_116] : memref<10008x128xf32, #tpu.memory_space<vmem_shared>> -> memref<128x128xf32, #tpu.memory_space<vmem_shared>>
        tpu.enqueue_dma source(%dma_start3A_117 : memref<128x128xf32, #tpu.memory_space<vmem_shared>>) target(%arg8 : memref<128x128xf32, #tpu.memory_space<vmem>>) target_semaphore(%run_scoped3A : memref<!tpu.dma_semaphore, #tpu.memory_space<semaphore_mem>>)
        %dma_wait3A_118 = arith.constant 9600 : i32
        %dma_wait3A_119 = arith.constant 0 : i32
        %dma_wait3A_120 = tpu.memref_slice %arg10[%dma_wait3A_118, %dma_wait3A_119] : memref<10008x128xf32, #tpu.memory_space<vmem_shared>> -> memref<128x128xf32, #tpu.memory_space<vmem_shared>>
        %dma_wait3A_121 = arith.constant 9600 : i32
        %dma_wait3A_122 = arith.constant 0 : i32
        %dma_wait3A_123 = tpu.memref_slice %arg10[%dma_wait3A_121, %dma_wait3A_122] : memref<10008x128xf32, #tpu.memory_space<vmem_shared>> -> memref<128x128xf32, #tpu.memory_space<vmem_shared>>
        tpu.wait_dma2 semaphore(%run_scoped3A : memref<!tpu.dma_semaphore, #tpu.memory_space<semaphore_mem>>) src(%dma_wait3A_123 : memref<128x128xf32, #tpu.memory_space<vmem_shared>>) dst(%arg8 : memref<128x128xf32, #tpu.memory_space<vmem>>)
        tpu.yield
      }) : () -> ()
      %add3A_74 = arith.constant 9600 : i32
      %add3A_75 = arith.addi %mul3A_0, %add3A_74 : i32
      %add3A_76 = arith.constant 0 : i32
      %add3A_77 = arith.addi %add3A_75, %add3A_76 : i32
      %dma_start3A_78 = arith.constant 0 : i32
      %dma_start3A_79 = tpu.memref_slice %arg5[%add3A_77, %dma_start3A_78] : memref<20000x128xf32, #tpu.memory_space<hbm>> -> memref<128x128xf32, #tpu.memory_space<hbm>>
      %dma_start3A_80 = arith.constant 0 : i32
      %dma_start3A_81 = tpu.memref_slice %arg5[%add3A_77, %dma_start3A_80] : memref<20000x128xf32, #tpu.memory_space<hbm>> -> memref<128x128xf32, #tpu.memory_space<hbm>>
      tpu.enqueue_dma source(%arg8 : memref<128x128xf32, #tpu.memory_space<vmem>>) target(%dma_start3A_81 : memref<128x128xf32, #tpu.memory_space<hbm>>) target_semaphore(%arg11 : memref<!tpu.dma_semaphore, #tpu.memory_space<semaphore_mem>>)
      "tpu.region"() ({
        %run_scoped3A = tpu.sem_alloc : memref<!tpu.dma_semaphore, #tpu.memory_space<semaphore_mem>>
        %dma_start3A_112 = arith.constant 9728 : i32
        %dma_start3A_113 = arith.constant 0 : i32
        %dma_start3A_114 = tpu.memref_slice %arg10[%dma_start3A_112, %dma_start3A_113] : memref<10008x128xf32, #tpu.memory_space<vmem_shared>> -> memref<128x128xf32, #tpu.memory_space<vmem_shared>>
        %dma_start3A_115 = arith.constant 9728 : i32
        %dma_start3A_116 = arith.constant 0 : i32
        %dma_start3A_117 = tpu.memref_slice %arg10[%dma_start3A_115, %dma_start3A_116] : memref<10008x128xf32, #tpu.memory_space<vmem_shared>> -> memref<128x128xf32, #tpu.memory_space<vmem_shared>>
        tpu.enqueue_dma source(%dma_start3A_117 : memref<128x128xf32, #tpu.memory_space<vmem_shared>>) target(%arg9 : memref<128x128xf32, #tpu.memory_space<vmem>>) target_semaphore(%run_scoped3A : memref<!tpu.dma_semaphore, #tpu.memory_space<semaphore_mem>>)
        %dma_wait3A_118 = arith.constant 9728 : i32
        %dma_wait3A_119 = arith.constant 0 : i32
        %dma_wait3A_120 = tpu.memref_slice %arg10[%dma_wait3A_118, %dma_wait3A_119] : memref<10008x128xf32, #tpu.memory_space<vmem_shared>> -> memref<128x128xf32, #tpu.memory_space<vmem_shared>>
        %dma_wait3A_121 = arith.constant 9728 : i32
        %dma_wait3A_122 = arith.constant 0 : i32
        %dma_wait3A_123 = tpu.memref_slice %arg10[%dma_wait3A_121, %dma_wait3A_122] : memref<10008x128xf32, #tpu.memory_space<vmem_shared>> -> memref<128x128xf32, #tpu.memory_space<vmem_shared>>
        tpu.wait_dma2 semaphore(%run_scoped3A : memref<!tpu.dma_semaphore, #tpu.memory_space<semaphore_mem>>) src(%dma_wait3A_123 : memref<128x128xf32, #tpu.memory_space<vmem_shared>>) dst(%arg9 : memref<128x128xf32, #tpu.memory_space<vmem>>)
        tpu.yield
      }) : () -> ()
      %add3A_82 = arith.constant 9600 : i32
      %add3A_83 = arith.addi %mul3A_0, %add3A_82 : i32
      %add3A_84 = arith.constant 128 : i32
      %add3A_85 = arith.addi %add3A_83, %add3A_84 : i32
      %dma_start3A_86 = arith.constant 0 : i32
      %dma_start3A_87 = tpu.memref_slice %arg5[%add3A_85, %dma_start3A_86] : memref<20000x128xf32, #tpu.memory_space<hbm>> -> memref<128x128xf32, #tpu.memory_space<hbm>>
      %dma_start3A_88 = arith.constant 0 : i32
      %dma_start3A_89 = tpu.memref_slice %arg5[%add3A_85, %dma_start3A_88] : memref<20000x128xf32, #tpu.memory_space<hbm>> -> memref<128x128xf32, #tpu.memory_space<hbm>>
      tpu.enqueue_dma source(%arg9 : memref<128x128xf32, #tpu.memory_space<vmem>>) target(%dma_start3A_89 : memref<128x128xf32, #tpu.memory_space<hbm>>) target_semaphore(%arg12 : memref<!tpu.dma_semaphore, #tpu.memory_space<semaphore_mem>>)
      %dma_wait3A_90 = arith.constant 0 : i32
      %dma_wait3A_91 = tpu.memref_slice %arg5[%mul3A_0, %dma_wait3A_90] : memref<20000x128xf32, #tpu.memory_space<hbm>> -> memref<128x128xf32, #tpu.memory_space<hbm>>
      %dma_wait3A_92 = arith.constant 0 : i32
      %dma_wait3A_93 = tpu.memref_slice %arg5[%mul3A_0, %dma_wait3A_92] : memref<20000x128xf32, #tpu.memory_space<hbm>> -> memref<128x128xf32, #tpu.memory_space<hbm>>
      tpu.wait_dma2 semaphore(%arg11 : memref<!tpu.dma_semaphore, #tpu.memory_space<semaphore_mem>>) src(%arg8 : memref<128x128xf32, #tpu.memory_space<vmem>>) dst(%dma_wait3A_93 : memref<128x128xf32, #tpu.memory_space<hbm>>)
      "tpu.region"() ({
        %run_scoped3A = tpu.sem_alloc : memref<!tpu.dma_semaphore, #tpu.memory_space<semaphore_mem>>
        %dma_start3A_112 = arith.constant 9856 : i32
        %dma_start3A_113 = arith.constant 0 : i32
        %dma_start3A_114 = tpu.memref_slice %arg10[%dma_start3A_112, %dma_start3A_113] : memref<10008x128xf32, #tpu.memory_space<vmem_shared>> -> memref<128x128xf32, #tpu.memory_space<vmem_shared>>
        %dma_start3A_115 = arith.constant 9856 : i32
        %dma_start3A_116 = arith.constant 0 : i32
        %dma_start3A_117 = tpu.memref_slice %arg10[%dma_start3A_115, %dma_start3A_116] : memref<10008x128xf32, #tpu.memory_space<vmem_shared>> -> memref<128x128xf32, #tpu.memory_space<vmem_shared>>
        tpu.enqueue_dma source(%dma_start3A_117 : memref<128x128xf32, #tpu.memory_space<vmem_shared>>) target(%arg8 : memref<128x128xf32, #tpu.memory_space<vmem>>) target_semaphore(%run_scoped3A : memref<!tpu.dma_semaphore, #tpu.memory_space<semaphore_mem>>)
        %dma_wait3A_118 = arith.constant 9856 : i32
        %dma_wait3A_119 = arith.constant 0 : i32
        %dma_wait3A_120 = tpu.memref_slice %arg10[%dma_wait3A_118, %dma_wait3A_119] : memref<10008x128xf32, #tpu.memory_space<vmem_shared>> -> memref<128x128xf32, #tpu.memory_space<vmem_shared>>
        %dma_wait3A_121 = arith.constant 9856 : i32
        %dma_wait3A_122 = arith.constant 0 : i32
        %dma_wait3A_123 = tpu.memref_slice %arg10[%dma_wait3A_121, %dma_wait3A_122] : memref<10008x128xf32, #tpu.memory_space<vmem_shared>> -> memref<128x128xf32, #tpu.memory_space<vmem_shared>>
        tpu.wait_dma2 semaphore(%run_scoped3A : memref<!tpu.dma_semaphore, #tpu.memory_space<semaphore_mem>>) src(%dma_wait3A_123 : memref<128x128xf32, #tpu.memory_space<vmem_shared>>) dst(%arg8 : memref<128x128xf32, #tpu.memory_space<vmem>>)
        tpu.yield
      }) : () -> ()
      %add3A_94 = arith.constant 9600 : i32
      %add3A_95 = arith.addi %mul3A_0, %add3A_94 : i32
      %add3A_96 = arith.constant 256 : i32
      %add3A_97 = arith.addi %add3A_95, %add3A_96 : i32
      %dma_start3A_98 = arith.constant 0 : i32
      %dma_start3A_99 = tpu.memref_slice %arg5[%add3A_97, %dma_start3A_98] : memref<20000x128xf32, #tpu.memory_space<hbm>> -> memref<128x128xf32, #tpu.memory_space<hbm>>
      %dma_start3A_100 = arith.constant 0 : i32
      %dma_start3A_101 = tpu.memref_slice %arg5[%add3A_97, %dma_start3A_100] : memref<20000x128xf32, #tpu.memory_space<hbm>> -> memref<128x128xf32, #tpu.memory_space<hbm>>
      tpu.enqueue_dma source(%arg8 : memref<128x128xf32, #tpu.memory_space<vmem>>) target(%dma_start3A_101 : memref<128x128xf32, #tpu.memory_space<hbm>>) target_semaphore(%arg11 : memref<!tpu.dma_semaphore, #tpu.memory_space<semaphore_mem>>)
      %dma_wait3A_102 = arith.constant 0 : i32
      %dma_wait3A_103 = tpu.memref_slice %arg5[%mul3A_0, %dma_wait3A_102] : memref<20000x128xf32, #tpu.memory_space<hbm>> -> memref<128x128xf32, #tpu.memory_space<hbm>>
      %dma_wait3A_104 = arith.constant 0 : i32
      %dma_wait3A_105 = tpu.memref_slice %arg5[%mul3A_0, %dma_wait3A_104] : memref<20000x128xf32, #tpu.memory_space<hbm>> -> memref<128x128xf32, #tpu.memory_space<hbm>>
      tpu.wait_dma2 semaphore(%arg11 : memref<!tpu.dma_semaphore, #tpu.memory_space<semaphore_mem>>) src(%arg8 : memref<128x128xf32, #tpu.memory_space<vmem>>) dst(%dma_wait3A_105 : memref<128x128xf32, #tpu.memory_space<hbm>>)
      "tpu.region"() ({
        %run_scoped3A = tpu.sem_alloc : memref<!tpu.dma_semaphore, #tpu.memory_space<semaphore_mem>>
        %dma_start3A_112 = arith.constant 0 : i32
        %dma_start3A_113 = arith.constant 0 : i32
        %dma_start3A_114 = tpu.memref_slice %arg8[%dma_start3A_112, %dma_start3A_113] : memref<128x128xf32, #tpu.memory_space<vmem>> -> memref<16x128xf32, #tpu.memory_space<vmem>>
        %dma_start3A_115 = arith.constant 9984 : i32
        %dma_start3A_116 = arith.constant 0 : i32
        %dma_start3A_117 = tpu.memref_slice %arg10[%dma_start3A_115, %dma_start3A_116] : memref<10008x128xf32, #tpu.memory_space<vmem_shared>> -> memref<16x128xf32, #tpu.memory_space<vmem_shared>>
        %dma_start3A_118 = arith.constant 0 : i32
        %dma_start3A_119 = arith.constant 0 : i32
        %dma_start3A_120 = tpu.memref_slice %arg8[%dma_start3A_118, %dma_start3A_119] : memref<128x128xf32, #tpu.memory_space<vmem>> -> memref<16x128xf32, #tpu.memory_space<vmem>>
        %dma_start3A_121 = arith.constant 9984 : i32
        %dma_start3A_122 = arith.constant 0 : i32
        %dma_start3A_123 = tpu.memref_slice %arg10[%dma_start3A_121, %dma_start3A_122] : memref<10008x128xf32, #tpu.memory_space<vmem_shared>> -> memref<16x128xf32, #tpu.memory_space<vmem_shared>>
        tpu.enqueue_dma source(%dma_start3A_123 : memref<16x128xf32, #tpu.memory_space<vmem_shared>>) target(%dma_start3A_120 : memref<16x128xf32, #tpu.memory_space<vmem>>) target_semaphore(%run_scoped3A : memref<!tpu.dma_semaphore, #tpu.memory_space<semaphore_mem>>)
        %dma_wait3A_124 = arith.constant 0 : i32
        %dma_wait3A_125 = arith.constant 0 : i32
        %dma_wait3A_126 = tpu.memref_slice %arg8[%dma_wait3A_124, %dma_wait3A_125] : memref<128x128xf32, #tpu.memory_space<vmem>> -> memref<16x128xf32, #tpu.memory_space<vmem>>
        %dma_wait3A_127 = arith.constant 9984 : i32
        %dma_wait3A_128 = arith.constant 0 : i32
        %dma_wait3A_129 = tpu.memref_slice %arg10[%dma_wait3A_127, %dma_wait3A_128] : memref<10008x128xf32, #tpu.memory_space<vmem_shared>> -> memref<16x128xf32, #tpu.memory_space<vmem_shared>>
        %dma_wait3A_130 = arith.constant 0 : i32
        %dma_wait3A_131 = arith.constant 0 : i32
        %dma_wait3A_132 = tpu.memref_slice %arg8[%dma_wait3A_130, %dma_wait3A_131] : memref<128x128xf32, #tpu.memory_space<vmem>> -> memref<16x128xf32, #tpu.memory_space<vmem>>
        %dma_wait3A_133 = arith.constant 9984 : i32
        %dma_wait3A_134 = arith.constant 0 : i32
        %dma_wait3A_135 = tpu.memref_slice %arg10[%dma_wait3A_133, %dma_wait3A_134] : memref<10008x128xf32, #tpu.memory_space<vmem_shared>> -> memref<16x128xf32, #tpu.memory_space<vmem_shared>>
        tpu.wait_dma2 semaphore(%run_scoped3A : memref<!tpu.dma_semaphore, #tpu.memory_space<semaphore_mem>>) src(%dma_wait3A_135 : memref<16x128xf32, #tpu.memory_space<vmem_shared>>) dst(%dma_wait3A_132 : memref<16x128xf32, #tpu.memory_space<vmem>>)
        tpu.yield
      }) : () -> ()
      %add3A_106 = arith.constant 9984 : i32
      %add3A_107 = arith.addi %mul3A_0, %add3A_106 : i32
      "tpu.region"() ({
        %run_scoped3A = tpu.sem_alloc : memref<!tpu.dma_semaphore, #tpu.memory_space<semaphore_mem>>
        %dma_start3A_112 = arith.constant 0 : i32
        %dma_start3A_113 = arith.constant 0 : i32
        %dma_start3A_114 = tpu.memref_slice %arg8[%dma_start3A_112, %dma_start3A_113] : memref<128x128xf32, #tpu.memory_space<vmem>> -> memref<16x128xf32, #tpu.memory_space<vmem>>
        %dma_start3A_115 = arith.constant 0 : i32
        %dma_start3A_116 = tpu.memref_slice %arg5[%add3A_107, %dma_start3A_115] : memref<20000x128xf32, #tpu.memory_space<hbm>> -> memref<16x128xf32, #tpu.memory_space<hbm>>
        %dma_start3A_117 = arith.constant 0 : i32
        %dma_start3A_118 = tpu.memref_slice %arg5[%add3A_107, %dma_start3A_117] : memref<20000x128xf32, #tpu.memory_space<hbm>> -> memref<16x128xf32, #tpu.memory_space<hbm>>
        %dma_start3A_119 = arith.constant 0 : i32
        %dma_start3A_120 = arith.constant 0 : i32
        %dma_start3A_121 = tpu.memref_slice %arg8[%dma_start3A_119, %dma_start3A_120] : memref<128x128xf32, #tpu.memory_space<vmem>> -> memref<16x128xf32, #tpu.memory_space<vmem>>
        tpu.enqueue_dma source(%dma_start3A_121 : memref<16x128xf32, #tpu.memory_space<vmem>>) target(%dma_start3A_118 : memref<16x128xf32, #tpu.memory_space<hbm>>) target_semaphore(%run_scoped3A : memref<!tpu.dma_semaphore, #tpu.memory_space<semaphore_mem>>)
        %dma_wait3A_122 = arith.constant 0 : i32
        %dma_wait3A_123 = arith.constant 0 : i32
        %dma_wait3A_124 = tpu.memref_slice %arg8[%dma_wait3A_122, %dma_wait3A_123] : memref<128x128xf32, #tpu.memory_space<vmem>> -> memref<16x128xf32, #tpu.memory_space<vmem>>
        %dma_wait3A_125 = arith.constant 0 : i32
        %dma_wait3A_126 = tpu.memref_slice %arg5[%add3A_107, %dma_wait3A_125] : memref<20000x128xf32, #tpu.memory_space<hbm>> -> memref<16x128xf32, #tpu.memory_space<hbm>>
        %dma_wait3A_127 = arith.constant 0 : i32
        %dma_wait3A_128 = tpu.memref_slice %arg5[%add3A_107, %dma_wait3A_127] : memref<20000x128xf32, #tpu.memory_space<hbm>> -> memref<16x128xf32, #tpu.memory_space<hbm>>
        %dma_wait3A_129 = arith.constant 0 : i32
        %dma_wait3A_130 = arith.constant 0 : i32
        %dma_wait3A_131 = tpu.memref_slice %arg8[%dma_wait3A_129, %dma_wait3A_130] : memref<128x128xf32, #tpu.memory_space<vmem>> -> memref<16x128xf32, #tpu.memory_space<vmem>>
        tpu.wait_dma2 semaphore(%run_scoped3A : memref<!tpu.dma_semaphore, #tpu.memory_space<semaphore_mem>>) src(%dma_wait3A_131 : memref<16x128xf32, #tpu.memory_space<vmem>>) dst(%dma_wait3A_128 : memref<16x128xf32, #tpu.memory_space<hbm>>)
        tpu.yield
      }) : () -> ()
      %dma_wait3A_108 = arith.constant 0 : i32
      %dma_wait3A_109 = tpu.memref_slice %arg5[%mul3A_0, %dma_wait3A_108] : memref<20000x128xf32, #tpu.memory_space<hbm>> -> memref<128x128xf32, #tpu.memory_space<hbm>>
      %dma_wait3A_110 = arith.constant 0 : i32
      %dma_wait3A_111 = tpu.memref_slice %arg5[%mul3A_0, %dma_wait3A_110] : memref<20000x128xf32, #tpu.memory_space<hbm>> -> memref<128x128xf32, #tpu.memory_space<hbm>>
      tpu.wait_dma2 semaphore(%arg12 : memref<!tpu.dma_semaphore, #tpu.memory_space<semaphore_mem>>) src(%arg9 : memref<128x128xf32, #tpu.memory_space<vmem>>) dst(%dma_wait3A_111 : memref<128x128xf32, #tpu.memory_space<hbm>>)
    } else {
    }
    return
  }
}

#map = affine_map<(d0, d1) -> (0, 0)>
#map1 = affine_map<(d0, d1) -> (0)>
module attributes {stable_mosaic.version = 14 : i64} {
  func.func @_deg_kernel(%arg0: i32, %arg1: i32, %arg2: memref<1280x128xi32, #tpu.memory_space<hbm>>, %arg3: memref<20096xf32, #tpu.memory_space<hbm>>, %arg4: memref<40x128xi32, #tpu.memory_space<vmem>>, %arg5: memref<128xf32, #tpu.memory_space<vmem>>, %arg6: memref<640xf32, #tpu.memory_space<vmem>>, %arg7: memref<10048xf32, #tpu.memory_space<vmem_shared>>) attributes {dimension_semantics = [#tpu.dimension_semantics<core_parallel>, #tpu.dimension_semantics<subcore_parallel>], iteration_bounds = array<i64: 2, 16>, scalar_prefetch = 0 : i64, scratch_operands = 4 : i64, tpu.core_type = #tpu.core_type<sc_vector_subcore>, window_params = [{transform_indices = #map}, {transform_indices = #map1}]} {
    %broadcast_in_dim3A = arith.constant 1.000000e+00 : f32
    %broadcast_in_dim3A_0 = vector.broadcast %broadcast_in_dim3A : f32 to vector<16xf32>
    %swap3A = arith.constant 0 : index
    %swap3A_1 = tpu.vector_load %arg5[%swap3A] {strides = array<i32>} : memref<128xf32, #tpu.memory_space<vmem>>, vector<16xf32>,
    %swap3A_2 = vector.shape_cast %swap3A_1 : vector<16xf32> to vector<16xf32>
    %swap3A_3 = vector.shape_cast %broadcast_in_dim3A_0 : vector<16xf32> to vector<16xf32>
    tpu.vector_store %arg5[%swap3A], %swap3A_3 {strides = array<i32>} : memref<128xf32, #tpu.memory_space<vmem>>, vector<16xf32>,
    %broadcast_in_dim3A_4 = arith.constant 1.000000e+00 : f32
    %broadcast_in_dim3A_5 = vector.broadcast %broadcast_in_dim3A_4 : f32 to vector<16xf32>
    %swap3A_6 = arith.constant 16 : index
    %swap3A_7 = tpu.vector_load %arg5[%swap3A_6] {strides = array<i32>} : memref<128xf32, #tpu.memory_space<vmem>>, vector<16xf32>,
    %swap3A_8 = vector.shape_cast %swap3A_7 : vector<16xf32> to vector<16xf32>
    %swap3A_9 = vector.shape_cast %broadcast_in_dim3A_5 : vector<16xf32> to vector<16xf32>
    tpu.vector_store %arg5[%swap3A_6], %swap3A_9 {strides = array<i32>} : memref<128xf32, #tpu.memory_space<vmem>>, vector<16xf32>,
    %broadcast_in_dim3A_10 = arith.constant 1.000000e+00 : f32
    %broadcast_in_dim3A_11 = vector.broadcast %broadcast_in_dim3A_10 : f32 to vector<16xf32>
    %swap3A_12 = arith.constant 32 : index
    %swap3A_13 = tpu.vector_load %arg5[%swap3A_12] {strides = array<i32>} : memref<128xf32, #tpu.memory_space<vmem>>, vector<16xf32>,
    %swap3A_14 = vector.shape_cast %swap3A_13 : vector<16xf32> to vector<16xf32>
    %swap3A_15 = vector.shape_cast %broadcast_in_dim3A_11 : vector<16xf32> to vector<16xf32>
    tpu.vector_store %arg5[%swap3A_12], %swap3A_15 {strides = array<i32>} : memref<128xf32, #tpu.memory_space<vmem>>, vector<16xf32>,
    %broadcast_in_dim3A_16 = arith.constant 1.000000e+00 : f32
    %broadcast_in_dim3A_17 = vector.broadcast %broadcast_in_dim3A_16 : f32 to vector<16xf32>
    %swap3A_18 = arith.constant 48 : index
    %swap3A_19 = tpu.vector_load %arg5[%swap3A_18] {strides = array<i32>} : memref<128xf32, #tpu.memory_space<vmem>>, vector<16xf32>,
    %swap3A_20 = vector.shape_cast %swap3A_19 : vector<16xf32> to vector<16xf32>
    %swap3A_21 = vector.shape_cast %broadcast_in_dim3A_17 : vector<16xf32> to vector<16xf32>
    tpu.vector_store %arg5[%swap3A_18], %swap3A_21 {strides = array<i32>} : memref<128xf32, #tpu.memory_space<vmem>>, vector<16xf32>,
    %broadcast_in_dim3A_22 = arith.constant 1.000000e+00 : f32
    %broadcast_in_dim3A_23 = vector.broadcast %broadcast_in_dim3A_22 : f32 to vector<16xf32>
    %swap3A_24 = arith.constant 64 : index
    %swap3A_25 = tpu.vector_load %arg5[%swap3A_24] {strides = array<i32>} : memref<128xf32, #tpu.memory_space<vmem>>, vector<16xf32>,
    %swap3A_26 = vector.shape_cast %swap3A_25 : vector<16xf32> to vector<16xf32>
    %swap3A_27 = vector.shape_cast %broadcast_in_dim3A_23 : vector<16xf32> to vector<16xf32>
    tpu.vector_store %arg5[%swap3A_24], %swap3A_27 {strides = array<i32>} : memref<128xf32, #tpu.memory_space<vmem>>, vector<16xf32>,
    %broadcast_in_dim3A_28 = arith.constant 1.000000e+00 : f32
    %broadcast_in_dim3A_29 = vector.broadcast %broadcast_in_dim3A_28 : f32 to vector<16xf32>
    %swap3A_30 = arith.constant 80 : index
    %swap3A_31 = tpu.vector_load %arg5[%swap3A_30] {strides = array<i32>} : memref<128xf32, #tpu.memory_space<vmem>>, vector<16xf32>,
    %swap3A_32 = vector.shape_cast %swap3A_31 : vector<16xf32> to vector<16xf32>
    %swap3A_33 = vector.shape_cast %broadcast_in_dim3A_29 : vector<16xf32> to vector<16xf32>
    tpu.vector_store %arg5[%swap3A_30], %swap3A_33 {strides = array<i32>} : memref<128xf32, #tpu.memory_space<vmem>>, vector<16xf32>,
    %broadcast_in_dim3A_34 = arith.constant 1.000000e+00 : f32
    %broadcast_in_dim3A_35 = vector.broadcast %broadcast_in_dim3A_34 : f32 to vector<16xf32>
    %swap3A_36 = arith.constant 96 : index
    %swap3A_37 = tpu.vector_load %arg5[%swap3A_36] {strides = array<i32>} : memref<128xf32, #tpu.memory_space<vmem>>, vector<16xf32>,
    %swap3A_38 = vector.shape_cast %swap3A_37 : vector<16xf32> to vector<16xf32>
    %swap3A_39 = vector.shape_cast %broadcast_in_dim3A_35 : vector<16xf32> to vector<16xf32>
    tpu.vector_store %arg5[%swap3A_36], %swap3A_39 {strides = array<i32>} : memref<128xf32, #tpu.memory_space<vmem>>, vector<16xf32>,
    %broadcast_in_dim3A_40 = arith.constant 1.000000e+00 : f32
    %broadcast_in_dim3A_41 = vector.broadcast %broadcast_in_dim3A_40 : f32 to vector<16xf32>
    %swap3A_42 = arith.constant 112 : index
    %swap3A_43 = tpu.vector_load %arg5[%swap3A_42] {strides = array<i32>} : memref<128xf32, #tpu.memory_space<vmem>>, vector<16xf32>,
    %swap3A_44 = vector.shape_cast %swap3A_43 : vector<16xf32> to vector<16xf32>
    %swap3A_45 = vector.shape_cast %broadcast_in_dim3A_41 : vector<16xf32> to vector<16xf32>
    tpu.vector_store %arg5[%swap3A_42], %swap3A_45 {strides = array<i32>} : memref<128xf32, #tpu.memory_space<vmem>>, vector<16xf32>,
    %scan3A = arith.constant 0 : i32
    %scan3A_46 = arith.constant 0 : i32
    %scan3A_47 = arith.constant 40 : i32
    %scan3A_48 = arith.addi %scan3A_46, %scan3A_47 : i32
    %scan3A_49 = arith.constant 1 : i32
    scf.for %scan3A_77 = %scan3A_46 to %scan3A_48 step %scan3A_49  : i32 {
      %broadcast_in_dim3A_78 = arith.constant 0.000000e+00 : f32
      %broadcast_in_dim3A_79 = vector.broadcast %broadcast_in_dim3A_78 : f32 to vector<16xf32>
      %mul3A_80 = arith.constant 16 : i32
      %mul3A_81 = arith.muli %scan3A_77, %mul3A_80 : i32
      %swap3A_82 = arith.index_cast %mul3A_81 : i32 to index
      %swap3A_83 = tpu.vector_load %arg6[%swap3A_82] {strides = array<i32>} : memref<640xf32, #tpu.memory_space<vmem>>, vector<16xf32>,
      %swap3A_84 = vector.shape_cast %swap3A_83 : vector<16xf32> to vector<16xf32>
      %swap3A_85 = vector.shape_cast %broadcast_in_dim3A_79 : vector<16xf32> to vector<16xf32>
      tpu.vector_store %arg6[%swap3A_82], %swap3A_85 {strides = array<i32>} : memref<640xf32, #tpu.memory_space<vmem>>, vector<16xf32>,
    }
    %scan3A_50 = arith.constant 40 : i32
    %mul3A = arith.constant 640 : i32
    %mul3A_51 = arith.muli %arg0, %mul3A : i32
    %mul3A_52 = arith.constant 40 : i32
    %mul3A_53 = arith.muli %arg1, %mul3A_52 : i32
    %add3A = arith.addi %mul3A_51, %mul3A_53 : i32
    "tpu.region"() ({
      %run_scoped3A = tpu.sem_alloc : memref<!tpu.dma_semaphore, #tpu.memory_space<semaphore_mem>>
      %dma_start3A = arith.constant 0 : i32
      %dma_start3A_77 = tpu.memref_slice %arg2[%add3A, %dma_start3A] : memref<1280x128xi32, #tpu.memory_space<hbm>> -> memref<40x128xi32, #tpu.memory_space<hbm>>
      %dma_start3A_78 = arith.constant 0 : i32
      %dma_start3A_79 = tpu.memref_slice %arg2[%add3A, %dma_start3A_78] : memref<1280x128xi32, #tpu.memory_space<hbm>> -> memref<40x128xi32, #tpu.memory_space<hbm>>
      tpu.enqueue_dma source(%dma_start3A_79 : memref<40x128xi32, #tpu.memory_space<hbm>>) target(%arg4 : memref<40x128xi32, #tpu.memory_space<vmem>>) target_semaphore(%run_scoped3A : memref<!tpu.dma_semaphore, #tpu.memory_space<semaphore_mem>>)
      %dma_wait3A = arith.constant 0 : i32
      %dma_wait3A_80 = tpu.memref_slice %arg2[%add3A, %dma_wait3A] : memref<1280x128xi32, #tpu.memory_space<hbm>> -> memref<40x128xi32, #tpu.memory_space<hbm>>
      %dma_wait3A_81 = arith.constant 0 : i32
      %dma_wait3A_82 = tpu.memref_slice %arg2[%add3A, %dma_wait3A_81] : memref<1280x128xi32, #tpu.memory_space<hbm>> -> memref<40x128xi32, #tpu.memory_space<hbm>>
      tpu.wait_dma2 semaphore(%run_scoped3A : memref<!tpu.dma_semaphore, #tpu.memory_space<semaphore_mem>>) src(%dma_wait3A_82 : memref<40x128xi32, #tpu.memory_space<hbm>>) dst(%arg4 : memref<40x128xi32, #tpu.memory_space<vmem>>)
      tpu.yield
    }) : () -> ()
    %lt3A = arith.constant 15 : i32
    %lt3A_54 = arith.cmpi slt, %arg1, %lt3A : i32
    %convert_element_type3A = arith.extui %lt3A_54 : i1 to i32
    %cond3A = arith.constant 0 : i32
    %cond3A_55 = arith.cmpi ne, %convert_element_type3A, %cond3A : i32
    scf.if %cond3A_55 {
      %mul3A_77 = arith.constant 640 : i32
      %mul3A_78 = arith.muli %arg1, %mul3A_77 : i32
      "tpu.region"() ({
        %run_scoped3A = tpu.sem_alloc : memref<!tpu.dma_semaphore, #tpu.memory_space<semaphore_mem>>
        %dma_start3A = tpu.memref_slice %arg7[%mul3A_78] : memref<10048xf32, #tpu.memory_space<vmem_shared>> -> memref<640xf32, #tpu.memory_space<vmem_shared>>
        %dma_start3A_79 = tpu.memref_slice %arg7[%mul3A_78] : memref<10048xf32, #tpu.memory_space<vmem_shared>> -> memref<640xf32, #tpu.memory_space<vmem_shared>>
        tpu.enqueue_dma source(%arg6 : memref<640xf32, #tpu.memory_space<vmem>>) target(%dma_start3A_79 : memref<640xf32, #tpu.memory_space<vmem_shared>>) target_semaphore(%run_scoped3A : memref<!tpu.dma_semaphore, #tpu.memory_space<semaphore_mem>>)
        %dma_wait3A = tpu.memref_slice %arg7[%mul3A_78] : memref<10048xf32, #tpu.memory_space<vmem_shared>> -> memref<640xf32, #tpu.memory_space<vmem_shared>>
        %dma_wait3A_80 = tpu.memref_slice %arg7[%mul3A_78] : memref<10048xf32, #tpu.memory_space<vmem_shared>> -> memref<640xf32, #tpu.memory_space<vmem_shared>>
        tpu.wait_dma2 semaphore(%run_scoped3A : memref<!tpu.dma_semaphore, #tpu.memory_space<semaphore_mem>>) src(%arg6 : memref<640xf32, #tpu.memory_space<vmem>>) dst(%dma_wait3A_80 : memref<640xf32, #tpu.memory_space<vmem_shared>>)
        tpu.yield
      }) : () -> ()
    } else {
    }
    %eq3A = arith.constant 15 : i32
    %eq3A_56 = arith.cmpi eq, %arg1, %eq3A : i32
    %convert_element_type3A_57 = arith.extui %eq3A_56 : i1 to i32
    %cond3A_58 = arith.constant 0 : i32
    %cond3A_59 = arith.cmpi ne, %convert_element_type3A_57, %cond3A_58 : i32
    scf.if %cond3A_59 {
      "tpu.region"() ({
        %run_scoped3A = tpu.sem_alloc : memref<!tpu.dma_semaphore, #tpu.memory_space<semaphore_mem>>
        %dma_start3A = arith.constant 0 : i32
        %dma_start3A_77 = tpu.memref_slice %arg6[%dma_start3A] : memref<640xf32, #tpu.memory_space<vmem>> -> memref<400xf32, #tpu.memory_space<vmem>>
        %dma_start3A_78 = arith.constant 9600 : i32
        %dma_start3A_79 = tpu.memref_slice %arg7[%dma_start3A_78] : memref<10048xf32, #tpu.memory_space<vmem_shared>> -> memref<400xf32, #tpu.memory_space<vmem_shared>>
        %dma_start3A_80 = arith.constant 9600 : i32
        %dma_start3A_81 = tpu.memref_slice %arg7[%dma_start3A_80] : memref<10048xf32, #tpu.memory_space<vmem_shared>> -> memref<400xf32, #tpu.memory_space<vmem_shared>>
        %dma_start3A_82 = arith.constant 0 : i32
        %dma_start3A_83 = tpu.memref_slice %arg6[%dma_start3A_82] : memref<640xf32, #tpu.memory_space<vmem>> -> memref<400xf32, #tpu.memory_space<vmem>>
        tpu.enqueue_dma source(%dma_start3A_83 : memref<400xf32, #tpu.memory_space<vmem>>) target(%dma_start3A_81 : memref<400xf32, #tpu.memory_space<vmem_shared>>) target_semaphore(%run_scoped3A : memref<!tpu.dma_semaphore, #tpu.memory_space<semaphore_mem>>)
        %dma_wait3A = arith.constant 0 : i32
        %dma_wait3A_84 = tpu.memref_slice %arg6[%dma_wait3A] : memref<640xf32, #tpu.memory_space<vmem>> -> memref<400xf32, #tpu.memory_space<vmem>>
        %dma_wait3A_85 = arith.constant 9600 : i32
        %dma_wait3A_86 = tpu.memref_slice %arg7[%dma_wait3A_85] : memref<10048xf32, #tpu.memory_space<vmem_shared>> -> memref<400xf32, #tpu.memory_space<vmem_shared>>
        %dma_wait3A_87 = arith.constant 9600 : i32
        %dma_wait3A_88 = tpu.memref_slice %arg7[%dma_wait3A_87] : memref<10048xf32, #tpu.memory_space<vmem_shared>> -> memref<400xf32, #tpu.memory_space<vmem_shared>>
        %dma_wait3A_89 = arith.constant 0 : i32
        %dma_wait3A_90 = tpu.memref_slice %arg6[%dma_wait3A_89] : memref<640xf32, #tpu.memory_space<vmem>> -> memref<400xf32, #tpu.memory_space<vmem>>
        tpu.wait_dma2 semaphore(%run_scoped3A : memref<!tpu.dma_semaphore, #tpu.memory_space<semaphore_mem>>) src(%dma_wait3A_90 : memref<400xf32, #tpu.memory_space<vmem>>) dst(%dma_wait3A_88 : memref<400xf32, #tpu.memory_space<vmem_shared>>)
        tpu.yield
      }) : () -> ()
    } else {
    }
    %barrier3A = arith.constant 0 : index
    tpu.barrier barrier_id(%barrier3A)
    %scan3A_60 = arith.constant 0 : i32
    %scan3A_61 = arith.constant 0 : i32
    %scan3A_62 = arith.constant 40 : i32
    %scan3A_63 = arith.addi %scan3A_61, %scan3A_62 : i32
    %scan3A_64 = arith.constant 1 : i32
    scf.for %scan3A_77 = %scan3A_61 to %scan3A_63 step %scan3A_64  : i32 {
      "tpu.region"() ({
        %run_scoped3A = tpu.sem_alloc : memref<!tpu.dma_semaphore, #tpu.memory_space<semaphore_mem>>
        %dma_start3A = arith.constant 0 : i32
        %dma_start3A_78 = tpu.memref_slice %arg4[%scan3A_77, %dma_start3A] : memref<40x128xi32, #tpu.memory_space<vmem>> -> memref<1x128xi32, #tpu.memory_space<vmem>>
        %dma_start3A_79 = tpu.memref_squeeze %dma_start3A_78 : memref<1x128xi32, #tpu.memory_space<vmem>> -> memref<128xi32, #tpu.memory_space<vmem>>
        %dma_start3A_80 = arith.constant 0 : i32
        %dma_start3A_81 = tpu.memref_slice %arg7[%dma_start3A_80] : memref<10048xf32, #tpu.memory_space<vmem_shared>> -> memref<10048xf32, #tpu.memory_space<vmem_shared>>
        tpu.enqueue_indirect_dma source(%arg5 : memref<128xf32, #tpu.memory_space<vmem>>) target(%dma_start3A_81 : memref<10048xf32, #tpu.memory_space<vmem_shared>>) offsets(%dma_start3A_79 : memref<128xi32, #tpu.memory_space<vmem>>) semaphore(%run_scoped3A : memref<!tpu.dma_semaphore, #tpu.memory_space<semaphore_mem>>) {add = true}
        %dma_wait3A = arith.constant 0 : i32
        %dma_wait3A_82 = tpu.memref_slice %arg4[%scan3A_77, %dma_wait3A] : memref<40x128xi32, #tpu.memory_space<vmem>> -> memref<1x128xi32, #tpu.memory_space<vmem>>
        %dma_wait3A_83 = tpu.memref_squeeze %dma_wait3A_82 : memref<1x128xi32, #tpu.memory_space<vmem>> -> memref<128xi32, #tpu.memory_space<vmem>>
        %dma_wait3A_84 = arith.constant 0 : i32
        %dma_wait3A_85 = tpu.memref_slice %arg7[%dma_wait3A_84] : memref<10048xf32, #tpu.memory_space<vmem_shared>> -> memref<10048xf32, #tpu.memory_space<vmem_shared>>
        tpu.wait_indirect_dma semaphore(%run_scoped3A : memref<!tpu.dma_semaphore, #tpu.memory_space<semaphore_mem>>) src(%arg5 : memref<128xf32, #tpu.memory_space<vmem>>) dst(%dma_wait3A_85 : memref<10048xf32, #tpu.memory_space<vmem_shared>>)
        tpu.yield
      }) : () -> ()
    }
    %scan3A_65 = arith.constant 40 : i32
    %barrier3A_66 = arith.constant 0 : index
    tpu.barrier barrier_id(%barrier3A_66)
    %lt3A_67 = arith.constant 15 : i32
    %lt3A_68 = arith.cmpi slt, %arg1, %lt3A_67 : i32
    %convert_element_type3A_69 = arith.extui %lt3A_68 : i1 to i32
    %cond3A_70 = arith.constant 0 : i32
    %cond3A_71 = arith.cmpi ne, %convert_element_type3A_69, %cond3A_70 : i32
    scf.if %cond3A_71 {
      %mul3A_77 = arith.constant 640 : i32
      %mul3A_78 = arith.muli %arg1, %mul3A_77 : i32
      "tpu.region"() ({
        %run_scoped3A = tpu.sem_alloc : memref<!tpu.dma_semaphore, #tpu.memory_space<semaphore_mem>>
        %dma_start3A = tpu.memref_slice %arg7[%mul3A_78] : memref<10048xf32, #tpu.memory_space<vmem_shared>> -> memref<640xf32, #tpu.memory_space<vmem_shared>>
        %dma_start3A_84 = tpu.memref_slice %arg7[%mul3A_78] : memref<10048xf32, #tpu.memory_space<vmem_shared>> -> memref<640xf32, #tpu.memory_space<vmem_shared>>
        tpu.enqueue_dma source(%dma_start3A_84 : memref<640xf32, #tpu.memory_space<vmem_shared>>) target(%arg6 : memref<640xf32, #tpu.memory_space<vmem>>) target_semaphore(%run_scoped3A : memref<!tpu.dma_semaphore, #tpu.memory_space<semaphore_mem>>)
        %dma_wait3A = tpu.memref_slice %arg7[%mul3A_78] : memref<10048xf32, #tpu.memory_space<vmem_shared>> -> memref<640xf32, #tpu.memory_space<vmem_shared>>
        %dma_wait3A_85 = tpu.memref_slice %arg7[%mul3A_78] : memref<10048xf32, #tpu.memory_space<vmem_shared>> -> memref<640xf32, #tpu.memory_space<vmem_shared>>
        tpu.wait_dma2 semaphore(%run_scoped3A : memref<!tpu.dma_semaphore, #tpu.memory_space<semaphore_mem>>) src(%dma_wait3A_85 : memref<640xf32, #tpu.memory_space<vmem_shared>>) dst(%arg6 : memref<640xf32, #tpu.memory_space<vmem>>)
        tpu.yield
      }) : () -> ()
      %mul3A_79 = arith.constant 10048 : i32
      %mul3A_80 = arith.muli %arg0, %mul3A_79 : i32
      %mul3A_81 = arith.constant 640 : i32
      %mul3A_82 = arith.muli %arg1, %mul3A_81 : i32
      %add3A_83 = arith.addi %mul3A_80, %mul3A_82 : i32
      "tpu.region"() ({
        %run_scoped3A = tpu.sem_alloc : memref<!tpu.dma_semaphore, #tpu.memory_space<semaphore_mem>>
        %dma_start3A = tpu.memref_slice %arg3[%add3A_83] : memref<20096xf32, #tpu.memory_space<hbm>> -> memref<640xf32, #tpu.memory_space<hbm>>
        %dma_start3A_84 = tpu.memref_slice %arg3[%add3A_83] : memref<20096xf32, #tpu.memory_space<hbm>> -> memref<640xf32, #tpu.memory_space<hbm>>
        tpu.enqueue_dma source(%arg6 : memref<640xf32, #tpu.memory_space<vmem>>) target(%dma_start3A_84 : memref<640xf32, #tpu.memory_space<hbm>>) target_semaphore(%run_scoped3A : memref<!tpu.dma_semaphore, #tpu.memory_space<semaphore_mem>>)
        %dma_wait3A = tpu.memref_slice %arg3[%add3A_83] : memref<20096xf32, #tpu.memory_space<hbm>> -> memref<640xf32, #tpu.memory_space<hbm>>
        %dma_wait3A_85 = tpu.memref_slice %arg3[%add3A_83] : memref<20096xf32, #tpu.memory_space<hbm>> -> memref<640xf32, #tpu.memory_space<hbm>>
        tpu.wait_dma2 semaphore(%run_scoped3A : memref<!tpu.dma_semaphore, #tpu.memory_space<semaphore_mem>>) src(%arg6 : memref<640xf32, #tpu.memory_space<vmem>>) dst(%dma_wait3A_85 : memref<640xf32, #tpu.memory_space<hbm>>)
        tpu.yield
      }) : () -> ()
    } else {
    }
    %eq3A_72 = arith.constant 15 : i32
    %eq3A_73 = arith.cmpi eq, %arg1, %eq3A_72 : i32
    %convert_element_type3A_74 = arith.extui %eq3A_73 : i1 to i32
    %cond3A_75 = arith.constant 0 : i32
    %cond3A_76 = arith.cmpi ne, %convert_element_type3A_74, %cond3A_75 : i32
    scf.if %cond3A_76 {
      "tpu.region"() ({
        %run_scoped3A = tpu.sem_alloc : memref<!tpu.dma_semaphore, #tpu.memory_space<semaphore_mem>>
        %dma_start3A = arith.constant 0 : i32
        %dma_start3A_81 = tpu.memref_slice %arg6[%dma_start3A] : memref<640xf32, #tpu.memory_space<vmem>> -> memref<400xf32, #tpu.memory_space<vmem>>
        %dma_start3A_82 = arith.constant 9600 : i32
        %dma_start3A_83 = tpu.memref_slice %arg7[%dma_start3A_82] : memref<10048xf32, #tpu.memory_space<vmem_shared>> -> memref<400xf32, #tpu.memory_space<vmem_shared>>
        %dma_start3A_84 = arith.constant 0 : i32
        %dma_start3A_85 = tpu.memref_slice %arg6[%dma_start3A_84] : memref<640xf32, #tpu.memory_space<vmem>> -> memref<400xf32, #tpu.memory_space<vmem>>
        %dma_start3A_86 = arith.constant 9600 : i32
        %dma_start3A_87 = tpu.memref_slice %arg7[%dma_start3A_86] : memref<10048xf32, #tpu.memory_space<vmem_shared>> -> memref<400xf32, #tpu.memory_space<vmem_shared>>
        tpu.enqueue_dma source(%dma_start3A_87 : memref<400xf32, #tpu.memory_space<vmem_shared>>) target(%dma_start3A_85 : memref<400xf32, #tpu.memory_space<vmem>>) target_semaphore(%run_scoped3A : memref<!tpu.dma_semaphore, #tpu.memory_space<semaphore_mem>>)
        %dma_wait3A = arith.constant 0 : i32
        %dma_wait3A_88 = tpu.memref_slice %arg6[%dma_wait3A] : memref<640xf32, #tpu.memory_space<vmem>> -> memref<400xf32, #tpu.memory_space<vmem>>
        %dma_wait3A_89 = arith.constant 9600 : i32
        %dma_wait3A_90 = tpu.memref_slice %arg7[%dma_wait3A_89] : memref<10048xf32, #tpu.memory_space<vmem_shared>> -> memref<400xf32, #tpu.memory_space<vmem_shared>>
        %dma_wait3A_91 = arith.constant 0 : i32
        %dma_wait3A_92 = tpu.memref_slice %arg6[%dma_wait3A_91] : memref<640xf32, #tpu.memory_space<vmem>> -> memref<400xf32, #tpu.memory_space<vmem>>
        %dma_wait3A_93 = arith.constant 9600 : i32
        %dma_wait3A_94 = tpu.memref_slice %arg7[%dma_wait3A_93] : memref<10048xf32, #tpu.memory_space<vmem_shared>> -> memref<400xf32, #tpu.memory_space<vmem_shared>>
        tpu.wait_dma2 semaphore(%run_scoped3A : memref<!tpu.dma_semaphore, #tpu.memory_space<semaphore_mem>>) src(%dma_wait3A_94 : memref<400xf32, #tpu.memory_space<vmem_shared>>) dst(%dma_wait3A_92 : memref<400xf32, #tpu.memory_space<vmem>>)
        tpu.yield
      }) : () -> ()
      %mul3A_77 = arith.constant 10048 : i32
      %mul3A_78 = arith.muli %arg0, %mul3A_77 : i32
      %add3A_79 = arith.constant 9600 : i32
      %add3A_80 = arith.addi %mul3A_78, %add3A_79 : i32
      "tpu.region"() ({
        %run_scoped3A = tpu.sem_alloc : memref<!tpu.dma_semaphore, #tpu.memory_space<semaphore_mem>>
        %dma_start3A = arith.constant 0 : i32
        %dma_start3A_81 = tpu.memref_slice %arg6[%dma_start3A] : memref<640xf32, #tpu.memory_space<vmem>> -> memref<400xf32, #tpu.memory_space<vmem>>
        %dma_start3A_82 = tpu.memref_slice %arg3[%add3A_80] : memref<20096xf32, #tpu.memory_space<hbm>> -> memref<400xf32, #tpu.memory_space<hbm>>
        %dma_start3A_83 = tpu.memref_slice %arg3[%add3A_80] : memref<20096xf32, #tpu.memory_space<hbm>> -> memref<400xf32, #tpu.memory_space<hbm>>
        %dma_start3A_84 = arith.constant 0 : i32
        %dma_start3A_85 = tpu.memref_slice %arg6[%dma_start3A_84] : memref<640xf32, #tpu.memory_space<vmem>> -> memref<400xf32, #tpu.memory_space<vmem>>
        tpu.enqueue_dma source(%dma_start3A_85 : memref<400xf32, #tpu.memory_space<vmem>>) target(%dma_start3A_83 : memref<400xf32, #tpu.memory_space<hbm>>) target_semaphore(%run_scoped3A : memref<!tpu.dma_semaphore, #tpu.memory_space<semaphore_mem>>)
        %dma_wait3A = arith.constant 0 : i32
        %dma_wait3A_86 = tpu.memref_slice %arg6[%dma_wait3A] : memref<640xf32, #tpu.memory_space<vmem>> -> memref<400xf32, #tpu.memory_space<vmem>>
        %dma_wait3A_87 = tpu.memref_slice %arg3[%add3A_80] : memref<20096xf32, #tpu.memory_space<hbm>> -> memref<400xf32, #tpu.memory_space<hbm>>
        %dma_wait3A_88 = tpu.memref_slice %arg3[%add3A_80] : memref<20096xf32, #tpu.memory_space<hbm>> -> memref<400xf32, #tpu.memory_space<hbm>>
        %dma_wait3A_89 = arith.constant 0 : i32
        %dma_wait3A_90 = tpu.memref_slice %arg6[%dma_wait3A_89] : memref<640xf32, #tpu.memory_space<vmem>> -> memref<400xf32, #tpu.memory_space<vmem>>
        tpu.wait_dma2 semaphore(%run_scoped3A : memref<!tpu.dma_semaphore, #tpu.memory_space<semaphore_mem>>) src(%dma_wait3A_90 : memref<400xf32, #tpu.memory_space<vmem>>) dst(%dma_wait3A_88 : memref<400xf32, #tpu.memory_space<hbm>>)
        tpu.yield
      }) : () -> ()
    } else {
    }
    return
  }
}

#map = affine_map<(d0, d1) -> (0, 0)>
module attributes {stable_mosaic.version = 14 : i64} {
  func.func @_prop_kernel(%arg0: i32, %arg1: i32, %arg2: memref<20000x128xf32, #tpu.memory_space<hbm>>, %arg3: memref<2560x128xi32, #tpu.memory_space<hbm>>, %arg4: memref<1280x128xi32, #tpu.memory_space<hbm>>, %arg5: memref<20000x128xf32, #tpu.memory_space<hbm>>, %arg6: memref<40x128xi32, #tpu.memory_space<vmem>>, %arg7: memref<40x128xi32, #tpu.memory_space<vmem>>, %arg8: memref<128x128xf32, #tpu.memory_space<vmem>>, %arg9: memref<128x128xf32, #tpu.memory_space<vmem>>, %arg10: memref<10008x128xf32, #tpu.memory_space<vmem_shared>>, %arg11: memref<!tpu.dma_semaphore, #tpu.memory_space<semaphore_mem>>, %arg12: memref<!tpu.dma_semaphore, #tpu.memory_space<semaphore_mem>>) attributes {dimension_semantics = [#tpu.dimension_semantics<core_parallel>, #tpu.dimension_semantics<subcore_parallel>], iteration_bounds = array<i64: 2, 16>, scalar_prefetch = 0 : i64, scratch_operands = 7 : i64, tpu.core_type = #tpu.core_type<sc_vector_subcore>, window_params = [{transform_indices = #map}, {transform_indices = #map}, {transform_indices = #map}, {transform_indices = #map}]} {
    %mul3A = arith.constant 10000 : i32
    %mul3A_0 = arith.muli %arg0, %mul3A : i32
    %scan3A = arith.constant 0 : i32
    %scan3A_1 = arith.constant 0 : i32
    %scan3A_2 = arith.constant 128 : i32
    %scan3A_3 = arith.addi %scan3A_1, %scan3A_2 : i32
    %scan3A_4 = arith.constant 1 : i32
    scf.for %scan3A_74 = %scan3A_1 to %scan3A_3 step %scan3A_4  : i32 {
      %broadcast_in_dim3A = arith.constant 0.000000e+00 : f32
      %broadcast_in_dim3A_75 = vector.broadcast %broadcast_in_dim3A : f32 to vector<16xf32>
      %swap3A = arith.index_cast %scan3A_74 : i32 to index
      %swap3A_76 = arith.constant 0 : index
      %swap3A_77 = tpu.vector_load %arg8[%swap3A, %swap3A_76] {strides = array<i32>} : memref<128x128xf32, #tpu.memory_space<vmem>>, vector<1x16xf32>,
      %swap3A_78 = vector.shape_cast %swap3A_77 : vector<1x16xf32> to vector<16xf32>
      %swap3A_79 = vector.shape_cast %broadcast_in_dim3A_75 : vector<16xf32> to vector<1x16xf32>
      tpu.vector_store %arg8[%swap3A, %swap3A_76], %swap3A_79 {strides = array<i32>} : memref<128x128xf32, #tpu.memory_space<vmem>>, vector<1x16xf32>,
      %broadcast_in_dim3A_80 = arith.constant 0.000000e+00 : f32
      %broadcast_in_dim3A_81 = vector.broadcast %broadcast_in_dim3A_80 : f32 to vector<16xf32>
      %swap3A_82 = arith.index_cast %scan3A_74 : i32 to index
      %swap3A_83 = arith.constant 16 : index
      %swap3A_84 = tpu.vector_load %arg8[%swap3A_82, %swap3A_83] {strides = array<i32>} : memref<128x128xf32, #tpu.memory_space<vmem>>, vector<1x16xf32>,
      %swap3A_85 = vector.shape_cast %swap3A_84 : vector<1x16xf32> to vector<16xf32>
      %swap3A_86 = vector.shape_cast %broadcast_in_dim3A_81 : vector<16xf32> to vector<1x16xf32>
      tpu.vector_store %arg8[%swap3A_82, %swap3A_83], %swap3A_86 {strides = array<i32>} : memref<128x128xf32, #tpu.memory_space<vmem>>, vector<1x16xf32>,
      %broadcast_in_dim3A_87 = arith.constant 0.000000e+00 : f32
      %broadcast_in_dim3A_88 = vector.broadcast %broadcast_in_dim3A_87 : f32 to vector<16xf32>
      %swap3A_89 = arith.index_cast %scan3A_74 : i32 to index
      %swap3A_90 = arith.constant 32 : index
      %swap3A_91 = tpu.vector_load %arg8[%swap3A_89, %swap3A_90] {strides = array<i32>} : memref<128x128xf32, #tpu.memory_space<vmem>>, vector<1x16xf32>,
      %swap3A_92 = vector.shape_cast %swap3A_91 : vector<1x16xf32> to vector<16xf32>
      %swap3A_93 = vector.shape_cast %broadcast_in_dim3A_88 : vector<16xf32> to vector<1x16xf32>
      tpu.vector_store %arg8[%swap3A_89, %swap3A_90], %swap3A_93 {strides = array<i32>} : memref<128x128xf32, #tpu.memory_space<vmem>>, vector<1x16xf32>,
      %broadcast_in_dim3A_94 = arith.constant 0.000000e+00 : f32
      %broadcast_in_dim3A_95 = vector.broadcast %broadcast_in_dim3A_94 : f32 to vector<16xf32>
      %swap3A_96 = arith.index_cast %scan3A_74 : i32 to index
      %swap3A_97 = arith.constant 48 : index
      %swap3A_98 = tpu.vector_load %arg8[%swap3A_96, %swap3A_97] {strides = array<i32>} : memref<128x128xf32, #tpu.memory_space<vmem>>, vector<1x16xf32>,
      %swap3A_99 = vector.shape_cast %swap3A_98 : vector<1x16xf32> to vector<16xf32>
      %swap3A_100 = vector.shape_cast %broadcast_in_dim3A_95 : vector<16xf32> to vector<1x16xf32>
      tpu.vector_store %arg8[%swap3A_96, %swap3A_97], %swap3A_100 {strides = array<i32>} : memref<128x128xf32, #tpu.memory_space<vmem>>, vector<1x16xf32>,
      %broadcast_in_dim3A_101 = arith.constant 0.000000e+00 : f32
      %broadcast_in_dim3A_102 = vector.broadcast %broadcast_in_dim3A_101 : f32 to vector<16xf32>
      %swap3A_103 = arith.index_cast %scan3A_74 : i32 to index
      %swap3A_104 = arith.constant 64 : index
      %swap3A_105 = tpu.vector_load %arg8[%swap3A_103, %swap3A_104] {strides = array<i32>} : memref<128x128xf32, #tpu.memory_space<vmem>>, vector<1x16xf32>,
      %swap3A_106 = vector.shape_cast %swap3A_105 : vector<1x16xf32> to vector<16xf32>
      %swap3A_107 = vector.shape_cast %broadcast_in_dim3A_102 : vector<16xf32> to vector<1x16xf32>
      tpu.vector_store %arg8[%swap3A_103, %swap3A_104], %swap3A_107 {strides = array<i32>} : memref<128x128xf32, #tpu.memory_space<vmem>>, vector<1x16xf32>,
      %broadcast_in_dim3A_108 = arith.constant 0.000000e+00 : f32
      %broadcast_in_dim3A_109 = vector.broadcast %broadcast_in_dim3A_108 : f32 to vector<16xf32>
      %swap3A_110 = arith.index_cast %scan3A_74 : i32 to index
      %swap3A_111 = arith.constant 80 : index
      %swap3A_112 = tpu.vector_load %arg8[%swap3A_110, %swap3A_111] {strides = array<i32>} : memref<128x128xf32, #tpu.memory_space<vmem>>, vector<1x16xf32>,
      %swap3A_113 = vector.shape_cast %swap3A_112 : vector<1x16xf32> to vector<16xf32>
      %swap3A_114 = vector.shape_cast %broadcast_in_dim3A_109 : vector<16xf32> to vector<1x16xf32>
      tpu.vector_store %arg8[%swap3A_110, %swap3A_111], %swap3A_114 {strides = array<i32>} : memref<128x128xf32, #tpu.memory_space<vmem>>, vector<1x16xf32>,
      %broadcast_in_dim3A_115 = arith.constant 0.000000e+00 : f32
      %broadcast_in_dim3A_116 = vector.broadcast %broadcast_in_dim3A_115 : f32 to vector<16xf32>
      %swap3A_117 = arith.index_cast %scan3A_74 : i32 to index
      %swap3A_118 = arith.constant 96 : index
      %swap3A_119 = tpu.vector_load %arg8[%swap3A_117, %swap3A_118] {strides = array<i32>} : memref<128x128xf32, #tpu.memory_space<vmem>>, vector<1x16xf32>,
      %swap3A_120 = vector.shape_cast %swap3A_119 : vector<1x16xf32> to vector<16xf32>
      %swap3A_121 = vector.shape_cast %broadcast_in_dim3A_116 : vector<16xf32> to vector<1x16xf32>
      tpu.vector_store %arg8[%swap3A_117, %swap3A_118], %swap3A_121 {strides = array<i32>} : memref<128x128xf32, #tpu.memory_space<vmem>>, vector<1x16xf32>,
      %broadcast_in_dim3A_122 = arith.constant 0.000000e+00 : f32
      %broadcast_in_dim3A_123 = vector.broadcast %broadcast_in_dim3A_122 : f32 to vector<16xf32>
      %swap3A_124 = arith.index_cast %scan3A_74 : i32 to index
      %swap3A_125 = arith.constant 112 : index
      %swap3A_126 = tpu.vector_load %arg8[%swap3A_124, %swap3A_125] {strides = array<i32>} : memref<128x128xf32, #tpu.memory_space<vmem>>, vector<1x16xf32>,
      %swap3A_127 = vector.shape_cast %swap3A_126 : vector<1x16xf32> to vector<16xf32>
      %swap3A_128 = vector.shape_cast %broadcast_in_dim3A_123 : vector<16xf32> to vector<1x16xf32>
      tpu.vector_store %arg8[%swap3A_124, %swap3A_125], %swap3A_128 {strides = array<i32>} : memref<128x128xf32, #tpu.memory_space<vmem>>, vector<1x16xf32>,
    }
    %scan3A_5 = arith.constant 128 : i32
    %lt3A = arith.constant 15 : i32
    %lt3A_6 = arith.cmpi slt, %arg1, %lt3A : i32
    %convert_element_type3A = arith.extui %lt3A_6 : i1 to i32
    %cond3A = arith.constant 0 : i32
    %cond3A_7 = arith.cmpi ne, %convert_element_type3A, %cond3A : i32
    scf.if %cond3A_7 {
      %mul3A_74 = arith.constant 640 : i32
      %mul3A_75 = arith.muli %arg1, %mul3A_74 : i32
      %add3A_76 = arith.constant 0 : i32
      %add3A_77 = arith.addi %mul3A_75, %add3A_76 : i32
      "tpu.region"() ({
        %run_scoped3A = tpu.sem_alloc : memref<!tpu.dma_semaphore, #tpu.memory_space<semaphore_mem>>
        %dma_start3A_94 = arith.constant 0 : i32
        %dma_start3A_95 = tpu.memref_slice %arg10[%add3A_77, %dma_start3A_94] : memref<10008x128xf32, #tpu.memory_space<vmem_shared>> -> memref<128x128xf32, #tpu.memory_space<vmem_shared>>
        %dma_start3A_96 = arith.constant 0 : i32
        %dma_start3A_97 = tpu.memref_slice %arg10[%add3A_77, %dma_start3A_96] : memref<10008x128xf32, #tpu.memory_space<vmem_shared>> -> memref<128x128xf32, #tpu.memory_space<vmem_shared>>
        tpu.enqueue_dma source(%arg8 : memref<128x128xf32, #tpu.memory_space<vmem>>) target(%dma_start3A_97 : memref<128x128xf32, #tpu.memory_space<vmem_shared>>) target_semaphore(%run_scoped3A : memref<!tpu.dma_semaphore, #tpu.memory_space<semaphore_mem>>)
        %dma_wait3A_98 = arith.constant 0 : i32
        %dma_wait3A_99 = tpu.memref_slice %arg10[%add3A_77, %dma_wait3A_98] : memref<10008x128xf32, #tpu.memory_space<vmem_shared>> -> memref<128x128xf32, #tpu.memory_space<vmem_shared>>
        %dma_wait3A_100 = arith.constant 0 : i32
        %dma_wait3A_101 = tpu.memref_slice %arg10[%add3A_77, %dma_wait3A_100] : memref<10008x128xf32, #tpu.memory_space<vmem_shared>> -> memref<128x128xf32, #tpu.memory_space<vmem_shared>>
        tpu.wait_dma2 semaphore(%run_scoped3A : memref<!tpu.dma_semaphore, #tpu.memory_space<semaphore_mem>>) src(%arg8 : memref<128x128xf32, #tpu.memory_space<vmem>>) dst(%dma_wait3A_101 : memref<128x128xf32, #tpu.memory_space<vmem_shared>>)
        tpu.yield
      }) : () -> ()
      %mul3A_78 = arith.constant 640 : i32
      %mul3A_79 = arith.muli %arg1, %mul3A_78 : i32
      %add3A_80 = arith.constant 128 : i32
      %add3A_81 = arith.addi %mul3A_79, %add3A_80 : i32
      "tpu.region"() ({
        %run_scoped3A = tpu.sem_alloc : memref<!tpu.dma_semaphore, #tpu.memory_space<semaphore_mem>>
        %dma_start3A_94 = arith.constant 0 : i32
        %dma_start3A_95 = tpu.memref_slice %arg10[%add3A_81, %dma_start3A_94] : memref<10008x128xf32, #tpu.memory_space<vmem_shared>> -> memref<128x128xf32, #tpu.memory_space<vmem_shared>>
        %dma_start3A_96 = arith.constant 0 : i32
        %dma_start3A_97 = tpu.memref_slice %arg10[%add3A_81, %dma_start3A_96] : memref<10008x128xf32, #tpu.memory_space<vmem_shared>> -> memref<128x128xf32, #tpu.memory_space<vmem_shared>>
        tpu.enqueue_dma source(%arg8 : memref<128x128xf32, #tpu.memory_space<vmem>>) target(%dma_start3A_97 : memref<128x128xf32, #tpu.memory_space<vmem_shared>>) target_semaphore(%run_scoped3A : memref<!tpu.dma_semaphore, #tpu.memory_space<semaphore_mem>>)
        %dma_wait3A_98 = arith.constant 0 : i32
        %dma_wait3A_99 = tpu.memref_slice %arg10[%add3A_81, %dma_wait3A_98] : memref<10008x128xf32, #tpu.memory_space<vmem_shared>> -> memref<128x128xf32, #tpu.memory_space<vmem_shared>>
        %dma_wait3A_100 = arith.constant 0 : i32
        %dma_wait3A_101 = tpu.memref_slice %arg10[%add3A_81, %dma_wait3A_100] : memref<10008x128xf32, #tpu.memory_space<vmem_shared>> -> memref<128x128xf32, #tpu.memory_space<vmem_shared>>
        tpu.wait_dma2 semaphore(%run_scoped3A : memref<!tpu.dma_semaphore, #tpu.memory_space<semaphore_mem>>) src(%arg8 : memref<128x128xf32, #tpu.memory_space<vmem>>) dst(%dma_wait3A_101 : memref<128x128xf32, #tpu.memory_space<vmem_shared>>)
        tpu.yield
      }) : () -> ()
      %mul3A_82 = arith.constant 640 : i32
      %mul3A_83 = arith.muli %arg1, %mul3A_82 : i32
      %add3A_84 = arith.constant 256 : i32
      %add3A_85 = arith.addi %mul3A_83, %add3A_84 : i32
      "tpu.region"() ({
        %run_scoped3A = tpu.sem_alloc : memref<!tpu.dma_semaphore, #tpu.memory_space<semaphore_mem>>
        %dma_start3A_94 = arith.constant 0 : i32
        %dma_start3A_95 = tpu.memref_slice %arg10[%add3A_85, %dma_start3A_94] : memref<10008x128xf32, #tpu.memory_space<vmem_shared>> -> memref<128x128xf32, #tpu.memory_space<vmem_shared>>
        %dma_start3A_96 = arith.constant 0 : i32
        %dma_start3A_97 = tpu.memref_slice %arg10[%add3A_85, %dma_start3A_96] : memref<10008x128xf32, #tpu.memory_space<vmem_shared>> -> memref<128x128xf32, #tpu.memory_space<vmem_shared>>
        tpu.enqueue_dma source(%arg8 : memref<128x128xf32, #tpu.memory_space<vmem>>) target(%dma_start3A_97 : memref<128x128xf32, #tpu.memory_space<vmem_shared>>) target_semaphore(%run_scoped3A : memref<!tpu.dma_semaphore, #tpu.memory_space<semaphore_mem>>)
        %dma_wait3A_98 = arith.constant 0 : i32
        %dma_wait3A_99 = tpu.memref_slice %arg10[%add3A_85, %dma_wait3A_98] : memref<10008x128xf32, #tpu.memory_space<vmem_shared>> -> memref<128x128xf32, #tpu.memory_space<vmem_shared>>
        %dma_wait3A_100 = arith.constant 0 : i32
        %dma_wait3A_101 = tpu.memref_slice %arg10[%add3A_85, %dma_wait3A_100] : memref<10008x128xf32, #tpu.memory_space<vmem_shared>> -> memref<128x128xf32, #tpu.memory_space<vmem_shared>>
        tpu.wait_dma2 semaphore(%run_scoped3A : memref<!tpu.dma_semaphore, #tpu.memory_space<semaphore_mem>>) src(%arg8 : memref<128x128xf32, #tpu.memory_space<vmem>>) dst(%dma_wait3A_101 : memref<128x128xf32, #tpu.memory_space<vmem_shared>>)
        tpu.yield
      }) : () -> ()
      %mul3A_86 = arith.constant 640 : i32
      %mul3A_87 = arith.muli %arg1, %mul3A_86 : i32
      %add3A_88 = arith.constant 384 : i32
      %add3A_89 = arith.addi %mul3A_87, %add3A_88 : i32
      "tpu.region"() ({
        %run_scoped3A = tpu.sem_alloc : memref<!tpu.dma_semaphore, #tpu.memory_space<semaphore_mem>>
        %dma_start3A_94 = arith.constant 0 : i32
        %dma_start3A_95 = tpu.memref_slice %arg10[%add3A_89, %dma_start3A_94] : memref<10008x128xf32, #tpu.memory_space<vmem_shared>> -> memref<128x128xf32, #tpu.memory_space<vmem_shared>>
        %dma_start3A_96 = arith.constant 0 : i32
        %dma_start3A_97 = tpu.memref_slice %arg10[%add3A_89, %dma_start3A_96] : memref<10008x128xf32, #tpu.memory_space<vmem_shared>> -> memref<128x128xf32, #tpu.memory_space<vmem_shared>>
        tpu.enqueue_dma source(%arg8 : memref<128x128xf32, #tpu.memory_space<vmem>>) target(%dma_start3A_97 : memref<128x128xf32, #tpu.memory_space<vmem_shared>>) target_semaphore(%run_scoped3A : memref<!tpu.dma_semaphore, #tpu.memory_space<semaphore_mem>>)
        %dma_wait3A_98 = arith.constant 0 : i32
        %dma_wait3A_99 = tpu.memref_slice %arg10[%add3A_89, %dma_wait3A_98] : memref<10008x128xf32, #tpu.memory_space<vmem_shared>> -> memref<128x128xf32, #tpu.memory_space<vmem_shared>>
        %dma_wait3A_100 = arith.constant 0 : i32
        %dma_wait3A_101 = tpu.memref_slice %arg10[%add3A_89, %dma_wait3A_100] : memref<10008x128xf32, #tpu.memory_space<vmem_shared>> -> memref<128x128xf32, #tpu.memory_space<vmem_shared>>
        tpu.wait_dma2 semaphore(%run_scoped3A : memref<!tpu.dma_semaphore, #tpu.memory_space<semaphore_mem>>) src(%arg8 : memref<128x128xf32, #tpu.memory_space<vmem>>) dst(%dma_wait3A_101 : memref<128x128xf32, #tpu.memory_space<vmem_shared>>)
        tpu.yield
      }) : () -> ()
      %mul3A_90 = arith.constant 640 : i32
      %mul3A_91 = arith.muli %arg1, %mul3A_90 : i32
      %add3A_92 = arith.constant 512 : i32
      %add3A_93 = arith.addi %mul3A_91, %add3A_92 : i32
      "tpu.region"() ({
        %run_scoped3A = tpu.sem_alloc : memref<!tpu.dma_semaphore, #tpu.memory_space<semaphore_mem>>
        %dma_start3A_94 = arith.constant 0 : i32
        %dma_start3A_95 = tpu.memref_slice %arg10[%add3A_93, %dma_start3A_94] : memref<10008x128xf32, #tpu.memory_space<vmem_shared>> -> memref<128x128xf32, #tpu.memory_space<vmem_shared>>
        %dma_start3A_96 = arith.constant 0 : i32
        %dma_start3A_97 = tpu.memref_slice %arg10[%add3A_93, %dma_start3A_96] : memref<10008x128xf32, #tpu.memory_space<vmem_shared>> -> memref<128x128xf32, #tpu.memory_space<vmem_shared>>
        tpu.enqueue_dma source(%arg8 : memref<128x128xf32, #tpu.memory_space<vmem>>) target(%dma_start3A_97 : memref<128x128xf32, #tpu.memory_space<vmem_shared>>) target_semaphore(%run_scoped3A : memref<!tpu.dma_semaphore, #tpu.memory_space<semaphore_mem>>)
        %dma_wait3A_98 = arith.constant 0 : i32
        %dma_wait3A_99 = tpu.memref_slice %arg10[%add3A_93, %dma_wait3A_98] : memref<10008x128xf32, #tpu.memory_space<vmem_shared>> -> memref<128x128xf32, #tpu.memory_space<vmem_shared>>
        %dma_wait3A_100 = arith.constant 0 : i32
        %dma_wait3A_101 = tpu.memref_slice %arg10[%add3A_93, %dma_wait3A_100] : memref<10008x128xf32, #tpu.memory_space<vmem_shared>> -> memref<128x128xf32, #tpu.memory_space<vmem_shared>>
        tpu.wait_dma2 semaphore(%run_scoped3A : memref<!tpu.dma_semaphore, #tpu.memory_space<semaphore_mem>>) src(%arg8 : memref<128x128xf32, #tpu.memory_space<vmem>>) dst(%dma_wait3A_101 : memref<128x128xf32, #tpu.memory_space<vmem_shared>>)
        tpu.yield
      }) : () -> ()
    } else {
    }
    %eq3A = arith.constant 15 : i32
    %eq3A_8 = arith.cmpi eq, %arg1, %eq3A : i32
    %convert_element_type3A_9 = arith.extui %eq3A_8 : i1 to i32
    %cond3A_10 = arith.constant 0 : i32
    %cond3A_11 = arith.cmpi ne, %convert_element_type3A_9, %cond3A_10 : i32
    scf.if %cond3A_11 {
      "tpu.region"() ({
        %run_scoped3A = tpu.sem_alloc : memref<!tpu.dma_semaphore, #tpu.memory_space<semaphore_mem>>
        %dma_start3A_74 = arith.constant 9600 : i32
        %dma_start3A_75 = arith.constant 0 : i32
        %dma_start3A_76 = tpu.memref_slice %arg10[%dma_start3A_74, %dma_start3A_75] : memref<10008x128xf32, #tpu.memory_space<vmem_shared>> -> memref<128x128xf32, #tpu.memory_space<vmem_shared>>
        %dma_start3A_77 = arith.constant 9600 : i32
        %dma_start3A_78 = arith.constant 0 : i32
        %dma_start3A_79 = tpu.memref_slice %arg10[%dma_start3A_77, %dma_start3A_78] : memref<10008x128xf32, #tpu.memory_space<vmem_shared>> -> memref<128x128xf32, #tpu.memory_space<vmem_shared>>
        tpu.enqueue_dma source(%arg8 : memref<128x128xf32, #tpu.memory_space<vmem>>) target(%dma_start3A_79 : memref<128x128xf32, #tpu.memory_space<vmem_shared>>) target_semaphore(%run_scoped3A : memref<!tpu.dma_semaphore, #tpu.memory_space<semaphore_mem>>)
        %dma_wait3A_80 = arith.constant 9600 : i32
        %dma_wait3A_81 = arith.constant 0 : i32
        %dma_wait3A_82 = tpu.memref_slice %arg10[%dma_wait3A_80, %dma_wait3A_81] : memref<10008x128xf32, #tpu.memory_space<vmem_shared>> -> memref<128x128xf32, #tpu.memory_space<vmem_shared>>
        %dma_wait3A_83 = arith.constant 9600 : i32
        %dma_wait3A_84 = arith.constant 0 : i32
        %dma_wait3A_85 = tpu.memref_slice %arg10[%dma_wait3A_83, %dma_wait3A_84] : memref<10008x128xf32, #tpu.memory_space<vmem_shared>> -> memref<128x128xf32, #tpu.memory_space<vmem_shared>>
        tpu.wait_dma2 semaphore(%run_scoped3A : memref<!tpu.dma_semaphore, #tpu.memory_space<semaphore_mem>>) src(%arg8 : memref<128x128xf32, #tpu.memory_space<vmem>>) dst(%dma_wait3A_85 : memref<128x128xf32, #tpu.memory_space<vmem_shared>>)
        tpu.yield
      }) : () -> ()
      "tpu.region"() ({
        %run_scoped3A = tpu.sem_alloc : memref<!tpu.dma_semaphore, #tpu.memory_space<semaphore_mem>>
        %dma_start3A_74 = arith.constant 9728 : i32
        %dma_start3A_75 = arith.constant 0 : i32
        %dma_start3A_76 = tpu.memref_slice %arg10[%dma_start3A_74, %dma_start3A_75] : memref<10008x128xf32, #tpu.memory_space<vmem_shared>> -> memref<128x128xf32, #tpu.memory_space<vmem_shared>>
        %dma_start3A_77 = arith.constant 9728 : i32
        %dma_start3A_78 = arith.constant 0 : i32
        %dma_start3A_79 = tpu.memref_slice %arg10[%dma_start3A_77, %dma_start3A_78] : memref<10008x128xf32, #tpu.memory_space<vmem_shared>> -> memref<128x128xf32, #tpu.memory_space<vmem_shared>>
        tpu.enqueue_dma source(%arg8 : memref<128x128xf32, #tpu.memory_space<vmem>>) target(%dma_start3A_79 : memref<128x128xf32, #tpu.memory_space<vmem_shared>>) target_semaphore(%run_scoped3A : memref<!tpu.dma_semaphore, #tpu.memory_space<semaphore_mem>>)
        %dma_wait3A_80 = arith.constant 9728 : i32
        %dma_wait3A_81 = arith.constant 0 : i32
        %dma_wait3A_82 = tpu.memref_slice %arg10[%dma_wait3A_80, %dma_wait3A_81] : memref<10008x128xf32, #tpu.memory_space<vmem_shared>> -> memref<128x128xf32, #tpu.memory_space<vmem_shared>>
        %dma_wait3A_83 = arith.constant 9728 : i32
        %dma_wait3A_84 = arith.constant 0 : i32
        %dma_wait3A_85 = tpu.memref_slice %arg10[%dma_wait3A_83, %dma_wait3A_84] : memref<10008x128xf32, #tpu.memory_space<vmem_shared>> -> memref<128x128xf32, #tpu.memory_space<vmem_shared>>
        tpu.wait_dma2 semaphore(%run_scoped3A : memref<!tpu.dma_semaphore, #tpu.memory_space<semaphore_mem>>) src(%arg8 : memref<128x128xf32, #tpu.memory_space<vmem>>) dst(%dma_wait3A_85 : memref<128x128xf32, #tpu.memory_space<vmem_shared>>)
        tpu.yield
      }) : () -> ()
      "tpu.region"() ({
        %run_scoped3A = tpu.sem_alloc : memref<!tpu.dma_semaphore, #tpu.memory_space<semaphore_mem>>
        %dma_start3A_74 = arith.constant 9856 : i32
        %dma_start3A_75 = arith.constant 0 : i32
        %dma_start3A_76 = tpu.memref_slice %arg10[%dma_start3A_74, %dma_start3A_75] : memref<10008x128xf32, #tpu.memory_space<vmem_shared>> -> memref<128x128xf32, #tpu.memory_space<vmem_shared>>
        %dma_start3A_77 = arith.constant 9856 : i32
        %dma_start3A_78 = arith.constant 0 : i32
        %dma_start3A_79 = tpu.memref_slice %arg10[%dma_start3A_77, %dma_start3A_78] : memref<10008x128xf32, #tpu.memory_space<vmem_shared>> -> memref<128x128xf32, #tpu.memory_space<vmem_shared>>
        tpu.enqueue_dma source(%arg8 : memref<128x128xf32, #tpu.memory_space<vmem>>) target(%dma_start3A_79 : memref<128x128xf32, #tpu.memory_space<vmem_shared>>) target_semaphore(%run_scoped3A : memref<!tpu.dma_semaphore, #tpu.memory_space<semaphore_mem>>)
        %dma_wait3A_80 = arith.constant 9856 : i32
        %dma_wait3A_81 = arith.constant 0 : i32
        %dma_wait3A_82 = tpu.memref_slice %arg10[%dma_wait3A_80, %dma_wait3A_81] : memref<10008x128xf32, #tpu.memory_space<vmem_shared>> -> memref<128x128xf32, #tpu.memory_space<vmem_shared>>
        %dma_wait3A_83 = arith.constant 9856 : i32
        %dma_wait3A_84 = arith.constant 0 : i32
        %dma_wait3A_85 = tpu.memref_slice %arg10[%dma_wait3A_83, %dma_wait3A_84] : memref<10008x128xf32, #tpu.memory_space<vmem_shared>> -> memref<128x128xf32, #tpu.memory_space<vmem_shared>>
        tpu.wait_dma2 semaphore(%run_scoped3A : memref<!tpu.dma_semaphore, #tpu.memory_space<semaphore_mem>>) src(%arg8 : memref<128x128xf32, #tpu.memory_space<vmem>>) dst(%dma_wait3A_85 : memref<128x128xf32, #tpu.memory_space<vmem_shared>>)
        tpu.yield
      }) : () -> ()
      "tpu.region"() ({
        %run_scoped3A = tpu.sem_alloc : memref<!tpu.dma_semaphore, #tpu.memory_space<semaphore_mem>>
        %dma_start3A_74 = arith.constant 0 : i32
        %dma_start3A_75 = arith.constant 0 : i32
        %dma_start3A_76 = tpu.memref_slice %arg8[%dma_start3A_74, %dma_start3A_75] : memref<128x128xf32, #tpu.memory_space<vmem>> -> memref<16x128xf32, #tpu.memory_space<vmem>>
        %dma_start3A_77 = arith.constant 9984 : i32
        %dma_start3A_78 = arith.constant 0 : i32
        %dma_start3A_79 = tpu.memref_slice %arg10[%dma_start3A_77, %dma_start3A_78] : memref<10008x128xf32, #tpu.memory_space<vmem_shared>> -> memref<16x128xf32, #tpu.memory_space<vmem_shared>>
        %dma_start3A_80 = arith.constant 9984 : i32
        %dma_start3A_81 = arith.constant 0 : i32
        %dma_start3A_82 = tpu.memref_slice %arg10[%dma_start3A_80, %dma_start3A_81] : memref<10008x128xf32, #tpu.memory_space<vmem_shared>> -> memref<16x128xf32, #tpu.memory_space<vmem_shared>>
        %dma_start3A_83 = arith.constant 0 : i32
        %dma_start3A_84 = arith.constant 0 : i32
        %dma_start3A_85 = tpu.memref_slice %arg8[%dma_start3A_83, %dma_start3A_84] : memref<128x128xf32, #tpu.memory_space<vmem>> -> memref<16x128xf32, #tpu.memory_space<vmem>>
        tpu.enqueue_dma source(%dma_start3A_85 : memref<16x128xf32, #tpu.memory_space<vmem>>) target(%dma_start3A_82 : memref<16x128xf32, #tpu.memory_space<vmem_shared>>) target_semaphore(%run_scoped3A : memref<!tpu.dma_semaphore, #tpu.memory_space<semaphore_mem>>)
        %dma_wait3A_86 = arith.constant 0 : i32
        %dma_wait3A_87 = arith.constant 0 : i32
        %dma_wait3A_88 = tpu.memref_slice %arg8[%dma_wait3A_86, %dma_wait3A_87] : memref<128x128xf32, #tpu.memory_space<vmem>> -> memref<16x128xf32, #tpu.memory_space<vmem>>
        %dma_wait3A_89 = arith.constant 9984 : i32
        %dma_wait3A_90 = arith.constant 0 : i32
        %dma_wait3A_91 = tpu.memref_slice %arg10[%dma_wait3A_89, %dma_wait3A_90] : memref<10008x128xf32, #tpu.memory_space<vmem_shared>> -> memref<16x128xf32, #tpu.memory_space<vmem_shared>>
        %dma_wait3A_92 = arith.constant 9984 : i32
        %dma_wait3A_93 = arith.constant 0 : i32
        %dma_wait3A_94 = tpu.memref_slice %arg10[%dma_wait3A_92, %dma_wait3A_93] : memref<10008x128xf32, #tpu.memory_space<vmem_shared>> -> memref<16x128xf32, #tpu.memory_space<vmem_shared>>
        %dma_wait3A_95 = arith.constant 0 : i32
        %dma_wait3A_96 = arith.constant 0 : i32
        %dma_wait3A_97 = tpu.memref_slice %arg8[%dma_wait3A_95, %dma_wait3A_96] : memref<128x128xf32, #tpu.memory_space<vmem>> -> memref<16x128xf32, #tpu.memory_space<vmem>>
        tpu.wait_dma2 semaphore(%run_scoped3A : memref<!tpu.dma_semaphore, #tpu.memory_space<semaphore_mem>>) src(%dma_wait3A_97 : memref<16x128xf32, #tpu.memory_space<vmem>>) dst(%dma_wait3A_94 : memref<16x128xf32, #tpu.memory_space<vmem_shared>>)
        tpu.yield
      }) : () -> ()
    } else {
    }
    %barrier3A = arith.constant 0 : index
    tpu.barrier barrier_id(%barrier3A)
    %mul3A_12 = arith.constant 80 : i32
    %mul3A_13 = arith.muli %arg1, %mul3A_12 : i32
    %add3A = arith.constant 0 : i32
    %add3A_14 = arith.addi %mul3A_13, %add3A : i32
    %mul3A_15 = arith.constant 1280 : i32
    %mul3A_16 = arith.muli %arg0, %mul3A_15 : i32
    %add3A_17 = arith.addi %mul3A_16, %add3A_14 : i32
    "tpu.region"() ({
      %run_scoped3A = tpu.sem_alloc : memref<!tpu.dma_semaphore, #tpu.memory_space<semaphore_mem>>
      %dma_start3A_74 = arith.constant 0 : i32
      %dma_start3A_75 = tpu.memref_slice %arg3[%add3A_17, %dma_start3A_74] : memref<2560x128xi32, #tpu.memory_space<hbm>> -> memref<40x128xi32, #tpu.memory_space<hbm>>
      %dma_start3A_76 = arith.constant 0 : i32
      %dma_start3A_77 = tpu.memref_slice %arg3[%add3A_17, %dma_start3A_76] : memref<2560x128xi32, #tpu.memory_space<hbm>> -> memref<40x128xi32, #tpu.memory_space<hbm>>
      tpu.enqueue_dma source(%dma_start3A_77 : memref<40x128xi32, #tpu.memory_space<hbm>>) target(%arg6 : memref<40x128xi32, #tpu.memory_space<vmem>>) target_semaphore(%run_scoped3A : memref<!tpu.dma_semaphore, #tpu.memory_space<semaphore_mem>>)
      %dma_wait3A_78 = arith.constant 0 : i32
      %dma_wait3A_79 = tpu.memref_slice %arg3[%add3A_17, %dma_wait3A_78] : memref<2560x128xi32, #tpu.memory_space<hbm>> -> memref<40x128xi32, #tpu.memory_space<hbm>>
      %dma_wait3A_80 = arith.constant 0 : i32
      %dma_wait3A_81 = tpu.memref_slice %arg3[%add3A_17, %dma_wait3A_80] : memref<2560x128xi32, #tpu.memory_space<hbm>> -> memref<40x128xi32, #tpu.memory_space<hbm>>
      tpu.wait_dma2 semaphore(%run_scoped3A : memref<!tpu.dma_semaphore, #tpu.memory_space<semaphore_mem>>) src(%dma_wait3A_81 : memref<40x128xi32, #tpu.memory_space<hbm>>) dst(%arg6 : memref<40x128xi32, #tpu.memory_space<vmem>>)
      tpu.yield
    }) : () -> ()
    "tpu.region"() ({
      %run_scoped3A = tpu.sem_alloc : memref<!tpu.dma_semaphore, #tpu.memory_space<semaphore_mem>>
      %dma_start3A_74 = arith.constant 0 : i32
      %dma_start3A_75 = tpu.memref_slice %arg4[%add3A_14, %dma_start3A_74] : memref<1280x128xi32, #tpu.memory_space<hbm>> -> memref<40x128xi32, #tpu.memory_space<hbm>>
      %dma_start3A_76 = arith.constant 0 : i32
      %dma_start3A_77 = tpu.memref_slice %arg4[%add3A_14, %dma_start3A_76] : memref<1280x128xi32, #tpu.memory_space<hbm>> -> memref<40x128xi32, #tpu.memory_space<hbm>>
      tpu.enqueue_dma source(%dma_start3A_77 : memref<40x128xi32, #tpu.memory_space<hbm>>) target(%arg7 : memref<40x128xi32, #tpu.memory_space<vmem>>) target_semaphore(%run_scoped3A : memref<!tpu.dma_semaphore, #tpu.memory_space<semaphore_mem>>)
      %dma_wait3A_78 = arith.constant 0 : i32
      %dma_wait3A_79 = tpu.memref_slice %arg4[%add3A_14, %dma_wait3A_78] : memref<1280x128xi32, #tpu.memory_space<hbm>> -> memref<40x128xi32, #tpu.memory_space<hbm>>
      %dma_wait3A_80 = arith.constant 0 : i32
      %dma_wait3A_81 = tpu.memref_slice %arg4[%add3A_14, %dma_wait3A_80] : memref<1280x128xi32, #tpu.memory_space<hbm>> -> memref<40x128xi32, #tpu.memory_space<hbm>>
      tpu.wait_dma2 semaphore(%run_scoped3A : memref<!tpu.dma_semaphore, #tpu.memory_space<semaphore_mem>>) src(%dma_wait3A_81 : memref<40x128xi32, #tpu.memory_space<hbm>>) dst(%arg7 : memref<40x128xi32, #tpu.memory_space<vmem>>)
      tpu.yield
    }) : () -> ()
    %dma_start3A = arith.constant 0 : i32
    %dma_start3A_18 = arith.constant 0 : i32
    %dma_start3A_19 = tpu.memref_slice %arg6[%dma_start3A, %dma_start3A_18] : memref<40x128xi32, #tpu.memory_space<vmem>> -> memref<1x128xi32, #tpu.memory_space<vmem>>
    %dma_start3A_20 = tpu.memref_squeeze %dma_start3A_19 : memref<1x128xi32, #tpu.memory_space<vmem>> -> memref<128xi32, #tpu.memory_space<vmem>>
    %dma_start3A_21 = arith.constant 0 : i32
    %dma_start3A_22 = arith.constant 0 : i32
    %dma_start3A_23 = tpu.memref_slice %arg2[%dma_start3A_21, %dma_start3A_22] : memref<20000x128xf32, #tpu.memory_space<hbm>> -> memref<20000x128xf32, #tpu.memory_space<hbm>>
    tpu.enqueue_indirect_dma source(%dma_start3A_23 : memref<20000x128xf32, #tpu.memory_space<hbm>>) target(%arg8 : memref<128x128xf32, #tpu.memory_space<vmem>>) offsets(%dma_start3A_20 : memref<128xi32, #tpu.memory_space<vmem>>) semaphore(%arg11 : memref<!tpu.dma_semaphore, #tpu.memory_space<semaphore_mem>>)
    %scan3A_24 = arith.constant 0 : i32
    %scan3A_25 = arith.constant 0 : i32
    %scan3A_26 = arith.constant 20 : i32
    %scan3A_27 = arith.addi %scan3A_25, %scan3A_26 : i32
    %scan3A_28 = arith.constant 1 : i32
    scf.for %scan3A_74 = %scan3A_25 to %scan3A_27 step %scan3A_28  : i32 {
      %mul3A_75 = arith.constant 2 : i32
      %mul3A_76 = arith.muli %mul3A_75, %scan3A_74 : i32
      %mul3A_77 = arith.constant 2 : i32
      %mul3A_78 = arith.muli %mul3A_77, %scan3A_74 : i32
      %add3A_79 = arith.constant 1 : i32
      %add3A_80 = arith.addi %mul3A_78, %add3A_79 : i32
      %mul3A_81 = arith.constant 2 : i32
      %mul3A_82 = arith.muli %mul3A_81, %scan3A_74 : i32
      %add3A_83 = arith.constant 2 : i32
      %add3A_84 = arith.addi %mul3A_82, %add3A_83 : i32
      %min3A = arith.constant 39 : i32
      %min3A_85 = arith.minsi %add3A_84, %min3A : i32
      %dma_wait3A_86 = arith.constant 0 : i32
      %dma_wait3A_87 = tpu.memref_slice %arg6[%mul3A_76, %dma_wait3A_86] : memref<40x128xi32, #tpu.memory_space<vmem>> -> memref<1x128xi32, #tpu.memory_space<vmem>>
      %dma_wait3A_88 = tpu.memref_squeeze %dma_wait3A_87 : memref<1x128xi32, #tpu.memory_space<vmem>> -> memref<128xi32, #tpu.memory_space<vmem>>
      %dma_wait3A_89 = arith.constant 0 : i32
      %dma_wait3A_90 = arith.constant 0 : i32
      %dma_wait3A_91 = tpu.memref_slice %arg2[%dma_wait3A_89, %dma_wait3A_90] : memref<20000x128xf32, #tpu.memory_space<hbm>> -> memref<20000x128xf32, #tpu.memory_space<hbm>>
      tpu.wait_indirect_dma semaphore(%arg11 : memref<!tpu.dma_semaphore, #tpu.memory_space<semaphore_mem>>) src(%dma_wait3A_91 : memref<20000x128xf32, #tpu.memory_space<hbm>>) dst(%arg8 : memref<128x128xf32, #tpu.memory_space<vmem>>)
      %dma_start3A_92 = arith.constant 0 : i32
      %dma_start3A_93 = tpu.memref_slice %arg7[%mul3A_76, %dma_start3A_92] : memref<40x128xi32, #tpu.memory_space<vmem>> -> memref<1x128xi32, #tpu.memory_space<vmem>>
      %dma_start3A_94 = tpu.memref_squeeze %dma_start3A_93 : memref<1x128xi32, #tpu.memory_space<vmem>> -> memref<128xi32, #tpu.memory_space<vmem>>
      %dma_start3A_95 = arith.constant 0 : i32
      %dma_start3A_96 = arith.constant 0 : i32
      %dma_start3A_97 = tpu.memref_slice %arg10[%dma_start3A_95, %dma_start3A_96] : memref<10008x128xf32, #tpu.memory_space<vmem_shared>> -> memref<10008x128xf32, #tpu.memory_space<vmem_shared>>
      tpu.enqueue_indirect_dma source(%arg8 : memref<128x128xf32, #tpu.memory_space<vmem>>) target(%dma_start3A_97 : memref<10008x128xf32, #tpu.memory_space<vmem_shared>>) offsets(%dma_start3A_94 : memref<128xi32, #tpu.memory_space<vmem>>) semaphore(%arg12 : memref<!tpu.dma_semaphore, #tpu.memory_space<semaphore_mem>>) {add = true}
      %dma_start3A_98 = arith.constant 0 : i32
      %dma_start3A_99 = tpu.memref_slice %arg6[%add3A_80, %dma_start3A_98] : memref<40x128xi32, #tpu.memory_space<vmem>> -> memref<1x128xi32, #tpu.memory_space<vmem>>
      %dma_start3A_100 = tpu.memref_squeeze %dma_start3A_99 : memref<1x128xi32, #tpu.memory_space<vmem>> -> memref<128xi32, #tpu.memory_space<vmem>>
      %dma_start3A_101 = arith.constant 0 : i32
      %dma_start3A_102 = arith.constant 0 : i32
      %dma_start3A_103 = tpu.memref_slice %arg2[%dma_start3A_101, %dma_start3A_102] : memref<20000x128xf32, #tpu.memory_space<hbm>> -> memref<20000x128xf32, #tpu.memory_space<hbm>>
      tpu.enqueue_indirect_dma source(%dma_start3A_103 : memref<20000x128xf32, #tpu.memory_space<hbm>>) target(%arg9 : memref<128x128xf32, #tpu.memory_space<vmem>>) offsets(%dma_start3A_100 : memref<128xi32, #tpu.memory_space<vmem>>) semaphore(%arg11 : memref<!tpu.dma_semaphore, #tpu.memory_space<semaphore_mem>>)
      %dma_wait3A_104 = arith.constant 0 : i32
      %dma_wait3A_105 = tpu.memref_slice %arg6[%add3A_80, %dma_wait3A_104] : memref<40x128xi32, #tpu.memory_space<vmem>> -> memref<1x128xi32, #tpu.memory_space<vmem>>
      %dma_wait3A_106 = tpu.memref_squeeze %dma_wait3A_105 : memref<1x128xi32, #tpu.memory_space<vmem>> -> memref<128xi32, #tpu.memory_space<vmem>>
      %dma_wait3A_107 = arith.constant 0 : i32
      %dma_wait3A_108 = arith.constant 0 : i32
      %dma_wait3A_109 = tpu.memref_slice %arg2[%dma_wait3A_107, %dma_wait3A_108] : memref<20000x128xf32, #tpu.memory_space<hbm>> -> memref<20000x128xf32, #tpu.memory_space<hbm>>
      tpu.wait_indirect_dma semaphore(%arg11 : memref<!tpu.dma_semaphore, #tpu.memory_space<semaphore_mem>>) src(%dma_wait3A_109 : memref<20000x128xf32, #tpu.memory_space<hbm>>) dst(%arg9 : memref<128x128xf32, #tpu.memory_space<vmem>>)
      %dma_wait3A_110 = arith.constant 0 : i32
      %dma_wait3A_111 = tpu.memref_slice %arg7[%mul3A_76, %dma_wait3A_110] : memref<40x128xi32, #tpu.memory_space<vmem>> -> memref<1x128xi32, #tpu.memory_space<vmem>>
      %dma_wait3A_112 = tpu.memref_squeeze %dma_wait3A_111 : memref<1x128xi32, #tpu.memory_space<vmem>> -> memref<128xi32, #tpu.memory_space<vmem>>
      %dma_wait3A_113 = arith.constant 0 : i32
      %dma_wait3A_114 = arith.constant 0 : i32
      %dma_wait3A_115 = tpu.memref_slice %arg10[%dma_wait3A_113, %dma_wait3A_114] : memref<10008x128xf32, #tpu.memory_space<vmem_shared>> -> memref<10008x128xf32, #tpu.memory_space<vmem_shared>>
      tpu.wait_indirect_dma semaphore(%arg12 : memref<!tpu.dma_semaphore, #tpu.memory_space<semaphore_mem>>) src(%arg8 : memref<128x128xf32, #tpu.memory_space<vmem>>) dst(%dma_wait3A_115 : memref<10008x128xf32, #tpu.memory_space<vmem_shared>>)
      %dma_start3A_116 = arith.constant 0 : i32
      %dma_start3A_117 = tpu.memref_slice %arg7[%add3A_80, %dma_start3A_116] : memref<40x128xi32, #tpu.memory_space<vmem>> -> memref<1x128xi32, #tpu.memory_space<vmem>>
      %dma_start3A_118 = tpu.memref_squeeze %dma_start3A_117 : memref<1x128xi32, #tpu.memory_space<vmem>> -> memref<128xi32, #tpu.memory_space<vmem>>
      %dma_start3A_119 = arith.constant 0 : i32
      %dma_start3A_120 = arith.constant 0 : i32
      %dma_start3A_121 = tpu.memref_slice %arg10[%dma_start3A_119, %dma_start3A_120] : memref<10008x128xf32, #tpu.memory_space<vmem_shared>> -> memref<10008x128xf32, #tpu.memory_space<vmem_shared>>
      tpu.enqueue_indirect_dma source(%arg9 : memref<128x128xf32, #tpu.memory_space<vmem>>) target(%dma_start3A_121 : memref<10008x128xf32, #tpu.memory_space<vmem_shared>>) offsets(%dma_start3A_118 : memref<128xi32, #tpu.memory_space<vmem>>) semaphore(%arg12 : memref<!tpu.dma_semaphore, #tpu.memory_space<semaphore_mem>>) {add = true}
      %dma_start3A_122 = arith.constant 0 : i32
      %dma_start3A_123 = tpu.memref_slice %arg6[%min3A_85, %dma_start3A_122] : memref<40x128xi32, #tpu.memory_space<vmem>> -> memref<1x128xi32, #tpu.memory_space<vmem>>
      %dma_start3A_124 = tpu.memref_squeeze %dma_start3A_123 : memref<1x128xi32, #tpu.memory_space<vmem>> -> memref<128xi32, #tpu.memory_space<vmem>>
      %dma_start3A_125 = arith.constant 0 : i32
      %dma_start3A_126 = arith.constant 0 : i32
      %dma_start3A_127 = tpu.memref_slice %arg2[%dma_start3A_125, %dma_start3A_126] : memref<20000x128xf32, #tpu.memory_space<hbm>> -> memref<20000x128xf32, #tpu.memory_space<hbm>>
      tpu.enqueue_indirect_dma source(%dma_start3A_127 : memref<20000x128xf32, #tpu.memory_space<hbm>>) target(%arg8 : memref<128x128xf32, #tpu.memory_space<vmem>>) offsets(%dma_start3A_124 : memref<128xi32, #tpu.memory_space<vmem>>) semaphore(%arg11 : memref<!tpu.dma_semaphore, #tpu.memory_space<semaphore_mem>>)
      %dma_wait3A_128 = arith.constant 0 : i32
      %dma_wait3A_129 = tpu.memref_slice %arg7[%add3A_80, %dma_wait3A_128] : memref<40x128xi32, #tpu.memory_space<vmem>> -> memref<1x128xi32, #tpu.memory_space<vmem>>
      %dma_wait3A_130 = tpu.memref_squeeze %dma_wait3A_129 : memref<1x128xi32, #tpu.memory_space<vmem>> -> memref<128xi32, #tpu.memory_space<vmem>>
      %dma_wait3A_131 = arith.constant 0 : i32
      %dma_wait3A_132 = arith.constant 0 : i32
      %dma_wait3A_133 = tpu.memref_slice %arg10[%dma_wait3A_131, %dma_wait3A_132] : memref<10008x128xf32, #tpu.memory_space<vmem_shared>> -> memref<10008x128xf32, #tpu.memory_space<vmem_shared>>
      tpu.wait_indirect_dma semaphore(%arg12 : memref<!tpu.dma_semaphore, #tpu.memory_space<semaphore_mem>>) src(%arg9 : memref<128x128xf32, #tpu.memory_space<vmem>>) dst(%dma_wait3A_133 : memref<10008x128xf32, #tpu.memory_space<vmem_shared>>)
    }
    %scan3A_29 = arith.constant 20 : i32
    %dma_wait3A = arith.constant 0 : i32
    %dma_wait3A_30 = arith.constant 0 : i32
    %dma_wait3A_31 = tpu.memref_slice %arg6[%dma_wait3A, %dma_wait3A_30] : memref<40x128xi32, #tpu.memory_space<vmem>> -> memref<1x128xi32, #tpu.memory_space<vmem>>
    %dma_wait3A_32 = tpu.memref_squeeze %dma_wait3A_31 : memref<1x128xi32, #tpu.memory_space<vmem>> -> memref<128xi32, #tpu.memory_space<vmem>>
    %dma_wait3A_33 = arith.constant 0 : i32
    %dma_wait3A_34 = arith.constant 0 : i32
    %dma_wait3A_35 = tpu.memref_slice %arg2[%dma_wait3A_33, %dma_wait3A_34] : memref<20000x128xf32, #tpu.memory_space<hbm>> -> memref<20000x128xf32, #tpu.memory_space<hbm>>
    tpu.wait_indirect_dma semaphore(%arg11 : memref<!tpu.dma_semaphore, #tpu.memory_space<semaphore_mem>>) src(%dma_wait3A_35 : memref<20000x128xf32, #tpu.memory_space<hbm>>) dst(%arg8 : memref<128x128xf32, #tpu.memory_space<vmem>>)
    %mul3A_36 = arith.constant 80 : i32
    %mul3A_37 = arith.muli %arg1, %mul3A_36 : i32
    %add3A_38 = arith.constant 40 : i32
    %add3A_39 = arith.addi %mul3A_37, %add3A_38 : i32
    %mul3A_40 = arith.constant 1280 : i32
    %mul3A_41 = arith.muli %arg0, %mul3A_40 : i32
    %add3A_42 = arith.addi %mul3A_41, %add3A_39 : i32
    "tpu.region"() ({
      %run_scoped3A = tpu.sem_alloc : memref<!tpu.dma_semaphore, #tpu.memory_space<semaphore_mem>>
      %dma_start3A_74 = arith.constant 0 : i32
      %dma_start3A_75 = tpu.memref_slice %arg3[%add3A_42, %dma_start3A_74] : memref<2560x128xi32, #tpu.memory_space<hbm>> -> memref<40x128xi32, #tpu.memory_space<hbm>>
      %dma_start3A_76 = arith.constant 0 : i32
      %dma_start3A_77 = tpu.memref_slice %arg3[%add3A_42, %dma_start3A_76] : memref<2560x128xi32, #tpu.memory_space<hbm>> -> memref<40x128xi32, #tpu.memory_space<hbm>>
      tpu.enqueue_dma source(%dma_start3A_77 : memref<40x128xi32, #tpu.memory_space<hbm>>) target(%arg6 : memref<40x128xi32, #tpu.memory_space<vmem>>) target_semaphore(%run_scoped3A : memref<!tpu.dma_semaphore, #tpu.memory_space<semaphore_mem>>)
      %dma_wait3A_78 = arith.constant 0 : i32
      %dma_wait3A_79 = tpu.memref_slice %arg3[%add3A_42, %dma_wait3A_78] : memref<2560x128xi32, #tpu.memory_space<hbm>> -> memref<40x128xi32, #tpu.memory_space<hbm>>
      %dma_wait3A_80 = arith.constant 0 : i32
      %dma_wait3A_81 = tpu.memref_slice %arg3[%add3A_42, %dma_wait3A_80] : memref<2560x128xi32, #tpu.memory_space<hbm>> -> memref<40x128xi32, #tpu.memory_space<hbm>>
      tpu.wait_dma2 semaphore(%run_scoped3A : memref<!tpu.dma_semaphore, #tpu.memory_space<semaphore_mem>>) src(%dma_wait3A_81 : memref<40x128xi32, #tpu.memory_space<hbm>>) dst(%arg6 : memref<40x128xi32, #tpu.memory_space<vmem>>)
      tpu.yield
    }) : () -> ()
    "tpu.region"() ({
      %run_scoped3A = tpu.sem_alloc : memref<!tpu.dma_semaphore, #tpu.memory_space<semaphore_mem>>
      %dma_start3A_74 = arith.constant 0 : i32
      %dma_start3A_75 = tpu.memref_slice %arg4[%add3A_39, %dma_start3A_74] : memref<1280x128xi32, #tpu.memory_space<hbm>> -> memref<40x128xi32, #tpu.memory_space<hbm>>
      %dma_start3A_76 = arith.constant 0 : i32
      %dma_start3A_77 = tpu.memref_slice %arg4[%add3A_39, %dma_start3A_76] : memref<1280x128xi32, #tpu.memory_space<hbm>> -> memref<40x128xi32, #tpu.memory_space<hbm>>
      tpu.enqueue_dma source(%dma_start3A_77 : memref<40x128xi32, #tpu.memory_space<hbm>>) target(%arg7 : memref<40x128xi32, #tpu.memory_space<vmem>>) target_semaphore(%run_scoped3A : memref<!tpu.dma_semaphore, #tpu.memory_space<semaphore_mem>>)
      %dma_wait3A_78 = arith.constant 0 : i32
      %dma_wait3A_79 = tpu.memref_slice %arg4[%add3A_39, %dma_wait3A_78] : memref<1280x128xi32, #tpu.memory_space<hbm>> -> memref<40x128xi32, #tpu.memory_space<hbm>>
      %dma_wait3A_80 = arith.constant 0 : i32
      %dma_wait3A_81 = tpu.memref_slice %arg4[%add3A_39, %dma_wait3A_80] : memref<1280x128xi32, #tpu.memory_space<hbm>> -> memref<40x128xi32, #tpu.memory_space<hbm>>
      tpu.wait_dma2 semaphore(%run_scoped3A : memref<!tpu.dma_semaphore, #tpu.memory_space<semaphore_mem>>) src(%dma_wait3A_81 : memref<40x128xi32, #tpu.memory_space<hbm>>) dst(%arg7 : memref<40x128xi32, #tpu.memory_space<vmem>>)
      tpu.yield
    }) : () -> ()
    %dma_start3A_43 = arith.constant 0 : i32
    %dma_start3A_44 = arith.constant 0 : i32
    %dma_start3A_45 = tpu.memref_slice %arg6[%dma_start3A_43, %dma_start3A_44] : memref<40x128xi32, #tpu.memory_space<vmem>> -> memref<1x128xi32, #tpu.memory_space<vmem>>
    %dma_start3A_46 = tpu.memref_squeeze %dma_start3A_45 : memref<1x128xi32, #tpu.memory_space<vmem>> -> memref<128xi32, #tpu.memory_space<vmem>>
    %dma_start3A_47 = arith.constant 0 : i32
    %dma_start3A_48 = arith.constant 0 : i32
    %dma_start3A_49 = tpu.memref_slice %arg2[%dma_start3A_47, %dma_start3A_48] : memref<20000x128xf32, #tpu.memory_space<hbm>> -> memref<20000x128xf32, #tpu.memory_space<hbm>>
    tpu.enqueue_indirect_dma source(%dma_start3A_49 : memref<20000x128xf32, #tpu.memory_space<hbm>>) target(%arg8 : memref<128x128xf32, #tpu.memory_space<vmem>>) offsets(%dma_start3A_46 : memref<128xi32, #tpu.memory_space<vmem>>) semaphore(%arg11 : memref<!tpu.dma_semaphore, #tpu.memory_space<semaphore_mem>>)
    %scan3A_50 = arith.constant 0 : i32
    %scan3A_51 = arith.constant 0 : i32
    %scan3A_52 = arith.constant 20 : i32
    %scan3A_53 = arith.addi %scan3A_51, %scan3A_52 : i32
    %scan3A_54 = arith.constant 1 : i32
    scf.for %scan3A_74 = %scan3A_51 to %scan3A_53 step %scan3A_54  : i32 {
      %mul3A_75 = arith.constant 2 : i32
      %mul3A_76 = arith.muli %mul3A_75, %scan3A_74 : i32
      %mul3A_77 = arith.constant 2 : i32
      %mul3A_78 = arith.muli %mul3A_77, %scan3A_74 : i32
      %add3A_79 = arith.constant 1 : i32
      %add3A_80 = arith.addi %mul3A_78, %add3A_79 : i32
      %mul3A_81 = arith.constant 2 : i32
      %mul3A_82 = arith.muli %mul3A_81, %scan3A_74 : i32
      %add3A_83 = arith.constant 2 : i32
      %add3A_84 = arith.addi %mul3A_82, %add3A_83 : i32
      %min3A = arith.constant 39 : i32
      %min3A_85 = arith.minsi %add3A_84, %min3A : i32
      %dma_wait3A_86 = arith.constant 0 : i32
      %dma_wait3A_87 = tpu.memref_slice %arg6[%mul3A_76, %dma_wait3A_86] : memref<40x128xi32, #tpu.memory_space<vmem>> -> memref<1x128xi32, #tpu.memory_space<vmem>>
      %dma_wait3A_88 = tpu.memref_squeeze %dma_wait3A_87 : memref<1x128xi32, #tpu.memory_space<vmem>> -> memref<128xi32, #tpu.memory_space<vmem>>
      %dma_wait3A_89 = arith.constant 0 : i32
      %dma_wait3A_90 = arith.constant 0 : i32
      %dma_wait3A_91 = tpu.memref_slice %arg2[%dma_wait3A_89, %dma_wait3A_90] : memref<20000x128xf32, #tpu.memory_space<hbm>> -> memref<20000x128xf32, #tpu.memory_space<hbm>>
      tpu.wait_indirect_dma semaphore(%arg11 : memref<!tpu.dma_semaphore, #tpu.memory_space<semaphore_mem>>) src(%dma_wait3A_91 : memref<20000x128xf32, #tpu.memory_space<hbm>>) dst(%arg8 : memref<128x128xf32, #tpu.memory_space<vmem>>)
      %dma_start3A_92 = arith.constant 0 : i32
      %dma_start3A_93 = tpu.memref_slice %arg7[%mul3A_76, %dma_start3A_92] : memref<40x128xi32, #tpu.memory_space<vmem>> -> memref<1x128xi32, #tpu.memory_space<vmem>>
      %dma_start3A_94 = tpu.memref_squeeze %dma_start3A_93 : memref<1x128xi32, #tpu.memory_space<vmem>> -> memref<128xi32, #tpu.memory_space<vmem>>
      %dma_start3A_95 = arith.constant 0 : i32
      %dma_start3A_96 = arith.constant 0 : i32
      %dma_start3A_97 = tpu.memref_slice %arg10[%dma_start3A_95, %dma_start3A_96] : memref<10008x128xf32, #tpu.memory_space<vmem_shared>> -> memref<10008x128xf32, #tpu.memory_space<vmem_shared>>
      tpu.enqueue_indirect_dma source(%arg8 : memref<128x128xf32, #tpu.memory_space<vmem>>) target(%dma_start3A_97 : memref<10008x128xf32, #tpu.memory_space<vmem_shared>>) offsets(%dma_start3A_94 : memref<128xi32, #tpu.memory_space<vmem>>) semaphore(%arg12 : memref<!tpu.dma_semaphore, #tpu.memory_space<semaphore_mem>>) {add = true}
      %dma_start3A_98 = arith.constant 0 : i32
      %dma_start3A_99 = tpu.memref_slice %arg6[%add3A_80, %dma_start3A_98] : memref<40x128xi32, #tpu.memory_space<vmem>> -> memref<1x128xi32, #tpu.memory_space<vmem>>
      %dma_start3A_100 = tpu.memref_squeeze %dma_start3A_99 : memref<1x128xi32, #tpu.memory_space<vmem>> -> memref<128xi32, #tpu.memory_space<vmem>>
      %dma_start3A_101 = arith.constant 0 : i32
      %dma_start3A_102 = arith.constant 0 : i32
      %dma_start3A_103 = tpu.memref_slice %arg2[%dma_start3A_101, %dma_start3A_102] : memref<20000x128xf32, #tpu.memory_space<hbm>> -> memref<20000x128xf32, #tpu.memory_space<hbm>>
      tpu.enqueue_indirect_dma source(%dma_start3A_103 : memref<20000x128xf32, #tpu.memory_space<hbm>>) target(%arg9 : memref<128x128xf32, #tpu.memory_space<vmem>>) offsets(%dma_start3A_100 : memref<128xi32, #tpu.memory_space<vmem>>) semaphore(%arg11 : memref<!tpu.dma_semaphore, #tpu.memory_space<semaphore_mem>>)
      %dma_wait3A_104 = arith.constant 0 : i32
      %dma_wait3A_105 = tpu.memref_slice %arg6[%add3A_80, %dma_wait3A_104] : memref<40x128xi32, #tpu.memory_space<vmem>> -> memref<1x128xi32, #tpu.memory_space<vmem>>
      %dma_wait3A_106 = tpu.memref_squeeze %dma_wait3A_105 : memref<1x128xi32, #tpu.memory_space<vmem>> -> memref<128xi32, #tpu.memory_space<vmem>>
      %dma_wait3A_107 = arith.constant 0 : i32
      %dma_wait3A_108 = arith.constant 0 : i32
      %dma_wait3A_109 = tpu.memref_slice %arg2[%dma_wait3A_107, %dma_wait3A_108] : memref<20000x128xf32, #tpu.memory_space<hbm>> -> memref<20000x128xf32, #tpu.memory_space<hbm>>
      tpu.wait_indirect_dma semaphore(%arg11 : memref<!tpu.dma_semaphore, #tpu.memory_space<semaphore_mem>>) src(%dma_wait3A_109 : memref<20000x128xf32, #tpu.memory_space<hbm>>) dst(%arg9 : memref<128x128xf32, #tpu.memory_space<vmem>>)
      %dma_wait3A_110 = arith.constant 0 : i32
      %dma_wait3A_111 = tpu.memref_slice %arg7[%mul3A_76, %dma_wait3A_110] : memref<40x128xi32, #tpu.memory_space<vmem>> -> memref<1x128xi32, #tpu.memory_space<vmem>>
      %dma_wait3A_112 = tpu.memref_squeeze %dma_wait3A_111 : memref<1x128xi32, #tpu.memory_space<vmem>> -> memref<128xi32, #tpu.memory_space<vmem>>
      %dma_wait3A_113 = arith.constant 0 : i32
      %dma_wait3A_114 = arith.constant 0 : i32
      %dma_wait3A_115 = tpu.memref_slice %arg10[%dma_wait3A_113, %dma_wait3A_114] : memref<10008x128xf32, #tpu.memory_space<vmem_shared>> -> memref<10008x128xf32, #tpu.memory_space<vmem_shared>>
      tpu.wait_indirect_dma semaphore(%arg12 : memref<!tpu.dma_semaphore, #tpu.memory_space<semaphore_mem>>) src(%arg8 : memref<128x128xf32, #tpu.memory_space<vmem>>) dst(%dma_wait3A_115 : memref<10008x128xf32, #tpu.memory_space<vmem_shared>>)
      %dma_start3A_116 = arith.constant 0 : i32
      %dma_start3A_117 = tpu.memref_slice %arg7[%add3A_80, %dma_start3A_116] : memref<40x128xi32, #tpu.memory_space<vmem>> -> memref<1x128xi32, #tpu.memory_space<vmem>>
      %dma_start3A_118 = tpu.memref_squeeze %dma_start3A_117 : memref<1x128xi32, #tpu.memory_space<vmem>> -> memref<128xi32, #tpu.memory_space<vmem>>
      %dma_start3A_119 = arith.constant 0 : i32
      %dma_start3A_120 = arith.constant 0 : i32
      %dma_start3A_121 = tpu.memref_slice %arg10[%dma_start3A_119, %dma_start3A_120] : memref<10008x128xf32, #tpu.memory_space<vmem_shared>> -> memref<10008x128xf32, #tpu.memory_space<vmem_shared>>
      tpu.enqueue_indirect_dma source(%arg9 : memref<128x128xf32, #tpu.memory_space<vmem>>) target(%dma_start3A_121 : memref<10008x128xf32, #tpu.memory_space<vmem_shared>>) offsets(%dma_start3A_118 : memref<128xi32, #tpu.memory_space<vmem>>) semaphore(%arg12 : memref<!tpu.dma_semaphore, #tpu.memory_space<semaphore_mem>>) {add = true}
      %dma_start3A_122 = arith.constant 0 : i32
      %dma_start3A_123 = tpu.memref_slice %arg6[%min3A_85, %dma_start3A_122] : memref<40x128xi32, #tpu.memory_space<vmem>> -> memref<1x128xi32, #tpu.memory_space<vmem>>
      %dma_start3A_124 = tpu.memref_squeeze %dma_start3A_123 : memref<1x128xi32, #tpu.memory_space<vmem>> -> memref<128xi32, #tpu.memory_space<vmem>>
      %dma_start3A_125 = arith.constant 0 : i32
      %dma_start3A_126 = arith.constant 0 : i32
      %dma_start3A_127 = tpu.memref_slice %arg2[%dma_start3A_125, %dma_start3A_126] : memref<20000x128xf32, #tpu.memory_space<hbm>> -> memref<20000x128xf32, #tpu.memory_space<hbm>>
      tpu.enqueue_indirect_dma source(%dma_start3A_127 : memref<20000x128xf32, #tpu.memory_space<hbm>>) target(%arg8 : memref<128x128xf32, #tpu.memory_space<vmem>>) offsets(%dma_start3A_124 : memref<128xi32, #tpu.memory_space<vmem>>) semaphore(%arg11 : memref<!tpu.dma_semaphore, #tpu.memory_space<semaphore_mem>>)
      %dma_wait3A_128 = arith.constant 0 : i32
      %dma_wait3A_129 = tpu.memref_slice %arg7[%add3A_80, %dma_wait3A_128] : memref<40x128xi32, #tpu.memory_space<vmem>> -> memref<1x128xi32, #tpu.memory_space<vmem>>
      %dma_wait3A_130 = tpu.memref_squeeze %dma_wait3A_129 : memref<1x128xi32, #tpu.memory_space<vmem>> -> memref<128xi32, #tpu.memory_space<vmem>>
      %dma_wait3A_131 = arith.constant 0 : i32
      %dma_wait3A_132 = arith.constant 0 : i32
      %dma_wait3A_133 = tpu.memref_slice %arg10[%dma_wait3A_131, %dma_wait3A_132] : memref<10008x128xf32, #tpu.memory_space<vmem_shared>> -> memref<10008x128xf32, #tpu.memory_space<vmem_shared>>
      tpu.wait_indirect_dma semaphore(%arg12 : memref<!tpu.dma_semaphore, #tpu.memory_space<semaphore_mem>>) src(%arg9 : memref<128x128xf32, #tpu.memory_space<vmem>>) dst(%dma_wait3A_133 : memref<10008x128xf32, #tpu.memory_space<vmem_shared>>)
    }
    %scan3A_55 = arith.constant 20 : i32
    %dma_wait3A_56 = arith.constant 0 : i32
    %dma_wait3A_57 = arith.constant 0 : i32
    %dma_wait3A_58 = tpu.memref_slice %arg6[%dma_wait3A_56, %dma_wait3A_57] : memref<40x128xi32, #tpu.memory_space<vmem>> -> memref<1x128xi32, #tpu.memory_space<vmem>>
    %dma_wait3A_59 = tpu.memref_squeeze %dma_wait3A_58 : memref<1x128xi32, #tpu.memory_space<vmem>> -> memref<128xi32, #tpu.memory_space<vmem>>
    %dma_wait3A_60 = arith.constant 0 : i32
    %dma_wait3A_61 = arith.constant 0 : i32
    %dma_wait3A_62 = tpu.memref_slice %arg2[%dma_wait3A_60, %dma_wait3A_61] : memref<20000x128xf32, #tpu.memory_space<hbm>> -> memref<20000x128xf32, #tpu.memory_space<hbm>>
    tpu.wait_indirect_dma semaphore(%arg11 : memref<!tpu.dma_semaphore, #tpu.memory_space<semaphore_mem>>) src(%dma_wait3A_62 : memref<20000x128xf32, #tpu.memory_space<hbm>>) dst(%arg8 : memref<128x128xf32, #tpu.memory_space<vmem>>)
    %barrier3A_63 = arith.constant 0 : index
    tpu.barrier barrier_id(%barrier3A_63)
    %lt3A_64 = arith.constant 15 : i32
    %lt3A_65 = arith.cmpi slt, %arg1, %lt3A_64 : i32
    %convert_element_type3A_66 = arith.extui %lt3A_65 : i1 to i32
    %cond3A_67 = arith.constant 0 : i32
    %cond3A_68 = arith.cmpi ne, %convert_element_type3A_66, %cond3A_67 : i32
    scf.if %cond3A_68 {
      %mul3A_74 = arith.constant 640 : i32
      %mul3A_75 = arith.muli %arg1, %mul3A_74 : i32
      %add3A_76 = arith.constant 0 : i32
      %add3A_77 = arith.addi %mul3A_75, %add3A_76 : i32
      "tpu.region"() ({
        %run_scoped3A = tpu.sem_alloc : memref<!tpu.dma_semaphore, #tpu.memory_space<semaphore_mem>>
        %dma_start3A_159 = arith.constant 0 : i32
        %dma_start3A_160 = tpu.memref_slice %arg10[%add3A_77, %dma_start3A_159] : memref<10008x128xf32, #tpu.memory_space<vmem_shared>> -> memref<128x128xf32, #tpu.memory_space<vmem_shared>>
        %dma_start3A_161 = arith.constant 0 : i32
        %dma_start3A_162 = tpu.memref_slice %arg10[%add3A_77, %dma_start3A_161] : memref<10008x128xf32, #tpu.memory_space<vmem_shared>> -> memref<128x128xf32, #tpu.memory_space<vmem_shared>>
        tpu.enqueue_dma source(%dma_start3A_162 : memref<128x128xf32, #tpu.memory_space<vmem_shared>>) target(%arg8 : memref<128x128xf32, #tpu.memory_space<vmem>>) target_semaphore(%run_scoped3A : memref<!tpu.dma_semaphore, #tpu.memory_space<semaphore_mem>>)
        %dma_wait3A_163 = arith.constant 0 : i32
        %dma_wait3A_164 = tpu.memref_slice %arg10[%add3A_77, %dma_wait3A_163] : memref<10008x128xf32, #tpu.memory_space<vmem_shared>> -> memref<128x128xf32, #tpu.memory_space<vmem_shared>>
        %dma_wait3A_165 = arith.constant 0 : i32
        %dma_wait3A_166 = tpu.memref_slice %arg10[%add3A_77, %dma_wait3A_165] : memref<10008x128xf32, #tpu.memory_space<vmem_shared>> -> memref<128x128xf32, #tpu.memory_space<vmem_shared>>
        tpu.wait_dma2 semaphore(%run_scoped3A : memref<!tpu.dma_semaphore, #tpu.memory_space<semaphore_mem>>) src(%dma_wait3A_166 : memref<128x128xf32, #tpu.memory_space<vmem_shared>>) dst(%arg8 : memref<128x128xf32, #tpu.memory_space<vmem>>)
        tpu.yield
      }) : () -> ()
      %mul3A_78 = arith.constant 640 : i32
      %mul3A_79 = arith.muli %arg1, %mul3A_78 : i32
      %add3A_80 = arith.addi %mul3A_0, %mul3A_79 : i32
      %add3A_81 = arith.constant 0 : i32
      %add3A_82 = arith.addi %add3A_80, %add3A_81 : i32
      %dma_start3A_83 = arith.constant 0 : i32
      %dma_start3A_84 = tpu.memref_slice %arg5[%add3A_82, %dma_start3A_83] : memref<20000x128xf32, #tpu.memory_space<hbm>> -> memref<128x128xf32, #tpu.memory_space<hbm>>
      %dma_start3A_85 = arith.constant 0 : i32
      %dma_start3A_86 = tpu.memref_slice %arg5[%add3A_82, %dma_start3A_85] : memref<20000x128xf32, #tpu.memory_space<hbm>> -> memref<128x128xf32, #tpu.memory_space<hbm>>
      tpu.enqueue_dma source(%arg8 : memref<128x128xf32, #tpu.memory_space<vmem>>) target(%dma_start3A_86 : memref<128x128xf32, #tpu.memory_space<hbm>>) target_semaphore(%arg11 : memref<!tpu.dma_semaphore, #tpu.memory_space<semaphore_mem>>)
      %mul3A_87 = arith.constant 640 : i32
      %mul3A_88 = arith.muli %arg1, %mul3A_87 : i32
      %add3A_89 = arith.constant 128 : i32
      %add3A_90 = arith.addi %mul3A_88, %add3A_89 : i32
      "tpu.region"() ({
        %run_scoped3A = tpu.sem_alloc : memref<!tpu.dma_semaphore, #tpu.memory_space<semaphore_mem>>
        %dma_start3A_159 = arith.constant 0 : i32
        %dma_start3A_160 = tpu.memref_slice %arg10[%add3A_90, %dma_start3A_159] : memref<10008x128xf32, #tpu.memory_space<vmem_shared>> -> memref<128x128xf32, #tpu.memory_space<vmem_shared>>
        %dma_start3A_161 = arith.constant 0 : i32
        %dma_start3A_162 = tpu.memref_slice %arg10[%add3A_90, %dma_start3A_161] : memref<10008x128xf32, #tpu.memory_space<vmem_shared>> -> memref<128x128xf32, #tpu.memory_space<vmem_shared>>
        tpu.enqueue_dma source(%dma_start3A_162 : memref<128x128xf32, #tpu.memory_space<vmem_shared>>) target(%arg9 : memref<128x128xf32, #tpu.memory_space<vmem>>) target_semaphore(%run_scoped3A : memref<!tpu.dma_semaphore, #tpu.memory_space<semaphore_mem>>)
        %dma_wait3A_163 = arith.constant 0 : i32
        %dma_wait3A_164 = tpu.memref_slice %arg10[%add3A_90, %dma_wait3A_163] : memref<10008x128xf32, #tpu.memory_space<vmem_shared>> -> memref<128x128xf32, #tpu.memory_space<vmem_shared>>
        %dma_wait3A_165 = arith.constant 0 : i32
        %dma_wait3A_166 = tpu.memref_slice %arg10[%add3A_90, %dma_wait3A_165] : memref<10008x128xf32, #tpu.memory_space<vmem_shared>> -> memref<128x128xf32, #tpu.memory_space<vmem_shared>>
        tpu.wait_dma2 semaphore(%run_scoped3A : memref<!tpu.dma_semaphore, #tpu.memory_space<semaphore_mem>>) src(%dma_wait3A_166 : memref<128x128xf32, #tpu.memory_space<vmem_shared>>) dst(%arg9 : memref<128x128xf32, #tpu.memory_space<vmem>>)
        tpu.yield
      }) : () -> ()
      %mul3A_91 = arith.constant 640 : i32
      %mul3A_92 = arith.muli %arg1, %mul3A_91 : i32
      %add3A_93 = arith.addi %mul3A_0, %mul3A_92 : i32
      %add3A_94 = arith.constant 128 : i32
      %add3A_95 = arith.addi %add3A_93, %add3A_94 : i32
      %dma_start3A_96 = arith.constant 0 : i32
      %dma_start3A_97 = tpu.memref_slice %arg5[%add3A_95, %dma_start3A_96] : memref<20000x128xf32, #tpu.memory_space<hbm>> -> memref<128x128xf32, #tpu.memory_space<hbm>>
      %dma_start3A_98 = arith.constant 0 : i32
      %dma_start3A_99 = tpu.memref_slice %arg5[%add3A_95, %dma_start3A_98] : memref<20000x128xf32, #tpu.memory_space<hbm>> -> memref<128x128xf32, #tpu.memory_space<hbm>>
      tpu.enqueue_dma source(%arg9 : memref<128x128xf32, #tpu.memory_space<vmem>>) target(%dma_start3A_99 : memref<128x128xf32, #tpu.memory_space<hbm>>) target_semaphore(%arg12 : memref<!tpu.dma_semaphore, #tpu.memory_space<semaphore_mem>>)
      %dma_wait3A_100 = arith.constant 0 : i32
      %dma_wait3A_101 = tpu.memref_slice %arg5[%mul3A_0, %dma_wait3A_100] : memref<20000x128xf32, #tpu.memory_space<hbm>> -> memref<128x128xf32, #tpu.memory_space<hbm>>
      %dma_wait3A_102 = arith.constant 0 : i32
      %dma_wait3A_103 = tpu.memref_slice %arg5[%mul3A_0, %dma_wait3A_102] : memref<20000x128xf32, #tpu.memory_space<hbm>> -> memref<128x128xf32, #tpu.memory_space<hbm>>
      tpu.wait_dma2 semaphore(%arg11 : memref<!tpu.dma_semaphore, #tpu.memory_space<semaphore_mem>>) src(%arg8 : memref<128x128xf32, #tpu.memory_space<vmem>>) dst(%dma_wait3A_103 : memref<128x128xf32, #tpu.memory_space<hbm>>)
      %mul3A_104 = arith.constant 640 : i32
      %mul3A_105 = arith.muli %arg1, %mul3A_104 : i32
      %add3A_106 = arith.constant 256 : i32
      %add3A_107 = arith.addi %mul3A_105, %add3A_106 : i32
      "tpu.region"() ({
        %run_scoped3A = tpu.sem_alloc : memref<!tpu.dma_semaphore, #tpu.memory_space<semaphore_mem>>
        %dma_start3A_159 = arith.constant 0 : i32
        %dma_start3A_160 = tpu.memref_slice %arg10[%add3A_107, %dma_start3A_159] : memref<10008x128xf32, #tpu.memory_space<vmem_shared>> -> memref<128x128xf32, #tpu.memory_space<vmem_shared>>
        %dma_start3A_161 = arith.constant 0 : i32
        %dma_start3A_162 = tpu.memref_slice %arg10[%add3A_107, %dma_start3A_161] : memref<10008x128xf32, #tpu.memory_space<vmem_shared>> -> memref<128x128xf32, #tpu.memory_space<vmem_shared>>
        tpu.enqueue_dma source(%dma_start3A_162 : memref<128x128xf32, #tpu.memory_space<vmem_shared>>) target(%arg8 : memref<128x128xf32, #tpu.memory_space<vmem>>) target_semaphore(%run_scoped3A : memref<!tpu.dma_semaphore, #tpu.memory_space<semaphore_mem>>)
        %dma_wait3A_163 = arith.constant 0 : i32
        %dma_wait3A_164 = tpu.memref_slice %arg10[%add3A_107, %dma_wait3A_163] : memref<10008x128xf32, #tpu.memory_space<vmem_shared>> -> memref<128x128xf32, #tpu.memory_space<vmem_shared>>
        %dma_wait3A_165 = arith.constant 0 : i32
        %dma_wait3A_166 = tpu.memref_slice %arg10[%add3A_107, %dma_wait3A_165] : memref<10008x128xf32, #tpu.memory_space<vmem_shared>> -> memref<128x128xf32, #tpu.memory_space<vmem_shared>>
        tpu.wait_dma2 semaphore(%run_scoped3A : memref<!tpu.dma_semaphore, #tpu.memory_space<semaphore_mem>>) src(%dma_wait3A_166 : memref<128x128xf32, #tpu.memory_space<vmem_shared>>) dst(%arg8 : memref<128x128xf32, #tpu.memory_space<vmem>>)
        tpu.yield
      }) : () -> ()
      %mul3A_108 = arith.constant 640 : i32
      %mul3A_109 = arith.muli %arg1, %mul3A_108 : i32
      %add3A_110 = arith.addi %mul3A_0, %mul3A_109 : i32
      %add3A_111 = arith.constant 256 : i32
      %add3A_112 = arith.addi %add3A_110, %add3A_111 : i32
      %dma_start3A_113 = arith.constant 0 : i32
      %dma_start3A_114 = tpu.memref_slice %arg5[%add3A_112, %dma_start3A_113] : memref<20000x128xf32, #tpu.memory_space<hbm>> -> memref<128x128xf32, #tpu.memory_space<hbm>>
      %dma_start3A_115 = arith.constant 0 : i32
      %dma_start3A_116 = tpu.memref_slice %arg5[%add3A_112, %dma_start3A_115] : memref<20000x128xf32, #tpu.memory_space<hbm>> -> memref<128x128xf32, #tpu.memory_space<hbm>>
      tpu.enqueue_dma source(%arg8 : memref<128x128xf32, #tpu.memory_space<vmem>>) target(%dma_start3A_116 : memref<128x128xf32, #tpu.memory_space<hbm>>) target_semaphore(%arg11 : memref<!tpu.dma_semaphore, #tpu.memory_space<semaphore_mem>>)
      %dma_wait3A_117 = arith.constant 0 : i32
      %dma_wait3A_118 = tpu.memref_slice %arg5[%mul3A_0, %dma_wait3A_117] : memref<20000x128xf32, #tpu.memory_space<hbm>> -> memref<128x128xf32, #tpu.memory_space<hbm>>
      %dma_wait3A_119 = arith.constant 0 : i32
      %dma_wait3A_120 = tpu.memref_slice %arg5[%mul3A_0, %dma_wait3A_119] : memref<20000x128xf32, #tpu.memory_space<hbm>> -> memref<128x128xf32, #tpu.memory_space<hbm>>
      tpu.wait_dma2 semaphore(%arg12 : memref<!tpu.dma_semaphore, #tpu.memory_space<semaphore_mem>>) src(%arg9 : memref<128x128xf32, #tpu.memory_space<vmem>>) dst(%dma_wait3A_120 : memref<128x128xf32, #tpu.memory_space<hbm>>)
      %mul3A_121 = arith.constant 640 : i32
      %mul3A_122 = arith.muli %arg1, %mul3A_121 : i32
      %add3A_123 = arith.constant 384 : i32
      %add3A_124 = arith.addi %mul3A_122, %add3A_123 : i32
      "tpu.region"() ({
        %run_scoped3A = tpu.sem_alloc : memref<!tpu.dma_semaphore, #tpu.memory_space<semaphore_mem>>
        %dma_start3A_159 = arith.constant 0 : i32
        %dma_start3A_160 = tpu.memref_slice %arg10[%add3A_124, %dma_start3A_159] : memref<10008x128xf32, #tpu.memory_space<vmem_shared>> -> memref<128x128xf32, #tpu.memory_space<vmem_shared>>
        %dma_start3A_161 = arith.constant 0 : i32
        %dma_start3A_162 = tpu.memref_slice %arg10[%add3A_124, %dma_start3A_161] : memref<10008x128xf32, #tpu.memory_space<vmem_shared>> -> memref<128x128xf32, #tpu.memory_space<vmem_shared>>
        tpu.enqueue_dma source(%dma_start3A_162 : memref<128x128xf32, #tpu.memory_space<vmem_shared>>) target(%arg9 : memref<128x128xf32, #tpu.memory_space<vmem>>) target_semaphore(%run_scoped3A : memref<!tpu.dma_semaphore, #tpu.memory_space<semaphore_mem>>)
        %dma_wait3A_163 = arith.constant 0 : i32
        %dma_wait3A_164 = tpu.memref_slice %arg10[%add3A_124, %dma_wait3A_163] : memref<10008x128xf32, #tpu.memory_space<vmem_shared>> -> memref<128x128xf32, #tpu.memory_space<vmem_shared>>
        %dma_wait3A_165 = arith.constant 0 : i32
        %dma_wait3A_166 = tpu.memref_slice %arg10[%add3A_124, %dma_wait3A_165] : memref<10008x128xf32, #tpu.memory_space<vmem_shared>> -> memref<128x128xf32, #tpu.memory_space<vmem_shared>>
        tpu.wait_dma2 semaphore(%run_scoped3A : memref<!tpu.dma_semaphore, #tpu.memory_space<semaphore_mem>>) src(%dma_wait3A_166 : memref<128x128xf32, #tpu.memory_space<vmem_shared>>) dst(%arg9 : memref<128x128xf32, #tpu.memory_space<vmem>>)
        tpu.yield
      }) : () -> ()
      %mul3A_125 = arith.constant 640 : i32
      %mul3A_126 = arith.muli %arg1, %mul3A_125 : i32
      %add3A_127 = arith.addi %mul3A_0, %mul3A_126 : i32
      %add3A_128 = arith.constant 384 : i32
      %add3A_129 = arith.addi %add3A_127, %add3A_128 : i32
      %dma_start3A_130 = arith.constant 0 : i32
      %dma_start3A_131 = tpu.memref_slice %arg5[%add3A_129, %dma_start3A_130] : memref<20000x128xf32, #tpu.memory_space<hbm>> -> memref<128x128xf32, #tpu.memory_space<hbm>>
      %dma_start3A_132 = arith.constant 0 : i32
      %dma_start3A_133 = tpu.memref_slice %arg5[%add3A_129, %dma_start3A_132] : memref<20000x128xf32, #tpu.memory_space<hbm>> -> memref<128x128xf32, #tpu.memory_space<hbm>>
      tpu.enqueue_dma source(%arg9 : memref<128x128xf32, #tpu.memory_space<vmem>>) target(%dma_start3A_133 : memref<128x128xf32, #tpu.memory_space<hbm>>) target_semaphore(%arg12 : memref<!tpu.dma_semaphore, #tpu.memory_space<semaphore_mem>>)
      %dma_wait3A_134 = arith.constant 0 : i32
      %dma_wait3A_135 = tpu.memref_slice %arg5[%mul3A_0, %dma_wait3A_134] : memref<20000x128xf32, #tpu.memory_space<hbm>> -> memref<128x128xf32, #tpu.memory_space<hbm>>
      %dma_wait3A_136 = arith.constant 0 : i32
      %dma_wait3A_137 = tpu.memref_slice %arg5[%mul3A_0, %dma_wait3A_136] : memref<20000x128xf32, #tpu.memory_space<hbm>> -> memref<128x128xf32, #tpu.memory_space<hbm>>
      tpu.wait_dma2 semaphore(%arg11 : memref<!tpu.dma_semaphore, #tpu.memory_space<semaphore_mem>>) src(%arg8 : memref<128x128xf32, #tpu.memory_space<vmem>>) dst(%dma_wait3A_137 : memref<128x128xf32, #tpu.memory_space<hbm>>)
      %mul3A_138 = arith.constant 640 : i32
      %mul3A_139 = arith.muli %arg1, %mul3A_138 : i32
      %add3A_140 = arith.constant 512 : i32
      %add3A_141 = arith.addi %mul3A_139, %add3A_140 : i32
      "tpu.region"() ({
        %run_scoped3A = tpu.sem_alloc : memref<!tpu.dma_semaphore, #tpu.memory_space<semaphore_mem>>
        %dma_start3A_159 = arith.constant 0 : i32
        %dma_start3A_160 = tpu.memref_slice %arg10[%add3A_141, %dma_start3A_159] : memref<10008x128xf32, #tpu.memory_space<vmem_shared>> -> memref<128x128xf32, #tpu.memory_space<vmem_shared>>
        %dma_start3A_161 = arith.constant 0 : i32
        %dma_start3A_162 = tpu.memref_slice %arg10[%add3A_141, %dma_start3A_161] : memref<10008x128xf32, #tpu.memory_space<vmem_shared>> -> memref<128x128xf32, #tpu.memory_space<vmem_shared>>
        tpu.enqueue_dma source(%dma_start3A_162 : memref<128x128xf32, #tpu.memory_space<vmem_shared>>) target(%arg8 : memref<128x128xf32, #tpu.memory_space<vmem>>) target_semaphore(%run_scoped3A : memref<!tpu.dma_semaphore, #tpu.memory_space<semaphore_mem>>)
        %dma_wait3A_163 = arith.constant 0 : i32
        %dma_wait3A_164 = tpu.memref_slice %arg10[%add3A_141, %dma_wait3A_163] : memref<10008x128xf32, #tpu.memory_space<vmem_shared>> -> memref<128x128xf32, #tpu.memory_space<vmem_shared>>
        %dma_wait3A_165 = arith.constant 0 : i32
        %dma_wait3A_166 = tpu.memref_slice %arg10[%add3A_141, %dma_wait3A_165] : memref<10008x128xf32, #tpu.memory_space<vmem_shared>> -> memref<128x128xf32, #tpu.memory_space<vmem_shared>>
        tpu.wait_dma2 semaphore(%run_scoped3A : memref<!tpu.dma_semaphore, #tpu.memory_space<semaphore_mem>>) src(%dma_wait3A_166 : memref<128x128xf32, #tpu.memory_space<vmem_shared>>) dst(%arg8 : memref<128x128xf32, #tpu.memory_space<vmem>>)
        tpu.yield
      }) : () -> ()
      %mul3A_142 = arith.constant 640 : i32
      %mul3A_143 = arith.muli %arg1, %mul3A_142 : i32
      %add3A_144 = arith.addi %mul3A_0, %mul3A_143 : i32
      %add3A_145 = arith.constant 512 : i32
      %add3A_146 = arith.addi %add3A_144, %add3A_145 : i32
      %dma_start3A_147 = arith.constant 0 : i32
      %dma_start3A_148 = tpu.memref_slice %arg5[%add3A_146, %dma_start3A_147] : memref<20000x128xf32, #tpu.memory_space<hbm>> -> memref<128x128xf32, #tpu.memory_space<hbm>>
      %dma_start3A_149 = arith.constant 0 : i32
      %dma_start3A_150 = tpu.memref_slice %arg5[%add3A_146, %dma_start3A_149] : memref<20000x128xf32, #tpu.memory_space<hbm>> -> memref<128x128xf32, #tpu.memory_space<hbm>>
      tpu.enqueue_dma source(%arg8 : memref<128x128xf32, #tpu.memory_space<vmem>>) target(%dma_start3A_150 : memref<128x128xf32, #tpu.memory_space<hbm>>) target_semaphore(%arg11 : memref<!tpu.dma_semaphore, #tpu.memory_space<semaphore_mem>>)
      %dma_wait3A_151 = arith.constant 0 : i32
      %dma_wait3A_152 = tpu.memref_slice %arg5[%mul3A_0, %dma_wait3A_151] : memref<20000x128xf32, #tpu.memory_space<hbm>> -> memref<128x128xf32, #tpu.memory_space<hbm>>
      %dma_wait3A_153 = arith.constant 0 : i32
      %dma_wait3A_154 = tpu.memref_slice %arg5[%mul3A_0, %dma_wait3A_153] : memref<20000x128xf32, #tpu.memory_space<hbm>> -> memref<128x128xf32, #tpu.memory_space<hbm>>
      tpu.wait_dma2 semaphore(%arg11 : memref<!tpu.dma_semaphore, #tpu.memory_space<semaphore_mem>>) src(%arg8 : memref<128x128xf32, #tpu.memory_space<vmem>>) dst(%dma_wait3A_154 : memref<128x128xf32, #tpu.memory_space<hbm>>)
      %dma_wait3A_155 = arith.constant 0 : i32
      %dma_wait3A_156 = tpu.memref_slice %arg5[%mul3A_0, %dma_wait3A_155] : memref<20000x128xf32, #tpu.memory_space<hbm>> -> memref<128x128xf32, #tpu.memory_space<hbm>>
      %dma_wait3A_157 = arith.constant 0 : i32
      %dma_wait3A_158 = tpu.memref_slice %arg5[%mul3A_0, %dma_wait3A_157] : memref<20000x128xf32, #tpu.memory_space<hbm>> -> memref<128x128xf32, #tpu.memory_space<hbm>>
      tpu.wait_dma2 semaphore(%arg12 : memref<!tpu.dma_semaphore, #tpu.memory_space<semaphore_mem>>) src(%arg9 : memref<128x128xf32, #tpu.memory_space<vmem>>) dst(%dma_wait3A_158 : memref<128x128xf32, #tpu.memory_space<hbm>>)
    } else {
    }
    %eq3A_69 = arith.constant 15 : i32
    %eq3A_70 = arith.cmpi eq, %arg1, %eq3A_69 : i32
    %convert_element_type3A_71 = arith.extui %eq3A_70 : i1 to i32
    %cond3A_72 = arith.constant 0 : i32
    %cond3A_73 = arith.cmpi ne, %convert_element_type3A_71, %cond3A_72 : i32
    scf.if %cond3A_73 {
      "tpu.region"() ({
        %run_scoped3A = tpu.sem_alloc : memref<!tpu.dma_semaphore, #tpu.memory_space<semaphore_mem>>
        %dma_start3A_112 = arith.constant 9600 : i32
        %dma_start3A_113 = arith.constant 0 : i32
        %dma_start3A_114 = tpu.memref_slice %arg10[%dma_start3A_112, %dma_start3A_113] : memref<10008x128xf32, #tpu.memory_space<vmem_shared>> -> memref<128x128xf32, #tpu.memory_space<vmem_shared>>
        %dma_start3A_115 = arith.constant 9600 : i32
        %dma_start3A_116 = arith.constant 0 : i32
        %dma_start3A_117 = tpu.memref_slice %arg10[%dma_start3A_115, %dma_start3A_116] : memref<10008x128xf32, #tpu.memory_space<vmem_shared>> -> memref<128x128xf32, #tpu.memory_space<vmem_shared>>
        tpu.enqueue_dma source(%dma_start3A_117 : memref<128x128xf32, #tpu.memory_space<vmem_shared>>) target(%arg8 : memref<128x128xf32, #tpu.memory_space<vmem>>) target_semaphore(%run_scoped3A : memref<!tpu.dma_semaphore, #tpu.memory_space<semaphore_mem>>)
        %dma_wait3A_118 = arith.constant 9600 : i32
        %dma_wait3A_119 = arith.constant 0 : i32
        %dma_wait3A_120 = tpu.memref_slice %arg10[%dma_wait3A_118, %dma_wait3A_119] : memref<10008x128xf32, #tpu.memory_space<vmem_shared>> -> memref<128x128xf32, #tpu.memory_space<vmem_shared>>
        %dma_wait3A_121 = arith.constant 9600 : i32
        %dma_wait3A_122 = arith.constant 0 : i32
        %dma_wait3A_123 = tpu.memref_slice %arg10[%dma_wait3A_121, %dma_wait3A_122] : memref<10008x128xf32, #tpu.memory_space<vmem_shared>> -> memref<128x128xf32, #tpu.memory_space<vmem_shared>>
        tpu.wait_dma2 semaphore(%run_scoped3A : memref<!tpu.dma_semaphore, #tpu.memory_space<semaphore_mem>>) src(%dma_wait3A_123 : memref<128x128xf32, #tpu.memory_space<vmem_shared>>) dst(%arg8 : memref<128x128xf32, #tpu.memory_space<vmem>>)
        tpu.yield
      }) : () -> ()
      %add3A_74 = arith.constant 9600 : i32
      %add3A_75 = arith.addi %mul3A_0, %add3A_74 : i32
      %add3A_76 = arith.constant 0 : i32
      %add3A_77 = arith.addi %add3A_75, %add3A_76 : i32
      %dma_start3A_78 = arith.constant 0 : i32
      %dma_start3A_79 = tpu.memref_slice %arg5[%add3A_77, %dma_start3A_78] : memref<20000x128xf32, #tpu.memory_space<hbm>> -> memref<128x128xf32, #tpu.memory_space<hbm>>
      %dma_start3A_80 = arith.constant 0 : i32
      %dma_start3A_81 = tpu.memref_slice %arg5[%add3A_77, %dma_start3A_80] : memref<20000x128xf32, #tpu.memory_space<hbm>> -> memref<128x128xf32, #tpu.memory_space<hbm>>
      tpu.enqueue_dma source(%arg8 : memref<128x128xf32, #tpu.memory_space<vmem>>) target(%dma_start3A_81 : memref<128x128xf32, #tpu.memory_space<hbm>>) target_semaphore(%arg11 : memref<!tpu.dma_semaphore, #tpu.memory_space<semaphore_mem>>)
      "tpu.region"() ({
        %run_scoped3A = tpu.sem_alloc : memref<!tpu.dma_semaphore, #tpu.memory_space<semaphore_mem>>
        %dma_start3A_112 = arith.constant 9728 : i32
        %dma_start3A_113 = arith.constant 0 : i32
        %dma_start3A_114 = tpu.memref_slice %arg10[%dma_start3A_112, %dma_start3A_113] : memref<10008x128xf32, #tpu.memory_space<vmem_shared>> -> memref<128x128xf32, #tpu.memory_space<vmem_shared>>
        %dma_start3A_115 = arith.constant 9728 : i32
        %dma_start3A_116 = arith.constant 0 : i32
        %dma_start3A_117 = tpu.memref_slice %arg10[%dma_start3A_115, %dma_start3A_116] : memref<10008x128xf32, #tpu.memory_space<vmem_shared>> -> memref<128x128xf32, #tpu.memory_space<vmem_shared>>
        tpu.enqueue_dma source(%dma_start3A_117 : memref<128x128xf32, #tpu.memory_space<vmem_shared>>) target(%arg9 : memref<128x128xf32, #tpu.memory_space<vmem>>) target_semaphore(%run_scoped3A : memref<!tpu.dma_semaphore, #tpu.memory_space<semaphore_mem>>)
        %dma_wait3A_118 = arith.constant 9728 : i32
        %dma_wait3A_119 = arith.constant 0 : i32
        %dma_wait3A_120 = tpu.memref_slice %arg10[%dma_wait3A_118, %dma_wait3A_119] : memref<10008x128xf32, #tpu.memory_space<vmem_shared>> -> memref<128x128xf32, #tpu.memory_space<vmem_shared>>
        %dma_wait3A_121 = arith.constant 9728 : i32
        %dma_wait3A_122 = arith.constant 0 : i32
        %dma_wait3A_123 = tpu.memref_slice %arg10[%dma_wait3A_121, %dma_wait3A_122] : memref<10008x128xf32, #tpu.memory_space<vmem_shared>> -> memref<128x128xf32, #tpu.memory_space<vmem_shared>>
        tpu.wait_dma2 semaphore(%run_scoped3A : memref<!tpu.dma_semaphore, #tpu.memory_space<semaphore_mem>>) src(%dma_wait3A_123 : memref<128x128xf32, #tpu.memory_space<vmem_shared>>) dst(%arg9 : memref<128x128xf32, #tpu.memory_space<vmem>>)
        tpu.yield
      }) : () -> ()
      %add3A_82 = arith.constant 9600 : i32
      %add3A_83 = arith.addi %mul3A_0, %add3A_82 : i32
      %add3A_84 = arith.constant 128 : i32
      %add3A_85 = arith.addi %add3A_83, %add3A_84 : i32
      %dma_start3A_86 = arith.constant 0 : i32
      %dma_start3A_87 = tpu.memref_slice %arg5[%add3A_85, %dma_start3A_86] : memref<20000x128xf32, #tpu.memory_space<hbm>> -> memref<128x128xf32, #tpu.memory_space<hbm>>
      %dma_start3A_88 = arith.constant 0 : i32
      %dma_start3A_89 = tpu.memref_slice %arg5[%add3A_85, %dma_start3A_88] : memref<20000x128xf32, #tpu.memory_space<hbm>> -> memref<128x128xf32, #tpu.memory_space<hbm>>
      tpu.enqueue_dma source(%arg9 : memref<128x128xf32, #tpu.memory_space<vmem>>) target(%dma_start3A_89 : memref<128x128xf32, #tpu.memory_space<hbm>>) target_semaphore(%arg12 : memref<!tpu.dma_semaphore, #tpu.memory_space<semaphore_mem>>)
      %dma_wait3A_90 = arith.constant 0 : i32
      %dma_wait3A_91 = tpu.memref_slice %arg5[%mul3A_0, %dma_wait3A_90] : memref<20000x128xf32, #tpu.memory_space<hbm>> -> memref<128x128xf32, #tpu.memory_space<hbm>>
      %dma_wait3A_92 = arith.constant 0 : i32
      %dma_wait3A_93 = tpu.memref_slice %arg5[%mul3A_0, %dma_wait3A_92] : memref<20000x128xf32, #tpu.memory_space<hbm>> -> memref<128x128xf32, #tpu.memory_space<hbm>>
      tpu.wait_dma2 semaphore(%arg11 : memref<!tpu.dma_semaphore, #tpu.memory_space<semaphore_mem>>) src(%arg8 : memref<128x128xf32, #tpu.memory_space<vmem>>) dst(%dma_wait3A_93 : memref<128x128xf32, #tpu.memory_space<hbm>>)
      "tpu.region"() ({
        %run_scoped3A = tpu.sem_alloc : memref<!tpu.dma_semaphore, #tpu.memory_space<semaphore_mem>>
        %dma_start3A_112 = arith.constant 9856 : i32
        %dma_start3A_113 = arith.constant 0 : i32
        %dma_start3A_114 = tpu.memref_slice %arg10[%dma_start3A_112, %dma_start3A_113] : memref<10008x128xf32, #tpu.memory_space<vmem_shared>> -> memref<128x128xf32, #tpu.memory_space<vmem_shared>>
        %dma_start3A_115 = arith.constant 9856 : i32
        %dma_start3A_116 = arith.constant 0 : i32
        %dma_start3A_117 = tpu.memref_slice %arg10[%dma_start3A_115, %dma_start3A_116] : memref<10008x128xf32, #tpu.memory_space<vmem_shared>> -> memref<128x128xf32, #tpu.memory_space<vmem_shared>>
        tpu.enqueue_dma source(%dma_start3A_117 : memref<128x128xf32, #tpu.memory_space<vmem_shared>>) target(%arg8 : memref<128x128xf32, #tpu.memory_space<vmem>>) target_semaphore(%run_scoped3A : memref<!tpu.dma_semaphore, #tpu.memory_space<semaphore_mem>>)
        %dma_wait3A_118 = arith.constant 9856 : i32
        %dma_wait3A_119 = arith.constant 0 : i32
        %dma_wait3A_120 = tpu.memref_slice %arg10[%dma_wait3A_118, %dma_wait3A_119] : memref<10008x128xf32, #tpu.memory_space<vmem_shared>> -> memref<128x128xf32, #tpu.memory_space<vmem_shared>>
        %dma_wait3A_121 = arith.constant 9856 : i32
        %dma_wait3A_122 = arith.constant 0 : i32
        %dma_wait3A_123 = tpu.memref_slice %arg10[%dma_wait3A_121, %dma_wait3A_122] : memref<10008x128xf32, #tpu.memory_space<vmem_shared>> -> memref<128x128xf32, #tpu.memory_space<vmem_shared>>
        tpu.wait_dma2 semaphore(%run_scoped3A : memref<!tpu.dma_semaphore, #tpu.memory_space<semaphore_mem>>) src(%dma_wait3A_123 : memref<128x128xf32, #tpu.memory_space<vmem_shared>>) dst(%arg8 : memref<128x128xf32, #tpu.memory_space<vmem>>)
        tpu.yield
      }) : () -> ()
      %add3A_94 = arith.constant 9600 : i32
      %add3A_95 = arith.addi %mul3A_0, %add3A_94 : i32
      %add3A_96 = arith.constant 256 : i32
      %add3A_97 = arith.addi %add3A_95, %add3A_96 : i32
      %dma_start3A_98 = arith.constant 0 : i32
      %dma_start3A_99 = tpu.memref_slice %arg5[%add3A_97, %dma_start3A_98] : memref<20000x128xf32, #tpu.memory_space<hbm>> -> memref<128x128xf32, #tpu.memory_space<hbm>>
      %dma_start3A_100 = arith.constant 0 : i32
      %dma_start3A_101 = tpu.memref_slice %arg5[%add3A_97, %dma_start3A_100] : memref<20000x128xf32, #tpu.memory_space<hbm>> -> memref<128x128xf32, #tpu.memory_space<hbm>>
      tpu.enqueue_dma source(%arg8 : memref<128x128xf32, #tpu.memory_space<vmem>>) target(%dma_start3A_101 : memref<128x128xf32, #tpu.memory_space<hbm>>) target_semaphore(%arg11 : memref<!tpu.dma_semaphore, #tpu.memory_space<semaphore_mem>>)
      %dma_wait3A_102 = arith.constant 0 : i32
      %dma_wait3A_103 = tpu.memref_slice %arg5[%mul3A_0, %dma_wait3A_102] : memref<20000x128xf32, #tpu.memory_space<hbm>> -> memref<128x128xf32, #tpu.memory_space<hbm>>
      %dma_wait3A_104 = arith.constant 0 : i32
      %dma_wait3A_105 = tpu.memref_slice %arg5[%mul3A_0, %dma_wait3A_104] : memref<20000x128xf32, #tpu.memory_space<hbm>> -> memref<128x128xf32, #tpu.memory_space<hbm>>
      tpu.wait_dma2 semaphore(%arg11 : memref<!tpu.dma_semaphore, #tpu.memory_space<semaphore_mem>>) src(%arg8 : memref<128x128xf32, #tpu.memory_space<vmem>>) dst(%dma_wait3A_105 : memref<128x128xf32, #tpu.memory_space<hbm>>)
      "tpu.region"() ({
        %run_scoped3A = tpu.sem_alloc : memref<!tpu.dma_semaphore, #tpu.memory_space<semaphore_mem>>
        %dma_start3A_112 = arith.constant 0 : i32
        %dma_start3A_113 = arith.constant 0 : i32
        %dma_start3A_114 = tpu.memref_slice %arg8[%dma_start3A_112, %dma_start3A_113] : memref<128x128xf32, #tpu.memory_space<vmem>> -> memref<16x128xf32, #tpu.memory_space<vmem>>
        %dma_start3A_115 = arith.constant 9984 : i32
        %dma_start3A_116 = arith.constant 0 : i32
        %dma_start3A_117 = tpu.memref_slice %arg10[%dma_start3A_115, %dma_start3A_116] : memref<10008x128xf32, #tpu.memory_space<vmem_shared>> -> memref<16x128xf32, #tpu.memory_space<vmem_shared>>
        %dma_start3A_118 = arith.constant 0 : i32
        %dma_start3A_119 = arith.constant 0 : i32
        %dma_start3A_120 = tpu.memref_slice %arg8[%dma_start3A_118, %dma_start3A_119] : memref<128x128xf32, #tpu.memory_space<vmem>> -> memref<16x128xf32, #tpu.memory_space<vmem>>
        %dma_start3A_121 = arith.constant 9984 : i32
        %dma_start3A_122 = arith.constant 0 : i32
        %dma_start3A_123 = tpu.memref_slice %arg10[%dma_start3A_121, %dma_start3A_122] : memref<10008x128xf32, #tpu.memory_space<vmem_shared>> -> memref<16x128xf32, #tpu.memory_space<vmem_shared>>
        tpu.enqueue_dma source(%dma_start3A_123 : memref<16x128xf32, #tpu.memory_space<vmem_shared>>) target(%dma_start3A_120 : memref<16x128xf32, #tpu.memory_space<vmem>>) target_semaphore(%run_scoped3A : memref<!tpu.dma_semaphore, #tpu.memory_space<semaphore_mem>>)
        %dma_wait3A_124 = arith.constant 0 : i32
        %dma_wait3A_125 = arith.constant 0 : i32
        %dma_wait3A_126 = tpu.memref_slice %arg8[%dma_wait3A_124, %dma_wait3A_125] : memref<128x128xf32, #tpu.memory_space<vmem>> -> memref<16x128xf32, #tpu.memory_space<vmem>>
        %dma_wait3A_127 = arith.constant 9984 : i32
        %dma_wait3A_128 = arith.constant 0 : i32
        %dma_wait3A_129 = tpu.memref_slice %arg10[%dma_wait3A_127, %dma_wait3A_128] : memref<10008x128xf32, #tpu.memory_space<vmem_shared>> -> memref<16x128xf32, #tpu.memory_space<vmem_shared>>
        %dma_wait3A_130 = arith.constant 0 : i32
        %dma_wait3A_131 = arith.constant 0 : i32
        %dma_wait3A_132 = tpu.memref_slice %arg8[%dma_wait3A_130, %dma_wait3A_131] : memref<128x128xf32, #tpu.memory_space<vmem>> -> memref<16x128xf32, #tpu.memory_space<vmem>>
        %dma_wait3A_133 = arith.constant 9984 : i32
        %dma_wait3A_134 = arith.constant 0 : i32
        %dma_wait3A_135 = tpu.memref_slice %arg10[%dma_wait3A_133, %dma_wait3A_134] : memref<10008x128xf32, #tpu.memory_space<vmem_shared>> -> memref<16x128xf32, #tpu.memory_space<vmem_shared>>
        tpu.wait_dma2 semaphore(%run_scoped3A : memref<!tpu.dma_semaphore, #tpu.memory_space<semaphore_mem>>) src(%dma_wait3A_135 : memref<16x128xf32, #tpu.memory_space<vmem_shared>>) dst(%dma_wait3A_132 : memref<16x128xf32, #tpu.memory_space<vmem>>)
        tpu.yield
      }) : () -> ()
      %add3A_106 = arith.constant 9984 : i32
      %add3A_107 = arith.addi %mul3A_0, %add3A_106 : i32
      "tpu.region"() ({
        %run_scoped3A = tpu.sem_alloc : memref<!tpu.dma_semaphore, #tpu.memory_space<semaphore_mem>>
        %dma_start3A_112 = arith.constant 0 : i32
        %dma_start3A_113 = arith.constant 0 : i32
        %dma_start3A_114 = tpu.memref_slice %arg8[%dma_start3A_112, %dma_start3A_113] : memref<128x128xf32, #tpu.memory_space<vmem>> -> memref<16x128xf32, #tpu.memory_space<vmem>>
        %dma_start3A_115 = arith.constant 0 : i32
        %dma_start3A_116 = tpu.memref_slice %arg5[%add3A_107, %dma_start3A_115] : memref<20000x128xf32, #tpu.memory_space<hbm>> -> memref<16x128xf32, #tpu.memory_space<hbm>>
        %dma_start3A_117 = arith.constant 0 : i32
        %dma_start3A_118 = tpu.memref_slice %arg5[%add3A_107, %dma_start3A_117] : memref<20000x128xf32, #tpu.memory_space<hbm>> -> memref<16x128xf32, #tpu.memory_space<hbm>>
        %dma_start3A_119 = arith.constant 0 : i32
        %dma_start3A_120 = arith.constant 0 : i32
        %dma_start3A_121 = tpu.memref_slice %arg8[%dma_start3A_119, %dma_start3A_120] : memref<128x128xf32, #tpu.memory_space<vmem>> -> memref<16x128xf32, #tpu.memory_space<vmem>>
        tpu.enqueue_dma source(%dma_start3A_121 : memref<16x128xf32, #tpu.memory_space<vmem>>) target(%dma_start3A_118 : memref<16x128xf32, #tpu.memory_space<hbm>>) target_semaphore(%run_scoped3A : memref<!tpu.dma_semaphore, #tpu.memory_space<semaphore_mem>>)
        %dma_wait3A_122 = arith.constant 0 : i32
        %dma_wait3A_123 = arith.constant 0 : i32
        %dma_wait3A_124 = tpu.memref_slice %arg8[%dma_wait3A_122, %dma_wait3A_123] : memref<128x128xf32, #tpu.memory_space<vmem>> -> memref<16x128xf32, #tpu.memory_space<vmem>>
        %dma_wait3A_125 = arith.constant 0 : i32
        %dma_wait3A_126 = tpu.memref_slice %arg5[%add3A_107, %dma_wait3A_125] : memref<20000x128xf32, #tpu.memory_space<hbm>> -> memref<16x128xf32, #tpu.memory_space<hbm>>
        %dma_wait3A_127 = arith.constant 0 : i32
        %dma_wait3A_128 = tpu.memref_slice %arg5[%add3A_107, %dma_wait3A_127] : memref<20000x128xf32, #tpu.memory_space<hbm>> -> memref<16x128xf32, #tpu.memory_space<hbm>>
        %dma_wait3A_129 = arith.constant 0 : i32
        %dma_wait3A_130 = arith.constant 0 : i32
        %dma_wait3A_131 = tpu.memref_slice %arg8[%dma_wait3A_129, %dma_wait3A_130] : memref<128x128xf32, #tpu.memory_space<vmem>> -> memref<16x128xf32, #tpu.memory_space<vmem>>
        tpu.wait_dma2 semaphore(%run_scoped3A : memref<!tpu.dma_semaphore, #tpu.memory_space<semaphore_mem>>) src(%dma_wait3A_131 : memref<16x128xf32, #tpu.memory_space<vmem>>) dst(%dma_wait3A_128 : memref<16x128xf32, #tpu.memory_space<hbm>>)
        tpu.yield
      }) : () -> ()
      %dma_wait3A_108 = arith.constant 0 : i32
      %dma_wait3A_109 = tpu.memref_slice %arg5[%mul3A_0, %dma_wait3A_108] : memref<20000x128xf32, #tpu.memory_space<hbm>> -> memref<128x128xf32, #tpu.memory_space<hbm>>
      %dma_wait3A_110 = arith.constant 0 : i32
      %dma_wait3A_111 = tpu.memref_slice %arg5[%mul3A_0, %dma_wait3A_110] : memref<20000x128xf32, #tpu.memory_space<hbm>> -> memref<128x128xf32, #tpu.memory_space<hbm>>
      tpu.wait_dma2 semaphore(%arg12 : memref<!tpu.dma_semaphore, #tpu.memory_space<semaphore_mem>>) src(%arg9 : memref<128x128xf32, #tpu.memory_space<vmem>>) dst(%dma_wait3A_111 : memref<128x128xf32, #tpu.memory_space<hbm>>)
    } else {
    }
    return
  }
}

module attributes {stable_mosaic.version = 14 : i64} {
  func.func @_dis_body(%arg0: i32, %arg1: memref<1000x1xf32, #tpu.memory_space<vmem>>, %arg2: memref<1000x2xf32, #tpu.memory_space<vmem>>, %arg3: memref<1000x2xf32, #tpu.memory_space<vmem>>, %arg4: memref<2x64xf32, #tpu.memory_space<vmem>>, %arg5: memref<1000x128xf32, #tpu.memory_space<vmem>>) attributes {dimension_semantics = [#tpu.dimension_semantics<arbitrary>], iteration_bounds = array<i64: 20>, scalar_prefetch = 0 : i64, scratch_operands = 0 : i64, tpu.core_type = #tpu.core_type<tc>, window_params = [{transform_indices = @transform_0, window_bounds = array<i64: 1000, 1>}, {transform_indices = @transform_1, window_bounds = array<i64: 1000, 2>}, {transform_indices = @transform_2, window_bounds = array<i64: 1000, 2>}, {pipeline_mode = #tpu.pipeline_mode<synchronous>, transform_indices = @transform_3, window_bounds = array<i64: 2, 64>}, {transform_indices = @transform_4, window_bounds = array<i64: 1000, 128>}]} {
    %get3A = arith.constant 0 : index
    %get3A_0 = arith.constant 0 : index
    %get3A_1 = vector.load %arg1[%get3A, %get3A_0] : memref<1000x1xf32, #tpu.memory_space<vmem>>, vector<1000x1xf32>
    %add3A = arith.constant 1.000000e+00 : f32
    %add3A_2 = vector.broadcast %add3A : f32 to vector<1000x1xf32>
    %add3A_3 = arith.addf %get3A_1, %add3A_2 : vector<1000x1xf32>
    %rsqrt3A = math.rsqrt %add3A_3 : vector<1000x1xf32>
    %get3A_4 = arith.constant 0 : index
    %get3A_5 = arith.constant 0 : index
    %get3A_6 = vector.load %arg4[%get3A_4, %get3A_5] : memref<2x64xf32, #tpu.memory_space<vmem>>, vector<2x64xf32>
    %get3A_7 = arith.constant 0 : index
    %get3A_8 = arith.constant 0 : index
    %get3A_9 = vector.load %arg2[%get3A_7, %get3A_8] : memref<1000x2xf32, #tpu.memory_space<vmem>>, vector<1000x2xf32>
    %dot_general3A = arith.constant dense<0.000000e+00> : vector<1000x64xf32>
    %dot_general3A_10 = tpu.matmul %get3A_9, %get3A_6, %dot_general3A {dimension_numbers = #tpu.dot_dimension_numbers<[1], [0], [0], [1], [0, 0, 1, 1], [], []>, transpose_lhs_hint = false} : vector<1000x2xf32>, vector<2x64xf32>, vector<1000x64xf32> -> vector<1000x64xf32>
    %mul3A = vector.broadcast %rsqrt3A : vector<1000x1xf32> to vector<1000x64xf32>
    %mul3A_11 = arith.mulf %mul3A, %dot_general3A_10 : vector<1000x64xf32>
    %get3A_12 = arith.constant 0 : index
    %get3A_13 = arith.constant 0 : index
    %get3A_14 = vector.load %arg3[%get3A_12, %get3A_13] : memref<1000x2xf32, #tpu.memory_space<vmem>>, vector<1000x2xf32>
    %dot_general3A_15 = arith.constant dense<0.000000e+00> : vector<1000x64xf32>
    %dot_general3A_16 = tpu.matmul %get3A_14, %get3A_6, %dot_general3A_15 {dimension_numbers = #tpu.dot_dimension_numbers<[1], [0], [0], [1], [0, 0, 1, 1], [], []>, transpose_lhs_hint = false} : vector<1000x2xf32>, vector<2x64xf32>, vector<1000x64xf32> -> vector<1000x64xf32>
    %mul3A_17 = vector.broadcast %rsqrt3A : vector<1000x1xf32> to vector<1000x64xf32>
    %mul3A_18 = arith.mulf %mul3A_17, %dot_general3A_16 : vector<1000x64xf32>
    %concatenate3A = tpu.concatenate %mul3A_11, %mul3A_18 in 1 : vector<1000x64xf32>, vector<1000x64xf32> -> vector<1000x128xf32>
    %swap3A = arith.constant 0 : index
    %swap3A_19 = arith.constant 0 : index
    %swap3A_20 = vector.load %arg5[%swap3A, %swap3A_19] : memref<1000x128xf32, #tpu.memory_space<vmem>>, vector<1000x128xf32>
    tpu.vector_store %arg5[%swap3A, %swap3A_19], %concatenate3A {strides = array<i32>} : memref<1000x128xf32, #tpu.memory_space<vmem>>, vector<1000x128xf32>,
    return
  }
  func.func @transform_0(%arg0: i32) -> (i32, i32) {
    %jit3A = arith.constant 10 : i32
    %eq3A = arith.constant 0 : i32
    %eq3A_0 = arith.cmpi eq, %jit3A, %eq3A : i32
    %jit3A_1 = arith.constant 1 : i32
    %select_n3A = arith.select %eq3A_0, %jit3A_1, %jit3A : i32
    %rem3A = arith.remsi %arg0, %select_n3A : i32
    %ne3A = arith.constant 0 : i32
    %ne3A_2 = arith.cmpi ne, %rem3A, %ne3A : i32
    %lt3A = arith.constant 0 : i32
    %lt3A_3 = arith.cmpi slt, %rem3A, %lt3A : i32
    %lt3A_4 = arith.constant 0 : i32
    %lt3A_5 = arith.cmpi slt, %select_n3A, %lt3A_4 : i32
    %ne3A_6 = arith.xori %lt3A_3, %lt3A_5 : i1
    %and3A = arith.andi %ne3A_6, %ne3A_2 : i1
    %add3A = arith.addi %rem3A, %select_n3A : i32
    %select_n3A_7 = arith.select %and3A, %add3A, %rem3A : i32
    %c0_i32 = arith.constant 0 : i32
    %c0_i32_8 = arith.constant 0 : i32
    return %select_n3A_7, %c0_i32 : i32, i32
  }
  func.func @transform_1(%arg0: i32) -> (i32, i32) {
    %jit3A = arith.constant 10 : i32
    %div3A = arith.divsi %arg0, %jit3A : i32
    %sign3A = arith.constant 0 : i32
    %sign3A_0 = arith.cmpi sgt, %arg0, %sign3A : i32
    %sign3A_1 = arith.extui %sign3A_0 : i1 to i32
    %sign3A_2 = arith.constant 0 : i32
    %sign3A_3 = arith.cmpi slt, %arg0, %sign3A_2 : i32
    %sign3A_4 = arith.extui %sign3A_3 : i1 to i32
    %sign3A_5 = arith.subi %sign3A_1, %sign3A_4 : i32
    %sign3A_6 = arith.constant 0 : i32
    %sign3A_7 = arith.cmpi sgt, %jit3A, %sign3A_6 : i32
    %sign3A_8 = arith.extui %sign3A_7 : i1 to i32
    %sign3A_9 = arith.constant 0 : i32
    %sign3A_10 = arith.cmpi slt, %jit3A, %sign3A_9 : i32
    %sign3A_11 = arith.extui %sign3A_10 : i1 to i32
    %sign3A_12 = arith.subi %sign3A_8, %sign3A_11 : i32
    %ne3A = arith.cmpi ne, %sign3A_5, %sign3A_12 : i32
    %rem3A = arith.remsi %arg0, %jit3A : i32
    %ne3A_13 = arith.constant 0 : i32
    %ne3A_14 = arith.cmpi ne, %rem3A, %ne3A_13 : i32
    %and3A = arith.andi %ne3A, %ne3A_14 : i1
    %sub3A = arith.constant 1 : i32
    %sub3A_15 = arith.subi %div3A, %sub3A : i32
    %select_n3A = arith.select %and3A, %sub3A_15, %div3A : i32
    %mul3A = arith.constant 2 : i32
    %mul3A_16 = arith.muli %mul3A, %select_n3A : i32
    %mul3A_17 = arith.constant 10 : i32
    %mul3A_18 = arith.muli %mul3A_16, %mul3A_17 : i32
    %jit3A_19 = arith.constant 10 : i32
    %eq3A = arith.constant 0 : i32
    %eq3A_20 = arith.cmpi eq, %jit3A_19, %eq3A : i32
    %jit3A_21 = arith.constant 1 : i32
    %select_n3A_22 = arith.select %eq3A_20, %jit3A_21, %jit3A_19 : i32
    %rem3A_23 = arith.remsi %arg0, %select_n3A_22 : i32
    %ne3A_24 = arith.constant 0 : i32
    %ne3A_25 = arith.cmpi ne, %rem3A_23, %ne3A_24 : i32
    %lt3A = arith.constant 0 : i32
    %lt3A_26 = arith.cmpi slt, %rem3A_23, %lt3A : i32
    %lt3A_27 = arith.constant 0 : i32
    %lt3A_28 = arith.cmpi slt, %select_n3A_22, %lt3A_27 : i32
    %ne3A_29 = arith.xori %lt3A_26, %lt3A_28 : i1
    %and3A_30 = arith.andi %ne3A_29, %ne3A_25 : i1
    %add3A = arith.addi %rem3A_23, %select_n3A_22 : i32
    %select_n3A_31 = arith.select %and3A_30, %add3A, %rem3A_23 : i32
    %add3A_32 = arith.addi %mul3A_18, %select_n3A_31 : i32
    %c0_i32 = arith.constant 0 : i32
    %c0_i32_33 = arith.constant 0 : i32
    return %add3A_32, %c0_i32 : i32, i32
  }
  func.func @transform_2(%arg0: i32) -> (i32, i32) {
    %jit3A = arith.constant 10 : i32
    %div3A = arith.divsi %arg0, %jit3A : i32
    %sign3A = arith.constant 0 : i32
    %sign3A_0 = arith.cmpi sgt, %arg0, %sign3A : i32
    %sign3A_1 = arith.extui %sign3A_0 : i1 to i32
    %sign3A_2 = arith.constant 0 : i32
    %sign3A_3 = arith.cmpi slt, %arg0, %sign3A_2 : i32
    %sign3A_4 = arith.extui %sign3A_3 : i1 to i32
    %sign3A_5 = arith.subi %sign3A_1, %sign3A_4 : i32
    %sign3A_6 = arith.constant 0 : i32
    %sign3A_7 = arith.cmpi sgt, %jit3A, %sign3A_6 : i32
    %sign3A_8 = arith.extui %sign3A_7 : i1 to i32
    %sign3A_9 = arith.constant 0 : i32
    %sign3A_10 = arith.cmpi slt, %jit3A, %sign3A_9 : i32
    %sign3A_11 = arith.extui %sign3A_10 : i1 to i32
    %sign3A_12 = arith.subi %sign3A_8, %sign3A_11 : i32
    %ne3A = arith.cmpi ne, %sign3A_5, %sign3A_12 : i32
    %rem3A = arith.remsi %arg0, %jit3A : i32
    %ne3A_13 = arith.constant 0 : i32
    %ne3A_14 = arith.cmpi ne, %rem3A, %ne3A_13 : i32
    %and3A = arith.andi %ne3A, %ne3A_14 : i1
    %sub3A = arith.constant 1 : i32
    %sub3A_15 = arith.subi %div3A, %sub3A : i32
    %select_n3A = arith.select %and3A, %sub3A_15, %div3A : i32
    %mul3A = arith.constant 2 : i32
    %mul3A_16 = arith.muli %mul3A, %select_n3A : i32
    %add3A = arith.constant 1 : i32
    %add3A_17 = arith.addi %mul3A_16, %add3A : i32
    %mul3A_18 = arith.constant 10 : i32
    %mul3A_19 = arith.muli %add3A_17, %mul3A_18 : i32
    %jit3A_20 = arith.constant 10 : i32
    %eq3A = arith.constant 0 : i32
    %eq3A_21 = arith.cmpi eq, %jit3A_20, %eq3A : i32
    %jit3A_22 = arith.constant 1 : i32
    %select_n3A_23 = arith.select %eq3A_21, %jit3A_22, %jit3A_20 : i32
    %rem3A_24 = arith.remsi %arg0, %select_n3A_23 : i32
    %ne3A_25 = arith.constant 0 : i32
    %ne3A_26 = arith.cmpi ne, %rem3A_24, %ne3A_25 : i32
    %lt3A = arith.constant 0 : i32
    %lt3A_27 = arith.cmpi slt, %rem3A_24, %lt3A : i32
    %lt3A_28 = arith.constant 0 : i32
    %lt3A_29 = arith.cmpi slt, %select_n3A_23, %lt3A_28 : i32
    %ne3A_30 = arith.xori %lt3A_27, %lt3A_29 : i1
    %and3A_31 = arith.andi %ne3A_30, %ne3A_26 : i1
    %add3A_32 = arith.addi %rem3A_24, %select_n3A_23 : i32
    %select_n3A_33 = arith.select %and3A_31, %add3A_32, %rem3A_24 : i32
    %add3A_34 = arith.addi %mul3A_19, %select_n3A_33 : i32
    %c0_i32 = arith.constant 0 : i32
    %c0_i32_35 = arith.constant 0 : i32
    return %add3A_34, %c0_i32 : i32, i32
  }
  func.func @transform_3(%arg0: i32) -> (i32, i32) {
    %c0_i32 = arith.constant 0 : i32
    %c0_i32_0 = arith.constant 0 : i32
    %c0_i32_1 = arith.constant 0 : i32
    return %c0_i32, %c0_i32_0 : i32, i32
  }
  func.func @transform_4(%arg0: i32) -> (i32, i32) {
    %c0_i32 = arith.constant 0 : i32
    %c0_i32_0 = arith.constant 0 : i32
    return %arg0, %c0_i32 : i32, i32
  }
}

module attributes {stable_mosaic.version = 14 : i64} {
  func.func @_l1_body(%arg0: i32, %arg1: memref<1000x1xf32, #tpu.memory_space<vmem>>, %arg2: memref<1000x2xf32, #tpu.memory_space<vmem>>, %arg3: memref<1000x2xf32, #tpu.memory_space<vmem>>, %arg4: memref<1000x128xf32, #tpu.memory_space<vmem>>, %arg5: memref<1000x128xf32, #tpu.memory_space<vmem>>, %arg6: memref<2x64xf32, #tpu.memory_space<vmem>>, %arg7: memref<1x64xf32, #tpu.memory_space<vmem>>, %arg8: memref<1x64xf32, #tpu.memory_space<vmem>>, %arg9: memref<64x64xf32, #tpu.memory_space<vmem>>, %arg10: memref<1000x64xf32, #tpu.memory_space<vmem>>, %arg11: memref<1000x64xf32, #tpu.memory_space<vmem>>, %arg12: memref<1000x128xf32, #tpu.memory_space<vmem>>) attributes {dimension_semantics = [#tpu.dimension_semantics<arbitrary>], iteration_bounds = array<i64: 20>, scalar_prefetch = 0 : i64, scratch_operands = 0 : i64, tpu.core_type = #tpu.core_type<tc>, window_params = [{transform_indices = @transform_0, window_bounds = array<i64: 1000, 1>}, {transform_indices = @transform_1, window_bounds = array<i64: 1000, 2>}, {transform_indices = @transform_2, window_bounds = array<i64: 1000, 2>}, {transform_indices = @transform_3, window_bounds = array<i64: 1000, 128>}, {transform_indices = @transform_4, window_bounds = array<i64: 1000, 128>}, {pipeline_mode = #tpu.pipeline_mode<synchronous>, transform_indices = @transform_5, window_bounds = array<i64: 2, 64>}, {pipeline_mode = #tpu.pipeline_mode<synchronous>, transform_indices = @transform_6, window_bounds = array<i64: 1, 64>}, {pipeline_mode = #tpu.pipeline_mode<synchronous>, transform_indices = @transform_7, window_bounds = array<i64: 1, 64>}, {pipeline_mode = #tpu.pipeline_mode<synchronous>, transform_indices = @transform_8, window_bounds = array<i64: 64, 64>}, {transform_indices = @transform_9, window_bounds = array<i64: 1000, 64>}, {transform_indices = @transform_10, window_bounds = array<i64: 1000, 64>}, {transform_indices = @transform_11, window_bounds = array<i64: 1000, 128>}]} {
    %get3A = arith.constant 0 : index
    %get3A_0 = arith.constant 0 : index
    %get3A_1 = vector.load %arg1[%get3A, %get3A_0] : memref<1000x1xf32, #tpu.memory_space<vmem>>, vector<1000x1xf32>
    %add3A = arith.constant 1.000000e+00 : f32
    %add3A_2 = vector.broadcast %add3A : f32 to vector<1000x1xf32>
    %add3A_3 = arith.addf %get3A_1, %add3A_2 : vector<1000x1xf32>
    %rsqrt3A = math.rsqrt %add3A_3 : vector<1000x1xf32>
    %get3A_4 = arith.constant 0 : index
    %get3A_5 = arith.constant 0 : index
    %get3A_6 = vector.load %arg4[%get3A_4, %get3A_5] : memref<1000x128xf32, #tpu.memory_space<vmem>>, vector<1000x128xf32>
    %get3A_7 = arith.constant 0 : index
    %get3A_8 = arith.constant 0 : index
    %get3A_9 = vector.load %arg5[%get3A_7, %get3A_8] : memref<1000x128xf32, #tpu.memory_space<vmem>>, vector<1000x128xf32>
    %get3A_10 = arith.constant 0 : index
    %get3A_11 = arith.constant 0 : index
    %get3A_12 = vector.load %arg6[%get3A_10, %get3A_11] : memref<2x64xf32, #tpu.memory_space<vmem>>, vector<2x64xf32>
    %get3A_13 = arith.constant 0 : index
    %get3A_14 = arith.constant 0 : index
    %get3A_15 = vector.load %arg9[%get3A_13, %get3A_14] : memref<64x64xf32, #tpu.memory_space<vmem>>, vector<64x64xf32>
    %get3A_16 = arith.constant 0 : index
    %get3A_17 = arith.constant 0 : index
    %get3A_18 = vector.load %arg7[%get3A_16, %get3A_17] : memref<1x64xf32, #tpu.memory_space<vmem>>, vector<1x64xf32>
    %get3A_19 = arith.constant 0 : index
    %get3A_20 = arith.constant 0 : index
    %get3A_21 = vector.load %arg8[%get3A_19, %get3A_20] : memref<1x64xf32, #tpu.memory_space<vmem>>, vector<1x64xf32>
    %add3A_22 = arith.addf %get3A_18, %get3A_21 : vector<1x64xf32>
    %slice3A = vector.extract_strided_slice %get3A_6 {offsets = [0, 0], sizes = [1000, 64], strides = [1, 1]} : vector<1000x128xf32> to vector<1000x64xf32>
    %slice3A_23 = vector.extract_strided_slice %get3A_9 {offsets = [0, 0], sizes = [1000, 64], strides = [1, 1]} : vector<1000x128xf32> to vector<1000x64xf32>
    %add3A_24 = arith.addf %slice3A, %slice3A_23 : vector<1000x64xf32>
    %mul3A = vector.broadcast %rsqrt3A : vector<1000x1xf32> to vector<1000x64xf32>
    %mul3A_25 = arith.mulf %mul3A, %add3A_24 : vector<1000x64xf32>
    %slice3A_26 = vector.extract_strided_slice %get3A_6 {offsets = [0, 64], sizes = [1000, 64], strides = [1, 1]} : vector<1000x128xf32> to vector<1000x64xf32>
    %slice3A_27 = vector.extract_strided_slice %get3A_9 {offsets = [0, 64], sizes = [1000, 64], strides = [1, 1]} : vector<1000x128xf32> to vector<1000x64xf32>
    %add3A_28 = arith.addf %slice3A_26, %slice3A_27 : vector<1000x64xf32>
    %mul3A_29 = vector.broadcast %rsqrt3A : vector<1000x1xf32> to vector<1000x64xf32>
    %mul3A_30 = arith.mulf %mul3A_29, %add3A_28 : vector<1000x64xf32>
    %get3A_31 = arith.constant 0 : index
    %get3A_32 = arith.constant 0 : index
    %get3A_33 = vector.load %arg2[%get3A_31, %get3A_32] : memref<1000x2xf32, #tpu.memory_space<vmem>>, vector<1000x2xf32>
    %dot_general3A = arith.constant dense<0.000000e+00> : vector<1000x64xf32>
    %dot_general3A_34 = tpu.matmul %get3A_33, %get3A_12, %dot_general3A {dimension_numbers = #tpu.dot_dimension_numbers<[1], [0], [0], [1], [0, 0, 1, 1], [], []>, transpose_lhs_hint = false} : vector<1000x2xf32>, vector<2x64xf32>, vector<1000x64xf32> -> vector<1000x64xf32>
    %add3A_35 = arith.addf %dot_general3A_34, %mul3A_25 : vector<1000x64xf32>
    %add3A_36 = vector.broadcast %add3A_22 : vector<1x64xf32> to vector<1000x64xf32>
    %add3A_37 = arith.addf %add3A_35, %add3A_36 : vector<1000x64xf32>
    %logistic3A = arith.negf %add3A_37 : vector<1000x64xf32>
    %logistic3A_38 = math.exp %logistic3A : vector<1000x64xf32>
    %logistic3A_39 = arith.constant 1.000000e+00 : f32
    %logistic3A_40 = vector.broadcast %logistic3A_39 : f32 to vector<1000x64xf32>
    %logistic3A_41 = arith.addf %logistic3A_40, %logistic3A_38 : vector<1000x64xf32>
    %logistic3A_42 = arith.divf %logistic3A_40, %logistic3A_41 : vector<1000x64xf32>
    %mul3A_43 = arith.mulf %add3A_37, %logistic3A_42 : vector<1000x64xf32>
    %get3A_44 = arith.constant 0 : index
    %get3A_45 = arith.constant 0 : index
    %get3A_46 = vector.load %arg3[%get3A_44, %get3A_45] : memref<1000x2xf32, #tpu.memory_space<vmem>>, vector<1000x2xf32>
    %dot_general3A_47 = arith.constant dense<0.000000e+00> : vector<1000x64xf32>
    %dot_general3A_48 = tpu.matmul %get3A_46, %get3A_12, %dot_general3A_47 {dimension_numbers = #tpu.dot_dimension_numbers<[1], [0], [0], [1], [0, 0, 1, 1], [], []>, transpose_lhs_hint = false} : vector<1000x2xf32>, vector<2x64xf32>, vector<1000x64xf32> -> vector<1000x64xf32>
    %add3A_49 = arith.addf %dot_general3A_48, %mul3A_30 : vector<1000x64xf32>
    %add3A_50 = vector.broadcast %add3A_22 : vector<1x64xf32> to vector<1000x64xf32>
    %add3A_51 = arith.addf %add3A_49, %add3A_50 : vector<1000x64xf32>
    %logistic3A_52 = arith.negf %add3A_51 : vector<1000x64xf32>
    %logistic3A_53 = math.exp %logistic3A_52 : vector<1000x64xf32>
    %logistic3A_54 = arith.constant 1.000000e+00 : f32
    %logistic3A_55 = vector.broadcast %logistic3A_54 : f32 to vector<1000x64xf32>
    %logistic3A_56 = arith.addf %logistic3A_55, %logistic3A_53 : vector<1000x64xf32>
    %logistic3A_57 = arith.divf %logistic3A_55, %logistic3A_56 : vector<1000x64xf32>
    %mul3A_58 = arith.mulf %add3A_51, %logistic3A_57 : vector<1000x64xf32>
    %swap3A = arith.constant 0 : index
    %swap3A_59 = arith.constant 0 : index
    %swap3A_60 = vector.load %arg10[%swap3A, %swap3A_59] : memref<1000x64xf32, #tpu.memory_space<vmem>>, vector<1000x64xf32>
    tpu.vector_store %arg10[%swap3A, %swap3A_59], %mul3A_43 {strides = array<i32>} : memref<1000x64xf32, #tpu.memory_space<vmem>>, vector<1000x64xf32>,
    %swap3A_61 = arith.constant 0 : index
    %swap3A_62 = arith.constant 0 : index
    %swap3A_63 = vector.load %arg11[%swap3A_61, %swap3A_62] : memref<1000x64xf32, #tpu.memory_space<vmem>>, vector<1000x64xf32>
    tpu.vector_store %arg11[%swap3A_61, %swap3A_62], %mul3A_58 {strides = array<i32>} : memref<1000x64xf32, #tpu.memory_space<vmem>>, vector<1000x64xf32>,
    %dot_general3A_64 = arith.constant dense<0.000000e+00> : vector<1000x64xf32>
    %dot_general3A_65 = tpu.matmul %mul3A_43, %get3A_15, %dot_general3A_64 {dimension_numbers = #tpu.dot_dimension_numbers<[1], [0], [0], [1], [0, 0, 1, 1], [], []>, transpose_lhs_hint = false} : vector<1000x64xf32>, vector<64x64xf32>, vector<1000x64xf32> -> vector<1000x64xf32>
    %mul3A_66 = vector.broadcast %rsqrt3A : vector<1000x1xf32> to vector<1000x64xf32>
    %mul3A_67 = arith.mulf %mul3A_66, %dot_general3A_65 : vector<1000x64xf32>
    %dot_general3A_68 = arith.constant dense<0.000000e+00> : vector<1000x64xf32>
    %dot_general3A_69 = tpu.matmul %mul3A_58, %get3A_15, %dot_general3A_68 {dimension_numbers = #tpu.dot_dimension_numbers<[1], [0], [0], [1], [0, 0, 1, 1], [], []>, transpose_lhs_hint = false} : vector<1000x64xf32>, vector<64x64xf32>, vector<1000x64xf32> -> vector<1000x64xf32>
    %mul3A_70 = vector.broadcast %rsqrt3A : vector<1000x1xf32> to vector<1000x64xf32>
    %mul3A_71 = arith.mulf %mul3A_70, %dot_general3A_69 : vector<1000x64xf32>
    %concatenate3A = tpu.concatenate %mul3A_67, %mul3A_71 in 1 : vector<1000x64xf32>, vector<1000x64xf32> -> vector<1000x128xf32>
    %swap3A_72 = arith.constant 0 : index
    %swap3A_73 = arith.constant 0 : index
    %swap3A_74 = vector.load %arg12[%swap3A_72, %swap3A_73] : memref<1000x128xf32, #tpu.memory_space<vmem>>, vector<1000x128xf32>
    tpu.vector_store %arg12[%swap3A_72, %swap3A_73], %concatenate3A {strides = array<i32>} : memref<1000x128xf32, #tpu.memory_space<vmem>>, vector<1000x128xf32>,
    return
  }
  func.func @transform_0(%arg0: i32) -> (i32, i32) {
    %jit3A = arith.constant 10 : i32
    %eq3A = arith.constant 0 : i32
    %eq3A_0 = arith.cmpi eq, %jit3A, %eq3A : i32
    %jit3A_1 = arith.constant 1 : i32
    %select_n3A = arith.select %eq3A_0, %jit3A_1, %jit3A : i32
    %rem3A = arith.remsi %arg0, %select_n3A : i32
    %ne3A = arith.constant 0 : i32
    %ne3A_2 = arith.cmpi ne, %rem3A, %ne3A : i32
    %lt3A = arith.constant 0 : i32
    %lt3A_3 = arith.cmpi slt, %rem3A, %lt3A : i32
    %lt3A_4 = arith.constant 0 : i32
    %lt3A_5 = arith.cmpi slt, %select_n3A, %lt3A_4 : i32
    %ne3A_6 = arith.xori %lt3A_3, %lt3A_5 : i1
    %and3A = arith.andi %ne3A_6, %ne3A_2 : i1
    %add3A = arith.addi %rem3A, %select_n3A : i32
    %select_n3A_7 = arith.select %and3A, %add3A, %rem3A : i32
    %c0_i32 = arith.constant 0 : i32
    %c0_i32_8 = arith.constant 0 : i32
    return %select_n3A_7, %c0_i32 : i32, i32
  }
  func.func @transform_1(%arg0: i32) -> (i32, i32) {
    %jit3A = arith.constant 10 : i32
    %div3A = arith.divsi %arg0, %jit3A : i32
    %sign3A = arith.constant 0 : i32
    %sign3A_0 = arith.cmpi sgt, %arg0, %sign3A : i32
    %sign3A_1 = arith.extui %sign3A_0 : i1 to i32
    %sign3A_2 = arith.constant 0 : i32
    %sign3A_3 = arith.cmpi slt, %arg0, %sign3A_2 : i32
    %sign3A_4 = arith.extui %sign3A_3 : i1 to i32
    %sign3A_5 = arith.subi %sign3A_1, %sign3A_4 : i32
    %sign3A_6 = arith.constant 0 : i32
    %sign3A_7 = arith.cmpi sgt, %jit3A, %sign3A_6 : i32
    %sign3A_8 = arith.extui %sign3A_7 : i1 to i32
    %sign3A_9 = arith.constant 0 : i32
    %sign3A_10 = arith.cmpi slt, %jit3A, %sign3A_9 : i32
    %sign3A_11 = arith.extui %sign3A_10 : i1 to i32
    %sign3A_12 = arith.subi %sign3A_8, %sign3A_11 : i32
    %ne3A = arith.cmpi ne, %sign3A_5, %sign3A_12 : i32
    %rem3A = arith.remsi %arg0, %jit3A : i32
    %ne3A_13 = arith.constant 0 : i32
    %ne3A_14 = arith.cmpi ne, %rem3A, %ne3A_13 : i32
    %and3A = arith.andi %ne3A, %ne3A_14 : i1
    %sub3A = arith.constant 1 : i32
    %sub3A_15 = arith.subi %div3A, %sub3A : i32
    %select_n3A = arith.select %and3A, %sub3A_15, %div3A : i32
    %mul3A = arith.constant 2 : i32
    %mul3A_16 = arith.muli %mul3A, %select_n3A : i32
    %mul3A_17 = arith.constant 10 : i32
    %mul3A_18 = arith.muli %mul3A_16, %mul3A_17 : i32
    %jit3A_19 = arith.constant 10 : i32
    %eq3A = arith.constant 0 : i32
    %eq3A_20 = arith.cmpi eq, %jit3A_19, %eq3A : i32
    %jit3A_21 = arith.constant 1 : i32
    %select_n3A_22 = arith.select %eq3A_20, %jit3A_21, %jit3A_19 : i32
    %rem3A_23 = arith.remsi %arg0, %select_n3A_22 : i32
    %ne3A_24 = arith.constant 0 : i32
    %ne3A_25 = arith.cmpi ne, %rem3A_23, %ne3A_24 : i32
    %lt3A = arith.constant 0 : i32
    %lt3A_26 = arith.cmpi slt, %rem3A_23, %lt3A : i32
    %lt3A_27 = arith.constant 0 : i32
    %lt3A_28 = arith.cmpi slt, %select_n3A_22, %lt3A_27 : i32
    %ne3A_29 = arith.xori %lt3A_26, %lt3A_28 : i1
    %and3A_30 = arith.andi %ne3A_29, %ne3A_25 : i1
    %add3A = arith.addi %rem3A_23, %select_n3A_22 : i32
    %select_n3A_31 = arith.select %and3A_30, %add3A, %rem3A_23 : i32
    %add3A_32 = arith.addi %mul3A_18, %select_n3A_31 : i32
    %c0_i32 = arith.constant 0 : i32
    %c0_i32_33 = arith.constant 0 : i32
    return %add3A_32, %c0_i32 : i32, i32
  }
  func.func @transform_2(%arg0: i32) -> (i32, i32) {
    %jit3A = arith.constant 10 : i32
    %div3A = arith.divsi %arg0, %jit3A : i32
    %sign3A = arith.constant 0 : i32
    %sign3A_0 = arith.cmpi sgt, %arg0, %sign3A : i32
    %sign3A_1 = arith.extui %sign3A_0 : i1 to i32
    %sign3A_2 = arith.constant 0 : i32
    %sign3A_3 = arith.cmpi slt, %arg0, %sign3A_2 : i32
    %sign3A_4 = arith.extui %sign3A_3 : i1 to i32
    %sign3A_5 = arith.subi %sign3A_1, %sign3A_4 : i32
    %sign3A_6 = arith.constant 0 : i32
    %sign3A_7 = arith.cmpi sgt, %jit3A, %sign3A_6 : i32
    %sign3A_8 = arith.extui %sign3A_7 : i1 to i32
    %sign3A_9 = arith.constant 0 : i32
    %sign3A_10 = arith.cmpi slt, %jit3A, %sign3A_9 : i32
    %sign3A_11 = arith.extui %sign3A_10 : i1 to i32
    %sign3A_12 = arith.subi %sign3A_8, %sign3A_11 : i32
    %ne3A = arith.cmpi ne, %sign3A_5, %sign3A_12 : i32
    %rem3A = arith.remsi %arg0, %jit3A : i32
    %ne3A_13 = arith.constant 0 : i32
    %ne3A_14 = arith.cmpi ne, %rem3A, %ne3A_13 : i32
    %and3A = arith.andi %ne3A, %ne3A_14 : i1
    %sub3A = arith.constant 1 : i32
    %sub3A_15 = arith.subi %div3A, %sub3A : i32
    %select_n3A = arith.select %and3A, %sub3A_15, %div3A : i32
    %mul3A = arith.constant 2 : i32
    %mul3A_16 = arith.muli %mul3A, %select_n3A : i32
    %add3A = arith.constant 1 : i32
    %add3A_17 = arith.addi %mul3A_16, %add3A : i32
    %mul3A_18 = arith.constant 10 : i32
    %mul3A_19 = arith.muli %add3A_17, %mul3A_18 : i32
    %jit3A_20 = arith.constant 10 : i32
    %eq3A = arith.constant 0 : i32
    %eq3A_21 = arith.cmpi eq, %jit3A_20, %eq3A : i32
    %jit3A_22 = arith.constant 1 : i32
    %select_n3A_23 = arith.select %eq3A_21, %jit3A_22, %jit3A_20 : i32
    %rem3A_24 = arith.remsi %arg0, %select_n3A_23 : i32
    %ne3A_25 = arith.constant 0 : i32
    %ne3A_26 = arith.cmpi ne, %rem3A_24, %ne3A_25 : i32
    %lt3A = arith.constant 0 : i32
    %lt3A_27 = arith.cmpi slt, %rem3A_24, %lt3A : i32
    %lt3A_28 = arith.constant 0 : i32
    %lt3A_29 = arith.cmpi slt, %select_n3A_23, %lt3A_28 : i32
    %ne3A_30 = arith.xori %lt3A_27, %lt3A_29 : i1
    %and3A_31 = arith.andi %ne3A_30, %ne3A_26 : i1
    %add3A_32 = arith.addi %rem3A_24, %select_n3A_23 : i32
    %select_n3A_33 = arith.select %and3A_31, %add3A_32, %rem3A_24 : i32
    %add3A_34 = arith.addi %mul3A_19, %select_n3A_33 : i32
    %c0_i32 = arith.constant 0 : i32
    %c0_i32_35 = arith.constant 0 : i32
    return %add3A_34, %c0_i32 : i32, i32
  }
  func.func @transform_3(%arg0: i32) -> (i32, i32) {
    %c0_i32 = arith.constant 0 : i32
    %c0_i32_0 = arith.constant 0 : i32
    return %arg0, %c0_i32 : i32, i32
  }
  func.func @transform_4(%arg0: i32) -> (i32, i32) {
    %c0_i32 = arith.constant 0 : i32
    %c0_i32_0 = arith.constant 0 : i32
    return %arg0, %c0_i32 : i32, i32
  }
  func.func @transform_5(%arg0: i32) -> (i32, i32) {
    %c0_i32 = arith.constant 0 : i32
    %c0_i32_0 = arith.constant 0 : i32
    %c0_i32_1 = arith.constant 0 : i32
    return %c0_i32, %c0_i32_0 : i32, i32
  }
  func.func @transform_6(%arg0: i32) -> (i32, i32) {
    %c0_i32 = arith.constant 0 : i32
    %c0_i32_0 = arith.constant 0 : i32
    %c0_i32_1 = arith.constant 0 : i32
    return %c0_i32, %c0_i32_0 : i32, i32
  }
  func.func @transform_7(%arg0: i32) -> (i32, i32) {
    %c0_i32 = arith.constant 0 : i32
    %c0_i32_0 = arith.constant 0 : i32
    %c0_i32_1 = arith.constant 0 : i32
    return %c0_i32, %c0_i32_0 : i32, i32
  }
  func.func @transform_8(%arg0: i32) -> (i32, i32) {
    %c0_i32 = arith.constant 0 : i32
    %c0_i32_0 = arith.constant 0 : i32
    %c0_i32_1 = arith.constant 0 : i32
    return %c0_i32, %c0_i32_0 : i32, i32
  }
  func.func @transform_9(%arg0: i32) -> (i32, i32) {
    %c0_i32 = arith.constant 0 : i32
    %c0_i32_0 = arith.constant 0 : i32
    return %arg0, %c0_i32 : i32, i32
  }
  func.func @transform_10(%arg0: i32) -> (i32, i32) {
    %c0_i32 = arith.constant 0 : i32
    %c0_i32_0 = arith.constant 0 : i32
    return %arg0, %c0_i32 : i32, i32
  }
  func.func @transform_11(%arg0: i32) -> (i32, i32) {
    %c0_i32 = arith.constant 0 : i32
    %c0_i32_0 = arith.constant 0 : i32
    return %arg0, %c0_i32 : i32, i32
  }
}

module attributes {stable_mosaic.version = 14 : i64} {
  func.func @_l2_body(%arg0: i32, %arg1: memref<1000x1xf32, #tpu.memory_space<vmem>>, %arg2: memref<1000x64xf32, #tpu.memory_space<vmem>>, %arg3: memref<1000x64xf32, #tpu.memory_space<vmem>>, %arg4: memref<1000x128xf32, #tpu.memory_space<vmem>>, %arg5: memref<1000x128xf32, #tpu.memory_space<vmem>>, %arg6: memref<64x64xf32, #tpu.memory_space<vmem>>, %arg7: memref<1x64xf32, #tpu.memory_space<vmem>>, %arg8: memref<1x64xf32, #tpu.memory_space<vmem>>, %arg9: memref<64x64xf32, #tpu.memory_space<vmem>>, %arg10: memref<1x64xf32, #tpu.memory_space<vmem>>, %arg11: memref<64x4xf32, #tpu.memory_space<vmem>>, %arg12: memref<1x4xf32, #tpu.memory_space<vmem>>, %arg13: memref<1000x4xf32, #tpu.memory_space<vmem>>, %arg14: memref<1000x4xf32, #tpu.memory_space<vmem>>) attributes {dimension_semantics = [#tpu.dimension_semantics<arbitrary>], iteration_bounds = array<i64: 20>, scalar_prefetch = 0 : i64, scratch_operands = 0 : i64, tpu.core_type = #tpu.core_type<tc>, window_params = [{transform_indices = @transform_0, window_bounds = array<i64: 1000, 1>}, {transform_indices = @transform_1, window_bounds = array<i64: 1000, 64>}, {transform_indices = @transform_2, window_bounds = array<i64: 1000, 64>}, {transform_indices = @transform_3, window_bounds = array<i64: 1000, 128>}, {transform_indices = @transform_4, window_bounds = array<i64: 1000, 128>}, {pipeline_mode = #tpu.pipeline_mode<synchronous>, transform_indices = @transform_5, window_bounds = array<i64: 64, 64>}, {pipeline_mode = #tpu.pipeline_mode<synchronous>, transform_indices = @transform_6, window_bounds = array<i64: 1, 64>}, {pipeline_mode = #tpu.pipeline_mode<synchronous>, transform_indices = @transform_7, window_bounds = array<i64: 1, 64>}, {pipeline_mode = #tpu.pipeline_mode<synchronous>, transform_indices = @transform_8, window_bounds = array<i64: 64, 64>}, {pipeline_mode = #tpu.pipeline_mode<synchronous>, transform_indices = @transform_9, window_bounds = array<i64: 1, 64>}, {pipeline_mode = #tpu.pipeline_mode<synchronous>, transform_indices = @transform_10, window_bounds = array<i64: 64, 4>}, {pipeline_mode = #tpu.pipeline_mode<synchronous>, transform_indices = @transform_11, window_bounds = array<i64: 1, 4>}, {transform_indices = @transform_12, window_bounds = array<i64: 1000, 4>}, {transform_indices = @transform_13, window_bounds = array<i64: 1000, 4>}]} {
    %get3A = arith.constant 0 : index
    %get3A_0 = arith.constant 0 : index
    %get3A_1 = vector.load %arg1[%get3A, %get3A_0] : memref<1000x1xf32, #tpu.memory_space<vmem>>, vector<1000x1xf32>
    %add3A = arith.constant 1.000000e+00 : f32
    %add3A_2 = vector.broadcast %add3A : f32 to vector<1000x1xf32>
    %add3A_3 = arith.addf %get3A_1, %add3A_2 : vector<1000x1xf32>
    %rsqrt3A = math.rsqrt %add3A_3 : vector<1000x1xf32>
    %get3A_4 = arith.constant 0 : index
    %get3A_5 = arith.constant 0 : index
    %get3A_6 = vector.load %arg4[%get3A_4, %get3A_5] : memref<1000x128xf32, #tpu.memory_space<vmem>>, vector<1000x128xf32>
    %get3A_7 = arith.constant 0 : index
    %get3A_8 = arith.constant 0 : index
    %get3A_9 = vector.load %arg5[%get3A_7, %get3A_8] : memref<1000x128xf32, #tpu.memory_space<vmem>>, vector<1000x128xf32>
    %get3A_10 = arith.constant 0 : index
    %get3A_11 = arith.constant 0 : index
    %get3A_12 = vector.load %arg6[%get3A_10, %get3A_11] : memref<64x64xf32, #tpu.memory_space<vmem>>, vector<64x64xf32>
    %get3A_13 = arith.constant 0 : index
    %get3A_14 = arith.constant 0 : index
    %get3A_15 = vector.load %arg9[%get3A_13, %get3A_14] : memref<64x64xf32, #tpu.memory_space<vmem>>, vector<64x64xf32>
    %get3A_16 = arith.constant 0 : index
    %get3A_17 = arith.constant 0 : index
    %get3A_18 = vector.load %arg11[%get3A_16, %get3A_17] : memref<64x4xf32, #tpu.memory_space<vmem>>, vector<64x4xf32>
    %get3A_19 = arith.constant 0 : index
    %get3A_20 = arith.constant 0 : index
    %get3A_21 = vector.load %arg7[%get3A_19, %get3A_20] : memref<1x64xf32, #tpu.memory_space<vmem>>, vector<1x64xf32>
    %get3A_22 = arith.constant 0 : index
    %get3A_23 = arith.constant 0 : index
    %get3A_24 = vector.load %arg8[%get3A_22, %get3A_23] : memref<1x64xf32, #tpu.memory_space<vmem>>, vector<1x64xf32>
    %add3A_25 = arith.addf %get3A_21, %get3A_24 : vector<1x64xf32>
    %get3A_26 = arith.constant 0 : index
    %get3A_27 = arith.constant 0 : index
    %get3A_28 = vector.load %arg2[%get3A_26, %get3A_27] : memref<1000x64xf32, #tpu.memory_space<vmem>>, vector<1000x64xf32>
    %slice3A = vector.extract_strided_slice %get3A_6 {offsets = [0, 0], sizes = [1000, 64], strides = [1, 1]} : vector<1000x128xf32> to vector<1000x64xf32>
    %slice3A_29 = vector.extract_strided_slice %get3A_9 {offsets = [0, 0], sizes = [1000, 64], strides = [1, 1]} : vector<1000x128xf32> to vector<1000x64xf32>
    %add3A_30 = arith.addf %slice3A, %slice3A_29 : vector<1000x64xf32>
    %mul3A = vector.broadcast %rsqrt3A : vector<1000x1xf32> to vector<1000x64xf32>
    %mul3A_31 = arith.mulf %mul3A, %add3A_30 : vector<1000x64xf32>
    %get3A_32 = arith.constant 0 : index
    %get3A_33 = arith.constant 0 : index
    %get3A_34 = vector.load %arg3[%get3A_32, %get3A_33] : memref<1000x64xf32, #tpu.memory_space<vmem>>, vector<1000x64xf32>
    %slice3A_35 = vector.extract_strided_slice %get3A_6 {offsets = [0, 64], sizes = [1000, 64], strides = [1, 1]} : vector<1000x128xf32> to vector<1000x64xf32>
    %slice3A_36 = vector.extract_strided_slice %get3A_9 {offsets = [0, 64], sizes = [1000, 64], strides = [1, 1]} : vector<1000x128xf32> to vector<1000x64xf32>
    %add3A_37 = arith.addf %slice3A_35, %slice3A_36 : vector<1000x64xf32>
    %mul3A_38 = vector.broadcast %rsqrt3A : vector<1000x1xf32> to vector<1000x64xf32>
    %mul3A_39 = arith.mulf %mul3A_38, %add3A_37 : vector<1000x64xf32>
    %dot_general3A = arith.constant dense<0.000000e+00> : vector<1000x64xf32>
    %dot_general3A_40 = tpu.matmul %get3A_28, %get3A_12, %dot_general3A {dimension_numbers = #tpu.dot_dimension_numbers<[1], [0], [0], [1], [0, 0, 1, 1], [], []>, transpose_lhs_hint = false} : vector<1000x64xf32>, vector<64x64xf32>, vector<1000x64xf32> -> vector<1000x64xf32>
    %add3A_41 = arith.addf %dot_general3A_40, %mul3A_31 : vector<1000x64xf32>
    %add3A_42 = vector.broadcast %add3A_25 : vector<1x64xf32> to vector<1000x64xf32>
    %add3A_43 = arith.addf %add3A_41, %add3A_42 : vector<1000x64xf32>
    %logistic3A = arith.negf %add3A_43 : vector<1000x64xf32>
    %logistic3A_44 = math.exp %logistic3A : vector<1000x64xf32>
    %logistic3A_45 = arith.constant 1.000000e+00 : f32
    %logistic3A_46 = vector.broadcast %logistic3A_45 : f32 to vector<1000x64xf32>
    %logistic3A_47 = arith.addf %logistic3A_46, %logistic3A_44 : vector<1000x64xf32>
    %logistic3A_48 = arith.divf %logistic3A_46, %logistic3A_47 : vector<1000x64xf32>
    %mul3A_49 = arith.mulf %add3A_43, %logistic3A_48 : vector<1000x64xf32>
    %dot_general3A_50 = arith.constant dense<0.000000e+00> : vector<1000x64xf32>
    %dot_general3A_51 = tpu.matmul %mul3A_49, %get3A_15, %dot_general3A_50 {dimension_numbers = #tpu.dot_dimension_numbers<[1], [0], [0], [1], [0, 0, 1, 1], [], []>, transpose_lhs_hint = false} : vector<1000x64xf32>, vector<64x64xf32>, vector<1000x64xf32> -> vector<1000x64xf32>
    %get3A_52 = arith.constant 0 : index
    %get3A_53 = arith.constant 0 : index
    %get3A_54 = vector.load %arg10[%get3A_52, %get3A_53] : memref<1x64xf32, #tpu.memory_space<vmem>>, vector<1x64xf32>
    %add3A_55 = vector.broadcast %get3A_54 : vector<1x64xf32> to vector<1000x64xf32>
    %add3A_56 = arith.addf %dot_general3A_51, %add3A_55 : vector<1000x64xf32>
    %logistic3A_57 = arith.negf %add3A_56 : vector<1000x64xf32>
    %logistic3A_58 = math.exp %logistic3A_57 : vector<1000x64xf32>
    %logistic3A_59 = arith.constant 1.000000e+00 : f32
    %logistic3A_60 = vector.broadcast %logistic3A_59 : f32 to vector<1000x64xf32>
    %logistic3A_61 = arith.addf %logistic3A_60, %logistic3A_58 : vector<1000x64xf32>
    %logistic3A_62 = arith.divf %logistic3A_60, %logistic3A_61 : vector<1000x64xf32>
    %mul3A_63 = arith.mulf %add3A_56, %logistic3A_62 : vector<1000x64xf32>
    %dot_general3A_64 = arith.constant dense<0.000000e+00> : vector<1000x4xf32>
    %dot_general3A_65 = tpu.matmul %mul3A_63, %get3A_18, %dot_general3A_64 {dimension_numbers = #tpu.dot_dimension_numbers<[1], [0], [0], [1], [0, 0, 1, 1], [], []>, transpose_lhs_hint = false} : vector<1000x64xf32>, vector<64x4xf32>, vector<1000x4xf32> -> vector<1000x4xf32>
    %get3A_66 = arith.constant 0 : index
    %get3A_67 = arith.constant 0 : index
    %get3A_68 = vector.load %arg12[%get3A_66, %get3A_67] : memref<1x4xf32, #tpu.memory_space<vmem>>, vector<1x4xf32>
    %add3A_69 = vector.broadcast %get3A_68 : vector<1x4xf32> to vector<1000x4xf32>
    %add3A_70 = arith.addf %dot_general3A_65, %add3A_69 : vector<1000x4xf32>
    %dot_general3A_71 = arith.constant dense<0.000000e+00> : vector<1000x64xf32>
    %dot_general3A_72 = tpu.matmul %get3A_34, %get3A_12, %dot_general3A_71 {dimension_numbers = #tpu.dot_dimension_numbers<[1], [0], [0], [1], [0, 0, 1, 1], [], []>, transpose_lhs_hint = false} : vector<1000x64xf32>, vector<64x64xf32>, vector<1000x64xf32> -> vector<1000x64xf32>
    %add3A_73 = arith.addf %dot_general3A_72, %mul3A_39 : vector<1000x64xf32>
    %add3A_74 = vector.broadcast %add3A_25 : vector<1x64xf32> to vector<1000x64xf32>
    %add3A_75 = arith.addf %add3A_73, %add3A_74 : vector<1000x64xf32>
    %logistic3A_76 = arith.negf %add3A_75 : vector<1000x64xf32>
    %logistic3A_77 = math.exp %logistic3A_76 : vector<1000x64xf32>
    %logistic3A_78 = arith.constant 1.000000e+00 : f32
    %logistic3A_79 = vector.broadcast %logistic3A_78 : f32 to vector<1000x64xf32>
    %logistic3A_80 = arith.addf %logistic3A_79, %logistic3A_77 : vector<1000x64xf32>
    %logistic3A_81 = arith.divf %logistic3A_79, %logistic3A_80 : vector<1000x64xf32>
    %mul3A_82 = arith.mulf %add3A_75, %logistic3A_81 : vector<1000x64xf32>
    %dot_general3A_83 = arith.constant dense<0.000000e+00> : vector<1000x64xf32>
    %dot_general3A_84 = tpu.matmul %mul3A_82, %get3A_15, %dot_general3A_83 {dimension_numbers = #tpu.dot_dimension_numbers<[1], [0], [0], [1], [0, 0, 1, 1], [], []>, transpose_lhs_hint = false} : vector<1000x64xf32>, vector<64x64xf32>, vector<1000x64xf32> -> vector<1000x64xf32>
    %get3A_85 = arith.constant 0 : index
    %get3A_86 = arith.constant 0 : index
    %get3A_87 = vector.load %arg10[%get3A_85, %get3A_86] : memref<1x64xf32, #tpu.memory_space<vmem>>, vector<1x64xf32>
    %add3A_88 = vector.broadcast %get3A_87 : vector<1x64xf32> to vector<1000x64xf32>
    %add3A_89 = arith.addf %dot_general3A_84, %add3A_88 : vector<1000x64xf32>
    %logistic3A_90 = arith.negf %add3A_89 : vector<1000x64xf32>
    %logistic3A_91 = math.exp %logistic3A_90 : vector<1000x64xf32>
    %logistic3A_92 = arith.constant 1.000000e+00 : f32
    %logistic3A_93 = vector.broadcast %logistic3A_92 : f32 to vector<1000x64xf32>
    %logistic3A_94 = arith.addf %logistic3A_93, %logistic3A_91 : vector<1000x64xf32>
    %logistic3A_95 = arith.divf %logistic3A_93, %logistic3A_94 : vector<1000x64xf32>
    %mul3A_96 = arith.mulf %add3A_89, %logistic3A_95 : vector<1000x64xf32>
    %dot_general3A_97 = arith.constant dense<0.000000e+00> : vector<1000x4xf32>
    %dot_general3A_98 = tpu.matmul %mul3A_96, %get3A_18, %dot_general3A_97 {dimension_numbers = #tpu.dot_dimension_numbers<[1], [0], [0], [1], [0, 0, 1, 1], [], []>, transpose_lhs_hint = false} : vector<1000x64xf32>, vector<64x4xf32>, vector<1000x4xf32> -> vector<1000x4xf32>
    %get3A_99 = arith.constant 0 : index
    %get3A_100 = arith.constant 0 : index
    %get3A_101 = vector.load %arg12[%get3A_99, %get3A_100] : memref<1x4xf32, #tpu.memory_space<vmem>>, vector<1x4xf32>
    %add3A_102 = vector.broadcast %get3A_101 : vector<1x4xf32> to vector<1000x4xf32>
    %add3A_103 = arith.addf %dot_general3A_98, %add3A_102 : vector<1000x4xf32>
    %slice3A_104 = vector.extract_strided_slice %add3A_70 {offsets = [0, 0], sizes = [1000, 2], strides = [1, 1]} : vector<1000x4xf32> to vector<1000x2xf32>
    %slice3A_105 = vector.extract_strided_slice %add3A_103 {offsets = [0, 0], sizes = [1000, 2], strides = [1, 1]} : vector<1000x4xf32> to vector<1000x2xf32>
    %concatenate3A = tpu.concatenate %slice3A_104, %slice3A_105 in 1 : vector<1000x2xf32>, vector<1000x2xf32> -> vector<1000x4xf32>
    %tanh3A = math.tanh %concatenate3A : vector<1000x4xf32>
    %mul3A_106 = arith.constant 1.000000e+00 : f32
    %mul3A_107 = vector.broadcast %mul3A_106 : f32 to vector<1000x4xf32>
    %mul3A_108 = arith.mulf %mul3A_107, %tanh3A : vector<1000x4xf32>
    %swap3A = arith.constant 0 : index
    %swap3A_109 = arith.constant 0 : index
    %swap3A_110 = vector.load %arg13[%swap3A, %swap3A_109] : memref<1000x4xf32, #tpu.memory_space<vmem>>, vector<1000x4xf32>
    tpu.vector_store %arg13[%swap3A, %swap3A_109], %mul3A_108 {strides = array<i32>} : memref<1000x4xf32, #tpu.memory_space<vmem>>, vector<1000x4xf32>,
    %slice3A_111 = vector.extract_strided_slice %add3A_70 {offsets = [0, 2], sizes = [1000, 2], strides = [1, 1]} : vector<1000x4xf32> to vector<1000x2xf32>
    %slice3A_112 = vector.extract_strided_slice %add3A_103 {offsets = [0, 2], sizes = [1000, 2], strides = [1, 1]} : vector<1000x4xf32> to vector<1000x2xf32>
    %concatenate3A_113 = tpu.concatenate %slice3A_111, %slice3A_112 in 1 : vector<1000x2xf32>, vector<1000x2xf32> -> vector<1000x4xf32>
    %swap3A_114 = arith.constant 0 : index
    %swap3A_115 = arith.constant 0 : index
    %swap3A_116 = vector.load %arg14[%swap3A_114, %swap3A_115] : memref<1000x4xf32, #tpu.memory_space<vmem>>, vector<1000x4xf32>
    tpu.vector_store %arg14[%swap3A_114, %swap3A_115], %concatenate3A_113 {strides = array<i32>} : memref<1000x4xf32, #tpu.memory_space<vmem>>, vector<1000x4xf32>,
    return
  }
  func.func @transform_0(%arg0: i32) -> (i32, i32) {
    %jit3A = arith.constant 10 : i32
    %eq3A = arith.constant 0 : i32
    %eq3A_0 = arith.cmpi eq, %jit3A, %eq3A : i32
    %jit3A_1 = arith.constant 1 : i32
    %select_n3A = arith.select %eq3A_0, %jit3A_1, %jit3A : i32
    %rem3A = arith.remsi %arg0, %select_n3A : i32
    %ne3A = arith.constant 0 : i32
    %ne3A_2 = arith.cmpi ne, %rem3A, %ne3A : i32
    %lt3A = arith.constant 0 : i32
    %lt3A_3 = arith.cmpi slt, %rem3A, %lt3A : i32
    %lt3A_4 = arith.constant 0 : i32
    %lt3A_5 = arith.cmpi slt, %select_n3A, %lt3A_4 : i32
    %ne3A_6 = arith.xori %lt3A_3, %lt3A_5 : i1
    %and3A = arith.andi %ne3A_6, %ne3A_2 : i1
    %add3A = arith.addi %rem3A, %select_n3A : i32
    %select_n3A_7 = arith.select %and3A, %add3A, %rem3A : i32
    %c0_i32 = arith.constant 0 : i32
    %c0_i32_8 = arith.constant 0 : i32
    return %select_n3A_7, %c0_i32 : i32, i32
  }
  func.func @transform_1(%arg0: i32) -> (i32, i32) {
    %c0_i32 = arith.constant 0 : i32
    %c0_i32_0 = arith.constant 0 : i32
    return %arg0, %c0_i32 : i32, i32
  }
  func.func @transform_2(%arg0: i32) -> (i32, i32) {
    %c0_i32 = arith.constant 0 : i32
    %c0_i32_0 = arith.constant 0 : i32
    return %arg0, %c0_i32 : i32, i32
  }
  func.func @transform_3(%arg0: i32) -> (i32, i32) {
    %c0_i32 = arith.constant 0 : i32
    %c0_i32_0 = arith.constant 0 : i32
    return %arg0, %c0_i32 : i32, i32
  }
  func.func @transform_4(%arg0: i32) -> (i32, i32) {
    %c0_i32 = arith.constant 0 : i32
    %c0_i32_0 = arith.constant 0 : i32
    return %arg0, %c0_i32 : i32, i32
  }
  func.func @transform_5(%arg0: i32) -> (i32, i32) {
    %c0_i32 = arith.constant 0 : i32
    %c0_i32_0 = arith.constant 0 : i32
    %c0_i32_1 = arith.constant 0 : i32
    return %c0_i32, %c0_i32_0 : i32, i32
  }
  func.func @transform_6(%arg0: i32) -> (i32, i32) {
    %c0_i32 = arith.constant 0 : i32
    %c0_i32_0 = arith.constant 0 : i32
    %c0_i32_1 = arith.constant 0 : i32
    return %c0_i32, %c0_i32_0 : i32, i32
  }
  func.func @transform_7(%arg0: i32) -> (i32, i32) {
    %c0_i32 = arith.constant 0 : i32
    %c0_i32_0 = arith.constant 0 : i32
    %c0_i32_1 = arith.constant 0 : i32
    return %c0_i32, %c0_i32_0 : i32, i32
  }
  func.func @transform_8(%arg0: i32) -> (i32, i32) {
    %c0_i32 = arith.constant 0 : i32
    %c0_i32_0 = arith.constant 0 : i32
    %c0_i32_1 = arith.constant 0 : i32
    return %c0_i32, %c0_i32_0 : i32, i32
  }
  func.func @transform_9(%arg0: i32) -> (i32, i32) {
    %c0_i32 = arith.constant 0 : i32
    %c0_i32_0 = arith.constant 0 : i32
    %c0_i32_1 = arith.constant 0 : i32
    return %c0_i32, %c0_i32_0 : i32, i32
  }
  func.func @transform_10(%arg0: i32) -> (i32, i32) {
    %c0_i32 = arith.constant 0 : i32
    %c0_i32_0 = arith.constant 0 : i32
    %c0_i32_1 = arith.constant 0 : i32
    return %c0_i32, %c0_i32_0 : i32, i32
  }
  func.func @transform_11(%arg0: i32) -> (i32, i32) {
    %c0_i32 = arith.constant 0 : i32
    %c0_i32_0 = arith.constant 0 : i32
    %c0_i32_1 = arith.constant 0 : i32
    return %c0_i32, %c0_i32_0 : i32, i32
  }
  func.func @transform_12(%arg0: i32) -> (i32, i32) {
    %c0_i32 = arith.constant 0 : i32
    %c0_i32_0 = arith.constant 0 : i32
    return %arg0, %c0_i32 : i32, i32
  }
  func.func @transform_13(%arg0: i32) -> (i32, i32) {
    %c0_i32 = arith.constant 0 : i32
    %c0_i32_0 = arith.constant 0 : i32
    return %arg0, %c0_i32 : i32, i32
  }
}

</mosaic_0001>

<sc_bundles>
// kernel: kernel.11.cloned.1.call-start
scs
__scs_entry_jumppad:
0x0: {  	(pc) =	sbr.rel $0x88, $3  }
0x1: {  	(tag) =	ssettag $0x0;
	lr =	simm.s32 $0x1  }
0x2: {  	[smem:$0x3F93] =	sst lr;
	_ =	strace $0xD0000000  }
0x3: {  	_ = 	snop  }
0x4: {  	_ = 	snop  }
0x5: {  	_ = 	snop  }
0x6: {  	_ = 	snop  }
0x7: {  	_ = 	snop  }
__scs_overlays_trampoline_lowered:
0x8: {  	[smem:$0x3FA2] =	sst s0  }
0x9: {  	[smem:$0x3FA3] =	sst s1  }
0xa: {  	[smem:$0x3FA4] =	sst s2  }
0xb: {  	[smem:$0x3FA5] =	sst s3  }
0xc: {  	[smem:$0x3FA6] =	sst s4  }
0xd: {  	[smem:$0x3FA7] =	sst s5  }
0xe: {  	[smem:$0x3FA8] =	sst s6  }
0xf: {  	[smem:$0x3FA9] =	sst s7  }
0x10: {  	[smem:$0x3FAA] =	sst s8  }
0x11: {  	[smem:$0x3FAB] =	sst s9;
	s0 =	simm.s32 @!p0 $0x0  }
0x12: {  	s1 =	sld [smem:$0x3F91];
	s0 =	simm.s32 @p0 $0x1  }
0x13: {  	[smem:$0x3FAC] =	sst s0;
	s0 =	simm.s32 @!p1 $0x0  }
0x14: {  	s2 =	sld [smem:$0x3F90];
	s0 =	simm.s32 @p1 $0x1  }
0x15: {  	[smem:$0x3FAD] =	sst s0;
	s0 =	simm.s32 @!p2 $0x0  }
0x16: {  	s3 =	sld [smem:$0x3FDB];
	s0 =	simm.s32 @p2 $0x1  }
0x17: {  	s4 =	simm.s32 $0x1BF5;
	[smem:$0x3FAF] =	sst s0  }
0x18: {  	s0 =	sld [smem:$0x3F92];
	_ =	swait.ge [sflag:s4], $0x0  }
0x19: {  	s7 =	sld [smem:$0x3F93]  }
0x1a: {  	s8 =	sadd.s32 $0xFFFFE003, lr  }
0x1b: {  	s9 =	sadd.s32 $0xFFFFFEF7, lr;
	s5 =	simm.s32 $0xFFFFFFFF;
	p2 =	slt.u32 s8, $0xFFFFF086  }
0x1c: {  	p1 =	slt.u32 s9, $0xF7A;
	s5 =	simm.s32 @!p2 $0x0  }
0x1d: {  	s5 =	simm.s32 @p1 $0x1;
	p0 =	seq.s32 s7, s2  }
0x1e: {  	s7 =	smul.u32 @!p0 $0xF7A, s2;
	p2 =	seq.s32 @!p0 s5, $0x0  }
0x1f: {  	s9 =	smul.u32 $0xF7A, s1;
	s8 =	simm.s32 @!p0 $0x1BF5;
	p2 =	por !p2, p0  }
0x20: {  	[sflag:s8] =	ssyncset.s32 @!p0 $0xFFFFF086;
	s6 =	sadd.s32 @!p0 s3, s7;
	s7 =	simm.s32 @!p0 $0x108  }
0x21: {  	s3 =	sadd.s32 s3, s9;
	s6 =	sadd.s32 @!p0 $0x88, s6;
	s7 =	simm.s32 @p2 $0x1082  }
0x22: {  	[simem:s7], [sflag:s8] =	dma.local @!p0 [hbm:s6], $0xF7A  }
0x23: {  	s9 =	sor.u32 $0xD0000000, s2;
	s6 =	simm.s32 $0x108;
	_ =	swait.ge @!p0 [sflag:s8], $0x0  }
0x24: {  	s3 =	sadd.s32 $0x88, s3;
	s6 =	simm.s32 @!p1 $0x1082;
	[sflag:s4] =	ssyncset.s32 $0xFFFFF086  }
0x25: {  	[simem:s6], [sflag:s4] =	dma.local [hbm:s3], $0xF7A  }
0x26: {  	[smem:$0x3F93] =	sst s1;
	(tag) =	ssettag s2;
	_ =	strace s9  }
0x27: {  	s1 =	sld [smem:$0x3FA3]  }
0x28: {  	s2 =	sld [smem:$0x3FA4]  }
0x29: {  	s4 =	sld [smem:$0x3FA6]  }
0x2a: {  	p0 =	seq.s32 s5, $0x0;
	s5 =	sld [smem:$0x3FA7]  }
0x2b: {  	s6 =	sld [smem:$0x3FA8]  }
0x2c: {  	s7 =	sld [smem:$0x3FA9]  }
0x2d: {  	s3 =	simm.s32 $0x108;
	s8 =	sld [smem:$0x3FAA]  }
0x2e: {  	s3 =	simm.s32 @!p0 $0x1082;
	s9 =	sld [smem:$0x3FAB]  }
0x2f: {  	lr =	sadd.s32 s0, s3;
	s0 =	sld [smem:$0x3FA2]  }
0x30: {  	s3 =	sld [smem:$0x3FA5]  }
0x31: {  	[smem:$0x3FAE] =	sst s10  }
0x32: {  	s10 =	sld [smem:$0x3FAC];
	_ =	sdelay $0x3  }
0x33: {  	p0 =	seq.s32 s10, $0x1;
	s10 =	sld [smem:$0x3FAE];
	_ =	sdelay $0x3  }
0x34: {  	[smem:$0x3FAE] =	sst s10  }
0x35: {  	s10 =	sld [smem:$0x3FAD];
	_ =	sdelay $0x3  }
0x36: {  	p1 =	seq.s32 s10, $0x1;
	s10 =	sld [smem:$0x3FAE];
	_ =	sdelay $0x3  }
0x37: {  	[smem:$0x3FAE] =	sst s10  }
0x38: {  	s10 =	sld [smem:$0x3FAF]  }
0x39: {  	_ = 	snop;
	(pc) =	sbr.ind lr, $3  }
0x3a: {  	_ = 	snop  }
0x3b: {  	_ = 	snop  }
0x3c: {  	p2 =	seq.s32 s10, $0x1;
	s10 =	sld [smem:$0x3FAE]  }
0x3d: {  	_ =	shalt  }
0x3e: {  	_ =	shalt  }
0x3f: {  	_ =	shalt  }
0x40: {  	_ =	shalt  }
0x41: {  	_ =	shalt  }
0x42: {  	_ =	shalt  }
0x43: {  	_ =	shalt  }
0x44: {  	_ =	shalt  }
0x45: {  	_ =	shalt  }
0x46: {  	_ =	shalt  }
0x47: {  	_ =	shalt  }
0x48: {  	_ =	shalt  }
0x49: {  	_ =	shalt  }
0x4a: {  	_ =	shalt  }
0x4b: {  	_ =	shalt  }
0x4c: {  	_ =	shalt  }
0x4d: {  	_ =	shalt  }
0x4e: {  	_ =	shalt  }
0x4f: {  	_ =	shalt  }
0x50: {  	_ =	shalt  }
0x51: {  	_ =	shalt  }
0x52: {  	_ =	shalt  }
0x53: {  	_ =	shalt  }
0x54: {  	_ =	shalt  }
0x55: {  	_ =	shalt  }
0x56: {  	_ =	shalt  }
0x57: {  	_ =	shalt  }
0x58: {  	_ =	shalt  }
0x59: {  	_ =	shalt  }
0x5a: {  	_ =	shalt  }
0x5b: {  	_ =	shalt  }
0x5c: {  	_ =	shalt  }
0x5d: {  	_ =	shalt  }
0x5e: {  	_ =	shalt  }
0x5f: {  	_ =	shalt  }
0x60: {  	_ =	shalt  }
0x61: {  	_ =	shalt  }
0x62: {  	_ =	shalt  }
0x63: {  	_ =	shalt  }
0x64: {  	_ =	shalt  }
0x65: {  	_ =	shalt  }
0x66: {  	_ =	shalt  }
0x67: {  	_ =	shalt  }
0x68: {  	_ =	shalt  }
0x69: {  	_ =	shalt  }
0x6a: {  	_ =	shalt  }
0x6b: {  	_ =	shalt  }
0x6c: {  	_ =	shalt  }
0x6d: {  	_ =	shalt  }
0x6e: {  	_ =	shalt  }
0x6f: {  	_ =	shalt  }
0x70: {  	_ =	shalt  }
0x71: {  	_ =	shalt  }
0x72: {  	_ =	shalt  }
0x73: {  	_ =	shalt  }
0x74: {  	_ =	shalt  }
0x75: {  	_ =	shalt  }
0x76: {  	_ =	shalt  }
0x77: {  	_ =	shalt  }
0x78: {  	_ =	shalt  }
0x79: {  	_ =	shalt  }
0x7a: {  	_ =	shalt  }
0x7b: {  	_ =	shalt  }
0x7c: {  	_ =	shalt  }
0x7d: {  	_ =	shalt  }
0x7e: {  	_ =	shalt  }
0x7f: {  	_ =	shalt  }
0x80: {  	_ =	shalt  }
0x81: {  	_ =	shalt  }
0x82: {  	_ =	shalt  }
0x83: {  	_ =	shalt  }
0x84: {  	_ =	shalt  }
0x85: {  	_ =	shalt  }
0x86: {  	_ =	shalt  }
0x87: {  	_ =	shalt  }
.Lfunc_end0:
.L_simem_size_0:
called_computation.1_lowered:
.L_overlay_start_0:
0x88: {  	s2 =	sld [smem:$0x3FD9]  }
0x89: {  	s3 =	sld [smem:$0x3FFE];
	_ =	sdelay $0x1  }
0x8a: {  	s1 =	srdreg.scid  }
0x8b: {  	s0 =	sand.u32 $0x1, s1  }
0x8c: {  	s16 =	sshll.u32 s0, $0xA;
	s2 =	sadd.s32 s3, s2  }
0x8d: {  	s2 =	sadd.s32 s2, s16  }
0x8e: {  	[smem:$0x3FBA] =	sst s2  }
0x8f: {  	_ = 	snop  }
0x90: {  	(tm) =	ssettm $0x1  }
0x91: {  	s17 =	sld [smem:$0x3FFB];
	_ =	sdelay $0x3  }
0x92: {  	_ =	strace s17  }
0x93: {  	s2 =	sld [smem:$0x3FFC];
	_ =	sdelay $0x3  }
0x94: {  	_ =	strace s2  }
0x95: {  	s2 =	sld [smem:$0x3FFD];
	_ =	sdelay $0x3  }
0x96: {  	_ =	strace s2  }
0x97: {  	_ =	strace $0x8FFFFFFF  }
0x98: {  	s18 =	sld [smem:$0x3FDB];
	_ =	sdelay $0x1  }
0x99: {  	s19 =	simm.s32 $_scs_section_size  }
0x9a: {  	s4 =	simm.s32 $_size__tile_overlayer_lowered;
	s5 =	simm.s32 $_tile_overlayer_lowered  }
0x9b: {  	s22 =	simm.s32 $0x1BFF;
	s21 =	sshll.u32 s5, $0x1;
	s2 =	sadd.s32 s19, s18  }
0x9c: {  	s6 =	simm.s32 $0x0;
	s20 =	sshll.u32 s4, $0x1;
	s4 =	sadd.s32 s21, s2  }
0x9d: {  	[timem:s6], [sflag:s22] =	dma.local [hbm:s4], s20  }
0x9e: {  	_ =	swait.ge [sflag:s22], s20  }
0x9f: {  	s3 =	ssub.s32 $0x0, s20;
	[sflag:s22] =	ssyncset.done $0x0  }
0xa0: {  	[sflag:s22] =	ssyncadd.s32 s3;
	_ =	sdelay $0x1  }
0xa1: {  	s23 =	simm.s32 $0x1B8B  }
0xa2: {  	_ =	swait.ge [sflag:s23], $0x1  }
0xa3: {  	[sflag:s23] =	ssyncset.done $0x0  }
0xa4: {  	s25 =	simm.s32 $0x1B8E;
	s24 =	sld [smem:$0x3FFE];
	[sflag:s23] =	ssyncadd.s32 $0xFFFFFFFF  }
0xa5: {  	s26 =	simm.s32 $execute0_lowered;
	[smem:$0x3FD2] =	sst s25  }
0xa6: {  	s4 =	sshll.u32 s26, $0x1;
	_ =	strace $0x80000049;
	[dreg:$0x1] =	wrdreg $0xFFFFFFFF  }
0xa7: {  	s28 =	simm.s32 $_size_execute0_lowered;
	s2 =	sadd.s32 s2, s4;
	[dreg:$0x0] =	wrdreg $0x0  }
0xa8: {  	s4 =	sshll.u32 s28, $0x1;
	[dreg:$0x2] =	wrdreg s2  }
0xa9: {  	[dreg:$0x3] =	wrdreg s4  }
0xaa: {  	[dreg:$0x4] =	wrdreg $0xC0  }
0xab: {  	_ =	task [dreg:s6], $0x5FFFF  }
0xac: {  	[dreg:$0x1] =	wrdreg $0xFFFFFFFF  }
0xad: {  	[dreg:$0x0] =	wrdreg $0x60  }
0xae: {  	[dreg:$0x2] =	wrdreg s24  }
0xaf: {  	[dreg:$0x3] =	wrdreg $0xA8000  }
0xb0: {  	[dreg:$0x4] =	wrdreg $0x9  }
0xb1: {  	_ =	task.clear_ibuf [dreg:s6], $0x5FFFF;
	_ =	strace $0x90000049  }
0xb2: {  	s29 =	simm.s32 $0x9;
	_ =	strace $0x8000004B  }
0xb3: {  	_ =	swait.ge [sflag:s29], $0x1  }
0xb4: {  	[sflag:s29] =	ssyncadd.s32 $0xFFFFFFFF  }
0xb5: {  	_ =	strace $0x9000004B  }
0xb6: {  	_ =	sfence  }
0xb7: {  	s30 =	sld [smem:$0x0];
	_ =	sdelay $0x2  }
0xb8: {  	s31 =	sshll.u32 s1, $0xD;
	s1 =	sshrl.u32 s1, $0x2  }
0xb9: {  	s3 =	sand.u32 $0x4000, s31;
	s1 =	sadd.s32 s1, s30  }
0xba: {  	s0 =	sor.u32 s3, s0;
	s1 =	sshll.u32 s1, $0x11  }
0xbb: {  	s0 =	sor.u32 s1, s0  }
0xbc: {  	s0 =	sadd.s32 $0x8F2B, s0  }
0xbd: {  	[sflag:s0] =	ssyncadd.remote.s32 $0x1  }
0xbe: {  	_ =	sfence.sel $0xFFFF  }
0xbf: {  	[dreg:$0x0] =	wrdreg $0xFFFFFFFF;
	(pc) =	sbr.abs _section_cstart, $3  }
0xc0: {  	[dreg:$0x1] =	wrdreg $0xFFFFFFFF  }
0xc1: {  	_ =	task.clear_ibuf [dreg:s6], $0x2FFFF;
	_ =	strace $0x9FFFFFFF  }
0xc2: {  	(tm) =	ssettm $0x7FFFFFFF  }
0xc3: {  	_ =	shalt  }
tec
execute0_lowered:
.L_overlay_start_1:
0x0: {  	(tag) =	ssettag $0x1  }
0x1: {  	s0 =	rddreg [dreg:$0x0]  }
0x2: {  	s1 =	rddreg [dreg:$0x1]  }
0x3: {  	s3 =	simm.s32 $0x0;
	s2 =	srdreg.scid;
	s23 =	stileid.u32  }
0x4: {  	s29 =	simm.s32 $0x3;
	s31 =	simm.s32 $0x80;
	[smem:$0x7FF] =	sst s3  }
0x5: {  	s4 =	sadd.s32 $0xADC00, s0;
	s2 =	sand.u32 $0x1, s2;
	s5 =	smul.u32 $0x50000, s23  }
0x6: {  	s14 =	sadd.s32 $0xA3C00, s0;
	s15 =	sadd.s32 $0x2800, s0;
	s18 =	smul.u32 $0x50, s23  }
0x7: {  	s0 =	sadd.s32 $0xFBE00, s0;
	s10 =	sadd.s32 $0x12C000, s1;
	s21 =	smul.u32 $0x500, s23  }
0x8: {  	s11 =	sadd.s32 $0x130000, s1;
	s12 =	sadd.s32 $0x134000, s1;
	s22 =	smul.u32 $0x280, s23  }
0x9: {  	s13 =	sadd.s32 $0x138000, s1;
	p0 =	seq.s32 s23, $0xF;
	s17 =	smul.u32 $0x2710, s2  }
0xa: {  	s23 =	simm.s32 $0x1400;
	s6 =	ssub.s32 $0x2, s2;
	s19 =	smul.u32 $0x500, s2  }
0xb: {  	_ =	strace $0x8000004A;
	s2 =	smul.u32 $0x138800, s2;
	s7 =	sshrl.u32 s6, $0x1  }
0xc: {  	s5 =	sshrl.u32 s5, $0x2;
	s21 =	sadd.s32 s15, s21;
	s16 =	ssub.s32 s6, s7  }
0xd: {  	s5 =	sadd.s32 s5, s1;
	s20 =	sadd.s32 s18, s19;
	s18 =	sadd.s32 $0x28, s18  }
0xe: {  	[dreg:$0x4] =	wrdreg s21;
	s17 =	sadd.s32 s22, s17;
	s2 =	sshrl.u32 s2, $0x3  }
0xf: {  	s6 =	sadd.s32 $0x4000, s5;
	s7 =	sadd.s32 $0x8000, s5;
	s8 =	sadd.s32 $0xC000, s5  }
0x10: {  	s20 =	sshll.u32 s20, $0x4;
	s19 =	sadd.s32 s19, s18;
	s22 =	sshll.u32 s18, $0x4  }
0x11: {  	s17 =	sshll.u32 s17, $0x4;
	s20 =	sadd.s32 s14, s20;
	s19 =	sshll.u32 s19, $0x4  }
0x12: {  	s18 =	sadd.s32 s0, s17;
	[dreg:$0x3] =	wrdreg s20;
	s14 =	sadd.s32 s14, s19  }
0x13: {  	s9 =	sadd.s32 $0x10000, s5;
	s24 =	sadd.s32 $0x800, s18;
	[dreg:$0x5] =	wrdreg s14  }
0x14: {  	s0 =	sadd.s32 s0, s2;
	s25 =	sadd.s32 $0x1000, s18;
	[dreg:$0x7] =	wrdreg s24  }
0x15: {  	s17 =	simm.s32 $0x1380;
	s2 =	sadd.s32 $0x25800, s0;
	[dreg:$0x8] =	wrdreg s25  }
0x16: {  	s26 =	sadd.s32 $0x26000, s0;
	s30 =	sadd.s32 $0x26800, s0;
	[dreg:$0x9] =	wrdreg s2  }
0x17: {  	s0 =	sadd.s32 $0x27000, s0;
	s28 =	sadd.s32 $0x2000, s18;
	[dreg:$0xa] =	wrdreg s26  }
0x18: {  	s19 =	simm.s32 $0x2780;
	s14 =	sadd.s32 s15, s22;
	[dreg:$0xb] =	wrdreg s30  }
0x19: {  	[dreg:$0xc] =	wrdreg s0;
	s25 =	smax.u32 s16, $0x1;
	s26 =	sadd.s32 $0x1800, s18  }
0x1a: {  	s0 =	simm.s32 $0x2800;
	s2 =	simm.s32 $0x1;
	s15 =	simm.s32 $0x2  }
0x1b: {  	v0 =	vimm.f32 $0.0e+00;
	s16 =	simm.s32 $0x2700;
	[dreg:$0x6] =	wrdreg s14;
	s14 =	simm.s32 $0x6800  }
.LBB2_1:
0x1c: {  	s20 =	simm.s32 $0x0;
	s21 =	simm.s32 $0x200  }
.LBB2_2:
0x1d: {  	p1 =	sne.s32 s21, $0xFE00;
	[tilespmem:s20+$0x2870] =	vst v0  }
0x1e: {  	[tilespmem:s20+$0x2800] =	vst v0  }
0x1f: {  	[tilespmem:s20+$0x2810] =	vst v0  }
.Ltmp0:
0x20: {  	[tilespmem:s20+$0x2820] =	vst v0;
	(pc) =	sbr.rel @p1 .LBB2_2-.Ltmp0, $4  }
0x21: {  	[tilespmem:s20+$0x2830] =	vst v0  }
0x22: {  	[tilespmem:s20+$0x2840] =	vst v0  }
0x23: {  	[tilespmem:s20+$0x2850] =	vst v0  }
0x24: {  	[tilespmem:s20+$0x2860] =	vst v0;
	s20 =	sshra.s32 s21, $0x2;
	s21 =	sadd.s32 $0x200, s21  }
0x25: {  	[tilespmem:s20+$0x2870] =	vst v0  }
0x26: {  	[tilespmem:s20+$0x2800] =	vst v0  }
0x27: {  	[tilespmem:s20+$0x2810] =	vst v0  }
0x28: {  	[tilespmem:s20+$0x2820] =	vst v0  }
0x29: {  	[tilespmem:s20+$0x2830] =	vst v0  }
0x2a: {  	[tilespmem:s20+$0x2840] =	vst v0  }
0x2b: {  	[tilespmem:s20+$0x2850] =	vst v0  }
0x2c: {  	[tilespmem:s20+$0x2860] =	vst v0;
	s20 =	simm.s32 @p0 $0x2800;
	s21 =	simm.s32 @p0 $0x3  }
0x2d: {  	[spmem:s10] =	stream.linear.scatter @p0 [tilespmem:s20], [sflag:$0x3], $0x4000, $0x38;
	[tilespmem:$0x1E0C0] =	vst v63  }
0x2e: {  	_ =	swait.ge @p0 [sflag:s21], $0x4000  }
0x2f: {  	[sflag:s21] =	ssyncset.done @p0 $0x0  }
0x30: {  	[sflag:s21] =	ssyncadd.s32 @p0 $0xFFFFC000  }
0x31: {  	[spmem:s11] =	stream.linear.scatter @p0 [tilespmem:s20], [sflag:$0x3], $0x4000, $0x38;
	[tilespmem:$0x1E0C0] =	vst v63  }
0x32: {  	_ =	swait.ge @p0 [sflag:s21], $0x4000  }
0x33: {  	[sflag:s21] =	ssyncset.done @p0 $0x0  }
0x34: {  	[sflag:s21] =	ssyncadd.s32 @p0 $0xFFFFC000  }
0x35: {  	[spmem:s12] =	stream.linear.scatter @p0 [tilespmem:s20], [sflag:$0x3], $0x4000, $0x38;
	[tilespmem:$0x1E0C0] =	vst v63  }
0x36: {  	_ =	swait.ge @p0 [sflag:s21], $0x4000  }
0x37: {  	[sflag:s21] =	ssyncset.done @p0 $0x0  }
0x38: {  	[sflag:s21] =	ssyncadd.s32 @p0 $0xFFFFC000  }
0x39: {  	[spmem:s13] =	stream.linear.scatter @p0 [tilespmem:s20], [sflag:$0x3], $0x800, $0x38;
	[tilespmem:$0x1E0C0] =	vst v63  }
0x3a: {  	_ =	swait.ge @p0 [sflag:s21], $0x800  }
0x3b: {  	[sflag:s21] =	ssyncset.done @p0 $0x0  }
0x3c: {  	s20 =	simm.s32 @!p0 $0x2800;
	[sflag:s21] =	ssyncadd.s32 @p0 $0xFFFFF800;
	s21 =	simm.s32 @!p0 $0x3  }
0x3d: {  	[spmem:s5] =	stream.linear.scatter @!p0 [tilespmem:s20], [sflag:$0x3], $0x4000, $0x38;
	[tilespmem:$0x1E0C0] =	vst v63  }
0x3e: {  	_ =	swait.ge @!p0 [sflag:s21], $0x4000  }
0x3f: {  	[sflag:s21] =	ssyncset.done @!p0 $0x0  }
0x40: {  	[sflag:s21] =	ssyncadd.s32 @!p0 $0xFFFFC000  }
0x41: {  	[spmem:s6] =	stream.linear.scatter @!p0 [tilespmem:s20], [sflag:$0x3], $0x4000, $0x38;
	[tilespmem:$0x1E0C0] =	vst v63  }
0x42: {  	_ =	swait.ge @!p0 [sflag:s21], $0x4000  }
0x43: {  	[sflag:s21] =	ssyncset.done @!p0 $0x0  }
0x44: {  	[sflag:s21] =	ssyncadd.s32 @!p0 $0xFFFFC000  }
0x45: {  	[spmem:s7] =	stream.linear.scatter @!p0 [tilespmem:s20], [sflag:$0x3], $0x4000, $0x38;
	[tilespmem:$0x1E0C0] =	vst v63  }
0x46: {  	_ =	swait.ge @!p0 [sflag:s21], $0x4000  }
0x47: {  	[sflag:s21] =	ssyncset.done @!p0 $0x0  }
0x48: {  	[sflag:s21] =	ssyncadd.s32 @!p0 $0xFFFFC000  }
0x49: {  	[spmem:s8] =	stream.linear.scatter @!p0 [tilespmem:s20], [sflag:$0x3], $0x4000, $0x38;
	[tilespmem:$0x1E0C0] =	vst v63  }
0x4a: {  	_ =	swait.ge @!p0 [sflag:s21], $0x4000  }
0x4b: {  	[sflag:s21] =	ssyncset.done @!p0 $0x0  }
0x4c: {  	[sflag:s21] =	ssyncadd.s32 @!p0 $0xFFFFC000  }
0x4d: {  	[spmem:s9] =	stream.linear.scatter @!p0 [tilespmem:s20], [sflag:$0x3], $0x4000, $0x38;
	[tilespmem:$0x1E0C0] =	vst v63  }
0x4e: {  	_ =	swait.ge @!p0 [sflag:s21], $0x4000  }
0x4f: {  	[sflag:s21] =	ssyncset.done @!p0 $0x0  }
0x50: {  	[sflag:s21] =	ssyncadd.s32 @!p0 $0xFFFFC000  }
0x51: {  	[bflag:$0x0] =	sbarrier.arrive $0xFFFF  }
0x52: {  	s22 =	simm.s32 $0x0;
	s24 =	rddreg [dreg:$0x3]  }
0x53: {  	[tilespmem:s22], [sflag:$0x3] =	stream.linear.gather [hbm4b:s24+s22], $0x1400, $0x38;
	[tilespmem:$0x1E0C0] =	vst v63  }
0x54: {  	_ =	swait.ge [sflag:s29], $0x1400  }
0x55: {  	[sflag:s29] =	ssyncset.done $0x0  }
0x56: {  	s30 =	rddreg [dreg:$0x4];
	[sflag:s29] =	ssyncadd.s32 $0xFFFFEC00  }
0x57: {  	[tilespmem:s23], [sflag:$0x3] =	stream.linear.gather [hbm4b:s30+s22], $0x1400, $0x38;
	[tilespmem:$0x1E0C0] =	vst v63  }
0x58: {  	_ =	swait.ge [sflag:s29], $0x1400  }
0x59: {  	[sflag:s29] =	ssyncset.done $0x0  }
0x5a: {  	[sflag:s29] =	ssyncadd.s32 $0xFFFFEC00  }
0x5b: {  	[tilespmem:s0], [sflag:$0x1] =	stream.indirect.gather [hbm4b:s4+s31], $0x80, s22, s31, $0xb8;
	[tilespmem:$0x1E0C0] =	vst v63  }
0x5c: {  	_ =	swait.ge [sflag:s2], $0x4000  }
0x5d: {  	[sflag:s2] =	ssyncset.done $0x0  }
0x5e: {  	s21 =	simm.s32 $0x1400;
	[sflag:s2] =	ssyncadd.s32 $0xFFFFC000  }
0x5f: {  	[spmem:s1] =	stream.indirect.scatter.add.f32 [tilespmem:s0], [sflag:$0x2], $0x80, s21, s31, $0xb8;
	[tilespmem:$0x1E0C0] =	vst v63  }
0x60: {  	s22 =	simm.s32 $0x80  }
0x61: {  	[tilespmem:s14], [sflag:$0x1] =	stream.indirect.gather [hbm4b:s4+s31], $0x80, s22, s31, $0xb8;
	[tilespmem:$0x1E0C0] =	vst v63  }
0x62: {  	_ =	swait.ge [sflag:s2], $0x4000  }
0x63: {  	[sflag:s2] =	ssyncset.done $0x0  }
0x64: {  	[sflag:s2] =	ssyncadd.s32 $0xFFFFC000  }
0x65: {  	_ =	swait.ge [sflag:s15], $0x4000  }
0x66: {  	[sflag:s15] =	ssyncset.done $0x0  }
0x67: {  	s24 =	simm.s32 $0x1480;
	[sflag:s15] =	ssyncadd.s32 $0xFFFFC000  }
0x68: {  	[spmem:s1] =	stream.indirect.scatter.add.f32 [tilespmem:s14], [sflag:$0x2], $0x80, s24, s31, $0xb8;
	[tilespmem:$0x1E0C0] =	vst v63  }
0x69: {  	s30 =	simm.s32 $0x100  }
0x6a: {  	[tilespmem:s0], [sflag:$0x1] =	stream.indirect.gather [hbm4b:s4+s31], $0x80, s30, s31, $0xb8;
	[tilespmem:$0x1E0C0] =	vst v63  }
0x6b: {  	_ =	swait.ge [sflag:s15], $0x4000  }
0x6c: {  	s20 =	simm.s32 $0x400;
	[sflag:s15] =	ssyncset.done $0x0  }
.LBB2_4:
0x6d: {  	p1 =	sne.s32 s20, $0x4800  }
0x6e: {  	[sflag:s15] =	ssyncadd.s32 $0xFFFFC000;
	s21 =	smov.u32 s20;
	s20 =	sadd.s32 $0x400, s20  }
0x6f: {  	_ = 	snop  }
0x70: {  	_ =	swait.ge [sflag:s2], $0x4000  }
0x71: {  	s21 =	sshra.s32 s21, $0x2;
	[sflag:s2] =	ssyncset.done $0x0  }
0x72: {  	s22 =	sadd.s32 $0x1400, s21;
	[sflag:s2] =	ssyncadd.s32 $0xFFFFC000  }
0x73: {  	[spmem:s1] =	stream.indirect.scatter.add.f32 [tilespmem:s0], [sflag:$0x2], $0x80, s22, s31, $0xb8;
	[tilespmem:$0x1E0C0] =	vst v63  }
0x74: {  	s22 =	sadd.s32 $0x80, s21  }
0x75: {  	[tilespmem:s14], [sflag:$0x1] =	stream.indirect.gather [hbm4b:s4+s31], $0x80, s22, s31, $0xb8;
	[tilespmem:$0x1E0C0] =	vst v63  }
0x76: {  	_ =	swait.ge [sflag:s2], $0x4000  }
0x77: {  	[sflag:s2] =	ssyncset.done $0x0  }
0x78: {  	[sflag:s2] =	ssyncadd.s32 $0xFFFFC000  }
0x79: {  	_ =	swait.ge [sflag:s15], $0x4000  }
0x7a: {  	[sflag:s15] =	ssyncset.done $0x0  }
0x7b: {  	s22 =	sadd.s32 $0x1480, s21;
	[sflag:s15] =	ssyncadd.s32 $0xFFFFC000  }
0x7c: {  	[spmem:s1] =	stream.indirect.scatter.add.f32 [tilespmem:s14], [sflag:$0x2], $0x80, s22, s31, $0xb8;
	[tilespmem:$0x1E0C0] =	vst v63  }
.Ltmp1:
0x7d: {  	_ = 	snop;
	(pc) =	sbr.rel @p1 .LBB2_4-.Ltmp1, $4  }
0x7e: {  	s21 =	sadd.s32 $0x100, s21  }
0x7f: {  	[tilespmem:s0], [sflag:$0x1] =	stream.indirect.gather [hbm4b:s4+s31], $0x80, s21, s31, $0xb8;
	[tilespmem:$0x1E0C0] =	vst v63  }
0x80: {  	_ =	swait.ge [sflag:s15], $0x4000  }
0x81: {  	[sflag:s15] =	ssyncset.done $0x0  }
0x82: {  	[sflag:s15] =	ssyncadd.s32 $0xFFFFC000  }
0x83: {  	_ =	swait.ge [sflag:s2], $0x4000  }
0x84: {  	[sflag:s2] =	ssyncset.done $0x0  }
0x85: {  	[sflag:s2] =	ssyncadd.s32 $0xFFFFC000  }
0x86: {  	[spmem:s1] =	stream.indirect.scatter.add.f32 [tilespmem:s0], [sflag:$0x2], $0x80, s16, s31, $0xb8;
	[tilespmem:$0x1E0C0] =	vst v63  }
0x87: {  	_ = 	snop  }
0x88: {  	[tilespmem:s14], [sflag:$0x1] =	stream.indirect.gather [hbm4b:s4+s31], $0x80, s17, s31, $0xb8;
	[tilespmem:$0x1E0C0] =	vst v63  }
0x89: {  	_ =	swait.ge [sflag:s2], $0x4000  }
0x8a: {  	[sflag:s2] =	ssyncset.done $0x0  }
0x8b: {  	[sflag:s2] =	ssyncadd.s32 $0xFFFFC000  }
0x8c: {  	_ =	swait.ge [sflag:s15], $0x4000  }
0x8d: {  	[sflag:s15] =	ssyncset.done $0x0  }
0x8e: {  	[sflag:s15] =	ssyncadd.s32 $0xFFFFC000  }
0x8f: {  	[spmem:s1] =	stream.indirect.scatter.add.f32 [tilespmem:s14], [sflag:$0x2], $0x80, s19, s31, $0xb8;
	[tilespmem:$0x1E0C0] =	vst v63  }
0x90: {  	_ = 	snop  }
0x91: {  	[tilespmem:s0], [sflag:$0x1] =	stream.indirect.gather [hbm4b:s4+s31], $0x80, s17, s31, $0xb8;
	[tilespmem:$0x1E0C0] =	vst v63  }
0x92: {  	_ =	swait.ge [sflag:s15], $0x4000  }
0x93: {  	[sflag:s15] =	ssyncset.done $0x0  }
0x94: {  	[sflag:s15] =	ssyncadd.s32 $0xFFFFC000  }
0x95: {  	_ =	swait.ge [sflag:s2], $0x4000  }
0x96: {  	[sflag:s2] =	ssyncset.done $0x0  }
0x97: {  	s20 =	simm.s32 $0x0;
	s21 =	rddreg [dreg:$0x5];
	[sflag:s2] =	ssyncadd.s32 $0xFFFFC000  }
0x98: {  	[tilespmem:s20], [sflag:$0x3] =	stream.linear.gather [hbm4b:s21+s20], $0x1400, $0x38;
	[tilespmem:$0x1E0C0] =	vst v63  }
0x99: {  	_ =	swait.ge [sflag:s29], $0x1400  }
0x9a: {  	[sflag:s29] =	ssyncset.done $0x0  }
0x9b: {  	s30 =	rddreg [dreg:$0x6];
	[sflag:s29] =	ssyncadd.s32 $0xFFFFEC00  }
0x9c: {  	[tilespmem:s23], [sflag:$0x3] =	stream.linear.gather [hbm4b:s30+s20], $0x1400, $0x38;
	[tilespmem:$0x1E0C0] =	vst v63  }
0x9d: {  	_ =	swait.ge [sflag:s29], $0x1400  }
0x9e: {  	[sflag:s29] =	ssyncset.done $0x0  }
0x9f: {  	[sflag:s29] =	ssyncadd.s32 $0xFFFFEC00  }
0xa0: {  	[tilespmem:s0], [sflag:$0x1] =	stream.indirect.gather [hbm4b:s4+s31], $0x80, s20, s31, $0xb8;
	[tilespmem:$0x1E0C0] =	vst v63  }
0xa1: {  	_ =	swait.ge [sflag:s2], $0x4000  }
0xa2: {  	[sflag:s2] =	ssyncset.done $0x0  }
0xa3: {  	s22 =	simm.s32 $0x1400;
	[sflag:s2] =	ssyncadd.s32 $0xFFFFC000  }
0xa4: {  	[spmem:s1] =	stream.indirect.scatter.add.f32 [tilespmem:s0], [sflag:$0x2], $0x80, s22, s31, $0xb8;
	[tilespmem:$0x1E0C0] =	vst v63  }
0xa5: {  	s23 =	simm.s32 $0x80  }
0xa6: {  	[tilespmem:s14], [sflag:$0x1] =	stream.indirect.gather [hbm4b:s4+s31], $0x80, s23, s31, $0xb8;
	[tilespmem:$0x1E0C0] =	vst v63  }
0xa7: {  	_ =	swait.ge [sflag:s2], $0x4000  }
0xa8: {  	[sflag:s2] =	ssyncset.done $0x0  }
0xa9: {  	[sflag:s2] =	ssyncadd.s32 $0xFFFFC000  }
0xaa: {  	_ =	swait.ge [sflag:s15], $0x4000  }
0xab: {  	[sflag:s15] =	ssyncset.done $0x0  }
0xac: {  	s24 =	simm.s32 $0x1480;
	[sflag:s15] =	ssyncadd.s32 $0xFFFFC000  }
0xad: {  	[spmem:s1] =	stream.indirect.scatter.add.f32 [tilespmem:s14], [sflag:$0x2], $0x80, s24, s31, $0xb8;
	[tilespmem:$0x1E0C0] =	vst v63  }
0xae: {  	s30 =	simm.s32 $0x100  }
0xaf: {  	[tilespmem:s0], [sflag:$0x1] =	stream.indirect.gather [hbm4b:s4+s31], $0x80, s30, s31, $0xb8;
	[tilespmem:$0x1E0C0] =	vst v63  }
0xb0: {  	_ =	swait.ge [sflag:s15], $0x4000  }
0xb1: {  	s20 =	simm.s32 $0x400;
	[sflag:s15] =	ssyncset.done $0x0  }
.LBB2_6:
0xb2: {  	p1 =	sne.s32 s20, $0x4800  }
0xb3: {  	[sflag:s15] =	ssyncadd.s32 $0xFFFFC000;
	s21 =	smov.u32 s20;
	s20 =	sadd.s32 $0x400, s20  }
0xb4: {  	_ = 	snop  }
0xb5: {  	_ =	swait.ge [sflag:s2], $0x4000  }
0xb6: {  	s21 =	sshra.s32 s21, $0x2;
	[sflag:s2] =	ssyncset.done $0x0  }
0xb7: {  	s22 =	sadd.s32 $0x1400, s21;
	[sflag:s2] =	ssyncadd.s32 $0xFFFFC000  }
0xb8: {  	[spmem:s1] =	stream.indirect.scatter.add.f32 [tilespmem:s0], [sflag:$0x2], $0x80, s22, s31, $0xb8;
	[tilespmem:$0x1E0C0] =	vst v63  }
0xb9: {  	s22 =	sadd.s32 $0x80, s21  }
0xba: {  	[tilespmem:s14], [sflag:$0x1] =	stream.indirect.gather [hbm4b:s4+s31], $0x80, s22, s31, $0xb8;
	[tilespmem:$0x1E0C0] =	vst v63  }
0xbb: {  	_ =	swait.ge [sflag:s2], $0x4000  }
0xbc: {  	[sflag:s2] =	ssyncset.done $0x0  }
0xbd: {  	[sflag:s2] =	ssyncadd.s32 $0xFFFFC000  }
0xbe: {  	_ =	swait.ge [sflag:s15], $0x4000  }
0xbf: {  	[sflag:s15] =	ssyncset.done $0x0  }
0xc0: {  	s22 =	sadd.s32 $0x1480, s21;
	[sflag:s15] =	ssyncadd.s32 $0xFFFFC000  }
0xc1: {  	[spmem:s1] =	stream.indirect.scatter.add.f32 [tilespmem:s14], [sflag:$0x2], $0x80, s22, s31, $0xb8;
	[tilespmem:$0x1E0C0] =	vst v63  }
.Ltmp2:
0xc2: {  	_ = 	snop;
	(pc) =	sbr.rel @p1 .LBB2_6-.Ltmp2, $4  }
0xc3: {  	s21 =	sadd.s32 $0x100, s21  }
0xc4: {  	[tilespmem:s0], [sflag:$0x1] =	stream.indirect.gather [hbm4b:s4+s31], $0x80, s21, s31, $0xb8;
	[tilespmem:$0x1E0C0] =	vst v63  }
0xc5: {  	_ =	swait.ge [sflag:s15], $0x4000  }
0xc6: {  	[sflag:s15] =	ssyncset.done $0x0  }
0xc7: {  	[sflag:s15] =	ssyncadd.s32 $0xFFFFC000  }
0xc8: {  	_ =	swait.ge [sflag:s2], $0x4000  }
0xc9: {  	[sflag:s2] =	ssyncset.done $0x0  }
0xca: {  	[sflag:s2] =	ssyncadd.s32 $0xFFFFC000  }
0xcb: {  	[spmem:s1] =	stream.indirect.scatter.add.f32 [tilespmem:s0], [sflag:$0x2], $0x80, s16, s31, $0xb8;
	[tilespmem:$0x1E0C0] =	vst v63  }
0xcc: {  	_ = 	snop  }
0xcd: {  	[tilespmem:s14], [sflag:$0x1] =	stream.indirect.gather [hbm4b:s4+s31], $0x80, s17, s31, $0xb8;
	[tilespmem:$0x1E0C0] =	vst v63  }
0xce: {  	_ =	swait.ge [sflag:s2], $0x4000  }
0xcf: {  	[sflag:s2] =	ssyncset.done $0x0  }
0xd0: {  	[sflag:s2] =	ssyncadd.s32 $0xFFFFC000  }
0xd1: {  	_ =	swait.ge [sflag:s15], $0x4000  }
0xd2: {  	[sflag:s15] =	ssyncset.done $0x0  }
0xd3: {  	[sflag:s15] =	ssyncadd.s32 $0xFFFFC000  }
0xd4: {  	[spmem:s1] =	stream.indirect.scatter.add.f32 [tilespmem:s14], [sflag:$0x2], $0x80, s19, s31, $0xb8;
	[tilespmem:$0x1E0C0] =	vst v63  }
0xd5: {  	_ = 	snop  }
0xd6: {  	[tilespmem:s0], [sflag:$0x1] =	stream.indirect.gather [hbm4b:s4+s31], $0x80, s17, s31, $0xb8;
	[tilespmem:$0x1E0C0] =	vst v63  }
0xd7: {  	_ =	swait.ge [sflag:s15], $0x4000  }
0xd8: {  	[sflag:s15] =	ssyncset.done $0x0  }
0xd9: {  	[sflag:s15] =	ssyncadd.s32 $0xFFFFC000  }
0xda: {  	_ =	swait.ge [sflag:s2], $0x4000  }
0xdb: {  	[sflag:s2] =	ssyncset.done $0x0  }
0xdc: {  	[sflag:s2] =	ssyncadd.s32 $0xFFFFC000  }
0xdd: {  	s20 =	simm.s32 @p0 $0x2800;
	s21 =	simm.s32 @p0 $0x3;
	[bflag:$0x0] =	sbarrier.arrive $0xFFFF  }
0xde: {  	[tilespmem:s20], [sflag:$0x3] =	stream.linear.gather @p0 [spmem:s10], $0x4000, $0x38;
	[tilespmem:$0x1E0C0] =	vst v63  }
0xdf: {  	_ =	swait.ge @p0 [sflag:s21], $0x4000  }
0xe0: {  	[sflag:s21] =	ssyncset.done @p0 $0x0  }
0xe1: {  	s22 =	simm.s32 @p0 $0x0;
	s23 =	rddreg [dreg:$0x9];
	[sflag:s21] =	ssyncadd.s32 @p0 $0xFFFFC000  }
0xe2: {  	[hbm4b:s23+s22] =	stream.linear.scatter @p0 [tilespmem:s20], [sflag:$0x1], $0x4000, $0x38;
	[tilespmem:$0x1E0C0] =	vst v63  }
0xe3: {  	s23 =	simm.s32 @p0 $0x6800  }
0xe4: {  	[tilespmem:s23], [sflag:$0x3] =	stream.linear.gather @p0 [spmem:s11], $0x4000, $0x38;
	[tilespmem:$0x1E0C0] =	vst v63  }
0xe5: {  	_ =	swait.ge @p0 [sflag:s21], $0x4000  }
0xe6: {  	[sflag:s21] =	ssyncset.done @p0 $0x0  }
0xe7: {  	s24 =	rddreg [dreg:$0xa];
	[sflag:s21] =	ssyncadd.s32 @p0 $0xFFFFC000  }
0xe8: {  	[hbm4b:s24+s22] =	stream.linear.scatter @p0 [tilespmem:s23], [sflag:$0x2], $0x4000, $0x38;
	[tilespmem:$0x1E0C0] =	vst v63  }
0xe9: {  	s23 =	simm.s32 @p0 $0x1  }
0xea: {  	_ =	swait.ge @p0 [sflag:s23], $0x4000  }
0xeb: {  	[sflag:s23] =	ssyncset.done @p0 $0x0  }
0xec: {  	[sflag:s23] =	ssyncadd.s32 @p0 $0xFFFFC000  }
0xed: {  	[tilespmem:s20], [sflag:$0x3] =	stream.linear.gather @p0 [spmem:s12], $0x4000, $0x38;
	[tilespmem:$0x1E0C0] =	vst v63  }
0xee: {  	_ =	swait.ge @p0 [sflag:s21], $0x4000  }
0xef: {  	[sflag:s21] =	ssyncset.done @p0 $0x0  }
0xf0: {  	s24 =	rddreg [dreg:$0xb];
	[sflag:s21] =	ssyncadd.s32 @p0 $0xFFFFC000  }
0xf1: {  	[hbm4b:s24+s22] =	stream.linear.scatter @p0 [tilespmem:s20], [sflag:$0x1], $0x4000, $0x38;
	[tilespmem:$0x1E0C0] =	vst v63  }
0xf2: {  	_ =	swait.ge @p0 [sflag:s23], $0x4000  }
0xf3: {  	[sflag:s23] =	ssyncset.done @p0 $0x0  }
0xf4: {  	[sflag:s23] =	ssyncadd.s32 @p0 $0xFFFFC000  }
0xf5: {  	[tilespmem:s20], [sflag:$0x3] =	stream.linear.gather @p0 [spmem:s13], $0x800, $0x38;
	[tilespmem:$0x1E0C0] =	vst v63  }
0xf6: {  	_ =	swait.ge @p0 [sflag:s21], $0x800  }
0xf7: {  	[sflag:s21] =	ssyncset.done @p0 $0x0  }
0xf8: {  	s23 =	rddreg [dreg:$0xc];
	[sflag:s21] =	ssyncadd.s32 @p0 $0xFFFFF800  }
0xf9: {  	[hbm4b:s23+s22] =	stream.linear.scatter @p0 [tilespmem:s20], [sflag:$0x3], $0x800, $0x38;
	[tilespmem:$0x1E0C0] =	vst v63  }
0xfa: {  	_ =	swait.ge @p0 [sflag:s21], $0x800  }
0xfb: {  	[sflag:s21] =	ssyncset.done @p0 $0x0  }
0xfc: {  	s20 =	simm.s32 @!p0 $0x2800;
	[sflag:s21] =	ssyncadd.s32 @p0 $0xFFFFF800;
	s21 =	simm.s32 @!p0 $0x3  }
0xfd: {  	[tilespmem:s20], [sflag:$0x3] =	stream.linear.gather @!p0 [spmem:s5], $0x4000, $0x38;
	[tilespmem:$0x1E0C0] =	vst v63  }
0xfe: {  	_ =	swait.ge @!p0 [sflag:s21], $0x4000  }
0xff: {  	[sflag:s21] =	ssyncset.done @!p0 $0x0  }
0x100: {  	s22 =	simm.s32 @!p0 $0x0;
	[sflag:s21] =	ssyncadd.s32 @!p0 $0xFFFFC000  }
0x101: {  	[hbm4b:s18+s22] =	stream.linear.scatter @!p0 [tilespmem:s20], [sflag:$0x1], $0x4000, $0x38;
	[tilespmem:$0x1E0C0] =	vst v63  }
0x102: {  	s23 =	simm.s32 @!p0 $0x6800  }
0x103: {  	[tilespmem:s23], [sflag:$0x3] =	stream.linear.gather @!p0 [spmem:s6], $0x4000, $0x38;
	[tilespmem:$0x1E0C0] =	vst v63  }
0x104: {  	_ =	swait.ge @!p0 [sflag:s21], $0x4000  }
0x105: {  	[sflag:s21] =	ssyncset.done @!p0 $0x0  }
0x106: {  	s24 =	rddreg [dreg:$0x7];
	[sflag:s21] =	ssyncadd.s32 @!p0 $0xFFFFC000  }
0x107: {  	[hbm4b:s24+s22] =	stream.linear.scatter @!p0 [tilespmem:s23], [sflag:$0x2], $0x4000, $0x38;
	[tilespmem:$0x1E0C0] =	vst v63  }
0x108: {  	s24 =	simm.s32 @!p0 $0x1  }
0x109: {  	_ =	swait.ge @!p0 [sflag:s24], $0x4000  }
0x10a: {  	[sflag:s24] =	ssyncset.done @!p0 $0x0  }
0x10b: {  	[sflag:s24] =	ssyncadd.s32 @!p0 $0xFFFFC000  }
0x10c: {  	[tilespmem:s20], [sflag:$0x3] =	stream.linear.gather @!p0 [spmem:s7], $0x4000, $0x38;
	[tilespmem:$0x1E0C0] =	vst v63  }
0x10d: {  	_ =	swait.ge @!p0 [sflag:s21], $0x4000  }
0x10e: {  	[sflag:s21] =	ssyncset.done @!p0 $0x0  }
0x10f: {  	s30 =	rddreg [dreg:$0x8];
	[sflag:s21] =	ssyncadd.s32 @!p0 $0xFFFFC000  }
0x110: {  	[hbm4b:s30+s22] =	stream.linear.scatter @!p0 [tilespmem:s20], [sflag:$0x1], $0x4000, $0x38;
	[tilespmem:$0x1E0C0] =	vst v63  }
0x111: {  	s30 =	simm.s32 @!p0 $0x2  }
0x112: {  	_ =	swait.ge @!p0 [sflag:s30], $0x4000  }
0x113: {  	[sflag:s30] =	ssyncset.done @!p0 $0x0  }
0x114: {  	[sflag:s30] =	ssyncadd.s32 @!p0 $0xFFFFC000  }
0x115: {  	[tilespmem:s23], [sflag:$0x3] =	stream.linear.gather @!p0 [spmem:s8], $0x4000, $0x38;
	[tilespmem:$0x1E0C0] =	vst v63  }
0x116: {  	_ =	swait.ge @!p0 [sflag:s21], $0x4000  }
0x117: {  	[sflag:s21] =	ssyncset.done @!p0 $0x0  }
0x118: {  	[sflag:s21] =	ssyncadd.s32 @!p0 $0xFFFFC000  }
0x119: {  	[hbm4b:s26+s22] =	stream.linear.scatter @!p0 [tilespmem:s23], [sflag:$0x2], $0x4000, $0x38;
	[tilespmem:$0x1E0C0] =	vst v63  }
0x11a: {  	_ =	swait.ge @!p0 [sflag:s24], $0x4000  }
0x11b: {  	[sflag:s24] =	ssyncset.done @!p0 $0x0  }
0x11c: {  	[sflag:s24] =	ssyncadd.s32 @!p0 $0xFFFFC000  }
0x11d: {  	[tilespmem:s20], [sflag:$0x3] =	stream.linear.gather @!p0 [spmem:s9], $0x4000, $0x38;
	[tilespmem:$0x1E0C0] =	vst v63  }
0x11e: {  	_ =	swait.ge @!p0 [sflag:s21], $0x4000  }
0x11f: {  	[sflag:s21] =	ssyncset.done @!p0 $0x0  }
0x120: {  	s3 =	sadd.s32 $0x1, s3;
	[sflag:s21] =	ssyncadd.s32 @!p0 $0xFFFFC000  }
0x121: {  	[hbm4b:s28+s22] =	stream.linear.scatter @!p0 [tilespmem:s20], [sflag:$0x1], $0x4000, $0x38;
	[tilespmem:$0x1E0C0] =	vst v63  }
0x122: {  	p1 =	sne.s32 s3, s25;
	_ =	swait.ge @!p0 [sflag:s24], $0x4000  }
.Ltmp3:
0x123: {  	[sflag:s24] =	ssyncset.done @!p0 $0x0;
	(pc) =	sbr.rel @p1 .LBB2_1-.Ltmp3, $4  }
0x124: {  	[sflag:s24] =	ssyncadd.s32 @!p0 $0xFFFFC000  }
0x125: {  	_ =	swait.ge [sflag:s15], $0x4000  }
0x126: {  	[sflag:s15] =	ssyncset.done $0x0  }
0x127: {  	s23 =	simm.s32 $0x1400;
	[sflag:s15] =	ssyncadd.s32 $0xFFFFC000  }
0x128: {  	_ =	sfence.sel $0x180000  }
0x129: {  	[bflag:$0x0] =	sbarrier.arrive $0xFFFF  }
0x12a: {  	_ =	strace $0x9000004A  }
0x12b: {  	s0 =	stileid.u32;
	[bflag:$0x2] =	sbarrier.arrive $0xFFFF  }
0x12c: {  	p0 =	sne.s32 s0, $0x0;
	s0 =	rddreg [dreg:$0x2]  }
0x12d: {  	s0 =	sadd.s32 @!p0 $0x100000, s0  }
0x12e: {  	[sflag:s0] =	ssyncadd.tile.s32 @!p0 $0x1;
	_ =	shalt  }
.Lfunc_end2:
_tile_overlayer_lowered:
.L_overlay_start_2:
0x12f: {  	(tag) =	ssettag $0x2  }
0x130: {  	s0 =	rddreg [dreg:$0x0];
	s2 =	stileid.u32  }
0x131: {  	s1 =	rddreg [dreg:$0x1];
	p0 =	sne.s32 s2, $0x0  }
0x132: {  	s3 =	rddreg [dreg:$0x2];
	[bflag:$0x3] =	sbarrier.arrive $0xFFFF;
	s2 =	simm.s32 @!p0 $0x1C03  }
0x133: {  	[timem:s3], [sflag:s2] =	dma.local @!p0 [hbm:s0], s1  }
0x134: {  	s0 =	simm.s32 @!p0 $0x3  }
0x135: {  	_ =	swait.ge @!p0 [sflag:s0], s1  }
0x136: {  	s1 =	ssub.s32 @!p0 $0x0, s1;
	[sflag:s0] =	ssyncset.done @!p0 $0x0  }
0x137: {  	[sflag:s0] =	ssyncadd.s32 @!p0 s1  }
0x138: {  	[bflag:$0x3] =	sbarrier.arrive $0xFFFF  }
0x139: {  	_ =	shalt  }

// kernel: kernel.14.cloned.1.call-start
scs
__scs_entry_jumppad:
0x0: {  	(pc) =	sbr.rel $0x88, $3  }
0x1: {  	(tag) =	ssettag $0x0;
	lr =	simm.s32 $0x1  }
0x2: {  	[smem:$0x3F93] =	sst lr;
	_ =	strace $0xD0000000  }
0x3: {  	_ = 	snop  }
0x4: {  	_ = 	snop  }
0x5: {  	_ = 	snop  }
0x6: {  	_ = 	snop  }
0x7: {  	_ = 	snop  }
__scs_overlays_trampoline_lowered:
0x8: {  	[smem:$0x3FA2] =	sst s0  }
0x9: {  	[smem:$0x3FA3] =	sst s1  }
0xa: {  	[smem:$0x3FA4] =	sst s2  }
0xb: {  	[smem:$0x3FA5] =	sst s3  }
0xc: {  	[smem:$0x3FA6] =	sst s4  }
0xd: {  	[smem:$0x3FA7] =	sst s5  }
0xe: {  	[smem:$0x3FA8] =	sst s6  }
0xf: {  	[smem:$0x3FA9] =	sst s7  }
0x10: {  	[smem:$0x3FAA] =	sst s8  }
0x11: {  	[smem:$0x3FAB] =	sst s9;
	s0 =	simm.s32 @!p0 $0x0  }
0x12: {  	s1 =	sld [smem:$0x3F91];
	s0 =	simm.s32 @p0 $0x1  }
0x13: {  	[smem:$0x3FAC] =	sst s0;
	s0 =	simm.s32 @!p1 $0x0  }
0x14: {  	s2 =	sld [smem:$0x3F90];
	s0 =	simm.s32 @p1 $0x1  }
0x15: {  	[smem:$0x3FAD] =	sst s0;
	s0 =	simm.s32 @!p2 $0x0  }
0x16: {  	s3 =	sld [smem:$0x3FDB];
	s0 =	simm.s32 @p2 $0x1  }
0x17: {  	s4 =	simm.s32 $0x1BF5;
	[smem:$0x3FAF] =	sst s0  }
0x18: {  	s0 =	sld [smem:$0x3F92];
	_ =	swait.ge [sflag:s4], $0x0  }
0x19: {  	s7 =	sld [smem:$0x3F93]  }
0x1a: {  	s8 =	sadd.s32 $0xFFFFE003, lr  }
0x1b: {  	s9 =	sadd.s32 $0xFFFFFEF7, lr;
	s5 =	simm.s32 $0xFFFFFFFF;
	p2 =	slt.u32 s8, $0xFFFFF086  }
0x1c: {  	p1 =	slt.u32 s9, $0xF7A;
	s5 =	simm.s32 @!p2 $0x0  }
0x1d: {  	s5 =	simm.s32 @p1 $0x1;
	p0 =	seq.s32 s7, s2  }
0x1e: {  	s7 =	smul.u32 @!p0 $0xF7A, s2;
	p2 =	seq.s32 @!p0 s5, $0x0  }
0x1f: {  	s9 =	smul.u32 $0xF7A, s1;
	s8 =	simm.s32 @!p0 $0x1BF5;
	p2 =	por !p2, p0  }
0x20: {  	[sflag:s8] =	ssyncset.s32 @!p0 $0xFFFFF086;
	s6 =	sadd.s32 @!p0 s3, s7;
	s7 =	simm.s32 @!p0 $0x108  }
0x21: {  	s3 =	sadd.s32 s3, s9;
	s6 =	sadd.s32 @!p0 $0x88, s6;
	s7 =	simm.s32 @p2 $0x1082  }
0x22: {  	[simem:s7], [sflag:s8] =	dma.local @!p0 [hbm:s6], $0xF7A  }
0x23: {  	s9 =	sor.u32 $0xD0000000, s2;
	s6 =	simm.s32 $0x108;
	_ =	swait.ge @!p0 [sflag:s8], $0x0  }
0x24: {  	s3 =	sadd.s32 $0x88, s3;
	s6 =	simm.s32 @!p1 $0x1082;
	[sflag:s4] =	ssyncset.s32 $0xFFFFF086  }
0x25: {  	[simem:s6], [sflag:s4] =	dma.local [hbm:s3], $0xF7A  }
0x26: {  	[smem:$0x3F93] =	sst s1;
	(tag) =	ssettag s2;
	_ =	strace s9  }
0x27: {  	s1 =	sld [smem:$0x3FA3]  }
0x28: {  	s2 =	sld [smem:$0x3FA4]  }
0x29: {  	s4 =	sld [smem:$0x3FA6]  }
0x2a: {  	p0 =	seq.s32 s5, $0x0;
	s5 =	sld [smem:$0x3FA7]  }
0x2b: {  	s6 =	sld [smem:$0x3FA8]  }
0x2c: {  	s7 =	sld [smem:$0x3FA9]  }
0x2d: {  	s3 =	simm.s32 $0x108;
	s8 =	sld [smem:$0x3FAA]  }
0x2e: {  	s3 =	simm.s32 @!p0 $0x1082;
	s9 =	sld [smem:$0x3FAB]  }
0x2f: {  	lr =	sadd.s32 s0, s3;
	s0 =	sld [smem:$0x3FA2]  }
0x30: {  	s3 =	sld [smem:$0x3FA5]  }
0x31: {  	[smem:$0x3FAE] =	sst s10  }
0x32: {  	s10 =	sld [smem:$0x3FAC];
	_ =	sdelay $0x3  }
0x33: {  	p0 =	seq.s32 s10, $0x1;
	s10 =	sld [smem:$0x3FAE];
	_ =	sdelay $0x3  }
0x34: {  	[smem:$0x3FAE] =	sst s10  }
0x35: {  	s10 =	sld [smem:$0x3FAD];
	_ =	sdelay $0x3  }
0x36: {  	p1 =	seq.s32 s10, $0x1;
	s10 =	sld [smem:$0x3FAE];
	_ =	sdelay $0x3  }
0x37: {  	[smem:$0x3FAE] =	sst s10  }
0x38: {  	s10 =	sld [smem:$0x3FAF]  }
0x39: {  	_ = 	snop;
	(pc) =	sbr.ind lr, $3  }
0x3a: {  	_ = 	snop  }
0x3b: {  	_ = 	snop  }
0x3c: {  	p2 =	seq.s32 s10, $0x1;
	s10 =	sld [smem:$0x3FAE]  }
0x3d: {  	_ =	shalt  }
0x3e: {  	_ =	shalt  }
0x3f: {  	_ =	shalt  }
0x40: {  	_ =	shalt  }
0x41: {  	_ =	shalt  }
0x42: {  	_ =	shalt  }
0x43: {  	_ =	shalt  }
0x44: {  	_ =	shalt  }
0x45: {  	_ =	shalt  }
0x46: {  	_ =	shalt  }
0x47: {  	_ =	shalt  }
0x48: {  	_ =	shalt  }
0x49: {  	_ =	shalt  }
0x4a: {  	_ =	shalt  }
0x4b: {  	_ =	shalt  }
0x4c: {  	_ =	shalt  }
0x4d: {  	_ =	shalt  }
0x4e: {  	_ =	shalt  }
0x4f: {  	_ =	shalt  }
0x50: {  	_ =	shalt  }
0x51: {  	_ =	shalt  }
0x52: {  	_ =	shalt  }
0x53: {  	_ =	shalt  }
0x54: {  	_ =	shalt  }
0x55: {  	_ =	shalt  }
0x56: {  	_ =	shalt  }
0x57: {  	_ =	shalt  }
0x58: {  	_ =	shalt  }
0x59: {  	_ =	shalt  }
0x5a: {  	_ =	shalt  }
0x5b: {  	_ =	shalt  }
0x5c: {  	_ =	shalt  }
0x5d: {  	_ =	shalt  }
0x5e: {  	_ =	shalt  }
0x5f: {  	_ =	shalt  }
0x60: {  	_ =	shalt  }
0x61: {  	_ =	shalt  }
0x62: {  	_ =	shalt  }
0x63: {  	_ =	shalt  }
0x64: {  	_ =	shalt  }
0x65: {  	_ =	shalt  }
0x66: {  	_ =	shalt  }
0x67: {  	_ =	shalt  }
0x68: {  	_ =	shalt  }
0x69: {  	_ =	shalt  }
0x6a: {  	_ =	shalt  }
0x6b: {  	_ =	shalt  }
0x6c: {  	_ =	shalt  }
0x6d: {  	_ =	shalt  }
0x6e: {  	_ =	shalt  }
0x6f: {  	_ =	shalt  }
0x70: {  	_ =	shalt  }
0x71: {  	_ =	shalt  }
0x72: {  	_ =	shalt  }
0x73: {  	_ =	shalt  }
0x74: {  	_ =	shalt  }
0x75: {  	_ =	shalt  }
0x76: {  	_ =	shalt  }
0x77: {  	_ =	shalt  }
0x78: {  	_ =	shalt  }
0x79: {  	_ =	shalt  }
0x7a: {  	_ =	shalt  }
0x7b: {  	_ =	shalt  }
0x7c: {  	_ =	shalt  }
0x7d: {  	_ =	shalt  }
0x7e: {  	_ =	shalt  }
0x7f: {  	_ =	shalt  }
0x80: {  	_ =	shalt  }
0x81: {  	_ =	shalt  }
0x82: {  	_ =	shalt  }
0x83: {  	_ =	shalt  }
0x84: {  	_ =	shalt  }
0x85: {  	_ =	shalt  }
0x86: {  	_ =	shalt  }
0x87: {  	_ =	shalt  }
.Lfunc_end0:
.L_simem_size_0:
called_computation.2_lowered:
.L_overlay_start_0:
0x88: {  	s2 =	sld [smem:$0x3FD9]  }
0x89: {  	s3 =	sld [smem:$0x3FFE];
	_ =	sdelay $0x1  }
0x8a: {  	s1 =	srdreg.scid  }
0x8b: {  	s0 =	sand.u32 $0x1, s1  }
0x8c: {  	s16 =	sshll.u32 s0, $0xA;
	s2 =	sadd.s32 s3, s2  }
0x8d: {  	s2 =	sadd.s32 s2, s16  }
0x8e: {  	[smem:$0x3FBA] =	sst s2  }
0x8f: {  	_ = 	snop  }
0x90: {  	(tm) =	ssettm $0x1  }
0x91: {  	s17 =	sld [smem:$0x3FFB];
	_ =	sdelay $0x3  }
0x92: {  	_ =	strace s17  }
0x93: {  	s2 =	sld [smem:$0x3FFC];
	_ =	sdelay $0x3  }
0x94: {  	_ =	strace s2  }
0x95: {  	s2 =	sld [smem:$0x3FFD];
	_ =	sdelay $0x3  }
0x96: {  	_ =	strace s2  }
0x97: {  	_ =	strace $0x8FFFFFFF  }
0x98: {  	s18 =	sld [smem:$0x3FDB];
	_ =	sdelay $0x1  }
0x99: {  	s19 =	simm.s32 $_scs_section_size  }
0x9a: {  	s4 =	simm.s32 $_size__tile_overlayer_lowered;
	s5 =	simm.s32 $_tile_overlayer_lowered  }
0x9b: {  	s22 =	simm.s32 $0x1BFF;
	s21 =	sshll.u32 s5, $0x1;
	s2 =	sadd.s32 s19, s18  }
0x9c: {  	s6 =	simm.s32 $0x0;
	s20 =	sshll.u32 s4, $0x1;
	s4 =	sadd.s32 s21, s2  }
0x9d: {  	[timem:s6], [sflag:s22] =	dma.local [hbm:s4], s20  }
0x9e: {  	_ =	swait.ge [sflag:s22], s20  }
0x9f: {  	s3 =	ssub.s32 $0x0, s20;
	[sflag:s22] =	ssyncset.done $0x0  }
0xa0: {  	[sflag:s22] =	ssyncadd.s32 s3;
	_ =	sdelay $0x1  }
0xa1: {  	s23 =	simm.s32 $0x1B8B  }
0xa2: {  	_ =	swait.ge [sflag:s23], $0x1  }
0xa3: {  	[sflag:s23] =	ssyncset.done $0x0  }
0xa4: {  	s25 =	simm.s32 $0x1B8E;
	s24 =	sld [smem:$0x3FFE];
	[sflag:s23] =	ssyncadd.s32 $0xFFFFFFFF  }
0xa5: {  	s26 =	simm.s32 $execute0_lowered;
	[smem:$0x3FD2] =	sst s25  }
0xa6: {  	s4 =	sshll.u32 s26, $0x1;
	_ =	strace $0x8000004C;
	[dreg:$0x1] =	wrdreg $0xFFFFFFFF  }
0xa7: {  	s28 =	simm.s32 $_size_execute0_lowered;
	s2 =	sadd.s32 s2, s4;
	[dreg:$0x0] =	wrdreg $0x0  }
0xa8: {  	s4 =	sshll.u32 s28, $0x1;
	[dreg:$0x2] =	wrdreg s2  }
0xa9: {  	[dreg:$0x3] =	wrdreg s4  }
0xaa: {  	[dreg:$0x4] =	wrdreg $0xC0  }
0xab: {  	_ =	task [dreg:s6], $0x5FFFF  }
0xac: {  	[dreg:$0x1] =	wrdreg $0xFFFFFFFF  }
0xad: {  	[dreg:$0x0] =	wrdreg $0x60  }
0xae: {  	[dreg:$0x2] =	wrdreg s24  }
0xaf: {  	[dreg:$0x3] =	wrdreg $0xA8000  }
0xb0: {  	[dreg:$0x4] =	wrdreg $0x9  }
0xb1: {  	_ =	task.clear_ibuf [dreg:s6], $0x5FFFF;
	_ =	strace $0x9000004C  }
0xb2: {  	s29 =	simm.s32 $0x9;
	_ =	strace $0x8000004E  }
0xb3: {  	_ =	swait.ge [sflag:s29], $0x1  }
0xb4: {  	[sflag:s29] =	ssyncadd.s32 $0xFFFFFFFF  }
0xb5: {  	_ =	strace $0x9000004E  }
0xb6: {  	_ =	sfence  }
0xb7: {  	s30 =	sld [smem:$0x0];
	_ =	sdelay $0x2  }
0xb8: {  	s31 =	sshll.u32 s1, $0xD;
	s1 =	sshrl.u32 s1, $0x2  }
0xb9: {  	s3 =	sand.u32 $0x4000, s31;
	s1 =	sadd.s32 s1, s30  }
0xba: {  	s0 =	sor.u32 s3, s0;
	s1 =	sshll.u32 s1, $0x11  }
0xbb: {  	s0 =	sor.u32 s1, s0  }
0xbc: {  	s0 =	sadd.s32 $0x8F2B, s0  }
0xbd: {  	[sflag:s0] =	ssyncadd.remote.s32 $0x1  }
0xbe: {  	_ =	sfence.sel $0xFFFF  }
0xbf: {  	[dreg:$0x0] =	wrdreg $0xFFFFFFFF;
	(pc) =	sbr.abs _section_cstart, $3  }
0xc0: {  	[dreg:$0x1] =	wrdreg $0xFFFFFFFF  }
0xc1: {  	_ =	task.clear_ibuf [dreg:s6], $0x2FFFF;
	_ =	strace $0x9FFFFFFF  }
0xc2: {  	(tm) =	ssettm $0x7FFFFFFF  }
0xc3: {  	_ =	shalt  }
tec
execute0_lowered:
.L_overlay_start_1:
0x0: {  	(tag) =	ssettag $0x1  }
0x1: {  	s0 =	rddreg [dreg:$0x0]  }
0x2: {  	s1 =	rddreg [dreg:$0x1]  }
0x3: {  	s3 =	simm.s32 $0x0;
	s2 =	srdreg.scid;
	s23 =	stileid.u32  }
0x4: {  	s29 =	simm.s32 $0x3;
	s31 =	simm.s32 $0x80;
	[smem:$0x7FF] =	sst s3  }
0x5: {  	s4 =	sadd.s32 $0x198200, s0;
	s2 =	sand.u32 $0x1, s2;
	s5 =	smul.u32 $0x50000, s23  }
0x6: {  	s14 =	sadd.s32 $0xA3C00, s0;
	s15 =	sadd.s32 $0x2800, s0;
	s18 =	smul.u32 $0x50, s23  }
0x7: {  	s0 =	sadd.s32 $0x55A00, s0;
	s10 =	sadd.s32 $0x12C000, s1;
	s21 =	smul.u32 $0x500, s23  }
0x8: {  	s11 =	sadd.s32 $0x130000, s1;
	s12 =	sadd.s32 $0x134000, s1;
	s22 =	smul.u32 $0x280, s23  }
0x9: {  	s13 =	sadd.s32 $0x138000, s1;
	p0 =	seq.s32 s23, $0xF;
	s17 =	smul.u32 $0x2710, s2  }
0xa: {  	s23 =	simm.s32 $0x1400;
	s6 =	ssub.s32 $0x2, s2;
	s19 =	smul.u32 $0x500, s2  }
0xb: {  	_ =	strace $0x8000004D;
	s2 =	smul.u32 $0x138800, s2;
	s7 =	sshrl.u32 s6, $0x1  }
0xc: {  	s5 =	sshrl.u32 s5, $0x2;
	s21 =	sadd.s32 s15, s21;
	s16 =	ssub.s32 s6, s7  }
0xd: {  	s5 =	sadd.s32 s5, s1;
	s20 =	sadd.s32 s18, s19;
	s18 =	sadd.s32 $0x28, s18  }
0xe: {  	[dreg:$0x4] =	wrdreg s21;
	s17 =	sadd.s32 s22, s17;
	s2 =	sshrl.u32 s2, $0x3  }
0xf: {  	s6 =	sadd.s32 $0x4000, s5;
	s7 =	sadd.s32 $0x8000, s5;
	s8 =	sadd.s32 $0xC000, s5  }
0x10: {  	s20 =	sshll.u32 s20, $0x4;
	s19 =	sadd.s32 s19, s18;
	s22 =	sshll.u32 s18, $0x4  }
0x11: {  	s17 =	sshll.u32 s17, $0x4;
	s20 =	sadd.s32 s14, s20;
	s19 =	sshll.u32 s19, $0x4  }
0x12: {  	s18 =	sadd.s32 s0, s17;
	[dreg:$0x3] =	wrdreg s20;
	s14 =	sadd.s32 s14, s19  }
0x13: {  	s9 =	sadd.s32 $0x10000, s5;
	s24 =	sadd.s32 $0x800, s18;
	[dreg:$0x5] =	wrdreg s14  }
0x14: {  	s0 =	sadd.s32 s0, s2;
	s25 =	sadd.s32 $0x1000, s18;
	[dreg:$0x7] =	wrdreg s24  }
0x15: {  	s17 =	simm.s32 $0x1380;
	s2 =	sadd.s32 $0x25800, s0;
	[dreg:$0x8] =	wrdreg s25  }
0x16: {  	s26 =	sadd.s32 $0x26000, s0;
	s30 =	sadd.s32 $0x26800, s0;
	[dreg:$0x9] =	wrdreg s2  }
0x17: {  	s0 =	sadd.s32 $0x27000, s0;
	s28 =	sadd.s32 $0x2000, s18;
	[dreg:$0xa] =	wrdreg s26  }
0x18: {  	s19 =	simm.s32 $0x2780;
	s14 =	sadd.s32 s15, s22;
	[dreg:$0xb] =	wrdreg s30  }
0x19: {  	[dreg:$0xc] =	wrdreg s0;
	s25 =	smax.u32 s16, $0x1;
	s26 =	sadd.s32 $0x1800, s18  }
0x1a: {  	s0 =	simm.s32 $0x2800;
	s2 =	simm.s32 $0x1;
	s15 =	simm.s32 $0x2  }
0x1b: {  	v0 =	vimm.f32 $0.0e+00;
	s16 =	simm.s32 $0x2700;
	[dreg:$0x6] =	wrdreg s14;
	s14 =	simm.s32 $0x6800  }
.LBB2_1:
0x1c: {  	s20 =	simm.s32 $0x0;
	s21 =	simm.s32 $0x200  }
.LBB2_2:
0x1d: {  	p1 =	sne.s32 s21, $0xFE00;
	[tilespmem:s20+$0x2870] =	vst v0  }
0x1e: {  	[tilespmem:s20+$0x2800] =	vst v0  }
0x1f: {  	[tilespmem:s20+$0x2810] =	vst v0  }
.Ltmp0:
0x20: {  	[tilespmem:s20+$0x2820] =	vst v0;
	(pc) =	sbr.rel @p1 .LBB2_2-.Ltmp0, $4  }
0x21: {  	[tilespmem:s20+$0x2830] =	vst v0  }
0x22: {  	[tilespmem:s20+$0x2840] =	vst v0  }
0x23: {  	[tilespmem:s20+$0x2850] =	vst v0  }
0x24: {  	[tilespmem:s20+$0x2860] =	vst v0;
	s20 =	sshra.s32 s21, $0x2;
	s21 =	sadd.s32 $0x200, s21  }
0x25: {  	[tilespmem:s20+$0x2870] =	vst v0  }
0x26: {  	[tilespmem:s20+$0x2800] =	vst v0  }
0x27: {  	[tilespmem:s20+$0x2810] =	vst v0  }
0x28: {  	[tilespmem:s20+$0x2820] =	vst v0  }
0x29: {  	[tilespmem:s20+$0x2830] =	vst v0  }
0x2a: {  	[tilespmem:s20+$0x2840] =	vst v0  }
0x2b: {  	[tilespmem:s20+$0x2850] =	vst v0  }
0x2c: {  	[tilespmem:s20+$0x2860] =	vst v0;
	s20 =	simm.s32 @p0 $0x2800;
	s21 =	simm.s32 @p0 $0x3  }
0x2d: {  	[spmem:s10] =	stream.linear.scatter @p0 [tilespmem:s20], [sflag:$0x3], $0x4000, $0x38;
	[tilespmem:$0x1E0C0] =	vst v63  }
0x2e: {  	_ =	swait.ge @p0 [sflag:s21], $0x4000  }
0x2f: {  	[sflag:s21] =	ssyncset.done @p0 $0x0  }
0x30: {  	[sflag:s21] =	ssyncadd.s32 @p0 $0xFFFFC000  }
0x31: {  	[spmem:s11] =	stream.linear.scatter @p0 [tilespmem:s20], [sflag:$0x3], $0x4000, $0x38;
	[tilespmem:$0x1E0C0] =	vst v63  }
0x32: {  	_ =	swait.ge @p0 [sflag:s21], $0x4000  }
0x33: {  	[sflag:s21] =	ssyncset.done @p0 $0x0  }
0x34: {  	[sflag:s21] =	ssyncadd.s32 @p0 $0xFFFFC000  }
0x35: {  	[spmem:s12] =	stream.linear.scatter @p0 [tilespmem:s20], [sflag:$0x3], $0x4000, $0x38;
	[tilespmem:$0x1E0C0] =	vst v63  }
0x36: {  	_ =	swait.ge @p0 [sflag:s21], $0x4000  }
0x37: {  	[sflag:s21] =	ssyncset.done @p0 $0x0  }
0x38: {  	[sflag:s21] =	ssyncadd.s32 @p0 $0xFFFFC000  }
0x39: {  	[spmem:s13] =	stream.linear.scatter @p0 [tilespmem:s20], [sflag:$0x3], $0x800, $0x38;
	[tilespmem:$0x1E0C0] =	vst v63  }
0x3a: {  	_ =	swait.ge @p0 [sflag:s21], $0x800  }
0x3b: {  	[sflag:s21] =	ssyncset.done @p0 $0x0  }
0x3c: {  	s20 =	simm.s32 @!p0 $0x2800;
	[sflag:s21] =	ssyncadd.s32 @p0 $0xFFFFF800;
	s21 =	simm.s32 @!p0 $0x3  }
0x3d: {  	[spmem:s5] =	stream.linear.scatter @!p0 [tilespmem:s20], [sflag:$0x3], $0x4000, $0x38;
	[tilespmem:$0x1E0C0] =	vst v63  }
0x3e: {  	_ =	swait.ge @!p0 [sflag:s21], $0x4000  }
0x3f: {  	[sflag:s21] =	ssyncset.done @!p0 $0x0  }
0x40: {  	[sflag:s21] =	ssyncadd.s32 @!p0 $0xFFFFC000  }
0x41: {  	[spmem:s6] =	stream.linear.scatter @!p0 [tilespmem:s20], [sflag:$0x3], $0x4000, $0x38;
	[tilespmem:$0x1E0C0] =	vst v63  }
0x42: {  	_ =	swait.ge @!p0 [sflag:s21], $0x4000  }
0x43: {  	[sflag:s21] =	ssyncset.done @!p0 $0x0  }
0x44: {  	[sflag:s21] =	ssyncadd.s32 @!p0 $0xFFFFC000  }
0x45: {  	[spmem:s7] =	stream.linear.scatter @!p0 [tilespmem:s20], [sflag:$0x3], $0x4000, $0x38;
	[tilespmem:$0x1E0C0] =	vst v63  }
0x46: {  	_ =	swait.ge @!p0 [sflag:s21], $0x4000  }
0x47: {  	[sflag:s21] =	ssyncset.done @!p0 $0x0  }
0x48: {  	[sflag:s21] =	ssyncadd.s32 @!p0 $0xFFFFC000  }
0x49: {  	[spmem:s8] =	stream.linear.scatter @!p0 [tilespmem:s20], [sflag:$0x3], $0x4000, $0x38;
	[tilespmem:$0x1E0C0] =	vst v63  }
0x4a: {  	_ =	swait.ge @!p0 [sflag:s21], $0x4000  }
0x4b: {  	[sflag:s21] =	ssyncset.done @!p0 $0x0  }
0x4c: {  	[sflag:s21] =	ssyncadd.s32 @!p0 $0xFFFFC000  }
0x4d: {  	[spmem:s9] =	stream.linear.scatter @!p0 [tilespmem:s20], [sflag:$0x3], $0x4000, $0x38;
	[tilespmem:$0x1E0C0] =	vst v63  }
0x4e: {  	_ =	swait.ge @!p0 [sflag:s21], $0x4000  }
0x4f: {  	[sflag:s21] =	ssyncset.done @!p0 $0x0  }
0x50: {  	[sflag:s21] =	ssyncadd.s32 @!p0 $0xFFFFC000  }
0x51: {  	[bflag:$0x0] =	sbarrier.arrive $0xFFFF  }
0x52: {  	s22 =	simm.s32 $0x0;
	s24 =	rddreg [dreg:$0x3]  }
0x53: {  	[tilespmem:s22], [sflag:$0x3] =	stream.linear.gather [hbm4b:s24+s22], $0x1400, $0x38;
	[tilespmem:$0x1E0C0] =	vst v63  }
0x54: {  	_ =	swait.ge [sflag:s29], $0x1400  }
0x55: {  	[sflag:s29] =	ssyncset.done $0x0  }
0x56: {  	s30 =	rddreg [dreg:$0x4];
	[sflag:s29] =	ssyncadd.s32 $0xFFFFEC00  }
0x57: {  	[tilespmem:s23], [sflag:$0x3] =	stream.linear.gather [hbm4b:s30+s22], $0x1400, $0x38;
	[tilespmem:$0x1E0C0] =	vst v63  }
0x58: {  	_ =	swait.ge [sflag:s29], $0x1400  }
0x59: {  	[sflag:s29] =	ssyncset.done $0x0  }
0x5a: {  	[sflag:s29] =	ssyncadd.s32 $0xFFFFEC00  }
0x5b: {  	[tilespmem:s0], [sflag:$0x1] =	stream.indirect.gather [hbm4b:s4+s31], $0x80, s22, s31, $0xb8;
	[tilespmem:$0x1E0C0] =	vst v63  }
0x5c: {  	_ =	swait.ge [sflag:s2], $0x4000  }
0x5d: {  	[sflag:s2] =	ssyncset.done $0x0  }
0x5e: {  	s21 =	simm.s32 $0x1400;
	[sflag:s2] =	ssyncadd.s32 $0xFFFFC000  }
0x5f: {  	[spmem:s1] =	stream.indirect.scatter.add.f32 [tilespmem:s0], [sflag:$0x2], $0x80, s21, s31, $0xb8;
	[tilespmem:$0x1E0C0] =	vst v63  }
0x60: {  	s22 =	simm.s32 $0x80  }
0x61: {  	[tilespmem:s14], [sflag:$0x1] =	stream.indirect.gather [hbm4b:s4+s31], $0x80, s22, s31, $0xb8;
	[tilespmem:$0x1E0C0] =	vst v63  }
0x62: {  	_ =	swait.ge [sflag:s2], $0x4000  }
0x63: {  	[sflag:s2] =	ssyncset.done $0x0  }
0x64: {  	[sflag:s2] =	ssyncadd.s32 $0xFFFFC000  }
0x65: {  	_ =	swait.ge [sflag:s15], $0x4000  }
0x66: {  	[sflag:s15] =	ssyncset.done $0x0  }
0x67: {  	s24 =	simm.s32 $0x1480;
	[sflag:s15] =	ssyncadd.s32 $0xFFFFC000  }
0x68: {  	[spmem:s1] =	stream.indirect.scatter.add.f32 [tilespmem:s14], [sflag:$0x2], $0x80, s24, s31, $0xb8;
	[tilespmem:$0x1E0C0] =	vst v63  }
0x69: {  	s30 =	simm.s32 $0x100  }
0x6a: {  	[tilespmem:s0], [sflag:$0x1] =	stream.indirect.gather [hbm4b:s4+s31], $0x80, s30, s31, $0xb8;
	[tilespmem:$0x1E0C0] =	vst v63  }
0x6b: {  	_ =	swait.ge [sflag:s15], $0x4000  }
0x6c: {  	s20 =	simm.s32 $0x400;
	[sflag:s15] =	ssyncset.done $0x0  }
.LBB2_4:
0x6d: {  	p1 =	sne.s32 s20, $0x4800  }
0x6e: {  	[sflag:s15] =	ssyncadd.s32 $0xFFFFC000;
	s21 =	smov.u32 s20;
	s20 =	sadd.s32 $0x400, s20  }
0x6f: {  	_ = 	snop  }
0x70: {  	_ =	swait.ge [sflag:s2], $0x4000  }
0x71: {  	s21 =	sshra.s32 s21, $0x2;
	[sflag:s2] =	ssyncset.done $0x0  }
0x72: {  	s22 =	sadd.s32 $0x1400, s21;
	[sflag:s2] =	ssyncadd.s32 $0xFFFFC000  }
0x73: {  	[spmem:s1] =	stream.indirect.scatter.add.f32 [tilespmem:s0], [sflag:$0x2], $0x80, s22, s31, $0xb8;
	[tilespmem:$0x1E0C0] =	vst v63  }
0x74: {  	s22 =	sadd.s32 $0x80, s21  }
0x75: {  	[tilespmem:s14], [sflag:$0x1] =	stream.indirect.gather [hbm4b:s4+s31], $0x80, s22, s31, $0xb8;
	[tilespmem:$0x1E0C0] =	vst v63  }
0x76: {  	_ =	swait.ge [sflag:s2], $0x4000  }
0x77: {  	[sflag:s2] =	ssyncset.done $0x0  }
0x78: {  	[sflag:s2] =	ssyncadd.s32 $0xFFFFC000  }
0x79: {  	_ =	swait.ge [sflag:s15], $0x4000  }
0x7a: {  	[sflag:s15] =	ssyncset.done $0x0  }
0x7b: {  	s22 =	sadd.s32 $0x1480, s21;
	[sflag:s15] =	ssyncadd.s32 $0xFFFFC000  }
0x7c: {  	[spmem:s1] =	stream.indirect.scatter.add.f32 [tilespmem:s14], [sflag:$0x2], $0x80, s22, s31, $0xb8;
	[tilespmem:$0x1E0C0] =	vst v63  }
.Ltmp1:
0x7d: {  	_ = 	snop;
	(pc) =	sbr.rel @p1 .LBB2_4-.Ltmp1, $4  }
0x7e: {  	s21 =	sadd.s32 $0x100, s21  }
0x7f: {  	[tilespmem:s0], [sflag:$0x1] =	stream.indirect.gather [hbm4b:s4+s31], $0x80, s21, s31, $0xb8;
	[tilespmem:$0x1E0C0] =	vst v63  }
0x80: {  	_ =	swait.ge [sflag:s15], $0x4000  }
0x81: {  	[sflag:s15] =	ssyncset.done $0x0  }
0x82: {  	[sflag:s15] =	ssyncadd.s32 $0xFFFFC000  }
0x83: {  	_ =	swait.ge [sflag:s2], $0x4000  }
0x84: {  	[sflag:s2] =	ssyncset.done $0x0  }
0x85: {  	[sflag:s2] =	ssyncadd.s32 $0xFFFFC000  }
0x86: {  	[spmem:s1] =	stream.indirect.scatter.add.f32 [tilespmem:s0], [sflag:$0x2], $0x80, s16, s31, $0xb8;
	[tilespmem:$0x1E0C0] =	vst v63  }
0x87: {  	_ = 	snop  }
0x88: {  	[tilespmem:s14], [sflag:$0x1] =	stream.indirect.gather [hbm4b:s4+s31], $0x80, s17, s31, $0xb8;
	[tilespmem:$0x1E0C0] =	vst v63  }
0x89: {  	_ =	swait.ge [sflag:s2], $0x4000  }
0x8a: {  	[sflag:s2] =	ssyncset.done $0x0  }
0x8b: {  	[sflag:s2] =	ssyncadd.s32 $0xFFFFC000  }
0x8c: {  	_ =	swait.ge [sflag:s15], $0x4000  }
0x8d: {  	[sflag:s15] =	ssyncset.done $0x0  }
0x8e: {  	[sflag:s15] =	ssyncadd.s32 $0xFFFFC000  }
0x8f: {  	[spmem:s1] =	stream.indirect.scatter.add.f32 [tilespmem:s14], [sflag:$0x2], $0x80, s19, s31, $0xb8;
	[tilespmem:$0x1E0C0] =	vst v63  }
0x90: {  	_ = 	snop  }
0x91: {  	[tilespmem:s0], [sflag:$0x1] =	stream.indirect.gather [hbm4b:s4+s31], $0x80, s17, s31, $0xb8;
	[tilespmem:$0x1E0C0] =	vst v63  }
0x92: {  	_ =	swait.ge [sflag:s15], $0x4000  }
0x93: {  	[sflag:s15] =	ssyncset.done $0x0  }
0x94: {  	[sflag:s15] =	ssyncadd.s32 $0xFFFFC000  }
0x95: {  	_ =	swait.ge [sflag:s2], $0x4000  }
0x96: {  	[sflag:s2] =	ssyncset.done $0x0  }
0x97: {  	s20 =	simm.s32 $0x0;
	s21 =	rddreg [dreg:$0x5];
	[sflag:s2] =	ssyncadd.s32 $0xFFFFC000  }
0x98: {  	[tilespmem:s20], [sflag:$0x3] =	stream.linear.gather [hbm4b:s21+s20], $0x1400, $0x38;
	[tilespmem:$0x1E0C0] =	vst v63  }
0x99: {  	_ =	swait.ge [sflag:s29], $0x1400  }
0x9a: {  	[sflag:s29] =	ssyncset.done $0x0  }
0x9b: {  	s30 =	rddreg [dreg:$0x6];
	[sflag:s29] =	ssyncadd.s32 $0xFFFFEC00  }
0x9c: {  	[tilespmem:s23], [sflag:$0x3] =	stream.linear.gather [hbm4b:s30+s20], $0x1400, $0x38;
	[tilespmem:$0x1E0C0] =	vst v63  }
0x9d: {  	_ =	swait.ge [sflag:s29], $0x1400  }
0x9e: {  	[sflag:s29] =	ssyncset.done $0x0  }
0x9f: {  	[sflag:s29] =	ssyncadd.s32 $0xFFFFEC00  }
0xa0: {  	[tilespmem:s0], [sflag:$0x1] =	stream.indirect.gather [hbm4b:s4+s31], $0x80, s20, s31, $0xb8;
	[tilespmem:$0x1E0C0] =	vst v63  }
0xa1: {  	_ =	swait.ge [sflag:s2], $0x4000  }
0xa2: {  	[sflag:s2] =	ssyncset.done $0x0  }
0xa3: {  	s22 =	simm.s32 $0x1400;
	[sflag:s2] =	ssyncadd.s32 $0xFFFFC000  }
0xa4: {  	[spmem:s1] =	stream.indirect.scatter.add.f32 [tilespmem:s0], [sflag:$0x2], $0x80, s22, s31, $0xb8;
	[tilespmem:$0x1E0C0] =	vst v63  }
0xa5: {  	s23 =	simm.s32 $0x80  }
0xa6: {  	[tilespmem:s14], [sflag:$0x1] =	stream.indirect.gather [hbm4b:s4+s31], $0x80, s23, s31, $0xb8;
	[tilespmem:$0x1E0C0] =	vst v63  }
0xa7: {  	_ =	swait.ge [sflag:s2], $0x4000  }
0xa8: {  	[sflag:s2] =	ssyncset.done $0x0  }
0xa9: {  	[sflag:s2] =	ssyncadd.s32 $0xFFFFC000  }
0xaa: {  	_ =	swait.ge [sflag:s15], $0x4000  }
0xab: {  	[sflag:s15] =	ssyncset.done $0x0  }
0xac: {  	s24 =	simm.s32 $0x1480;
	[sflag:s15] =	ssyncadd.s32 $0xFFFFC000  }
0xad: {  	[spmem:s1] =	stream.indirect.scatter.add.f32 [tilespmem:s14], [sflag:$0x2], $0x80, s24, s31, $0xb8;
	[tilespmem:$0x1E0C0] =	vst v63  }
0xae: {  	s30 =	simm.s32 $0x100  }
0xaf: {  	[tilespmem:s0], [sflag:$0x1] =	stream.indirect.gather [hbm4b:s4+s31], $0x80, s30, s31, $0xb8;
	[tilespmem:$0x1E0C0] =	vst v63  }
0xb0: {  	_ =	swait.ge [sflag:s15], $0x4000  }
0xb1: {  	s20 =	simm.s32 $0x400;
	[sflag:s15] =	ssyncset.done $0x0  }
.LBB2_6:
0xb2: {  	p1 =	sne.s32 s20, $0x4800  }
0xb3: {  	[sflag:s15] =	ssyncadd.s32 $0xFFFFC000;
	s21 =	smov.u32 s20;
	s20 =	sadd.s32 $0x400, s20  }
0xb4: {  	_ = 	snop  }
0xb5: {  	_ =	swait.ge [sflag:s2], $0x4000  }
0xb6: {  	s21 =	sshra.s32 s21, $0x2;
	[sflag:s2] =	ssyncset.done $0x0  }
0xb7: {  	s22 =	sadd.s32 $0x1400, s21;
	[sflag:s2] =	ssyncadd.s32 $0xFFFFC000  }
0xb8: {  	[spmem:s1] =	stream.indirect.scatter.add.f32 [tilespmem:s0], [sflag:$0x2], $0x80, s22, s31, $0xb8;
	[tilespmem:$0x1E0C0] =	vst v63  }
0xb9: {  	s22 =	sadd.s32 $0x80, s21  }
0xba: {  	[tilespmem:s14], [sflag:$0x1] =	stream.indirect.gather [hbm4b:s4+s31], $0x80, s22, s31, $0xb8;
	[tilespmem:$0x1E0C0] =	vst v63  }
0xbb: {  	_ =	swait.ge [sflag:s2], $0x4000  }
0xbc: {  	[sflag:s2] =	ssyncset.done $0x0  }
0xbd: {  	[sflag:s2] =	ssyncadd.s32 $0xFFFFC000  }
0xbe: {  	_ =	swait.ge [sflag:s15], $0x4000  }
0xbf: {  	[sflag:s15] =	ssyncset.done $0x0  }
0xc0: {  	s22 =	sadd.s32 $0x1480, s21;
	[sflag:s15] =	ssyncadd.s32 $0xFFFFC000  }
0xc1: {  	[spmem:s1] =	stream.indirect.scatter.add.f32 [tilespmem:s14], [sflag:$0x2], $0x80, s22, s31, $0xb8;
	[tilespmem:$0x1E0C0] =	vst v63  }
.Ltmp2:
0xc2: {  	_ = 	snop;
	(pc) =	sbr.rel @p1 .LBB2_6-.Ltmp2, $4  }
0xc3: {  	s21 =	sadd.s32 $0x100, s21  }
0xc4: {  	[tilespmem:s0], [sflag:$0x1] =	stream.indirect.gather [hbm4b:s4+s31], $0x80, s21, s31, $0xb8;
	[tilespmem:$0x1E0C0] =	vst v63  }
0xc5: {  	_ =	swait.ge [sflag:s15], $0x4000  }
0xc6: {  	[sflag:s15] =	ssyncset.done $0x0  }
0xc7: {  	[sflag:s15] =	ssyncadd.s32 $0xFFFFC000  }
0xc8: {  	_ =	swait.ge [sflag:s2], $0x4000  }
0xc9: {  	[sflag:s2] =	ssyncset.done $0x0  }
0xca: {  	[sflag:s2] =	ssyncadd.s32 $0xFFFFC000  }
0xcb: {  	[spmem:s1] =	stream.indirect.scatter.add.f32 [tilespmem:s0], [sflag:$0x2], $0x80, s16, s31, $0xb8;
	[tilespmem:$0x1E0C0] =	vst v63  }
0xcc: {  	_ = 	snop  }
0xcd: {  	[tilespmem:s14], [sflag:$0x1] =	stream.indirect.gather [hbm4b:s4+s31], $0x80, s17, s31, $0xb8;
	[tilespmem:$0x1E0C0] =	vst v63  }
0xce: {  	_ =	swait.ge [sflag:s2], $0x4000  }
0xcf: {  	[sflag:s2] =	ssyncset.done $0x0  }
0xd0: {  	[sflag:s2] =	ssyncadd.s32 $0xFFFFC000  }
0xd1: {  	_ =	swait.ge [sflag:s15], $0x4000  }
0xd2: {  	[sflag:s15] =	ssyncset.done $0x0  }
0xd3: {  	[sflag:s15] =	ssyncadd.s32 $0xFFFFC000  }
0xd4: {  	[spmem:s1] =	stream.indirect.scatter.add.f32 [tilespmem:s14], [sflag:$0x2], $0x80, s19, s31, $0xb8;
	[tilespmem:$0x1E0C0] =	vst v63  }
0xd5: {  	_ = 	snop  }
0xd6: {  	[tilespmem:s0], [sflag:$0x1] =	stream.indirect.gather [hbm4b:s4+s31], $0x80, s17, s31, $0xb8;
	[tilespmem:$0x1E0C0] =	vst v63  }
0xd7: {  	_ =	swait.ge [sflag:s15], $0x4000  }
0xd8: {  	[sflag:s15] =	ssyncset.done $0x0  }
0xd9: {  	[sflag:s15] =	ssyncadd.s32 $0xFFFFC000  }
0xda: {  	_ =	swait.ge [sflag:s2], $0x4000  }
0xdb: {  	[sflag:s2] =	ssyncset.done $0x0  }
0xdc: {  	[sflag:s2] =	ssyncadd.s32 $0xFFFFC000  }
0xdd: {  	s20 =	simm.s32 @p0 $0x2800;
	s21 =	simm.s32 @p0 $0x3;
	[bflag:$0x0] =	sbarrier.arrive $0xFFFF  }
0xde: {  	[tilespmem:s20], [sflag:$0x3] =	stream.linear.gather @p0 [spmem:s10], $0x4000, $0x38;
	[tilespmem:$0x1E0C0] =	vst v63  }
0xdf: {  	_ =	swait.ge @p0 [sflag:s21], $0x4000  }
0xe0: {  	[sflag:s21] =	ssyncset.done @p0 $0x0  }
0xe1: {  	s22 =	simm.s32 @p0 $0x0;
	s23 =	rddreg [dreg:$0x9];
	[sflag:s21] =	ssyncadd.s32 @p0 $0xFFFFC000  }
0xe2: {  	[hbm4b:s23+s22] =	stream.linear.scatter @p0 [tilespmem:s20], [sflag:$0x1], $0x4000, $0x38;
	[tilespmem:$0x1E0C0] =	vst v63  }
0xe3: {  	s23 =	simm.s32 @p0 $0x6800  }
0xe4: {  	[tilespmem:s23], [sflag:$0x3] =	stream.linear.gather @p0 [spmem:s11], $0x4000, $0x38;
	[tilespmem:$0x1E0C0] =	vst v63  }
0xe5: {  	_ =	swait.ge @p0 [sflag:s21], $0x4000  }
0xe6: {  	[sflag:s21] =	ssyncset.done @p0 $0x0  }
0xe7: {  	s24 =	rddreg [dreg:$0xa];
	[sflag:s21] =	ssyncadd.s32 @p0 $0xFFFFC000  }
0xe8: {  	[hbm4b:s24+s22] =	stream.linear.scatter @p0 [tilespmem:s23], [sflag:$0x2], $0x4000, $0x38;
	[tilespmem:$0x1E0C0] =	vst v63  }
0xe9: {  	s23 =	simm.s32 @p0 $0x1  }
0xea: {  	_ =	swait.ge @p0 [sflag:s23], $0x4000  }
0xeb: {  	[sflag:s23] =	ssyncset.done @p0 $0x0  }
0xec: {  	[sflag:s23] =	ssyncadd.s32 @p0 $0xFFFFC000  }
0xed: {  	[tilespmem:s20], [sflag:$0x3] =	stream.linear.gather @p0 [spmem:s12], $0x4000, $0x38;
	[tilespmem:$0x1E0C0] =	vst v63  }
0xee: {  	_ =	swait.ge @p0 [sflag:s21], $0x4000  }
0xef: {  	[sflag:s21] =	ssyncset.done @p0 $0x0  }
0xf0: {  	s24 =	rddreg [dreg:$0xb];
	[sflag:s21] =	ssyncadd.s32 @p0 $0xFFFFC000  }
0xf1: {  	[hbm4b:s24+s22] =	stream.linear.scatter @p0 [tilespmem:s20], [sflag:$0x1], $0x4000, $0x38;
	[tilespmem:$0x1E0C0] =	vst v63  }
0xf2: {  	_ =	swait.ge @p0 [sflag:s23], $0x4000  }
0xf3: {  	[sflag:s23] =	ssyncset.done @p0 $0x0  }
0xf4: {  	[sflag:s23] =	ssyncadd.s32 @p0 $0xFFFFC000  }
0xf5: {  	[tilespmem:s20], [sflag:$0x3] =	stream.linear.gather @p0 [spmem:s13], $0x800, $0x38;
	[tilespmem:$0x1E0C0] =	vst v63  }
0xf6: {  	_ =	swait.ge @p0 [sflag:s21], $0x800  }
0xf7: {  	[sflag:s21] =	ssyncset.done @p0 $0x0  }
0xf8: {  	s23 =	rddreg [dreg:$0xc];
	[sflag:s21] =	ssyncadd.s32 @p0 $0xFFFFF800  }
0xf9: {  	[hbm4b:s23+s22] =	stream.linear.scatter @p0 [tilespmem:s20], [sflag:$0x3], $0x800, $0x38;
	[tilespmem:$0x1E0C0] =	vst v63  }
0xfa: {  	_ =	swait.ge @p0 [sflag:s21], $0x800  }
0xfb: {  	[sflag:s21] =	ssyncset.done @p0 $0x0  }
0xfc: {  	s20 =	simm.s32 @!p0 $0x2800;
	[sflag:s21] =	ssyncadd.s32 @p0 $0xFFFFF800;
	s21 =	simm.s32 @!p0 $0x3  }
0xfd: {  	[tilespmem:s20], [sflag:$0x3] =	stream.linear.gather @!p0 [spmem:s5], $0x4000, $0x38;
	[tilespmem:$0x1E0C0] =	vst v63  }
0xfe: {  	_ =	swait.ge @!p0 [sflag:s21], $0x4000  }
0xff: {  	[sflag:s21] =	ssyncset.done @!p0 $0x0  }
0x100: {  	s22 =	simm.s32 @!p0 $0x0;
	[sflag:s21] =	ssyncadd.s32 @!p0 $0xFFFFC000  }
0x101: {  	[hbm4b:s18+s22] =	stream.linear.scatter @!p0 [tilespmem:s20], [sflag:$0x1], $0x4000, $0x38;
	[tilespmem:$0x1E0C0] =	vst v63  }
0x102: {  	s23 =	simm.s32 @!p0 $0x6800  }
0x103: {  	[tilespmem:s23], [sflag:$0x3] =	stream.linear.gather @!p0 [spmem:s6], $0x4000, $0x38;
	[tilespmem:$0x1E0C0] =	vst v63  }
0x104: {  	_ =	swait.ge @!p0 [sflag:s21], $0x4000  }
0x105: {  	[sflag:s21] =	ssyncset.done @!p0 $0x0  }
0x106: {  	s24 =	rddreg [dreg:$0x7];
	[sflag:s21] =	ssyncadd.s32 @!p0 $0xFFFFC000  }
0x107: {  	[hbm4b:s24+s22] =	stream.linear.scatter @!p0 [tilespmem:s23], [sflag:$0x2], $0x4000, $0x38;
	[tilespmem:$0x1E0C0] =	vst v63  }
0x108: {  	s24 =	simm.s32 @!p0 $0x1  }
0x109: {  	_ =	swait.ge @!p0 [sflag:s24], $0x4000  }
0x10a: {  	[sflag:s24] =	ssyncset.done @!p0 $0x0  }
0x10b: {  	[sflag:s24] =	ssyncadd.s32 @!p0 $0xFFFFC000  }
0x10c: {  	[tilespmem:s20], [sflag:$0x3] =	stream.linear.gather @!p0 [spmem:s7], $0x4000, $0x38;
	[tilespmem:$0x1E0C0] =	vst v63  }
0x10d: {  	_ =	swait.ge @!p0 [sflag:s21], $0x4000  }
0x10e: {  	[sflag:s21] =	ssyncset.done @!p0 $0x0  }
0x10f: {  	s30 =	rddreg [dreg:$0x8];
	[sflag:s21] =	ssyncadd.s32 @!p0 $0xFFFFC000  }
0x110: {  	[hbm4b:s30+s22] =	stream.linear.scatter @!p0 [tilespmem:s20], [sflag:$0x1], $0x4000, $0x38;
	[tilespmem:$0x1E0C0] =	vst v63  }
0x111: {  	s30 =	simm.s32 @!p0 $0x2  }
0x112: {  	_ =	swait.ge @!p0 [sflag:s30], $0x4000  }
0x113: {  	[sflag:s30] =	ssyncset.done @!p0 $0x0  }
0x114: {  	[sflag:s30] =	ssyncadd.s32 @!p0 $0xFFFFC000  }
0x115: {  	[tilespmem:s23], [sflag:$0x3] =	stream.linear.gather @!p0 [spmem:s8], $0x4000, $0x38;
	[tilespmem:$0x1E0C0] =	vst v63  }
0x116: {  	_ =	swait.ge @!p0 [sflag:s21], $0x4000  }
0x117: {  	[sflag:s21] =	ssyncset.done @!p0 $0x0  }
0x118: {  	[sflag:s21] =	ssyncadd.s32 @!p0 $0xFFFFC000  }
0x119: {  	[hbm4b:s26+s22] =	stream.linear.scatter @!p0 [tilespmem:s23], [sflag:$0x2], $0x4000, $0x38;
	[tilespmem:$0x1E0C0] =	vst v63  }
0x11a: {  	_ =	swait.ge @!p0 [sflag:s24], $0x4000  }
0x11b: {  	[sflag:s24] =	ssyncset.done @!p0 $0x0  }
0x11c: {  	[sflag:s24] =	ssyncadd.s32 @!p0 $0xFFFFC000  }
0x11d: {  	[tilespmem:s20], [sflag:$0x3] =	stream.linear.gather @!p0 [spmem:s9], $0x4000, $0x38;
	[tilespmem:$0x1E0C0] =	vst v63  }
0x11e: {  	_ =	swait.ge @!p0 [sflag:s21], $0x4000  }
0x11f: {  	[sflag:s21] =	ssyncset.done @!p0 $0x0  }
0x120: {  	s3 =	sadd.s32 $0x1, s3;
	[sflag:s21] =	ssyncadd.s32 @!p0 $0xFFFFC000  }
0x121: {  	[hbm4b:s28+s22] =	stream.linear.scatter @!p0 [tilespmem:s20], [sflag:$0x1], $0x4000, $0x38;
	[tilespmem:$0x1E0C0] =	vst v63  }
0x122: {  	p1 =	sne.s32 s3, s25;
	_ =	swait.ge @!p0 [sflag:s24], $0x4000  }
.Ltmp3:
0x123: {  	[sflag:s24] =	ssyncset.done @!p0 $0x0;
	(pc) =	sbr.rel @p1 .LBB2_1-.Ltmp3, $4  }
0x124: {  	[sflag:s24] =	ssyncadd.s32 @!p0 $0xFFFFC000  }
0x125: {  	_ =	swait.ge [sflag:s15], $0x4000  }
0x126: {  	[sflag:s15] =	ssyncset.done $0x0  }
0x127: {  	s23 =	simm.s32 $0x1400;
	[sflag:s15] =	ssyncadd.s32 $0xFFFFC000  }
0x128: {  	_ =	sfence.sel $0x180000  }
0x129: {  	[bflag:$0x0] =	sbarrier.arrive $0xFFFF  }
0x12a: {  	_ =	strace $0x9000004D  }
0x12b: {  	s0 =	stileid.u32;
	[bflag:$0x2] =	sbarrier.arrive $0xFFFF  }
0x12c: {  	p0 =	sne.s32 s0, $0x0;
	s0 =	rddreg [dreg:$0x2]  }
0x12d: {  	s0 =	sadd.s32 @!p0 $0x100000, s0  }
0x12e: {  	[sflag:s0] =	ssyncadd.tile.s32 @!p0 $0x1;
	_ =	shalt  }
.Lfunc_end2:
_tile_overlayer_lowered:
.L_overlay_start_2:
0x12f: {  	(tag) =	ssettag $0x2  }
0x130: {  	s0 =	rddreg [dreg:$0x0];
	s2 =	stileid.u32  }
0x131: {  	s1 =	rddreg [dreg:$0x1];
	p0 =	sne.s32 s2, $0x0  }
0x132: {  	s3 =	rddreg [dreg:$0x2];
	[bflag:$0x3] =	sbarrier.arrive $0xFFFF;
	s2 =	simm.s32 @!p0 $0x1C03  }
0x133: {  	[timem:s3], [sflag:s2] =	dma.local @!p0 [hbm:s0], s1  }
0x134: {  	s0 =	simm.s32 @!p0 $0x3  }
0x135: {  	_ =	swait.ge @!p0 [sflag:s0], s1  }
0x136: {  	s1 =	ssub.s32 @!p0 $0x0, s1;
	[sflag:s0] =	ssyncset.done @!p0 $0x0  }
0x137: {  	[sflag:s0] =	ssyncadd.s32 @!p0 s1  }
0x138: {  	[bflag:$0x3] =	sbarrier.arrive $0xFFFF  }
0x139: {  	_ =	shalt  }

// kernel: kernel.8.cloned.1.call-start
scs
__scs_entry_jumppad:
0x0: {  	(pc) =	sbr.rel $0x88, $3  }
0x1: {  	(tag) =	ssettag $0x0;
	lr =	simm.s32 $0x1  }
0x2: {  	[smem:$0x3F93] =	sst lr;
	_ =	strace $0xD0000000  }
0x3: {  	_ = 	snop  }
0x4: {  	_ = 	snop  }
0x5: {  	_ = 	snop  }
0x6: {  	_ = 	snop  }
0x7: {  	_ = 	snop  }
__scs_overlays_trampoline_lowered:
0x8: {  	[smem:$0x3FA2] =	sst s0  }
0x9: {  	[smem:$0x3FA3] =	sst s1  }
0xa: {  	[smem:$0x3FA4] =	sst s2  }
0xb: {  	[smem:$0x3FA5] =	sst s3  }
0xc: {  	[smem:$0x3FA6] =	sst s4  }
0xd: {  	[smem:$0x3FA7] =	sst s5  }
0xe: {  	[smem:$0x3FA8] =	sst s6  }
0xf: {  	[smem:$0x3FA9] =	sst s7  }
0x10: {  	[smem:$0x3FAA] =	sst s8  }
0x11: {  	[smem:$0x3FAB] =	sst s9;
	s0 =	simm.s32 @!p0 $0x0  }
0x12: {  	s1 =	sld [smem:$0x3F91];
	s0 =	simm.s32 @p0 $0x1  }
0x13: {  	[smem:$0x3FAC] =	sst s0;
	s0 =	simm.s32 @!p1 $0x0  }
0x14: {  	s2 =	sld [smem:$0x3F90];
	s0 =	simm.s32 @p1 $0x1  }
0x15: {  	[smem:$0x3FAD] =	sst s0;
	s0 =	simm.s32 @!p2 $0x0  }
0x16: {  	s3 =	sld [smem:$0x3FDB];
	s0 =	simm.s32 @p2 $0x1  }
0x17: {  	s4 =	simm.s32 $0x1BF5;
	[smem:$0x3FAF] =	sst s0  }
0x18: {  	s0 =	sld [smem:$0x3F92];
	_ =	swait.ge [sflag:s4], $0x0  }
0x19: {  	s7 =	sld [smem:$0x3F93]  }
0x1a: {  	s8 =	sadd.s32 $0xFFFFE003, lr  }
0x1b: {  	s9 =	sadd.s32 $0xFFFFFEF7, lr;
	s5 =	simm.s32 $0xFFFFFFFF;
	p2 =	slt.u32 s8, $0xFFFFF086  }
0x1c: {  	p1 =	slt.u32 s9, $0xF7A;
	s5 =	simm.s32 @!p2 $0x0  }
0x1d: {  	s5 =	simm.s32 @p1 $0x1;
	p0 =	seq.s32 s7, s2  }
0x1e: {  	s7 =	smul.u32 @!p0 $0xF7A, s2;
	p2 =	seq.s32 @!p0 s5, $0x0  }
0x1f: {  	s9 =	smul.u32 $0xF7A, s1;
	s8 =	simm.s32 @!p0 $0x1BF5;
	p2 =	por !p2, p0  }
0x20: {  	[sflag:s8] =	ssyncset.s32 @!p0 $0xFFFFF086;
	s6 =	sadd.s32 @!p0 s3, s7;
	s7 =	simm.s32 @!p0 $0x108  }
0x21: {  	s3 =	sadd.s32 s3, s9;
	s6 =	sadd.s32 @!p0 $0x88, s6;
	s7 =	simm.s32 @p2 $0x1082  }
0x22: {  	[simem:s7], [sflag:s8] =	dma.local @!p0 [hbm:s6], $0xF7A  }
0x23: {  	s9 =	sor.u32 $0xD0000000, s2;
	s6 =	simm.s32 $0x108;
	_ =	swait.ge @!p0 [sflag:s8], $0x0  }
0x24: {  	s3 =	sadd.s32 $0x88, s3;
	s6 =	simm.s32 @!p1 $0x1082;
	[sflag:s4] =	ssyncset.s32 $0xFFFFF086  }
0x25: {  	[simem:s6], [sflag:s4] =	dma.local [hbm:s3], $0xF7A  }
0x26: {  	[smem:$0x3F93] =	sst s1;
	(tag) =	ssettag s2;
	_ =	strace s9  }
0x27: {  	s1 =	sld [smem:$0x3FA3]  }
0x28: {  	s2 =	sld [smem:$0x3FA4]  }
0x29: {  	s4 =	sld [smem:$0x3FA6]  }
0x2a: {  	p0 =	seq.s32 s5, $0x0;
	s5 =	sld [smem:$0x3FA7]  }
0x2b: {  	s6 =	sld [smem:$0x3FA8]  }
0x2c: {  	s7 =	sld [smem:$0x3FA9]  }
0x2d: {  	s3 =	simm.s32 $0x108;
	s8 =	sld [smem:$0x3FAA]  }
0x2e: {  	s3 =	simm.s32 @!p0 $0x1082;
	s9 =	sld [smem:$0x3FAB]  }
0x2f: {  	lr =	sadd.s32 s0, s3;
	s0 =	sld [smem:$0x3FA2]  }
0x30: {  	s3 =	sld [smem:$0x3FA5]  }
0x31: {  	[smem:$0x3FAE] =	sst s10  }
0x32: {  	s10 =	sld [smem:$0x3FAC];
	_ =	sdelay $0x3  }
0x33: {  	p0 =	seq.s32 s10, $0x1;
	s10 =	sld [smem:$0x3FAE];
	_ =	sdelay $0x3  }
0x34: {  	[smem:$0x3FAE] =	sst s10  }
0x35: {  	s10 =	sld [smem:$0x3FAD];
	_ =	sdelay $0x3  }
0x36: {  	p1 =	seq.s32 s10, $0x1;
	s10 =	sld [smem:$0x3FAE];
	_ =	sdelay $0x3  }
0x37: {  	[smem:$0x3FAE] =	sst s10  }
0x38: {  	s10 =	sld [smem:$0x3FAF]  }
0x39: {  	_ = 	snop;
	(pc) =	sbr.ind lr, $3  }
0x3a: {  	_ = 	snop  }
0x3b: {  	_ = 	snop  }
0x3c: {  	p2 =	seq.s32 s10, $0x1;
	s10 =	sld [smem:$0x3FAE]  }
0x3d: {  	_ =	shalt  }
0x3e: {  	_ =	shalt  }
0x3f: {  	_ =	shalt  }
0x40: {  	_ =	shalt  }
0x41: {  	_ =	shalt  }
0x42: {  	_ =	shalt  }
0x43: {  	_ =	shalt  }
0x44: {  	_ =	shalt  }
0x45: {  	_ =	shalt  }
0x46: {  	_ =	shalt  }
0x47: {  	_ =	shalt  }
0x48: {  	_ =	shalt  }
0x49: {  	_ =	shalt  }
0x4a: {  	_ =	shalt  }
0x4b: {  	_ =	shalt  }
0x4c: {  	_ =	shalt  }
0x4d: {  	_ =	shalt  }
0x4e: {  	_ =	shalt  }
0x4f: {  	_ =	shalt  }
0x50: {  	_ =	shalt  }
0x51: {  	_ =	shalt  }
0x52: {  	_ =	shalt  }
0x53: {  	_ =	shalt  }
0x54: {  	_ =	shalt  }
0x55: {  	_ =	shalt  }
0x56: {  	_ =	shalt  }
0x57: {  	_ =	shalt  }
0x58: {  	_ =	shalt  }
0x59: {  	_ =	shalt  }
0x5a: {  	_ =	shalt  }
0x5b: {  	_ =	shalt  }
0x5c: {  	_ =	shalt  }
0x5d: {  	_ =	shalt  }
0x5e: {  	_ =	shalt  }
0x5f: {  	_ =	shalt  }
0x60: {  	_ =	shalt  }
0x61: {  	_ =	shalt  }
0x62: {  	_ =	shalt  }
0x63: {  	_ =	shalt  }
0x64: {  	_ =	shalt  }
0x65: {  	_ =	shalt  }
0x66: {  	_ =	shalt  }
0x67: {  	_ =	shalt  }
0x68: {  	_ =	shalt  }
0x69: {  	_ =	shalt  }
0x6a: {  	_ =	shalt  }
0x6b: {  	_ =	shalt  }
0x6c: {  	_ =	shalt  }
0x6d: {  	_ =	shalt  }
0x6e: {  	_ =	shalt  }
0x6f: {  	_ =	shalt  }
0x70: {  	_ =	shalt  }
0x71: {  	_ =	shalt  }
0x72: {  	_ =	shalt  }
0x73: {  	_ =	shalt  }
0x74: {  	_ =	shalt  }
0x75: {  	_ =	shalt  }
0x76: {  	_ =	shalt  }
0x77: {  	_ =	shalt  }
0x78: {  	_ =	shalt  }
0x79: {  	_ =	shalt  }
0x7a: {  	_ =	shalt  }
0x7b: {  	_ =	shalt  }
0x7c: {  	_ =	shalt  }
0x7d: {  	_ =	shalt  }
0x7e: {  	_ =	shalt  }
0x7f: {  	_ =	shalt  }
0x80: {  	_ =	shalt  }
0x81: {  	_ =	shalt  }
0x82: {  	_ =	shalt  }
0x83: {  	_ =	shalt  }
0x84: {  	_ =	shalt  }
0x85: {  	_ =	shalt  }
0x86: {  	_ =	shalt  }
0x87: {  	_ =	shalt  }
.Lfunc_end0:
.L_simem_size_0:
called_computation_lowered:
.L_overlay_start_0:
0x88: {  	s2 =	sld [smem:$0x3FD9]  }
0x89: {  	s3 =	sld [smem:$0x3FFE];
	_ =	sdelay $0x1  }
0x8a: {  	s1 =	srdreg.scid  }
0x8b: {  	s0 =	sand.u32 $0x1, s1  }
0x8c: {  	s14 =	sshll.u32 s0, $0xA;
	s2 =	sadd.s32 s3, s2  }
0x8d: {  	s2 =	sadd.s32 s2, s14  }
0x8e: {  	[smem:$0x3FBA] =	sst s2  }
0x8f: {  	_ = 	snop  }
0x90: {  	s2 =	sld [smem:$0x3FD0];
	_ =	sdelay $0x2  }
0x91: {  	s15 =	simm.s32 $0xA;
	s4 =	simm.s32 $0x10  }
0x92: {  	[smem:s4], [sflag:s15] =	dma.local [hbm:s2], $0x1  }
0x93: {  	_ =	swait.eq [sflag:s15], $0x1  }
0x94: {  	[sflag:s15] =	ssyncset.done $0x0  }
0x95: {  	[sflag:s15] =	ssyncadd.s32 $0xFFFFFFFF  }
0x96: {  	s16 =	sld [smem:$0x11];
	(tm) =	ssettm $0x1  }
0x97: {  	s17 =	sld [smem:$0x3FFB];
	_ =	sdelay $0x3  }
0x98: {  	_ =	strace s17  }
0x99: {  	s3 =	sld [smem:$0x3FFC];
	_ =	sdelay $0x3  }
0x9a: {  	_ =	strace s3  }
0x9b: {  	s3 =	sld [smem:$0x3FFD];
	_ =	sdelay $0x3  }
0x9c: {  	_ =	strace s3  }
0x9d: {  	_ =	strace $0x8FFFFFFF  }
0x9e: {  	s18 =	sld [smem:$0x3FDB];
	_ =	sdelay $0x1  }
0x9f: {  	s19 =	simm.s32 $_scs_section_size  }
0xa0: {  	s5 =	simm.s32 $_size__tile_overlayer_lowered;
	s6 =	simm.s32 $_tile_overlayer_lowered  }
0xa1: {  	s22 =	simm.s32 $0x1BFF;
	s21 =	sshll.u32 s6, $0x1;
	s3 =	sadd.s32 s19, s18  }
0xa2: {  	s7 =	simm.s32 $0x0;
	s20 =	sshll.u32 s5, $0x1;
	s5 =	sadd.s32 s21, s3  }
0xa3: {  	[timem:s7], [sflag:s22] =	dma.local [hbm:s5], s20  }
0xa4: {  	_ =	swait.ge [sflag:s22], s20  }
0xa5: {  	s4 =	ssub.s32 $0x0, s20;
	[sflag:s22] =	ssyncset.done $0x0  }
0xa6: {  	[sflag:s22] =	ssyncadd.s32 s4;
	_ =	sdelay $0x1  }
0xa7: {  	s23 =	simm.s32 $0x1B8B  }
0xa8: {  	_ =	swait.ge [sflag:s23], $0x1  }
0xa9: {  	[sflag:s23] =	ssyncset.done $0x0  }
0xaa: {  	s25 =	simm.s32 $0x1B8E;
	s24 =	sld [smem:$0x3FFE];
	[sflag:s23] =	ssyncadd.s32 $0xFFFFFFFF  }
0xab: {  	s26 =	simm.s32 $execute0_lowered;
	[smem:$0x3FD2] =	sst s25  }
0xac: {  	s5 =	sshll.u32 s26, $0x1;
	_ =	strace $0x80000046;
	[dreg:$0x1] =	wrdreg $0xFFFFFFFF  }
0xad: {  	s28 =	simm.s32 $_size_execute0_lowered;
	s3 =	sadd.s32 s3, s5;
	[dreg:$0x0] =	wrdreg $0x0  }
0xae: {  	s5 =	sshll.u32 s28, $0x1;
	[dreg:$0x2] =	wrdreg s3  }
0xaf: {  	[dreg:$0x3] =	wrdreg s5  }
0xb0: {  	[dreg:$0x4] =	wrdreg $0xC0  }
0xb1: {  	_ =	task [dreg:s7], $0x5FFFF  }
0xb2: {  	[dreg:$0x1] =	wrdreg $0xFFFFFFFF  }
0xb3: {  	[dreg:$0x0] =	wrdreg $0x60  }
0xb4: {  	[dreg:$0x2] =	wrdreg s24  }
0xb5: {  	[dreg:$0x3] =	wrdreg s16  }
0xb6: {  	[dreg:$0x4] =	wrdreg $0x17000  }
0xb7: {  	[dreg:$0x5] =	wrdreg $0x9  }
0xb8: {  	_ =	task.clear_ibuf [dreg:s7], $0x6FFFF;
	_ =	strace $0x90000046  }
0xb9: {  	s29 =	simm.s32 $0x9;
	_ =	strace $0x80000048  }
0xba: {  	_ =	swait.ge [sflag:s29], $0x1  }
0xbb: {  	[sflag:s29] =	ssyncadd.s32 $0xFFFFFFFF  }
0xbc: {  	_ =	strace $0x90000048  }
0xbd: {  	_ =	sfence  }
0xbe: {  	s30 =	sld [smem:$0x0];
	_ =	sdelay $0x2  }
0xbf: {  	s31 =	sshll.u32 s1, $0xD;
	s1 =	sshrl.u32 s1, $0x2  }
0xc0: {  	s3 =	sand.u32 $0x4000, s31;
	s1 =	sadd.s32 s1, s30  }
0xc1: {  	s0 =	sor.u32 s3, s0;
	s1 =	sshll.u32 s1, $0x11  }
0xc2: {  	s0 =	sor.u32 s1, s0  }
0xc3: {  	s0 =	sadd.s32 $0x8F2B, s0  }
0xc4: {  	[sflag:s0] =	ssyncadd.remote.s32 $0x1  }
0xc5: {  	_ =	sfence.sel $0xFFFF  }
0xc6: {  	[dreg:$0x0] =	wrdreg $0xFFFFFFFF;
	(pc) =	sbr.abs _section_cstart, $3  }
0xc7: {  	[dreg:$0x1] =	wrdreg $0xFFFFFFFF  }
0xc8: {  	_ =	task.clear_ibuf [dreg:s7], $0x2FFFF;
	_ =	strace $0x9FFFFFFF  }
0xc9: {  	(tm) =	ssettm $0x7FFFFFFF  }
tec
execute0_lowered:
.L_overlay_start_1:
0x0: {  	(tag) =	ssettag $0x1  }
0x1: {  	s4 =	rddreg [dreg:$0x0]  }
0x2: {  	s8 =	rddreg [dreg:$0x1]  }
0x3: {  	s1 =	rddreg [dreg:$0x2];
	s2 =	srdreg.scid  }
0x4: {  	s0 =	rddreg [dreg:$0x3];
	s5 =	sand.u32 $0x1, s2  }
0x5: {  	s3 =	simm.s32 $0x0;
	s2 =	stileid.u32;
	s6 =	smul.u32 $0x2800, s5  }
0x6: {  	s13 =	simm.s32 $0x1400;
	s14 =	simm.s32 $0x0;
	s7 =	smul.u32 $0x280, s2  }
0x7: {  	[smem:$0x7FF] =	sst s3;
	s9 =	ssub.s32 $0x2, s5;
	s10 =	smul.u32 $0xA00, s2  }
0x8: {  	_ =	strace $0x80000047;
	s11 =	smul.u32 $0x2740, s5;
	s28 =	sshrl.u32 s9, $0x1  }
0x9: {  	p0 =	seq.s32 s2, $0xF;
	s6 =	sadd.s32 s7, s6;
	s12 =	ssub.s32 s9, s28  }
0xa: {  	s29 =	sshrl.u32 s10, $0x2;
	s30 =	sadd.s32 s7, s11;
	s31 =	sshrl.u32 s11, $0x3  }
0xb: {  	s7 =	sadd.s32 s7, s1;
	s11 =	simm.s32 $0x1;
	s4 =	sadd.s32 s6, s4  }
0xc: {  	s5 =	sadd.s32 s29, s1;
	s6 =	sadd.s32 $0x2580, s1;
	s9 =	sshrl.u32 s30, $0x3  }
0xd: {  	s10 =	sadd.s32 s8, s31;
	s4 =	sadd.s32 $0x2800, s4;
	s8 =	sadd.s32 s8, s9  }
0xe: {  	v0 =	vimm.f32 $1.000000000e+00;
	v1 =	vimm.f32 $0.0e+00;
	s9 =	sadd.s32 $0x4B0, s10;
	s10 =	smax.u32 s12, $0x1;
	s12 =	simm.s32 $0x80  }
.LBB2_1:
0xf: {  	[tilespmem:$0x1400] =	vst v0  }
0x10: {  	[tilespmem:$0x1410] =	vst v0  }
0x11: {  	[tilespmem:$0x1420] =	vst v0  }
0x12: {  	[tilespmem:$0x1430] =	vst v0  }
0x13: {  	[tilespmem:$0x1440] =	vst v0  }
0x14: {  	[tilespmem:$0x1450] =	vst v0  }
0x15: {  	[tilespmem:$0x1460] =	vst v0  }
0x16: {  	[tilespmem:$0x1470] =	vst v0  }
0x17: {  	[tilespmem:$0x1480] =	vst v1  }
0x18: {  	[tilespmem:$0x1490] =	vst v1  }
0x19: {  	[tilespmem:$0x14A0] =	vst v1  }
0x1a: {  	[tilespmem:$0x14B0] =	vst v1  }
0x1b: {  	[tilespmem:$0x14C0] =	vst v1  }
0x1c: {  	[tilespmem:$0x14D0] =	vst v1  }
0x1d: {  	[tilespmem:$0x14E0] =	vst v1  }
0x1e: {  	[tilespmem:$0x14F0] =	vst v1  }
0x1f: {  	[tilespmem:$0x1500] =	vst v1  }
0x20: {  	[tilespmem:$0x1510] =	vst v1  }
0x21: {  	[tilespmem:$0x1520] =	vst v1  }
0x22: {  	[tilespmem:$0x1530] =	vst v1  }
0x23: {  	[tilespmem:$0x1540] =	vst v1  }
0x24: {  	[tilespmem:$0x1550] =	vst v1  }
0x25: {  	[tilespmem:$0x1560] =	vst v1  }
0x26: {  	[tilespmem:$0x1570] =	vst v1  }
0x27: {  	[tilespmem:$0x1580] =	vst v1  }
0x28: {  	[tilespmem:$0x1590] =	vst v1  }
0x29: {  	[tilespmem:$0x15A0] =	vst v1  }
0x2a: {  	[tilespmem:$0x15B0] =	vst v1  }
0x2b: {  	[tilespmem:$0x15C0] =	vst v1  }
0x2c: {  	[tilespmem:$0x15D0] =	vst v1  }
0x2d: {  	[tilespmem:$0x15E0] =	vst v1  }
0x2e: {  	[tilespmem:$0x15F0] =	vst v1  }
0x2f: {  	[tilespmem:$0x1600] =	vst v1  }
0x30: {  	[tilespmem:$0x1610] =	vst v1  }
0x31: {  	[tilespmem:$0x1620] =	vst v1  }
0x32: {  	[tilespmem:$0x1630] =	vst v1  }
0x33: {  	[tilespmem:$0x1640] =	vst v1  }
0x34: {  	[tilespmem:$0x1650] =	vst v1  }
0x35: {  	[tilespmem:$0x1660] =	vst v1  }
0x36: {  	[tilespmem:$0x1670] =	vst v1  }
0x37: {  	[tilespmem:$0x1680] =	vst v1  }
0x38: {  	[tilespmem:$0x1690] =	vst v1  }
0x39: {  	[tilespmem:$0x16A0] =	vst v1  }
0x3a: {  	[tilespmem:$0x16B0] =	vst v1  }
0x3b: {  	[tilespmem:$0x16C0] =	vst v1  }
0x3c: {  	[tilespmem:$0x16D0] =	vst v1  }
0x3d: {  	[tilespmem:$0x16E0] =	vst v1  }
0x3e: {  	[tilespmem:$0x16F0] =	vst v1  }
0x3f: {  	[tilespmem:s3], [sflag:$0x1] =	stream.linear.gather [hbm4b:s4+s3], $0x1400, $0x38;
	[tilespmem:$0x1978] =	vst v63  }
0x40: {  	_ =	swait.ge [sflag:s11], $0x1400  }
0x41: {  	[sflag:s11] =	ssyncset.done $0x0  }
0x42: {  	s15 =	simm.s32 @p0 $0x1480;
	[sflag:s11] =	ssyncadd.s32 $0xFFFFEC00  }
0x43: {  	[spmem:s6] =	stream.linear.scatter @p0 [tilespmem:s15], [sflag:$0x1], $0x190, $0x38;
	[tilespmem:$0x1978] =	vst v63  }
0x44: {  	s15 =	simm.s32 @p0 $0x1  }
0x45: {  	_ =	swait.ge @p0 [sflag:s15], $0x190  }
0x46: {  	[sflag:s15] =	ssyncset.done @p0 $0x0  }
0x47: {  	[sflag:s15] =	ssyncadd.s32 @p0 $0xFFFFFE70;
	s15 =	simm.s32 @!p0 $0x1480  }
0x48: {  	[spmem:s5] =	stream.linear.scatter @!p0 [tilespmem:s15], [sflag:$0x1], $0x280, $0x38;
	[tilespmem:$0x1978] =	vst v63  }
0x49: {  	s15 =	simm.s32 @!p0 $0x1  }
0x4a: {  	_ =	swait.ge @!p0 [sflag:s15], $0x280  }
0x4b: {  	[sflag:s15] =	ssyncset.done @!p0 $0x0  }
0x4c: {  	[sflag:s15] =	ssyncadd.s32 @!p0 $0xFFFFFD80  }
0x4d: {  	s31 =	simm.s32 $0x0;
	[bflag:$0x0] =	sbarrier.arrive $0xFFFF  }
0x4e: {  	[spmem:s1] =	stream.indirect.scatter.add.f32 [tilespmem:s13], [sflag:$0x1], $0x1, s31, s12, $0xb8;
	[tilespmem:$0x1978] =	vst v63  }
0x4f: {  	_ =	swait.ge [sflag:s11], $0x80  }
0x50: {  	s15 =	simm.s32 $0x200;
	[sflag:s11] =	ssyncset.done $0x0  }
.LBB2_2:
0x51: {  	s16 =	sshra.s32 s15, $0x2;
	[sflag:s11] =	ssyncadd.s32 $0xFFFFFF80;
	p1 =	sne.s32 s15, $0x4E00  }
0x52: {  	[spmem:s1] =	stream.indirect.scatter.add.f32 [tilespmem:s13], [sflag:$0x1], $0x1, s16, s12, $0xb8;
	[tilespmem:$0x1978] =	vst v63  }
.Ltmp0:
0x53: {  	_ = 	snop;
	(pc) =	sbr.rel @p1 .LBB2_2-.Ltmp0, $4  }
0x54: {  	_ = 	snop  }
0x55: {  	s15 =	sadd.s32 $0x200, s15  }
0x56: {  	_ =	swait.ge [sflag:s11], $0x80  }
0x57: {  	[sflag:s11] =	ssyncset.done $0x0  }
0x58: {  	[sflag:s11] =	ssyncadd.s32 $0xFFFFFF80  }
0x59: {  	s15 =	simm.s32 @p0 $0x1480;
	s16 =	simm.s32 @p0 $0x1;
	[bflag:$0x0] =	sbarrier.arrive $0xFFFF  }
0x5a: {  	[tilespmem:s15], [sflag:$0x1] =	stream.linear.gather @p0 [spmem:s6], $0x190, $0x38;
	[tilespmem:$0x1978] =	vst v63  }
0x5b: {  	_ =	swait.ge @p0 [sflag:s16], $0x190  }
0x5c: {  	[sflag:s16] =	ssyncset.done @p0 $0x0  }
0x5d: {  	s17 =	simm.s32 @p0 $0x0;
	[sflag:s16] =	ssyncadd.s32 @p0 $0xFFFFFE70  }
0x5e: {  	[hbm4b:s9+s17] =	stream.linear.scatter @p0 [tilespmem:s15], [sflag:$0x1], $0x190, $0x38;
	[tilespmem:$0x1978] =	vst v63  }
0x5f: {  	_ =	swait.ge @p0 [sflag:s16], $0x190  }
0x60: {  	[sflag:s16] =	ssyncset.done @p0 $0x0  }
0x61: {  	s15 =	simm.s32 @!p0 $0x1480;
	[sflag:s16] =	ssyncadd.s32 @p0 $0xFFFFFE70;
	s16 =	simm.s32 @!p0 $0x1  }
0x62: {  	[tilespmem:s15], [sflag:$0x1] =	stream.linear.gather @!p0 [spmem:s7], $0x280, $0x38;
	[tilespmem:$0x1978] =	vst v63  }
0x63: {  	s14 =	sadd.s32 $0x1, s14;
	_ =	swait.ge @!p0 [sflag:s16], $0x280  }
0x64: {  	p1 =	sne.s32 s14, s10;
	[sflag:s16] =	ssyncset.done @!p0 $0x0  }
.Ltmp1:
0x65: {  	s17 =	simm.s32 @!p0 $0x0;
	[sflag:s16] =	ssyncadd.s32 @!p0 $0xFFFFFD80;
	(pc) =	sbr.rel @p1 .LBB2_1-.Ltmp1, $4  }
0x66: {  	[hbm4b:s8+s17] =	stream.linear.scatter @!p0 [tilespmem:s15], [sflag:$0x1], $0x280, $0x38;
	[tilespmem:$0x1978] =	vst v63  }
0x67: {  	_ =	swait.ge @!p0 [sflag:s16], $0x280  }
0x68: {  	[sflag:s16] =	ssyncset.done @!p0 $0x0  }
0x69: {  	[sflag:s16] =	ssyncadd.s32 @!p0 $0xFFFFFD80  }
0x6a: {  	_ =	sfence.sel $0x180000  }
0x6b: {  	[bflag:$0x0] =	sbarrier.arrive $0xFFFF  }
0x6c: {  	p0 =	sne.s32 s2, $0x0;
	_ =	strace $0x90000047  }
0x6d: {  	s0 =	sadd.s32 @!p0 $0x100000, s0;
	[bflag:$0x2] =	sbarrier.arrive $0xFFFF  }
0x6e: {  	[sflag:s0] =	ssyncadd.tile.s32 @!p0 $0x1;
	_ =	shalt  }
.Lfunc_end2:
_tile_overlayer_lowered:
.L_overlay_start_2:
0x6f: {  	(tag) =	ssettag $0x2  }
0x70: {  	s0 =	rddreg [dreg:$0x0];
	s2 =	stileid.u32  }
0x71: {  	s1 =	rddreg [dreg:$0x1];
	p0 =	sne.s32 s2, $0x0  }
0x72: {  	s3 =	rddreg [dreg:$0x2];
	[bflag:$0x3] =	sbarrier.arrive $0xFFFF;
	s2 =	simm.s32 @!p0 $0x1C01  }
0x73: {  	[timem:s3], [sflag:s2] =	dma.local @!p0 [hbm:s0], s1  }
0x74: {  	s0 =	simm.s32 @!p0 $0x1  }
0x75: {  	_ =	swait.ge @!p0 [sflag:s0], s1  }
0x76: {  	s1 =	ssub.s32 @!p0 $0x0, s1;
	[sflag:s0] =	ssyncset.done @!p0 $0x0  }
0x77: {  	[sflag:s0] =	ssyncadd.s32 @!p0 s1  }
0x78: {  	[bflag:$0x3] =	sbarrier.arrive $0xFFFF  }
0x79: {  	_ =	shalt  }

</sc_bundles>
